<compile_context>
chip_gen: v7x
topology: tpu7x:2x2x1
jax: 0.10.2.dev20260603
libtpu: 0.0.44.dev20260713+nightly
codegen_flags: <defaults>
</compile_context>

<pallas_src>
import functools

import jax
import jax.numpy as jnp
from jax import lax
from jax.experimental import pallas as pl
from jax.experimental.pallas import tpu as pltpu
from jax.experimental.pallas import tpu_sc as plsc

N = 10000
D = 128
H = 8
C = 8
NCLS = 64
E = 320000

NPAD = 10240
ROWS_PER_TILE = NPAD // 32
ETOT = E + N
EPAD = 344064
K1 = 256
KQ1 = K1 // 128
CHUNKS = EPAD // K1
CPT1 = CHUNKS // 32

_f32 = jnp.float32
_i32 = jnp.int32



def _dense1_body(x_ref, w_ref, a_ref, xl_ref, asd_ref):
    xl = jnp.dot(x_ref[...], w_ref[...], preferred_element_type=_f32)
    xl_ref[...] = xl
    asd_ref[...] = jnp.dot(xl, a_ref[...], preferred_element_type=_f32)


def _mid_body(p64_ref, p8_ref, b1_ref, w2_ref, a2_ref, e8_ref, xl2_ref, asd2_ref):
    p64 = p64_ref[0] + p64_ref[1]
    den = p8_ref[0][:, 0:8] + p8_ref[1][:, 0:8]
    dexp = jnp.dot(den, e8_ref[...], preferred_element_type=_f32)
    h = p64 / (dexp + 1e-16) + b1_ref[...]
    h = jnp.where(h > 0, h, jnp.exp(jnp.minimum(h, 0.0)) - 1.0)
    xl2 = jnp.dot(h, w2_ref[...], preferred_element_type=_f32)
    xl2_ref[...] = xl2
    asd2_ref[...] = jnp.dot(xl2, a2_ref[...], preferred_element_type=_f32)


def _fin_body(p64_ref, p8_ref, b2_ref, out_ref):
    p64 = p64_ref[0] + p64_ref[1]
    den = p8_ref[0][:, 0:1] + p8_ref[1][:, 0:1]
    out_ref[...] = p64 / (den + 1e-16) + b2_ref[...]



_MESH = plsc.VectorSubcoreMesh(
    core_axis_name="c", subcore_axis_name="s", num_cores=2, num_subcores=16
)


def _zero_rows(ref, nrows, width):
    z16 = jnp.zeros((16,), _f32)

    def body(r, _):
        for o in range(0, width, 16):
            ref[r, pl.ds(o, 16)] = z16
        return 0

    lax.fori_loop(0, nrows, body, 0)


def _sc_edge_pass(xl_hbm, asd_hbm, e3_hbm, out64_hbm, out8_hbm,
                  sbufA, dbufA, xrA, wbufA, e3A,
                  sbufB, dbufB, xrB, wbufB, e3B,
                  acc64, acc8, gsemA, gsemB, ssemA, ssemB):
    cid = lax.axis_index("c")
    sid = lax.axis_index("s")
    wid = cid * 16 + sid

    lane = lax.iota(_i32, 16)
    c1 = (lane >= 8).astype(_i32)
    hvec = lane - 8 * c1
    hw = ROWS_PER_TILE // 2

    _zero_rows(xrA, K1, 64)
    _zero_rows(wbufA, K1, 16)
    for t in range(2):
        half = pl.ds(sid * ROWS_PER_TILE + t * hw, hw)
        pltpu.sync_copy(xrA.at[pl.ds(0, hw)], acc64.at[half])
        pltpu.sync_copy(wbufA.at[pl.ds(0, hw)], acc8.at[half])
    plsc.subcore_barrier()

    def gather_descs(e3, sbuf, dbuf, xr, gsem):
        descs = []
        for q in range(KQ1):
            sl = pl.ds(128 * q, 128)
            descs.append(pltpu.make_async_copy(asd_hbm.at[e3.at[q]], sbuf.at[sl], gsem))
            descs.append(pltpu.make_async_copy(asd_hbm.at[e3.at[KQ1 + q]], dbuf.at[sl], gsem))
            descs.append(pltpu.make_async_copy(xl_hbm.at[e3.at[q]], xr.at[sl], gsem))
        return descs

    def scatter_descs(e3, xr, wbuf, ssem):
        descs = []
        for q in range(KQ1):
            sl = pl.ds(128 * q, 128)
            descs.append(pltpu.make_async_copy(xr.at[sl], acc64.at[e3.at[KQ1 + q]], ssem))
            descs.append(pltpu.make_async_copy(wbuf.at[sl], acc8.at[e3.at[KQ1 + q]], ssem))
        return descs

    def fire_gathers(c, e3, sbuf, dbuf, xr, gsem):
        pltpu.sync_copy(e3_hbm.at[wid + 32 * c], e3)
        for dsc in gather_descs(e3, sbuf, dbuf, xr, gsem):
            dsc.start()

    def wait_gathers(e3, sbuf, dbuf, xr, gsem):
        for dsc in gather_descs(e3, sbuf, dbuf, xr, gsem):
            dsc.wait()

    def fire_scatters(e3, xr, wbuf, ssem):
        for dsc in scatter_descs(e3, xr, wbuf, ssem):
            dsc.start(add=True)

    def wait_scatters(e3, xr, wbuf, ssem):
        for dsc in scatter_descs(e3, xr, wbuf, ssem):
            dsc.wait()

    _dnums = lax.GatherDimensionNumbers(
        offset_dims=(), collapsed_slice_dims=(0,), start_index_map=(0,)
    )

    def _shuffle(x, idx):
        return lax.gather(x, idx[:, None], _dnums, slice_sizes=(1,),
                          mode=lax.GatherScatterMode.PROMISE_IN_BOUNDS)

    def compute(e3, sbuf, dbuf, xr, wbuf):
        @plsc.parallel_loop(0, K1 // 2, unroll=2)
        def _body(i):
            e = 2 * i + c1
            av = plsc.load_gather(sbuf, [e, hvec])
            dv = plsc.load_gather(dbuf, [e, 8 + hvec])
            m = plsc.load_gather(e3, [2 * KQ1 + (e >> 7), e & 127])
            a = av + dv
            a = jnp.maximum(a, 0.2 * a)
            w = plsc.bitcast(m, _f32) * jnp.exp(a)
            plsc.store_scatter(wbuf, [e, hvec], w)
            for u in range(2):
                eu = 2 * i + u
                for g in range(4):
                    wv = _shuffle(w, 8 * u + 2 * g + c1)
                    xr[eu, pl.ds(16 * g, 16)] = xr[eu, pl.ds(16 * g, 16)] * wv

    fire_gathers(0, e3A, sbufA, dbufA, xrA, gsemA)
    fire_gathers(1, e3B, sbufB, dbufB, xrB, gsemB)

    def pair_body(ii, _):
        wait_gathers(e3A, sbufA, dbufA, xrA, gsemA)
        compute(e3A, sbufA, dbufA, xrA, wbufA)
        fire_scatters(e3A, xrA, wbufA, ssemA)

        wait_gathers(e3B, sbufB, dbufB, xrB, gsemB)
        compute(e3B, sbufB, dbufB, xrB, wbufB)
        fire_scatters(e3B, xrB, wbufB, ssemB)

        wait_scatters(e3A, xrA, wbufA, ssemA)

        @pl.when(ii + 1 < CPT1 // 2)
        def _():
            fire_gathers(2 * ii + 2, e3A, sbufA, dbufA, xrA, gsemA)

        wait_scatters(e3B, xrB, wbufB, ssemB)

        @pl.when(ii + 1 < CPT1 // 2)
        def _():
            fire_gathers(2 * ii + 3, e3B, sbufB, dbufB, xrB, gsemB)

        return 0

    lax.fori_loop(0, CPT1 // 2, pair_body, 0)

    plsc.subcore_barrier()
    for t in range(2):
        r0 = sid * ROWS_PER_TILE + t * hw
        pltpu.sync_copy(acc64.at[pl.ds(r0, hw)], xrA.at[pl.ds(0, hw)])
        pltpu.sync_copy(xrA.at[pl.ds(0, hw)], out64_hbm.at[cid, pl.ds(r0, hw)])
        pltpu.sync_copy(acc8.at[pl.ds(r0, hw)], wbufA.at[pl.ds(0, hw)])
        pltpu.sync_copy(wbufA.at[pl.ds(0, hw)], out8_hbm.at[cid, pl.ds(r0, hw)])


_sc1 = functools.partial(
    pl.kernel,
    out_type=[
        jax.ShapeDtypeStruct((2, NPAD, 64), _f32),
        jax.ShapeDtypeStruct((2, NPAD, 16), _f32),
    ],
    mesh=_MESH,
    scratch_types=[
        pltpu.VMEM((K1, 16), _f32),
        pltpu.VMEM((K1, 16), _f32),
        pltpu.VMEM((K1, 64), _f32),
        pltpu.VMEM((K1, 16), _f32),
        pltpu.VMEM((3 * KQ1, 128), _i32),
        pltpu.VMEM((K1, 16), _f32),
        pltpu.VMEM((K1, 16), _f32),
        pltpu.VMEM((K1, 64), _f32),
        pltpu.VMEM((K1, 16), _f32),
        pltpu.VMEM((3 * KQ1, 128), _i32),
        pltpu.VMEM_SHARED((NPAD, 64), _f32),
        pltpu.VMEM_SHARED((NPAD, 16), _f32),
        pltpu.SemaphoreType.DMA,
        pltpu.SemaphoreType.DMA,
        pltpu.SemaphoreType.DMA,
        pltpu.SemaphoreType.DMA,
    ],
    compiler_params=pltpu.CompilerParams(
        use_tc_tiling_on_sc=False, needs_layout_passes=False
    ),
)(_sc_edge_pass)



@jax.jit
def kernel(x, edge_index, W1, att_src1, att_dst1, b1, W2, att_src2, att_dst2, b2):
    src0 = edge_index[0]
    dst0 = edge_index[1]
    loop = jnp.arange(N, dtype=_i32)
    padn = EPAD - ETOT
    pad_i = jnp.arange(padn, dtype=_i32) % N
    src = jnp.concatenate([src0, loop, pad_i])
    dst = jnp.concatenate([dst0, loop, pad_i])
    maskf = jnp.concatenate([
        (src0 != dst0).astype(_f32),
        jnp.ones((N,), _f32),
        jnp.zeros((padn,), _f32),
    ])
    mbits = lax.bitcast_convert_type(maskf, _i32)
    e3 = jnp.concatenate([
        src.reshape(CHUNKS, KQ1, 128),
        dst.reshape(CHUNKS, KQ1, 128),
        mbits.reshape(CHUNKS, KQ1, 128),
    ], axis=1)

    eyeH = jnp.eye(H, dtype=_f32)
    Ms = (att_src1[0][:, :, None] * eyeH[:, None, :]).reshape(H * C, H)
    Md = (att_dst1[0][:, :, None] * eyeH[:, None, :]).reshape(H * C, H)
    A1 = jnp.concatenate([Ms, Md], axis=1)
    A2 = jnp.concatenate([
        jnp.tile(att_src2[0, 0][:, None], (1, H)),
        jnp.tile(att_dst2[0, 0][:, None], (1, H)),
    ], axis=1)
    E8 = jnp.repeat(eyeH, C, axis=1)
    b1r = b1.reshape(1, H * C)
    b2r = b2.reshape(1, NCLS)

    BN1 = 2000
    xl1, asd1 = pl.pallas_call(
        _dense1_body,
        grid=(N // BN1,),
        in_specs=[
            pl.BlockSpec((BN1, D), lambda i: (i, 0)),
            pl.BlockSpec((D, H * C), lambda i: (0, 0)),
            pl.BlockSpec((H * C, 2 * H), lambda i: (0, 0)),
        ],
        out_specs=[
            pl.BlockSpec((BN1, H * C), lambda i: (i, 0)),
            pl.BlockSpec((BN1, 2 * H), lambda i: (i, 0)),
        ],
        out_shape=[
            jax.ShapeDtypeStruct((N, H * C), _f32),
            jax.ShapeDtypeStruct((N, 2 * H), _f32),
        ],
    )(x, W1, A1)

    p64_1, p8_1 = _sc1(xl1, asd1, e3)

    BN2 = 2560
    xl2, asd2 = pl.pallas_call(
        _mid_body,
        grid=(NPAD // BN2,),
        in_specs=[
            pl.BlockSpec((2, BN2, 64), lambda i: (0, i, 0)),
            pl.BlockSpec((2, BN2, 16), lambda i: (0, i, 0)),
            pl.BlockSpec((1, H * C), lambda i: (0, 0)),
            pl.BlockSpec((H * C, NCLS), lambda i: (0, 0)),
            pl.BlockSpec((NCLS, 2 * H), lambda i: (0, 0)),
            pl.BlockSpec((H, H * C), lambda i: (0, 0)),
        ],
        out_specs=[
            pl.BlockSpec((BN2, NCLS), lambda i: (i, 0)),
            pl.BlockSpec((BN2, 2 * H), lambda i: (i, 0)),
        ],
        out_shape=[
            jax.ShapeDtypeStruct((NPAD, NCLS), _f32),
            jax.ShapeDtypeStruct((NPAD, 2 * H), _f32),
        ],
    )(p64_1, p8_1, b1r, W2, A2, E8)

    p64_2, p8_2 = _sc1(xl2[:N], asd2[:N], e3)

    out = pl.pallas_call(
        _fin_body,
        grid=(NPAD // BN2,),
        in_specs=[
            pl.BlockSpec((2, BN2, 64), lambda i: (0, i, 0)),
            pl.BlockSpec((2, BN2, 16), lambda i: (0, i, 0)),
            pl.BlockSpec((1, NCLS), lambda i: (0, 0)),
        ],
        out_specs=pl.BlockSpec((BN2, NCLS), lambda i: (i, 0)),
        out_shape=jax.ShapeDtypeStruct((NPAD, NCLS), _f32),
    )(p64_2, p8_2, b2r)

    return out[:N]

# --- scband reference (transcript-rebuilt; emitter-appended) ---
"""Pipeline reference for scband-gatnet-58282706206739 (READ-ONLY COPY).

The authoritative reference and input builder live on the scoring server;
editing this copy changes nothing except your own understanding.
"""

import jax, jax.numpy as jnp
import numpy as np

N = 10000
E = 320000
D = 128
H = 8
C = 8
NCLS = 64


def setup_inputs(seed: int = 0) -> dict:
    key = jax.random.key(seed)
    ks = jax.random.split(key, 12)
    x = jax.random.normal(ks[0], (N, D), dtype=jnp.float32)
    edge_index = jax.random.randint(ks[1], (2, E), 0, N, dtype=jnp.int32)
    W1 = jax.random.normal(ks[2], (D, H * C), dtype=jnp.float32) * (1.0 / np.sqrt(D))
    att_src1 = jax.random.normal(ks[3], (1, H, C), dtype=jnp.float32) * 0.1
    att_dst1 = jax.random.normal(ks[4], (1, H, C), dtype=jnp.float32) * 0.1
    b1 = jnp.zeros((H * C,), dtype=jnp.float32)
    W2 = jax.random.normal(ks[5], (H * C, 1 * NCLS), dtype=jnp.float32) * (1.0 / np.sqrt(H * C))
    att_src2 = jax.random.normal(ks[6], (1, 1, NCLS), dtype=jnp.float32) * 0.1
    att_dst2 = jax.random.normal(ks[7], (1, 1, NCLS), dtype=jnp.float32) * 0.1
    b2 = jnp.zeros((NCLS,), dtype=jnp.float32)
    return {"x": x, "edge_index": edge_index, "W1": W1, "att_src1": att_src1, "att_dst1": att_dst1, "b1": b1, "W2": W2, "att_src2": att_src2, "att_dst2": att_dst2, "b2": b2}


def _add_self_loops(edge_index, n):
    # PyG GATConv: remove existing self loops, then add one per node
    src, dst = edge_index[0], edge_index[1]
    mask = src != dst
    loop = jnp.arange(n, dtype=src.dtype)
    src = jnp.concatenate([src, loop])
    dst = jnp.concatenate([dst, loop])
    valid = jnp.concatenate([mask, jnp.ones((n,), dtype=bool)])
    return src, dst, valid


def _gat_conv(x, src, dst, valid, W, a_src, a_dst, b, heads, out_ch, concat):
    n = x.shape[0]
    xl = (x @ W).reshape(n, heads, out_ch)
    alpha_s = (xl * a_src).sum(-1)  # [N, H]
    alpha_d = (xl * a_dst).sum(-1)  # [N, H]
    alpha = alpha_s[src] + alpha_d[dst]  # gather per edge
    alpha = jax.nn.leaky_relu(alpha, 0.2)
    alpha = jnp.where(valid[:, None], alpha, -jnp.inf)
    amax = jax.ops.segment_max(alpha, dst, num_segments=n)
    amax = jnp.where(jnp.isfinite(amax), amax, 0.0)
    amax = jax.lax.stop_gradient(amax)
    ex = jnp.exp(alpha - amax[dst])
    denom = jax.ops.segment_sum(ex, dst, num_segments=n)
    att = ex / (denom[dst] + 1e-16)  # [E, H]
    msg = xl[src] * att[:, :, None]  # gather + weight
    out = jax.ops.segment_sum(msg, dst, num_segments=n)  # scatter-add
    if concat:
        out = out.reshape(n, heads * out_ch)
    else:
        out = out.mean(axis=1)
    return out + b


def reference(x, edge_index, W1, att_src1, att_dst1, b1, W2, att_src2, att_dst2, b2):
    # eval mode: dropout = identity
    src, dst, valid = _add_self_loops(edge_index, x.shape[0])
    h = jax.nn.elu(_gat_conv(x, src, dst, valid, W1, att_src1, att_dst1, b1, H, C, True))
    out = _gat_conv(h, src, dst, valid, W2, att_src2, att_dst2, b2, 1, NCLS, False)
    return out

if __name__ == "__main__":
    import jax
    _d = setup_inputs()
    print(jax.jit(kernel)(*tuple(_d.values())))

</pallas_src>

<mosaic_0001>
#map = affine_map<(d0, d1) -> (0, 0)>
#map1 = affine_map<(d0, d1) -> (0, 0, 0)>
module attributes {stable_mosaic.version = 14 : i64} {
  func.func @_sc_edge_pass(%arg0: i32, %arg1: i32, %arg2: memref<10000x64xf32, #tpu.memory_space<hbm>>, %arg3: memref<10000x16xf32, #tpu.memory_space<hbm>>, %arg4: memref<1344x6x128xi32, #tpu.memory_space<hbm>>, %arg5: memref<2x10240x64xf32, #tpu.memory_space<hbm>>, %arg6: memref<2x10240x16xf32, #tpu.memory_space<hbm>>, %arg7: memref<256x16xf32, #tpu.memory_space<vmem>>, %arg8: memref<256x16xf32, #tpu.memory_space<vmem>>, %arg9: memref<256x64xf32, #tpu.memory_space<vmem>>, %arg10: memref<256x16xf32, #tpu.memory_space<vmem>>, %arg11: memref<6x128xi32, #tpu.memory_space<vmem>>, %arg12: memref<256x16xf32, #tpu.memory_space<vmem>>, %arg13: memref<256x16xf32, #tpu.memory_space<vmem>>, %arg14: memref<256x64xf32, #tpu.memory_space<vmem>>, %arg15: memref<256x16xf32, #tpu.memory_space<vmem>>, %arg16: memref<6x128xi32, #tpu.memory_space<vmem>>, %arg17: memref<10240x64xf32, #tpu.memory_space<vmem_shared>>, %arg18: memref<10240x16xf32, #tpu.memory_space<vmem_shared>>, %arg19: memref<!tpu.dma_semaphore, #tpu.memory_space<semaphore_mem>>, %arg20: memref<!tpu.dma_semaphore, #tpu.memory_space<semaphore_mem>>, %arg21: memref<!tpu.dma_semaphore, #tpu.memory_space<semaphore_mem>>, %arg22: memref<!tpu.dma_semaphore, #tpu.memory_space<semaphore_mem>>) attributes {dimension_semantics = [#tpu.dimension_semantics<core_parallel>, #tpu.dimension_semantics<subcore_parallel>], iteration_bounds = array<i64: 2, 16>, scalar_prefetch = 0 : i64, scratch_operands = 16 : i64, tpu.core_type = #tpu.core_type<sc_vector_subcore>, window_params = [{transform_indices = #map}, {transform_indices = #map}, {transform_indices = #map1}, {transform_indices = #map1}, {transform_indices = #map1}]} {
    %mul3A = arith.constant 16 : i32
    %mul3A_0 = arith.muli %arg0, %mul3A : i32
    %add3A = arith.addi %mul3A_0, %arg1 : i32
    %iota3A = tpu.iota {dimensions = array<i32: 0>} : vector<16xi32>
    %ge3A = arith.constant 8 : i32
    %ge3A_1 = vector.broadcast %ge3A : i32 to vector<16xi32>
    %ge3A_2 = arith.cmpi sge, %iota3A, %ge3A_1 : vector<16xi32>
    %convert_element_type3A = arith.extui %ge3A_2 : vector<16xi1> to vector<16xi32>
    %mul3A_3 = arith.constant 8 : i32
    %mul3A_4 = vector.broadcast %mul3A_3 : i32 to vector<16xi32>
    %mul3A_5 = arith.muli %mul3A_4, %convert_element_type3A : vector<16xi32>
    %sub3A = arith.subi %iota3A, %mul3A_5 : vector<16xi32>
    %broadcast_in_dim3A = arith.constant 0.000000e+00 : f32
    %broadcast_in_dim3A_6 = vector.broadcast %broadcast_in_dim3A : f32 to vector<16xf32>
    %scan3A = arith.constant 0 : i32
    %scan3A_7 = arith.constant 0 : i32
    %scan3A_8 = arith.constant 256 : i32
    %scan3A_9 = arith.addi %scan3A_7, %scan3A_8 : i32
    %scan3A_10 = arith.constant 1 : i32
    %scan3A_11 = scf.for %scan3A_169 = %scan3A_7 to %scan3A_9 step %scan3A_10 iter_args(%scan3A_170 = %scan3A) -> (i32)  : i32 {
      %swap3A = arith.index_cast %scan3A_169 : i32 to index
      %swap3A_171 = arith.constant 0 : index
      %swap3A_172 = tpu.vector_load %arg9[%swap3A, %swap3A_171] {strides = array<i32>} : memref<256x64xf32, #tpu.memory_space<vmem>>, vector<16xf32>,
      tpu.vector_store %arg9[%swap3A, %swap3A_171], %broadcast_in_dim3A_6 {strides = array<i32>} : memref<256x64xf32, #tpu.memory_space<vmem>>, vector<16xf32>,
      %swap3A_173 = arith.index_cast %scan3A_169 : i32 to index
      %swap3A_174 = arith.constant 16 : index
      %swap3A_175 = tpu.vector_load %arg9[%swap3A_173, %swap3A_174] {strides = array<i32>} : memref<256x64xf32, #tpu.memory_space<vmem>>, vector<16xf32>,
      tpu.vector_store %arg9[%swap3A_173, %swap3A_174], %broadcast_in_dim3A_6 {strides = array<i32>} : memref<256x64xf32, #tpu.memory_space<vmem>>, vector<16xf32>,
      %swap3A_176 = arith.index_cast %scan3A_169 : i32 to index
      %swap3A_177 = arith.constant 32 : index
      %swap3A_178 = tpu.vector_load %arg9[%swap3A_176, %swap3A_177] {strides = array<i32>} : memref<256x64xf32, #tpu.memory_space<vmem>>, vector<16xf32>,
      tpu.vector_store %arg9[%swap3A_176, %swap3A_177], %broadcast_in_dim3A_6 {strides = array<i32>} : memref<256x64xf32, #tpu.memory_space<vmem>>, vector<16xf32>,
      %swap3A_179 = arith.index_cast %scan3A_169 : i32 to index
      %swap3A_180 = arith.constant 48 : index
      %swap3A_181 = tpu.vector_load %arg9[%swap3A_179, %swap3A_180] {strides = array<i32>} : memref<256x64xf32, #tpu.memory_space<vmem>>, vector<16xf32>,
      tpu.vector_store %arg9[%swap3A_179, %swap3A_180], %broadcast_in_dim3A_6 {strides = array<i32>} : memref<256x64xf32, #tpu.memory_space<vmem>>, vector<16xf32>,
      %scan3A_182 = arith.constant 0 : i32
      scf.yield %scan3A_182 : i32
    }
    %scan3A_12 = arith.constant 256 : i32
    %broadcast_in_dim3A_13 = arith.constant 0.000000e+00 : f32
    %broadcast_in_dim3A_14 = vector.broadcast %broadcast_in_dim3A_13 : f32 to vector<16xf32>
    %scan3A_15 = arith.constant 0 : i32
    %scan3A_16 = arith.constant 0 : i32
    %scan3A_17 = arith.constant 256 : i32
    %scan3A_18 = arith.addi %scan3A_16, %scan3A_17 : i32
    %scan3A_19 = arith.constant 1 : i32
    %scan3A_20 = scf.for %scan3A_169 = %scan3A_16 to %scan3A_18 step %scan3A_19 iter_args(%scan3A_170 = %scan3A_15) -> (i32)  : i32 {
      %swap3A = arith.index_cast %scan3A_169 : i32 to index
      %swap3A_171 = arith.constant 0 : index
      %swap3A_172 = tpu.vector_load %arg10[%swap3A, %swap3A_171] {strides = array<i32>} : memref<256x16xf32, #tpu.memory_space<vmem>>, vector<16xf32>,
      tpu.vector_store %arg10[%swap3A, %swap3A_171], %broadcast_in_dim3A_14 {strides = array<i32>} : memref<256x16xf32, #tpu.memory_space<vmem>>, vector<16xf32>,
      %scan3A_173 = arith.constant 0 : i32
      scf.yield %scan3A_173 : i32
    }
    %scan3A_21 = arith.constant 256 : i32
    %mul3A_22 = arith.constant 320 : i32
    %mul3A_23 = arith.muli %arg1, %mul3A_22 : i32
    %add3A_24 = arith.constant 0 : i32
    %add3A_25 = arith.addi %mul3A_23, %add3A_24 : i32
    "tpu.region"() ({
      %run_scoped3A = tpu.sem_alloc : memref<!tpu.dma_semaphore, #tpu.memory_space<semaphore_mem>>
      %dma_start3A_169 = arith.constant 0 : i32
      %dma_start3A_170 = arith.constant 0 : i32
      %dma_start3A_171 = tpu.memref_slice %arg9[%dma_start3A_169, %dma_start3A_170] : memref<256x64xf32, #tpu.memory_space<vmem>> -> memref<160x64xf32, #tpu.memory_space<vmem>>
      %dma_start3A_172 = arith.constant 0 : i32
      %dma_start3A_173 = tpu.memref_slice %arg17[%add3A_25, %dma_start3A_172] : memref<10240x64xf32, #tpu.memory_space<vmem_shared>> -> memref<160x64xf32, #tpu.memory_space<vmem_shared>>
      %dma_start3A_174 = arith.constant 0 : i32
      %dma_start3A_175 = tpu.memref_slice %arg17[%add3A_25, %dma_start3A_174] : memref<10240x64xf32, #tpu.memory_space<vmem_shared>> -> memref<160x64xf32, #tpu.memory_space<vmem_shared>>
      %dma_start3A_176 = arith.constant 0 : i32
      %dma_start3A_177 = arith.constant 0 : i32
      %dma_start3A_178 = tpu.memref_slice %arg9[%dma_start3A_176, %dma_start3A_177] : memref<256x64xf32, #tpu.memory_space<vmem>> -> memref<160x64xf32, #tpu.memory_space<vmem>>
      tpu.enqueue_dma source(%dma_start3A_178 : memref<160x64xf32, #tpu.memory_space<vmem>>) target(%dma_start3A_175 : memref<160x64xf32, #tpu.memory_space<vmem_shared>>) target_semaphore(%run_scoped3A : memref<!tpu.dma_semaphore, #tpu.memory_space<semaphore_mem>>)
      %dma_wait3A = arith.constant 0 : i32
      %dma_wait3A_179 = arith.constant 0 : i32
      %dma_wait3A_180 = tpu.memref_slice %arg9[%dma_wait3A, %dma_wait3A_179] : memref<256x64xf32, #tpu.memory_space<vmem>> -> memref<160x64xf32, #tpu.memory_space<vmem>>
      %dma_wait3A_181 = arith.constant 0 : i32
      %dma_wait3A_182 = tpu.memref_slice %arg17[%add3A_25, %dma_wait3A_181] : memref<10240x64xf32, #tpu.memory_space<vmem_shared>> -> memref<160x64xf32, #tpu.memory_space<vmem_shared>>
      %dma_wait3A_183 = arith.constant 0 : i32
      %dma_wait3A_184 = tpu.memref_slice %arg17[%add3A_25, %dma_wait3A_183] : memref<10240x64xf32, #tpu.memory_space<vmem_shared>> -> memref<160x64xf32, #tpu.memory_space<vmem_shared>>
      %dma_wait3A_185 = arith.constant 0 : i32
      %dma_wait3A_186 = arith.constant 0 : i32
      %dma_wait3A_187 = tpu.memref_slice %arg9[%dma_wait3A_185, %dma_wait3A_186] : memref<256x64xf32, #tpu.memory_space<vmem>> -> memref<160x64xf32, #tpu.memory_space<vmem>>
      tpu.wait_dma2 semaphore(%run_scoped3A : memref<!tpu.dma_semaphore, #tpu.memory_space<semaphore_mem>>) src(%dma_wait3A_187 : memref<160x64xf32, #tpu.memory_space<vmem>>) dst(%dma_wait3A_184 : memref<160x64xf32, #tpu.memory_space<vmem_shared>>)
      tpu.yield
    }) : () -> ()
    "tpu.region"() ({
      %run_scoped3A = tpu.sem_alloc : memref<!tpu.dma_semaphore, #tpu.memory_space<semaphore_mem>>
      %dma_start3A_169 = arith.constant 0 : i32
      %dma_start3A_170 = arith.constant 0 : i32
      %dma_start3A_171 = tpu.memref_slice %arg10[%dma_start3A_169, %dma_start3A_170] : memref<256x16xf32, #tpu.memory_space<vmem>> -> memref<160x16xf32, #tpu.memory_space<vmem>>
      %dma_start3A_172 = arith.constant 0 : i32
      %dma_start3A_173 = tpu.memref_slice %arg18[%add3A_25, %dma_start3A_172] : memref<10240x16xf32, #tpu.memory_space<vmem_shared>> -> memref<160x16xf32, #tpu.memory_space<vmem_shared>>
      %dma_start3A_174 = arith.constant 0 : i32
      %dma_start3A_175 = tpu.memref_slice %arg18[%add3A_25, %dma_start3A_174] : memref<10240x16xf32, #tpu.memory_space<vmem_shared>> -> memref<160x16xf32, #tpu.memory_space<vmem_shared>>
      %dma_start3A_176 = arith.constant 0 : i32
      %dma_start3A_177 = arith.constant 0 : i32
      %dma_start3A_178 = tpu.memref_slice %arg10[%dma_start3A_176, %dma_start3A_177] : memref<256x16xf32, #tpu.memory_space<vmem>> -> memref<160x16xf32, #tpu.memory_space<vmem>>
      tpu.enqueue_dma source(%dma_start3A_178 : memref<160x16xf32, #tpu.memory_space<vmem>>) target(%dma_start3A_175 : memref<160x16xf32, #tpu.memory_space<vmem_shared>>) target_semaphore(%run_scoped3A : memref<!tpu.dma_semaphore, #tpu.memory_space<semaphore_mem>>)
      %dma_wait3A = arith.constant 0 : i32
      %dma_wait3A_179 = arith.constant 0 : i32
      %dma_wait3A_180 = tpu.memref_slice %arg10[%dma_wait3A, %dma_wait3A_179] : memref<256x16xf32, #tpu.memory_space<vmem>> -> memref<160x16xf32, #tpu.memory_space<vmem>>
      %dma_wait3A_181 = arith.constant 0 : i32
      %dma_wait3A_182 = tpu.memref_slice %arg18[%add3A_25, %dma_wait3A_181] : memref<10240x16xf32, #tpu.memory_space<vmem_shared>> -> memref<160x16xf32, #tpu.memory_space<vmem_shared>>
      %dma_wait3A_183 = arith.constant 0 : i32
      %dma_wait3A_184 = tpu.memref_slice %arg18[%add3A_25, %dma_wait3A_183] : memref<10240x16xf32, #tpu.memory_space<vmem_shared>> -> memref<160x16xf32, #tpu.memory_space<vmem_shared>>
      %dma_wait3A_185 = arith.constant 0 : i32
      %dma_wait3A_186 = arith.constant 0 : i32
      %dma_wait3A_187 = tpu.memref_slice %arg10[%dma_wait3A_185, %dma_wait3A_186] : memref<256x16xf32, #tpu.memory_space<vmem>> -> memref<160x16xf32, #tpu.memory_space<vmem>>
      tpu.wait_dma2 semaphore(%run_scoped3A : memref<!tpu.dma_semaphore, #tpu.memory_space<semaphore_mem>>) src(%dma_wait3A_187 : memref<160x16xf32, #tpu.memory_space<vmem>>) dst(%dma_wait3A_184 : memref<160x16xf32, #tpu.memory_space<vmem_shared>>)
      tpu.yield
    }) : () -> ()
    %mul3A_26 = arith.constant 320 : i32
    %mul3A_27 = arith.muli %arg1, %mul3A_26 : i32
    %add3A_28 = arith.constant 160 : i32
    %add3A_29 = arith.addi %mul3A_27, %add3A_28 : i32
    "tpu.region"() ({
      %run_scoped3A = tpu.sem_alloc : memref<!tpu.dma_semaphore, #tpu.memory_space<semaphore_mem>>
      %dma_start3A_169 = arith.constant 0 : i32
      %dma_start3A_170 = arith.constant 0 : i32
      %dma_start3A_171 = tpu.memref_slice %arg9[%dma_start3A_169, %dma_start3A_170] : memref<256x64xf32, #tpu.memory_space<vmem>> -> memref<160x64xf32, #tpu.memory_space<vmem>>
      %dma_start3A_172 = arith.constant 0 : i32
      %dma_start3A_173 = tpu.memref_slice %arg17[%add3A_29, %dma_start3A_172] : memref<10240x64xf32, #tpu.memory_space<vmem_shared>> -> memref<160x64xf32, #tpu.memory_space<vmem_shared>>
      %dma_start3A_174 = arith.constant 0 : i32
      %dma_start3A_175 = tpu.memref_slice %arg17[%add3A_29, %dma_start3A_174] : memref<10240x64xf32, #tpu.memory_space<vmem_shared>> -> memref<160x64xf32, #tpu.memory_space<vmem_shared>>
      %dma_start3A_176 = arith.constant 0 : i32
      %dma_start3A_177 = arith.constant 0 : i32
      %dma_start3A_178 = tpu.memref_slice %arg9[%dma_start3A_176, %dma_start3A_177] : memref<256x64xf32, #tpu.memory_space<vmem>> -> memref<160x64xf32, #tpu.memory_space<vmem>>
      tpu.enqueue_dma source(%dma_start3A_178 : memref<160x64xf32, #tpu.memory_space<vmem>>) target(%dma_start3A_175 : memref<160x64xf32, #tpu.memory_space<vmem_shared>>) target_semaphore(%run_scoped3A : memref<!tpu.dma_semaphore, #tpu.memory_space<semaphore_mem>>)
      %dma_wait3A = arith.constant 0 : i32
      %dma_wait3A_179 = arith.constant 0 : i32
      %dma_wait3A_180 = tpu.memref_slice %arg9[%dma_wait3A, %dma_wait3A_179] : memref<256x64xf32, #tpu.memory_space<vmem>> -> memref<160x64xf32, #tpu.memory_space<vmem>>
      %dma_wait3A_181 = arith.constant 0 : i32
      %dma_wait3A_182 = tpu.memref_slice %arg17[%add3A_29, %dma_wait3A_181] : memref<10240x64xf32, #tpu.memory_space<vmem_shared>> -> memref<160x64xf32, #tpu.memory_space<vmem_shared>>
      %dma_wait3A_183 = arith.constant 0 : i32
      %dma_wait3A_184 = tpu.memref_slice %arg17[%add3A_29, %dma_wait3A_183] : memref<10240x64xf32, #tpu.memory_space<vmem_shared>> -> memref<160x64xf32, #tpu.memory_space<vmem_shared>>
      %dma_wait3A_185 = arith.constant 0 : i32
      %dma_wait3A_186 = arith.constant 0 : i32
      %dma_wait3A_187 = tpu.memref_slice %arg9[%dma_wait3A_185, %dma_wait3A_186] : memref<256x64xf32, #tpu.memory_space<vmem>> -> memref<160x64xf32, #tpu.memory_space<vmem>>
      tpu.wait_dma2 semaphore(%run_scoped3A : memref<!tpu.dma_semaphore, #tpu.memory_space<semaphore_mem>>) src(%dma_wait3A_187 : memref<160x64xf32, #tpu.memory_space<vmem>>) dst(%dma_wait3A_184 : memref<160x64xf32, #tpu.memory_space<vmem_shared>>)
      tpu.yield
    }) : () -> ()
    "tpu.region"() ({
      %run_scoped3A = tpu.sem_alloc : memref<!tpu.dma_semaphore, #tpu.memory_space<semaphore_mem>>
      %dma_start3A_169 = arith.constant 0 : i32
      %dma_start3A_170 = arith.constant 0 : i32
      %dma_start3A_171 = tpu.memref_slice %arg10[%dma_start3A_169, %dma_start3A_170] : memref<256x16xf32, #tpu.memory_space<vmem>> -> memref<160x16xf32, #tpu.memory_space<vmem>>
      %dma_start3A_172 = arith.constant 0 : i32
      %dma_start3A_173 = tpu.memref_slice %arg18[%add3A_29, %dma_start3A_172] : memref<10240x16xf32, #tpu.memory_space<vmem_shared>> -> memref<160x16xf32, #tpu.memory_space<vmem_shared>>
      %dma_start3A_174 = arith.constant 0 : i32
      %dma_start3A_175 = tpu.memref_slice %arg18[%add3A_29, %dma_start3A_174] : memref<10240x16xf32, #tpu.memory_space<vmem_shared>> -> memref<160x16xf32, #tpu.memory_space<vmem_shared>>
      %dma_start3A_176 = arith.constant 0 : i32
      %dma_start3A_177 = arith.constant 0 : i32
      %dma_start3A_178 = tpu.memref_slice %arg10[%dma_start3A_176, %dma_start3A_177] : memref<256x16xf32, #tpu.memory_space<vmem>> -> memref<160x16xf32, #tpu.memory_space<vmem>>
      tpu.enqueue_dma source(%dma_start3A_178 : memref<160x16xf32, #tpu.memory_space<vmem>>) target(%dma_start3A_175 : memref<160x16xf32, #tpu.memory_space<vmem_shared>>) target_semaphore(%run_scoped3A : memref<!tpu.dma_semaphore, #tpu.memory_space<semaphore_mem>>)
      %dma_wait3A = arith.constant 0 : i32
      %dma_wait3A_179 = arith.constant 0 : i32
      %dma_wait3A_180 = tpu.memref_slice %arg10[%dma_wait3A, %dma_wait3A_179] : memref<256x16xf32, #tpu.memory_space<vmem>> -> memref<160x16xf32, #tpu.memory_space<vmem>>
      %dma_wait3A_181 = arith.constant 0 : i32
      %dma_wait3A_182 = tpu.memref_slice %arg18[%add3A_29, %dma_wait3A_181] : memref<10240x16xf32, #tpu.memory_space<vmem_shared>> -> memref<160x16xf32, #tpu.memory_space<vmem_shared>>
      %dma_wait3A_183 = arith.constant 0 : i32
      %dma_wait3A_184 = tpu.memref_slice %arg18[%add3A_29, %dma_wait3A_183] : memref<10240x16xf32, #tpu.memory_space<vmem_shared>> -> memref<160x16xf32, #tpu.memory_space<vmem_shared>>
      %dma_wait3A_185 = arith.constant 0 : i32
      %dma_wait3A_186 = arith.constant 0 : i32
      %dma_wait3A_187 = tpu.memref_slice %arg10[%dma_wait3A_185, %dma_wait3A_186] : memref<256x16xf32, #tpu.memory_space<vmem>> -> memref<160x16xf32, #tpu.memory_space<vmem>>
      tpu.wait_dma2 semaphore(%run_scoped3A : memref<!tpu.dma_semaphore, #tpu.memory_space<semaphore_mem>>) src(%dma_wait3A_187 : memref<160x16xf32, #tpu.memory_space<vmem>>) dst(%dma_wait3A_184 : memref<160x16xf32, #tpu.memory_space<vmem_shared>>)
      tpu.yield
    }) : () -> ()
    %barrier3A = arith.constant 0 : index
    tpu.barrier barrier_id(%barrier3A)
    %add3A_30 = arith.constant 0 : i32
    %add3A_31 = arith.addi %add3A, %add3A_30 : i32
    "tpu.region"() ({
      %run_scoped3A = tpu.sem_alloc : memref<!tpu.dma_semaphore, #tpu.memory_space<semaphore_mem>>
      %dma_start3A_169 = arith.constant 0 : i32
      %dma_start3A_170 = arith.constant 0 : i32
      %dma_start3A_171 = tpu.memref_slice %arg4[%add3A_31, %dma_start3A_169, %dma_start3A_170] : memref<1344x6x128xi32, #tpu.memory_space<hbm>> -> memref<1x6x128xi32, #tpu.memory_space<hbm>>
      %dma_start3A_172 = tpu.memref_squeeze %dma_start3A_171 : memref<1x6x128xi32, #tpu.memory_space<hbm>> -> memref<6x128xi32, #tpu.memory_space<hbm>>
      %dma_start3A_173 = arith.constant 0 : i32
      %dma_start3A_174 = arith.constant 0 : i32
      %dma_start3A_175 = tpu.memref_slice %arg4[%add3A_31, %dma_start3A_173, %dma_start3A_174] : memref<1344x6x128xi32, #tpu.memory_space<hbm>> -> memref<1x6x128xi32, #tpu.memory_space<hbm>>
      %dma_start3A_176 = tpu.memref_squeeze %dma_start3A_175 : memref<1x6x128xi32, #tpu.memory_space<hbm>> -> memref<6x128xi32, #tpu.memory_space<hbm>>
      tpu.enqueue_dma source(%dma_start3A_176 : memref<6x128xi32, #tpu.memory_space<hbm>>) target(%arg11 : memref<6x128xi32, #tpu.memory_space<vmem>>) target_semaphore(%run_scoped3A : memref<!tpu.dma_semaphore, #tpu.memory_space<semaphore_mem>>)
      %dma_wait3A = arith.constant 0 : i32
      %dma_wait3A_177 = arith.constant 0 : i32
      %dma_wait3A_178 = tpu.memref_slice %arg4[%add3A_31, %dma_wait3A, %dma_wait3A_177] : memref<1344x6x128xi32, #tpu.memory_space<hbm>> -> memref<1x6x128xi32, #tpu.memory_space<hbm>>
      %dma_wait3A_179 = tpu.memref_squeeze %dma_wait3A_178 : memref<1x6x128xi32, #tpu.memory_space<hbm>> -> memref<6x128xi32, #tpu.memory_space<hbm>>
      %dma_wait3A_180 = arith.constant 0 : i32
      %dma_wait3A_181 = arith.constant 0 : i32
      %dma_wait3A_182 = tpu.memref_slice %arg4[%add3A_31, %dma_wait3A_180, %dma_wait3A_181] : memref<1344x6x128xi32, #tpu.memory_space<hbm>> -> memref<1x6x128xi32, #tpu.memory_space<hbm>>
      %dma_wait3A_183 = tpu.memref_squeeze %dma_wait3A_182 : memref<1x6x128xi32, #tpu.memory_space<hbm>> -> memref<6x128xi32, #tpu.memory_space<hbm>>
      tpu.wait_dma2 semaphore(%run_scoped3A : memref<!tpu.dma_semaphore, #tpu.memory_space<semaphore_mem>>) src(%dma_wait3A_183 : memref<6x128xi32, #tpu.memory_space<hbm>>) dst(%arg11 : memref<6x128xi32, #tpu.memory_space<vmem>>)
      tpu.yield
    }) : () -> ()
    %dma_start3A = arith.constant 0 : i32
    %dma_start3A_32 = arith.constant 0 : i32
    %dma_start3A_33 = arith.constant 0 : i32
    %dma_start3A_34 = tpu.memref_slice %arg7[%dma_start3A_32, %dma_start3A_33] : memref<256x16xf32, #tpu.memory_space<vmem>> -> memref<128x16xf32, #tpu.memory_space<vmem>>
    %dma_start3A_35 = arith.constant 0 : i32
    %dma_start3A_36 = tpu.memref_slice %arg11[%dma_start3A, %dma_start3A_35] : memref<6x128xi32, #tpu.memory_space<vmem>> -> memref<1x128xi32, #tpu.memory_space<vmem>>
    %dma_start3A_37 = tpu.memref_squeeze %dma_start3A_36 : memref<1x128xi32, #tpu.memory_space<vmem>> -> memref<128xi32, #tpu.memory_space<vmem>>
    %dma_start3A_38 = arith.constant 0 : i32
    %dma_start3A_39 = arith.constant 0 : i32
    %dma_start3A_40 = tpu.memref_slice %arg3[%dma_start3A_38, %dma_start3A_39] : memref<10000x16xf32, #tpu.memory_space<hbm>> -> memref<10000x16xf32, #tpu.memory_space<hbm>>
    tpu.enqueue_indirect_dma source(%dma_start3A_40 : memref<10000x16xf32, #tpu.memory_space<hbm>>) target(%dma_start3A_34 : memref<128x16xf32, #tpu.memory_space<vmem>>) offsets(%dma_start3A_37 : memref<128xi32, #tpu.memory_space<vmem>>) semaphore(%arg19 : memref<!tpu.dma_semaphore, #tpu.memory_space<semaphore_mem>>)
    %dma_start3A_41 = arith.constant 2 : i32
    %dma_start3A_42 = arith.constant 0 : i32
    %dma_start3A_43 = arith.constant 0 : i32
    %dma_start3A_44 = tpu.memref_slice %arg8[%dma_start3A_42, %dma_start3A_43] : memref<256x16xf32, #tpu.memory_space<vmem>> -> memref<128x16xf32, #tpu.memory_space<vmem>>
    %dma_start3A_45 = arith.constant 0 : i32
    %dma_start3A_46 = tpu.memref_slice %arg11[%dma_start3A_41, %dma_start3A_45] : memref<6x128xi32, #tpu.memory_space<vmem>> -> memref<1x128xi32, #tpu.memory_space<vmem>>
    %dma_start3A_47 = tpu.memref_squeeze %dma_start3A_46 : memref<1x128xi32, #tpu.memory_space<vmem>> -> memref<128xi32, #tpu.memory_space<vmem>>
    %dma_start3A_48 = arith.constant 0 : i32
    %dma_start3A_49 = arith.constant 0 : i32
    %dma_start3A_50 = tpu.memref_slice %arg3[%dma_start3A_48, %dma_start3A_49] : memref<10000x16xf32, #tpu.memory_space<hbm>> -> memref<10000x16xf32, #tpu.memory_space<hbm>>
    tpu.enqueue_indirect_dma source(%dma_start3A_50 : memref<10000x16xf32, #tpu.memory_space<hbm>>) target(%dma_start3A_44 : memref<128x16xf32, #tpu.memory_space<vmem>>) offsets(%dma_start3A_47 : memref<128xi32, #tpu.memory_space<vmem>>) semaphore(%arg19 : memref<!tpu.dma_semaphore, #tpu.memory_space<semaphore_mem>>)
    %dma_start3A_51 = arith.constant 0 : i32
    %dma_start3A_52 = arith.constant 0 : i32
    %dma_start3A_53 = arith.constant 0 : i32
    %dma_start3A_54 = tpu.memref_slice %arg9[%dma_start3A_52, %dma_start3A_53] : memref<256x64xf32, #tpu.memory_space<vmem>> -> memref<128x64xf32, #tpu.memory_space<vmem>>
    %dma_start3A_55 = arith.constant 0 : i32
    %dma_start3A_56 = tpu.memref_slice %arg11[%dma_start3A_51, %dma_start3A_55] : memref<6x128xi32, #tpu.memory_space<vmem>> -> memref<1x128xi32, #tpu.memory_space<vmem>>
    %dma_start3A_57 = tpu.memref_squeeze %dma_start3A_56 : memref<1x128xi32, #tpu.memory_space<vmem>> -> memref<128xi32, #tpu.memory_space<vmem>>
    %dma_start3A_58 = arith.constant 0 : i32
    %dma_start3A_59 = arith.constant 0 : i32
    %dma_start3A_60 = tpu.memref_slice %arg2[%dma_start3A_58, %dma_start3A_59] : memref<10000x64xf32, #tpu.memory_space<hbm>> -> memref<10000x64xf32, #tpu.memory_space<hbm>>
    tpu.enqueue_indirect_dma source(%dma_start3A_60 : memref<10000x64xf32, #tpu.memory_space<hbm>>) target(%dma_start3A_54 : memref<128x64xf32, #tpu.memory_space<vmem>>) offsets(%dma_start3A_57 : memref<128xi32, #tpu.memory_space<vmem>>) semaphore(%arg19 : memref<!tpu.dma_semaphore, #tpu.memory_space<semaphore_mem>>)
    %dma_start3A_61 = arith.constant 1 : i32
    %dma_start3A_62 = arith.constant 128 : i32
    %dma_start3A_63 = arith.constant 0 : i32
    %dma_start3A_64 = tpu.memref_slice %arg7[%dma_start3A_62, %dma_start3A_63] : memref<256x16xf32, #tpu.memory_space<vmem>> -> memref<128x16xf32, #tpu.memory_space<vmem>>
    %dma_start3A_65 = arith.constant 0 : i32
    %dma_start3A_66 = tpu.memref_slice %arg11[%dma_start3A_61, %dma_start3A_65] : memref<6x128xi32, #tpu.memory_space<vmem>> -> memref<1x128xi32, #tpu.memory_space<vmem>>
    %dma_start3A_67 = tpu.memref_squeeze %dma_start3A_66 : memref<1x128xi32, #tpu.memory_space<vmem>> -> memref<128xi32, #tpu.memory_space<vmem>>
    %dma_start3A_68 = arith.constant 0 : i32
    %dma_start3A_69 = arith.constant 0 : i32
    %dma_start3A_70 = tpu.memref_slice %arg3[%dma_start3A_68, %dma_start3A_69] : memref<10000x16xf32, #tpu.memory_space<hbm>> -> memref<10000x16xf32, #tpu.memory_space<hbm>>
    tpu.enqueue_indirect_dma source(%dma_start3A_70 : memref<10000x16xf32, #tpu.memory_space<hbm>>) target(%dma_start3A_64 : memref<128x16xf32, #tpu.memory_space<vmem>>) offsets(%dma_start3A_67 : memref<128xi32, #tpu.memory_space<vmem>>) semaphore(%arg19 : memref<!tpu.dma_semaphore, #tpu.memory_space<semaphore_mem>>)
    %dma_start3A_71 = arith.constant 3 : i32
    %dma_start3A_72 = arith.constant 128 : i32
    %dma_start3A_73 = arith.constant 0 : i32
    %dma_start3A_74 = tpu.memref_slice %arg8[%dma_start3A_72, %dma_start3A_73] : memref<256x16xf32, #tpu.memory_space<vmem>> -> memref<128x16xf32, #tpu.memory_space<vmem>>
    %dma_start3A_75 = arith.constant 0 : i32
    %dma_start3A_76 = tpu.memref_slice %arg11[%dma_start3A_71, %dma_start3A_75] : memref<6x128xi32, #tpu.memory_space<vmem>> -> memref<1x128xi32, #tpu.memory_space<vmem>>
    %dma_start3A_77 = tpu.memref_squeeze %dma_start3A_76 : memref<1x128xi32, #tpu.memory_space<vmem>> -> memref<128xi32, #tpu.memory_space<vmem>>
    %dma_start3A_78 = arith.constant 0 : i32
    %dma_start3A_79 = arith.constant 0 : i32
    %dma_start3A_80 = tpu.memref_slice %arg3[%dma_start3A_78, %dma_start3A_79] : memref<10000x16xf32, #tpu.memory_space<hbm>> -> memref<10000x16xf32, #tpu.memory_space<hbm>>
    tpu.enqueue_indirect_dma source(%dma_start3A_80 : memref<10000x16xf32, #tpu.memory_space<hbm>>) target(%dma_start3A_74 : memref<128x16xf32, #tpu.memory_space<vmem>>) offsets(%dma_start3A_77 : memref<128xi32, #tpu.memory_space<vmem>>) semaphore(%arg19 : memref<!tpu.dma_semaphore, #tpu.memory_space<semaphore_mem>>)
    %dma_start3A_81 = arith.constant 1 : i32
    %dma_start3A_82 = arith.constant 128 : i32
    %dma_start3A_83 = arith.constant 0 : i32
    %dma_start3A_84 = tpu.memref_slice %arg9[%dma_start3A_82, %dma_start3A_83] : memref<256x64xf32, #tpu.memory_space<vmem>> -> memref<128x64xf32, #tpu.memory_space<vmem>>
    %dma_start3A_85 = arith.constant 0 : i32
    %dma_start3A_86 = tpu.memref_slice %arg11[%dma_start3A_81, %dma_start3A_85] : memref<6x128xi32, #tpu.memory_space<vmem>> -> memref<1x128xi32, #tpu.memory_space<vmem>>
    %dma_start3A_87 = tpu.memref_squeeze %dma_start3A_86 : memref<1x128xi32, #tpu.memory_space<vmem>> -> memref<128xi32, #tpu.memory_space<vmem>>
    %dma_start3A_88 = arith.constant 0 : i32
    %dma_start3A_89 = arith.constant 0 : i32
    %dma_start3A_90 = tpu.memref_slice %arg2[%dma_start3A_88, %dma_start3A_89] : memref<10000x64xf32, #tpu.memory_space<hbm>> -> memref<10000x64xf32, #tpu.memory_space<hbm>>
    tpu.enqueue_indirect_dma source(%dma_start3A_90 : memref<10000x64xf32, #tpu.memory_space<hbm>>) target(%dma_start3A_84 : memref<128x64xf32, #tpu.memory_space<vmem>>) offsets(%dma_start3A_87 : memref<128xi32, #tpu.memory_space<vmem>>) semaphore(%arg19 : memref<!tpu.dma_semaphore, #tpu.memory_space<semaphore_mem>>)
    %add3A_91 = arith.constant 32 : i32
    %add3A_92 = arith.addi %add3A, %add3A_91 : i32
    "tpu.region"() ({
      %run_scoped3A = tpu.sem_alloc : memref<!tpu.dma_semaphore, #tpu.memory_space<semaphore_mem>>
      %dma_start3A_169 = arith.constant 0 : i32
      %dma_start3A_170 = arith.constant 0 : i32
      %dma_start3A_171 = tpu.memref_slice %arg4[%add3A_92, %dma_start3A_169, %dma_start3A_170] : memref<1344x6x128xi32, #tpu.memory_space<hbm>> -> memref<1x6x128xi32, #tpu.memory_space<hbm>>
      %dma_start3A_172 = tpu.memref_squeeze %dma_start3A_171 : memref<1x6x128xi32, #tpu.memory_space<hbm>> -> memref<6x128xi32, #tpu.memory_space<hbm>>
      %dma_start3A_173 = arith.constant 0 : i32
      %dma_start3A_174 = arith.constant 0 : i32
      %dma_start3A_175 = tpu.memref_slice %arg4[%add3A_92, %dma_start3A_173, %dma_start3A_174] : memref<1344x6x128xi32, #tpu.memory_space<hbm>> -> memref<1x6x128xi32, #tpu.memory_space<hbm>>
      %dma_start3A_176 = tpu.memref_squeeze %dma_start3A_175 : memref<1x6x128xi32, #tpu.memory_space<hbm>> -> memref<6x128xi32, #tpu.memory_space<hbm>>
      tpu.enqueue_dma source(%dma_start3A_176 : memref<6x128xi32, #tpu.memory_space<hbm>>) target(%arg16 : memref<6x128xi32, #tpu.memory_space<vmem>>) target_semaphore(%run_scoped3A : memref<!tpu.dma_semaphore, #tpu.memory_space<semaphore_mem>>)
      %dma_wait3A = arith.constant 0 : i32
      %dma_wait3A_177 = arith.constant 0 : i32
      %dma_wait3A_178 = tpu.memref_slice %arg4[%add3A_92, %dma_wait3A, %dma_wait3A_177] : memref<1344x6x128xi32, #tpu.memory_space<hbm>> -> memref<1x6x128xi32, #tpu.memory_space<hbm>>
      %dma_wait3A_179 = tpu.memref_squeeze %dma_wait3A_178 : memref<1x6x128xi32, #tpu.memory_space<hbm>> -> memref<6x128xi32, #tpu.memory_space<hbm>>
      %dma_wait3A_180 = arith.constant 0 : i32
      %dma_wait3A_181 = arith.constant 0 : i32
      %dma_wait3A_182 = tpu.memref_slice %arg4[%add3A_92, %dma_wait3A_180, %dma_wait3A_181] : memref<1344x6x128xi32, #tpu.memory_space<hbm>> -> memref<1x6x128xi32, #tpu.memory_space<hbm>>
      %dma_wait3A_183 = tpu.memref_squeeze %dma_wait3A_182 : memref<1x6x128xi32, #tpu.memory_space<hbm>> -> memref<6x128xi32, #tpu.memory_space<hbm>>
      tpu.wait_dma2 semaphore(%run_scoped3A : memref<!tpu.dma_semaphore, #tpu.memory_space<semaphore_mem>>) src(%dma_wait3A_183 : memref<6x128xi32, #tpu.memory_space<hbm>>) dst(%arg16 : memref<6x128xi32, #tpu.memory_space<vmem>>)
      tpu.yield
    }) : () -> ()
    %dma_start3A_93 = arith.constant 0 : i32
    %dma_start3A_94 = arith.constant 0 : i32
    %dma_start3A_95 = arith.constant 0 : i32
    %dma_start3A_96 = tpu.memref_slice %arg12[%dma_start3A_94, %dma_start3A_95] : memref<256x16xf32, #tpu.memory_space<vmem>> -> memref<128x16xf32, #tpu.memory_space<vmem>>
    %dma_start3A_97 = arith.constant 0 : i32
    %dma_start3A_98 = tpu.memref_slice %arg16[%dma_start3A_93, %dma_start3A_97] : memref<6x128xi32, #tpu.memory_space<vmem>> -> memref<1x128xi32, #tpu.memory_space<vmem>>
    %dma_start3A_99 = tpu.memref_squeeze %dma_start3A_98 : memref<1x128xi32, #tpu.memory_space<vmem>> -> memref<128xi32, #tpu.memory_space<vmem>>
    %dma_start3A_100 = arith.constant 0 : i32
    %dma_start3A_101 = arith.constant 0 : i32
    %dma_start3A_102 = tpu.memref_slice %arg3[%dma_start3A_100, %dma_start3A_101] : memref<10000x16xf32, #tpu.memory_space<hbm>> -> memref<10000x16xf32, #tpu.memory_space<hbm>>
    tpu.enqueue_indirect_dma source(%dma_start3A_102 : memref<10000x16xf32, #tpu.memory_space<hbm>>) target(%dma_start3A_96 : memref<128x16xf32, #tpu.memory_space<vmem>>) offsets(%dma_start3A_99 : memref<128xi32, #tpu.memory_space<vmem>>) semaphore(%arg20 : memref<!tpu.dma_semaphore, #tpu.memory_space<semaphore_mem>>)
    %dma_start3A_103 = arith.constant 2 : i32
    %dma_start3A_104 = arith.constant 0 : i32
    %dma_start3A_105 = arith.constant 0 : i32
    %dma_start3A_106 = tpu.memref_slice %arg13[%dma_start3A_104, %dma_start3A_105] : memref<256x16xf32, #tpu.memory_space<vmem>> -> memref<128x16xf32, #tpu.memory_space<vmem>>
    %dma_start3A_107 = arith.constant 0 : i32
    %dma_start3A_108 = tpu.memref_slice %arg16[%dma_start3A_103, %dma_start3A_107] : memref<6x128xi32, #tpu.memory_space<vmem>> -> memref<1x128xi32, #tpu.memory_space<vmem>>
    %dma_start3A_109 = tpu.memref_squeeze %dma_start3A_108 : memref<1x128xi32, #tpu.memory_space<vmem>> -> memref<128xi32, #tpu.memory_space<vmem>>
    %dma_start3A_110 = arith.constant 0 : i32
    %dma_start3A_111 = arith.constant 0 : i32
    %dma_start3A_112 = tpu.memref_slice %arg3[%dma_start3A_110, %dma_start3A_111] : memref<10000x16xf32, #tpu.memory_space<hbm>> -> memref<10000x16xf32, #tpu.memory_space<hbm>>
    tpu.enqueue_indirect_dma source(%dma_start3A_112 : memref<10000x16xf32, #tpu.memory_space<hbm>>) target(%dma_start3A_106 : memref<128x16xf32, #tpu.memory_space<vmem>>) offsets(%dma_start3A_109 : memref<128xi32, #tpu.memory_space<vmem>>) semaphore(%arg20 : memref<!tpu.dma_semaphore, #tpu.memory_space<semaphore_mem>>)
    %dma_start3A_113 = arith.constant 0 : i32
    %dma_start3A_114 = arith.constant 0 : i32
    %dma_start3A_115 = arith.constant 0 : i32
    %dma_start3A_116 = tpu.memref_slice %arg14[%dma_start3A_114, %dma_start3A_115] : memref<256x64xf32, #tpu.memory_space<vmem>> -> memref<128x64xf32, #tpu.memory_space<vmem>>
    %dma_start3A_117 = arith.constant 0 : i32
    %dma_start3A_118 = tpu.memref_slice %arg16[%dma_start3A_113, %dma_start3A_117] : memref<6x128xi32, #tpu.memory_space<vmem>> -> memref<1x128xi32, #tpu.memory_space<vmem>>
    %dma_start3A_119 = tpu.memref_squeeze %dma_start3A_118 : memref<1x128xi32, #tpu.memory_space<vmem>> -> memref<128xi32, #tpu.memory_space<vmem>>
    %dma_start3A_120 = arith.constant 0 : i32
    %dma_start3A_121 = arith.constant 0 : i32
    %dma_start3A_122 = tpu.memref_slice %arg2[%dma_start3A_120, %dma_start3A_121] : memref<10000x64xf32, #tpu.memory_space<hbm>> -> memref<10000x64xf32, #tpu.memory_space<hbm>>
    tpu.enqueue_indirect_dma source(%dma_start3A_122 : memref<10000x64xf32, #tpu.memory_space<hbm>>) target(%dma_start3A_116 : memref<128x64xf32, #tpu.memory_space<vmem>>) offsets(%dma_start3A_119 : memref<128xi32, #tpu.memory_space<vmem>>) semaphore(%arg20 : memref<!tpu.dma_semaphore, #tpu.memory_space<semaphore_mem>>)
    %dma_start3A_123 = arith.constant 1 : i32
    %dma_start3A_124 = arith.constant 128 : i32
    %dma_start3A_125 = arith.constant 0 : i32
    %dma_start3A_126 = tpu.memref_slice %arg12[%dma_start3A_124, %dma_start3A_125] : memref<256x16xf32, #tpu.memory_space<vmem>> -> memref<128x16xf32, #tpu.memory_space<vmem>>
    %dma_start3A_127 = arith.constant 0 : i32
    %dma_start3A_128 = tpu.memref_slice %arg16[%dma_start3A_123, %dma_start3A_127] : memref<6x128xi32, #tpu.memory_space<vmem>> -> memref<1x128xi32, #tpu.memory_space<vmem>>
    %dma_start3A_129 = tpu.memref_squeeze %dma_start3A_128 : memref<1x128xi32, #tpu.memory_space<vmem>> -> memref<128xi32, #tpu.memory_space<vmem>>
    %dma_start3A_130 = arith.constant 0 : i32
    %dma_start3A_131 = arith.constant 0 : i32
    %dma_start3A_132 = tpu.memref_slice %arg3[%dma_start3A_130, %dma_start3A_131] : memref<10000x16xf32, #tpu.memory_space<hbm>> -> memref<10000x16xf32, #tpu.memory_space<hbm>>
    tpu.enqueue_indirect_dma source(%dma_start3A_132 : memref<10000x16xf32, #tpu.memory_space<hbm>>) target(%dma_start3A_126 : memref<128x16xf32, #tpu.memory_space<vmem>>) offsets(%dma_start3A_129 : memref<128xi32, #tpu.memory_space<vmem>>) semaphore(%arg20 : memref<!tpu.dma_semaphore, #tpu.memory_space<semaphore_mem>>)
    %dma_start3A_133 = arith.constant 3 : i32
    %dma_start3A_134 = arith.constant 128 : i32
    %dma_start3A_135 = arith.constant 0 : i32
    %dma_start3A_136 = tpu.memref_slice %arg13[%dma_start3A_134, %dma_start3A_135] : memref<256x16xf32, #tpu.memory_space<vmem>> -> memref<128x16xf32, #tpu.memory_space<vmem>>
    %dma_start3A_137 = arith.constant 0 : i32
    %dma_start3A_138 = tpu.memref_slice %arg16[%dma_start3A_133, %dma_start3A_137] : memref<6x128xi32, #tpu.memory_space<vmem>> -> memref<1x128xi32, #tpu.memory_space<vmem>>
    %dma_start3A_139 = tpu.memref_squeeze %dma_start3A_138 : memref<1x128xi32, #tpu.memory_space<vmem>> -> memref<128xi32, #tpu.memory_space<vmem>>
    %dma_start3A_140 = arith.constant 0 : i32
    %dma_start3A_141 = arith.constant 0 : i32
    %dma_start3A_142 = tpu.memref_slice %arg3[%dma_start3A_140, %dma_start3A_141] : memref<10000x16xf32, #tpu.memory_space<hbm>> -> memref<10000x16xf32, #tpu.memory_space<hbm>>
    tpu.enqueue_indirect_dma source(%dma_start3A_142 : memref<10000x16xf32, #tpu.memory_space<hbm>>) target(%dma_start3A_136 : memref<128x16xf32, #tpu.memory_space<vmem>>) offsets(%dma_start3A_139 : memref<128xi32, #tpu.memory_space<vmem>>) semaphore(%arg20 : memref<!tpu.dma_semaphore, #tpu.memory_space<semaphore_mem>>)
    %dma_start3A_143 = arith.constant 1 : i32
    %dma_start3A_144 = arith.constant 128 : i32
    %dma_start3A_145 = arith.constant 0 : i32
    %dma_start3A_146 = tpu.memref_slice %arg14[%dma_start3A_144, %dma_start3A_145] : memref<256x64xf32, #tpu.memory_space<vmem>> -> memref<128x64xf32, #tpu.memory_space<vmem>>
    %dma_start3A_147 = arith.constant 0 : i32
    %dma_start3A_148 = tpu.memref_slice %arg16[%dma_start3A_143, %dma_start3A_147] : memref<6x128xi32, #tpu.memory_space<vmem>> -> memref<1x128xi32, #tpu.memory_space<vmem>>
    %dma_start3A_149 = tpu.memref_squeeze %dma_start3A_148 : memref<1x128xi32, #tpu.memory_space<vmem>> -> memref<128xi32, #tpu.memory_space<vmem>>
    %dma_start3A_150 = arith.constant 0 : i32
    %dma_start3A_151 = arith.constant 0 : i32
    %dma_start3A_152 = tpu.memref_slice %arg2[%dma_start3A_150, %dma_start3A_151] : memref<10000x64xf32, #tpu.memory_space<hbm>> -> memref<10000x64xf32, #tpu.memory_space<hbm>>
    tpu.enqueue_indirect_dma source(%dma_start3A_152 : memref<10000x64xf32, #tpu.memory_space<hbm>>) target(%dma_start3A_146 : memref<128x64xf32, #tpu.memory_space<vmem>>) offsets(%dma_start3A_149 : memref<128xi32, #tpu.memory_space<vmem>>) semaphore(%arg20 : memref<!tpu.dma_semaphore, #tpu.memory_space<semaphore_mem>>)
    %scan3A_153 = arith.constant 0 : i32
    %scan3A_154 = arith.constant 0 : i32
    %scan3A_155 = arith.constant 21 : i32
    %scan3A_156 = arith.addi %scan3A_154, %scan3A_155 : i32
    %scan3A_157 = arith.constant 1 : i32
    %scan3A_158 = scf.for %scan3A_169 = %scan3A_154 to %scan3A_156 step %scan3A_157 iter_args(%scan3A_170 = %scan3A_153) -> (i32)  : i32 {
      %dma_wait3A = arith.constant 0 : i32
      %dma_wait3A_171 = arith.constant 0 : i32
      %dma_wait3A_172 = arith.constant 0 : i32
      %dma_wait3A_173 = tpu.memref_slice %arg7[%dma_wait3A_171, %dma_wait3A_172] : memref<256x16xf32, #tpu.memory_space<vmem>> -> memref<128x16xf32, #tpu.memory_space<vmem>>
      %dma_wait3A_174 = arith.constant 0 : i32
      %dma_wait3A_175 = tpu.memref_slice %arg11[%dma_wait3A, %dma_wait3A_174] : memref<6x128xi32, #tpu.memory_space<vmem>> -> memref<1x128xi32, #tpu.memory_space<vmem>>
      %dma_wait3A_176 = tpu.memref_squeeze %dma_wait3A_175 : memref<1x128xi32, #tpu.memory_space<vmem>> -> memref<128xi32, #tpu.memory_space<vmem>>
      %dma_wait3A_177 = arith.constant 0 : i32
      %dma_wait3A_178 = arith.constant 0 : i32
      %dma_wait3A_179 = tpu.memref_slice %arg3[%dma_wait3A_177, %dma_wait3A_178] : memref<10000x16xf32, #tpu.memory_space<hbm>> -> memref<10000x16xf32, #tpu.memory_space<hbm>>
      tpu.wait_indirect_dma semaphore(%arg19 : memref<!tpu.dma_semaphore, #tpu.memory_space<semaphore_mem>>) src(%dma_wait3A_179 : memref<10000x16xf32, #tpu.memory_space<hbm>>) dst(%dma_wait3A_173 : memref<128x16xf32, #tpu.memory_space<vmem>>)
      %dma_wait3A_180 = arith.constant 2 : i32
      %dma_wait3A_181 = arith.constant 0 : i32
      %dma_wait3A_182 = arith.constant 0 : i32
      %dma_wait3A_183 = tpu.memref_slice %arg8[%dma_wait3A_181, %dma_wait3A_182] : memref<256x16xf32, #tpu.memory_space<vmem>> -> memref<128x16xf32, #tpu.memory_space<vmem>>
      %dma_wait3A_184 = arith.constant 0 : i32
      %dma_wait3A_185 = tpu.memref_slice %arg11[%dma_wait3A_180, %dma_wait3A_184] : memref<6x128xi32, #tpu.memory_space<vmem>> -> memref<1x128xi32, #tpu.memory_space<vmem>>
      %dma_wait3A_186 = tpu.memref_squeeze %dma_wait3A_185 : memref<1x128xi32, #tpu.memory_space<vmem>> -> memref<128xi32, #tpu.memory_space<vmem>>
      %dma_wait3A_187 = arith.constant 0 : i32
      %dma_wait3A_188 = arith.constant 0 : i32
      %dma_wait3A_189 = tpu.memref_slice %arg3[%dma_wait3A_187, %dma_wait3A_188] : memref<10000x16xf32, #tpu.memory_space<hbm>> -> memref<10000x16xf32, #tpu.memory_space<hbm>>
      tpu.wait_indirect_dma semaphore(%arg19 : memref<!tpu.dma_semaphore, #tpu.memory_space<semaphore_mem>>) src(%dma_wait3A_189 : memref<10000x16xf32, #tpu.memory_space<hbm>>) dst(%dma_wait3A_183 : memref<128x16xf32, #tpu.memory_space<vmem>>)
      %dma_wait3A_190 = arith.constant 0 : i32
      %dma_wait3A_191 = arith.constant 0 : i32
      %dma_wait3A_192 = arith.constant 0 : i32
      %dma_wait3A_193 = tpu.memref_slice %arg9[%dma_wait3A_191, %dma_wait3A_192] : memref<256x64xf32, #tpu.memory_space<vmem>> -> memref<128x64xf32, #tpu.memory_space<vmem>>
      %dma_wait3A_194 = arith.constant 0 : i32
      %dma_wait3A_195 = tpu.memref_slice %arg11[%dma_wait3A_190, %dma_wait3A_194] : memref<6x128xi32, #tpu.memory_space<vmem>> -> memref<1x128xi32, #tpu.memory_space<vmem>>
      %dma_wait3A_196 = tpu.memref_squeeze %dma_wait3A_195 : memref<1x128xi32, #tpu.memory_space<vmem>> -> memref<128xi32, #tpu.memory_space<vmem>>
      %dma_wait3A_197 = arith.constant 0 : i32
      %dma_wait3A_198 = arith.constant 0 : i32
      %dma_wait3A_199 = tpu.memref_slice %arg2[%dma_wait3A_197, %dma_wait3A_198] : memref<10000x64xf32, #tpu.memory_space<hbm>> -> memref<10000x64xf32, #tpu.memory_space<hbm>>
      tpu.wait_indirect_dma semaphore(%arg19 : memref<!tpu.dma_semaphore, #tpu.memory_space<semaphore_mem>>) src(%dma_wait3A_199 : memref<10000x64xf32, #tpu.memory_space<hbm>>) dst(%dma_wait3A_193 : memref<128x64xf32, #tpu.memory_space<vmem>>)
      %dma_wait3A_200 = arith.constant 1 : i32
      %dma_wait3A_201 = arith.constant 128 : i32
      %dma_wait3A_202 = arith.constant 0 : i32
      %dma_wait3A_203 = tpu.memref_slice %arg7[%dma_wait3A_201, %dma_wait3A_202] : memref<256x16xf32, #tpu.memory_space<vmem>> -> memref<128x16xf32, #tpu.memory_space<vmem>>
      %dma_wait3A_204 = arith.constant 0 : i32
      %dma_wait3A_205 = tpu.memref_slice %arg11[%dma_wait3A_200, %dma_wait3A_204] : memref<6x128xi32, #tpu.memory_space<vmem>> -> memref<1x128xi32, #tpu.memory_space<vmem>>
      %dma_wait3A_206 = tpu.memref_squeeze %dma_wait3A_205 : memref<1x128xi32, #tpu.memory_space<vmem>> -> memref<128xi32, #tpu.memory_space<vmem>>
      %dma_wait3A_207 = arith.constant 0 : i32
      %dma_wait3A_208 = arith.constant 0 : i32
      %dma_wait3A_209 = tpu.memref_slice %arg3[%dma_wait3A_207, %dma_wait3A_208] : memref<10000x16xf32, #tpu.memory_space<hbm>> -> memref<10000x16xf32, #tpu.memory_space<hbm>>
      tpu.wait_indirect_dma semaphore(%arg19 : memref<!tpu.dma_semaphore, #tpu.memory_space<semaphore_mem>>) src(%dma_wait3A_209 : memref<10000x16xf32, #tpu.memory_space<hbm>>) dst(%dma_wait3A_203 : memref<128x16xf32, #tpu.memory_space<vmem>>)
      %dma_wait3A_210 = arith.constant 3 : i32
      %dma_wait3A_211 = arith.constant 128 : i32
      %dma_wait3A_212 = arith.constant 0 : i32
      %dma_wait3A_213 = tpu.memref_slice %arg8[%dma_wait3A_211, %dma_wait3A_212] : memref<256x16xf32, #tpu.memory_space<vmem>> -> memref<128x16xf32, #tpu.memory_space<vmem>>
      %dma_wait3A_214 = arith.constant 0 : i32
      %dma_wait3A_215 = tpu.memref_slice %arg11[%dma_wait3A_210, %dma_wait3A_214] : memref<6x128xi32, #tpu.memory_space<vmem>> -> memref<1x128xi32, #tpu.memory_space<vmem>>
      %dma_wait3A_216 = tpu.memref_squeeze %dma_wait3A_215 : memref<1x128xi32, #tpu.memory_space<vmem>> -> memref<128xi32, #tpu.memory_space<vmem>>
      %dma_wait3A_217 = arith.constant 0 : i32
      %dma_wait3A_218 = arith.constant 0 : i32
      %dma_wait3A_219 = tpu.memref_slice %arg3[%dma_wait3A_217, %dma_wait3A_218] : memref<10000x16xf32, #tpu.memory_space<hbm>> -> memref<10000x16xf32, #tpu.memory_space<hbm>>
      tpu.wait_indirect_dma semaphore(%arg19 : memref<!tpu.dma_semaphore, #tpu.memory_space<semaphore_mem>>) src(%dma_wait3A_219 : memref<10000x16xf32, #tpu.memory_space<hbm>>) dst(%dma_wait3A_213 : memref<128x16xf32, #tpu.memory_space<vmem>>)
      %dma_wait3A_220 = arith.constant 1 : i32
      %dma_wait3A_221 = arith.constant 128 : i32
      %dma_wait3A_222 = arith.constant 0 : i32
      %dma_wait3A_223 = tpu.memref_slice %arg9[%dma_wait3A_221, %dma_wait3A_222] : memref<256x64xf32, #tpu.memory_space<vmem>> -> memref<128x64xf32, #tpu.memory_space<vmem>>
      %dma_wait3A_224 = arith.constant 0 : i32
      %dma_wait3A_225 = tpu.memref_slice %arg11[%dma_wait3A_220, %dma_wait3A_224] : memref<6x128xi32, #tpu.memory_space<vmem>> -> memref<1x128xi32, #tpu.memory_space<vmem>>
      %dma_wait3A_226 = tpu.memref_squeeze %dma_wait3A_225 : memref<1x128xi32, #tpu.memory_space<vmem>> -> memref<128xi32, #tpu.memory_space<vmem>>
      %dma_wait3A_227 = arith.constant 0 : i32
      %dma_wait3A_228 = arith.constant 0 : i32
      %dma_wait3A_229 = tpu.memref_slice %arg2[%dma_wait3A_227, %dma_wait3A_228] : memref<10000x64xf32, #tpu.memory_space<hbm>> -> memref<10000x64xf32, #tpu.memory_space<hbm>>
      tpu.wait_indirect_dma semaphore(%arg19 : memref<!tpu.dma_semaphore, #tpu.memory_space<semaphore_mem>>) src(%dma_wait3A_229 : memref<10000x64xf32, #tpu.memory_space<hbm>>) dst(%dma_wait3A_223 : memref<128x64xf32, #tpu.memory_space<vmem>>)
      %parallel_loop3A = arith.constant 0 : i32
      %parallel_loop3A_230 = arith.constant 128 : i32
      %parallel_loop3A_231 = arith.constant 1 : i32
      scf.for %parallel_loop3A_468 = %parallel_loop3A to %parallel_loop3A_230 step %parallel_loop3A_231  : i32 {
        %parallel_loop3A_469 = arith.constant 2 : i32
        %parallel_loop3A_470 = arith.muli %parallel_loop3A_469, %parallel_loop3A_468 : i32
        %parallel_loop3A_471 = vector.broadcast %parallel_loop3A_470 : i32 to vector<16xi32>
        %parallel_loop3A_472 = arith.addi %parallel_loop3A_471, %convert_element_type3A : vector<16xi32>
        %parallel_loop3A_473 = tpu.vector_load_idx %arg7[%parallel_loop3A_472, %sub3A] : memref<256x16xf32, #tpu.memory_space<vmem>>[vector<16xi32>, vector<16xi32>], vector<16xf32>,
        %parallel_loop3A_474 = arith.constant 8 : i32
        %parallel_loop3A_475 = vector.broadcast %parallel_loop3A_474 : i32 to vector<16xi32>
        %parallel_loop3A_476 = arith.addi %parallel_loop3A_475, %sub3A : vector<16xi32>
        %parallel_loop3A_477 = tpu.vector_load_idx %arg8[%parallel_loop3A_472, %parallel_loop3A_476] : memref<256x16xf32, #tpu.memory_space<vmem>>[vector<16xi32>, vector<16xi32>], vector<16xf32>,
        %parallel_loop3A_478 = arith.constant 7 : i32
        %parallel_loop3A_479 = vector.broadcast %parallel_loop3A_478 : i32 to vector<16xi32>
        %parallel_loop3A_480 = arith.shrsi %parallel_loop3A_472, %parallel_loop3A_479 : vector<16xi32>
        %parallel_loop3A_481 = arith.constant 4 : i32
        %parallel_loop3A_482 = vector.broadcast %parallel_loop3A_481 : i32 to vector<16xi32>
        %parallel_loop3A_483 = arith.addi %parallel_loop3A_482, %parallel_loop3A_480 : vector<16xi32>
        %parallel_loop3A_484 = arith.constant 127 : i32
        %parallel_loop3A_485 = vector.broadcast %parallel_loop3A_484 : i32 to vector<16xi32>
        %parallel_loop3A_486 = arith.andi %parallel_loop3A_472, %parallel_loop3A_485 : vector<16xi32>
        %parallel_loop3A_487 = tpu.vector_load_idx %arg11[%parallel_loop3A_483, %parallel_loop3A_486] : memref<6x128xi32, #tpu.memory_space<vmem>>[vector<16xi32>, vector<16xi32>], vector<16xi32>,
        %parallel_loop3A_488 = arith.addf %parallel_loop3A_473, %parallel_loop3A_477 : vector<16xf32>
        %parallel_loop3A_489 = arith.constant 2.000000e-01 : f32
        %parallel_loop3A_490 = vector.broadcast %parallel_loop3A_489 : f32 to vector<16xf32>
        %parallel_loop3A_491 = arith.mulf %parallel_loop3A_490, %parallel_loop3A_488 : vector<16xf32>
        %parallel_loop3A_492 = arith.maximumf %parallel_loop3A_488, %parallel_loop3A_491 : vector<16xf32>
        %parallel_loop3A_493 = vector.bitcast %parallel_loop3A_487 : vector<16xi32> to vector<16xf32>
        %parallel_loop3A_494 = math.exp %parallel_loop3A_492 : vector<16xf32>
        %parallel_loop3A_495 = arith.mulf %parallel_loop3A_493, %parallel_loop3A_494 : vector<16xf32>
        tpu.vector_store_idx %arg10[%parallel_loop3A_472, %sub3A], %parallel_loop3A_495 : memref<256x16xf32, #tpu.memory_space<vmem>>[vector<16xi32>, vector<16xi32>], vector<16xf32>,
        %parallel_loop3A_496 = arith.constant 2 : i32
        %parallel_loop3A_497 = arith.muli %parallel_loop3A_496, %parallel_loop3A_468 : i32
        %parallel_loop3A_498 = arith.constant 0 : i32
        %parallel_loop3A_499 = arith.addi %parallel_loop3A_497, %parallel_loop3A_498 : i32
        %parallel_loop3A_500 = arith.constant 0 : i32
        %parallel_loop3A_501 = vector.broadcast %parallel_loop3A_500 : i32 to vector<16xi32>
        %parallel_loop3A_502 = arith.addi %parallel_loop3A_501, %convert_element_type3A : vector<16xi32>
        %parallel_loop3A_503 = vector.shape_cast %parallel_loop3A_502 : vector<16xi32> to vector<16x1xi32>
        %parallel_loop3A_504 = vector.shape_cast %parallel_loop3A_503 : vector<16x1xi32> to vector<16xi32>
        %parallel_loop3A_505 = tpu.dynamic_gather %parallel_loop3A_495[%parallel_loop3A_504] in [0] : vector<16xf32>, vector<16xi32> -> vector<16xf32>
        %parallel_loop3A_506 = arith.index_cast %parallel_loop3A_499 : i32 to index
        %parallel_loop3A_507 = arith.constant 0 : index
        %parallel_loop3A_508 = tpu.vector_load %arg9[%parallel_loop3A_506, %parallel_loop3A_507] {strides = array<i32>} : memref<256x64xf32, #tpu.memory_space<vmem>>, vector<16xf32>,
        %parallel_loop3A_509 = arith.mulf %parallel_loop3A_508, %parallel_loop3A_505 : vector<16xf32>
        %parallel_loop3A_510 = arith.index_cast %parallel_loop3A_499 : i32 to index
        %parallel_loop3A_511 = arith.constant 0 : index
        %parallel_loop3A_512 = tpu.vector_load %arg9[%parallel_loop3A_510, %parallel_loop3A_511] {strides = array<i32>} : memref<256x64xf32, #tpu.memory_space<vmem>>, vector<16xf32>,
        tpu.vector_store %arg9[%parallel_loop3A_510, %parallel_loop3A_511], %parallel_loop3A_509 {strides = array<i32>} : memref<256x64xf32, #tpu.memory_space<vmem>>, vector<16xf32>,
        %parallel_loop3A_513 = arith.constant 2 : i32
        %parallel_loop3A_514 = vector.broadcast %parallel_loop3A_513 : i32 to vector<16xi32>
        %parallel_loop3A_515 = arith.addi %parallel_loop3A_514, %convert_element_type3A : vector<16xi32>
        %parallel_loop3A_516 = vector.shape_cast %parallel_loop3A_515 : vector<16xi32> to vector<16x1xi32>
        %parallel_loop3A_517 = vector.shape_cast %parallel_loop3A_516 : vector<16x1xi32> to vector<16xi32>
        %parallel_loop3A_518 = tpu.dynamic_gather %parallel_loop3A_495[%parallel_loop3A_517] in [0] : vector<16xf32>, vector<16xi32> -> vector<16xf32>
        %parallel_loop3A_519 = arith.index_cast %parallel_loop3A_499 : i32 to index
        %parallel_loop3A_520 = arith.constant 16 : index
        %parallel_loop3A_521 = tpu.vector_load %arg9[%parallel_loop3A_519, %parallel_loop3A_520] {strides = array<i32>} : memref<256x64xf32, #tpu.memory_space<vmem>>, vector<16xf32>,
        %parallel_loop3A_522 = arith.mulf %parallel_loop3A_521, %parallel_loop3A_518 : vector<16xf32>
        %parallel_loop3A_523 = arith.index_cast %parallel_loop3A_499 : i32 to index
        %parallel_loop3A_524 = arith.constant 16 : index
        %parallel_loop3A_525 = tpu.vector_load %arg9[%parallel_loop3A_523, %parallel_loop3A_524] {strides = array<i32>} : memref<256x64xf32, #tpu.memory_space<vmem>>, vector<16xf32>,
        tpu.vector_store %arg9[%parallel_loop3A_523, %parallel_loop3A_524], %parallel_loop3A_522 {strides = array<i32>} : memref<256x64xf32, #tpu.memory_space<vmem>>, vector<16xf32>,
        %parallel_loop3A_526 = arith.constant 4 : i32
        %parallel_loop3A_527 = vector.broadcast %parallel_loop3A_526 : i32 to vector<16xi32>
        %parallel_loop3A_528 = arith.addi %parallel_loop3A_527, %convert_element_type3A : vector<16xi32>
        %parallel_loop3A_529 = vector.shape_cast %parallel_loop3A_528 : vector<16xi32> to vector<16x1xi32>
        %parallel_loop3A_530 = vector.shape_cast %parallel_loop3A_529 : vector<16x1xi32> to vector<16xi32>
        %parallel_loop3A_531 = tpu.dynamic_gather %parallel_loop3A_495[%parallel_loop3A_530] in [0] : vector<16xf32>, vector<16xi32> -> vector<16xf32>
        %parallel_loop3A_532 = arith.index_cast %parallel_loop3A_499 : i32 to index
        %parallel_loop3A_533 = arith.constant 32 : index
        %parallel_loop3A_534 = tpu.vector_load %arg9[%parallel_loop3A_532, %parallel_loop3A_533] {strides = array<i32>} : memref<256x64xf32, #tpu.memory_space<vmem>>, vector<16xf32>,
        %parallel_loop3A_535 = arith.mulf %parallel_loop3A_534, %parallel_loop3A_531 : vector<16xf32>
        %parallel_loop3A_536 = arith.index_cast %parallel_loop3A_499 : i32 to index
        %parallel_loop3A_537 = arith.constant 32 : index
        %parallel_loop3A_538 = tpu.vector_load %arg9[%parallel_loop3A_536, %parallel_loop3A_537] {strides = array<i32>} : memref<256x64xf32, #tpu.memory_space<vmem>>, vector<16xf32>,
        tpu.vector_store %arg9[%parallel_loop3A_536, %parallel_loop3A_537], %parallel_loop3A_535 {strides = array<i32>} : memref<256x64xf32, #tpu.memory_space<vmem>>, vector<16xf32>,
        %parallel_loop3A_539 = arith.constant 6 : i32
        %parallel_loop3A_540 = vector.broadcast %parallel_loop3A_539 : i32 to vector<16xi32>
        %parallel_loop3A_541 = arith.addi %parallel_loop3A_540, %convert_element_type3A : vector<16xi32>
        %parallel_loop3A_542 = vector.shape_cast %parallel_loop3A_541 : vector<16xi32> to vector<16x1xi32>
        %parallel_loop3A_543 = vector.shape_cast %parallel_loop3A_542 : vector<16x1xi32> to vector<16xi32>
        %parallel_loop3A_544 = tpu.dynamic_gather %parallel_loop3A_495[%parallel_loop3A_543] in [0] : vector<16xf32>, vector<16xi32> -> vector<16xf32>
        %parallel_loop3A_545 = arith.index_cast %parallel_loop3A_499 : i32 to index
        %parallel_loop3A_546 = arith.constant 48 : index
        %parallel_loop3A_547 = tpu.vector_load %arg9[%parallel_loop3A_545, %parallel_loop3A_546] {strides = array<i32>} : memref<256x64xf32, #tpu.memory_space<vmem>>, vector<16xf32>,
        %parallel_loop3A_548 = arith.mulf %parallel_loop3A_547, %parallel_loop3A_544 : vector<16xf32>
        %parallel_loop3A_549 = arith.index_cast %parallel_loop3A_499 : i32 to index
        %parallel_loop3A_550 = arith.constant 48 : index
        %parallel_loop3A_551 = tpu.vector_load %arg9[%parallel_loop3A_549, %parallel_loop3A_550] {strides = array<i32>} : memref<256x64xf32, #tpu.memory_space<vmem>>, vector<16xf32>,
        tpu.vector_store %arg9[%parallel_loop3A_549, %parallel_loop3A_550], %parallel_loop3A_548 {strides = array<i32>} : memref<256x64xf32, #tpu.memory_space<vmem>>, vector<16xf32>,
        %parallel_loop3A_552 = arith.constant 2 : i32
        %parallel_loop3A_553 = arith.muli %parallel_loop3A_552, %parallel_loop3A_468 : i32
        %parallel_loop3A_554 = arith.constant 1 : i32
        %parallel_loop3A_555 = arith.addi %parallel_loop3A_553, %parallel_loop3A_554 : i32
        %parallel_loop3A_556 = arith.constant 8 : i32
        %parallel_loop3A_557 = vector.broadcast %parallel_loop3A_556 : i32 to vector<16xi32>
        %parallel_loop3A_558 = arith.addi %parallel_loop3A_557, %convert_element_type3A : vector<16xi32>
        %parallel_loop3A_559 = vector.shape_cast %parallel_loop3A_558 : vector<16xi32> to vector<16x1xi32>
        %parallel_loop3A_560 = vector.shape_cast %parallel_loop3A_559 : vector<16x1xi32> to vector<16xi32>
        %parallel_loop3A_561 = tpu.dynamic_gather %parallel_loop3A_495[%parallel_loop3A_560] in [0] : vector<16xf32>, vector<16xi32> -> vector<16xf32>
        %parallel_loop3A_562 = arith.index_cast %parallel_loop3A_555 : i32 to index
        %parallel_loop3A_563 = arith.constant 0 : index
        %parallel_loop3A_564 = tpu.vector_load %arg9[%parallel_loop3A_562, %parallel_loop3A_563] {strides = array<i32>} : memref<256x64xf32, #tpu.memory_space<vmem>>, vector<16xf32>,
        %parallel_loop3A_565 = arith.mulf %parallel_loop3A_564, %parallel_loop3A_561 : vector<16xf32>
        %parallel_loop3A_566 = arith.index_cast %parallel_loop3A_555 : i32 to index
        %parallel_loop3A_567 = arith.constant 0 : index
        %parallel_loop3A_568 = tpu.vector_load %arg9[%parallel_loop3A_566, %parallel_loop3A_567] {strides = array<i32>} : memref<256x64xf32, #tpu.memory_space<vmem>>, vector<16xf32>,
        tpu.vector_store %arg9[%parallel_loop3A_566, %parallel_loop3A_567], %parallel_loop3A_565 {strides = array<i32>} : memref<256x64xf32, #tpu.memory_space<vmem>>, vector<16xf32>,
        %parallel_loop3A_569 = arith.constant 10 : i32
        %parallel_loop3A_570 = vector.broadcast %parallel_loop3A_569 : i32 to vector<16xi32>
        %parallel_loop3A_571 = arith.addi %parallel_loop3A_570, %convert_element_type3A : vector<16xi32>
        %parallel_loop3A_572 = vector.shape_cast %parallel_loop3A_571 : vector<16xi32> to vector<16x1xi32>
        %parallel_loop3A_573 = vector.shape_cast %parallel_loop3A_572 : vector<16x1xi32> to vector<16xi32>
        %parallel_loop3A_574 = tpu.dynamic_gather %parallel_loop3A_495[%parallel_loop3A_573] in [0] : vector<16xf32>, vector<16xi32> -> vector<16xf32>
        %parallel_loop3A_575 = arith.index_cast %parallel_loop3A_555 : i32 to index
        %parallel_loop3A_576 = arith.constant 16 : index
        %parallel_loop3A_577 = tpu.vector_load %arg9[%parallel_loop3A_575, %parallel_loop3A_576] {strides = array<i32>} : memref<256x64xf32, #tpu.memory_space<vmem>>, vector<16xf32>,
        %parallel_loop3A_578 = arith.mulf %parallel_loop3A_577, %parallel_loop3A_574 : vector<16xf32>
        %parallel_loop3A_579 = arith.index_cast %parallel_loop3A_555 : i32 to index
        %parallel_loop3A_580 = arith.constant 16 : index
        %parallel_loop3A_581 = tpu.vector_load %arg9[%parallel_loop3A_579, %parallel_loop3A_580] {strides = array<i32>} : memref<256x64xf32, #tpu.memory_space<vmem>>, vector<16xf32>,
        tpu.vector_store %arg9[%parallel_loop3A_579, %parallel_loop3A_580], %parallel_loop3A_578 {strides = array<i32>} : memref<256x64xf32, #tpu.memory_space<vmem>>, vector<16xf32>,
        %parallel_loop3A_582 = arith.constant 12 : i32
        %parallel_loop3A_583 = vector.broadcast %parallel_loop3A_582 : i32 to vector<16xi32>
        %parallel_loop3A_584 = arith.addi %parallel_loop3A_583, %convert_element_type3A : vector<16xi32>
        %parallel_loop3A_585 = vector.shape_cast %parallel_loop3A_584 : vector<16xi32> to vector<16x1xi32>
        %parallel_loop3A_586 = vector.shape_cast %parallel_loop3A_585 : vector<16x1xi32> to vector<16xi32>
        %parallel_loop3A_587 = tpu.dynamic_gather %parallel_loop3A_495[%parallel_loop3A_586] in [0] : vector<16xf32>, vector<16xi32> -> vector<16xf32>
        %parallel_loop3A_588 = arith.index_cast %parallel_loop3A_555 : i32 to index
        %parallel_loop3A_589 = arith.constant 32 : index
        %parallel_loop3A_590 = tpu.vector_load %arg9[%parallel_loop3A_588, %parallel_loop3A_589] {strides = array<i32>} : memref<256x64xf32, #tpu.memory_space<vmem>>, vector<16xf32>,
        %parallel_loop3A_591 = arith.mulf %parallel_loop3A_590, %parallel_loop3A_587 : vector<16xf32>
        %parallel_loop3A_592 = arith.index_cast %parallel_loop3A_555 : i32 to index
        %parallel_loop3A_593 = arith.constant 32 : index
        %parallel_loop3A_594 = tpu.vector_load %arg9[%parallel_loop3A_592, %parallel_loop3A_593] {strides = array<i32>} : memref<256x64xf32, #tpu.memory_space<vmem>>, vector<16xf32>,
        tpu.vector_store %arg9[%parallel_loop3A_592, %parallel_loop3A_593], %parallel_loop3A_591 {strides = array<i32>} : memref<256x64xf32, #tpu.memory_space<vmem>>, vector<16xf32>,
        %parallel_loop3A_595 = arith.constant 14 : i32
        %parallel_loop3A_596 = vector.broadcast %parallel_loop3A_595 : i32 to vector<16xi32>
        %parallel_loop3A_597 = arith.addi %parallel_loop3A_596, %convert_element_type3A : vector<16xi32>
        %parallel_loop3A_598 = vector.shape_cast %parallel_loop3A_597 : vector<16xi32> to vector<16x1xi32>
        %parallel_loop3A_599 = vector.shape_cast %parallel_loop3A_598 : vector<16x1xi32> to vector<16xi32>
        %parallel_loop3A_600 = tpu.dynamic_gather %parallel_loop3A_495[%parallel_loop3A_599] in [0] : vector<16xf32>, vector<16xi32> -> vector<16xf32>
        %parallel_loop3A_601 = arith.index_cast %parallel_loop3A_555 : i32 to index
        %parallel_loop3A_602 = arith.constant 48 : index
        %parallel_loop3A_603 = tpu.vector_load %arg9[%parallel_loop3A_601, %parallel_loop3A_602] {strides = array<i32>} : memref<256x64xf32, #tpu.memory_space<vmem>>, vector<16xf32>,
        %parallel_loop3A_604 = arith.mulf %parallel_loop3A_603, %parallel_loop3A_600 : vector<16xf32>
        %parallel_loop3A_605 = arith.index_cast %parallel_loop3A_555 : i32 to index
        %parallel_loop3A_606 = arith.constant 48 : index
        %parallel_loop3A_607 = tpu.vector_load %arg9[%parallel_loop3A_605, %parallel_loop3A_606] {strides = array<i32>} : memref<256x64xf32, #tpu.memory_space<vmem>>, vector<16xf32>,
        tpu.vector_store %arg9[%parallel_loop3A_605, %parallel_loop3A_606], %parallel_loop3A_604 {strides = array<i32>} : memref<256x64xf32, #tpu.memory_space<vmem>>, vector<16xf32>,
      } {sc.loop_unroll_factor = 2 : i64, sc.parallel_access}
      %dma_start3A_232 = arith.constant 2 : i32
      %dma_start3A_233 = arith.constant 0 : i32
      %dma_start3A_234 = arith.constant 0 : i32
      %dma_start3A_235 = tpu.memref_slice %arg9[%dma_start3A_233, %dma_start3A_234] : memref<256x64xf32, #tpu.memory_space<vmem>> -> memref<128x64xf32, #tpu.memory_space<vmem>>
      %dma_start3A_236 = arith.constant 0 : i32
      %dma_start3A_237 = tpu.memref_slice %arg11[%dma_start3A_232, %dma_start3A_236] : memref<6x128xi32, #tpu.memory_space<vmem>> -> memref<1x128xi32, #tpu.memory_space<vmem>>
      %dma_start3A_238 = tpu.memref_squeeze %dma_start3A_237 : memref<1x128xi32, #tpu.memory_space<vmem>> -> memref<128xi32, #tpu.memory_space<vmem>>
      %dma_start3A_239 = arith.constant 0 : i32
      %dma_start3A_240 = arith.constant 0 : i32
      %dma_start3A_241 = tpu.memref_slice %arg17[%dma_start3A_239, %dma_start3A_240] : memref<10240x64xf32, #tpu.memory_space<vmem_shared>> -> memref<10240x64xf32, #tpu.memory_space<vmem_shared>>
      tpu.enqueue_indirect_dma source(%dma_start3A_235 : memref<128x64xf32, #tpu.memory_space<vmem>>) target(%dma_start3A_241 : memref<10240x64xf32, #tpu.memory_space<vmem_shared>>) offsets(%dma_start3A_238 : memref<128xi32, #tpu.memory_space<vmem>>) semaphore(%arg21 : memref<!tpu.dma_semaphore, #tpu.memory_space<semaphore_mem>>) {add = true}
      %dma_start3A_242 = arith.constant 2 : i32
      %dma_start3A_243 = arith.constant 0 : i32
      %dma_start3A_244 = arith.constant 0 : i32
      %dma_start3A_245 = tpu.memref_slice %arg10[%dma_start3A_243, %dma_start3A_244] : memref<256x16xf32, #tpu.memory_space<vmem>> -> memref<128x16xf32, #tpu.memory_space<vmem>>
      %dma_start3A_246 = arith.constant 0 : i32
      %dma_start3A_247 = tpu.memref_slice %arg11[%dma_start3A_242, %dma_start3A_246] : memref<6x128xi32, #tpu.memory_space<vmem>> -> memref<1x128xi32, #tpu.memory_space<vmem>>
      %dma_start3A_248 = tpu.memref_squeeze %dma_start3A_247 : memref<1x128xi32, #tpu.memory_space<vmem>> -> memref<128xi32, #tpu.memory_space<vmem>>
      %dma_start3A_249 = arith.constant 0 : i32
      %dma_start3A_250 = arith.constant 0 : i32
      %dma_start3A_251 = tpu.memref_slice %arg18[%dma_start3A_249, %dma_start3A_250] : memref<10240x16xf32, #tpu.memory_space<vmem_shared>> -> memref<10240x16xf32, #tpu.memory_space<vmem_shared>>
      tpu.enqueue_indirect_dma source(%dma_start3A_245 : memref<128x16xf32, #tpu.memory_space<vmem>>) target(%dma_start3A_251 : memref<10240x16xf32, #tpu.memory_space<vmem_shared>>) offsets(%dma_start3A_248 : memref<128xi32, #tpu.memory_space<vmem>>) semaphore(%arg21 : memref<!tpu.dma_semaphore, #tpu.memory_space<semaphore_mem>>) {add = true}
      %dma_start3A_252 = arith.constant 3 : i32
      %dma_start3A_253 = arith.constant 128 : i32
      %dma_start3A_254 = arith.constant 0 : i32
      %dma_start3A_255 = tpu.memref_slice %arg9[%dma_start3A_253, %dma_start3A_254] : memref<256x64xf32, #tpu.memory_space<vmem>> -> memref<128x64xf32, #tpu.memory_space<vmem>>
      %dma_start3A_256 = arith.constant 0 : i32
      %dma_start3A_257 = tpu.memref_slice %arg11[%dma_start3A_252, %dma_start3A_256] : memref<6x128xi32, #tpu.memory_space<vmem>> -> memref<1x128xi32, #tpu.memory_space<vmem>>
      %dma_start3A_258 = tpu.memref_squeeze %dma_start3A_257 : memref<1x128xi32, #tpu.memory_space<vmem>> -> memref<128xi32, #tpu.memory_space<vmem>>
      %dma_start3A_259 = arith.constant 0 : i32
      %dma_start3A_260 = arith.constant 0 : i32
      %dma_start3A_261 = tpu.memref_slice %arg17[%dma_start3A_259, %dma_start3A_260] : memref<10240x64xf32, #tpu.memory_space<vmem_shared>> -> memref<10240x64xf32, #tpu.memory_space<vmem_shared>>
      tpu.enqueue_indirect_dma source(%dma_start3A_255 : memref<128x64xf32, #tpu.memory_space<vmem>>) target(%dma_start3A_261 : memref<10240x64xf32, #tpu.memory_space<vmem_shared>>) offsets(%dma_start3A_258 : memref<128xi32, #tpu.memory_space<vmem>>) semaphore(%arg21 : memref<!tpu.dma_semaphore, #tpu.memory_space<semaphore_mem>>) {add = true}
      %dma_start3A_262 = arith.constant 3 : i32
      %dma_start3A_263 = arith.constant 128 : i32
      %dma_start3A_264 = arith.constant 0 : i32
      %dma_start3A_265 = tpu.memref_slice %arg10[%dma_start3A_263, %dma_start3A_264] : memref<256x16xf32, #tpu.memory_space<vmem>> -> memref<128x16xf32, #tpu.memory_space<vmem>>
      %dma_start3A_266 = arith.constant 0 : i32
      %dma_start3A_267 = tpu.memref_slice %arg11[%dma_start3A_262, %dma_start3A_266] : memref<6x128xi32, #tpu.memory_space<vmem>> -> memref<1x128xi32, #tpu.memory_space<vmem>>
      %dma_start3A_268 = tpu.memref_squeeze %dma_start3A_267 : memref<1x128xi32, #tpu.memory_space<vmem>> -> memref<128xi32, #tpu.memory_space<vmem>>
      %dma_start3A_269 = arith.constant 0 : i32
      %dma_start3A_270 = arith.constant 0 : i32
      %dma_start3A_271 = tpu.memref_slice %arg18[%dma_start3A_269, %dma_start3A_270] : memref<10240x16xf32, #tpu.memory_space<vmem_shared>> -> memref<10240x16xf32, #tpu.memory_space<vmem_shared>>
      tpu.enqueue_indirect_dma source(%dma_start3A_265 : memref<128x16xf32, #tpu.memory_space<vmem>>) target(%dma_start3A_271 : memref<10240x16xf32, #tpu.memory_space<vmem_shared>>) offsets(%dma_start3A_268 : memref<128xi32, #tpu.memory_space<vmem>>) semaphore(%arg21 : memref<!tpu.dma_semaphore, #tpu.memory_space<semaphore_mem>>) {add = true}
      %dma_wait3A_272 = arith.constant 0 : i32
      %dma_wait3A_273 = arith.constant 0 : i32
      %dma_wait3A_274 = arith.constant 0 : i32
      %dma_wait3A_275 = tpu.memref_slice %arg12[%dma_wait3A_273, %dma_wait3A_274] : memref<256x16xf32, #tpu.memory_space<vmem>> -> memref<128x16xf32, #tpu.memory_space<vmem>>
      %dma_wait3A_276 = arith.constant 0 : i32
      %dma_wait3A_277 = tpu.memref_slice %arg16[%dma_wait3A_272, %dma_wait3A_276] : memref<6x128xi32, #tpu.memory_space<vmem>> -> memref<1x128xi32, #tpu.memory_space<vmem>>
      %dma_wait3A_278 = tpu.memref_squeeze %dma_wait3A_277 : memref<1x128xi32, #tpu.memory_space<vmem>> -> memref<128xi32, #tpu.memory_space<vmem>>
      %dma_wait3A_279 = arith.constant 0 : i32
      %dma_wait3A_280 = arith.constant 0 : i32
      %dma_wait3A_281 = tpu.memref_slice %arg3[%dma_wait3A_279, %dma_wait3A_280] : memref<10000x16xf32, #tpu.memory_space<hbm>> -> memref<10000x16xf32, #tpu.memory_space<hbm>>
      tpu.wait_indirect_dma semaphore(%arg20 : memref<!tpu.dma_semaphore, #tpu.memory_space<semaphore_mem>>) src(%dma_wait3A_281 : memref<10000x16xf32, #tpu.memory_space<hbm>>) dst(%dma_wait3A_275 : memref<128x16xf32, #tpu.memory_space<vmem>>)
      %dma_wait3A_282 = arith.constant 2 : i32
      %dma_wait3A_283 = arith.constant 0 : i32
      %dma_wait3A_284 = arith.constant 0 : i32
      %dma_wait3A_285 = tpu.memref_slice %arg13[%dma_wait3A_283, %dma_wait3A_284] : memref<256x16xf32, #tpu.memory_space<vmem>> -> memref<128x16xf32, #tpu.memory_space<vmem>>
      %dma_wait3A_286 = arith.constant 0 : i32
      %dma_wait3A_287 = tpu.memref_slice %arg16[%dma_wait3A_282, %dma_wait3A_286] : memref<6x128xi32, #tpu.memory_space<vmem>> -> memref<1x128xi32, #tpu.memory_space<vmem>>
      %dma_wait3A_288 = tpu.memref_squeeze %dma_wait3A_287 : memref<1x128xi32, #tpu.memory_space<vmem>> -> memref<128xi32, #tpu.memory_space<vmem>>
      %dma_wait3A_289 = arith.constant 0 : i32
      %dma_wait3A_290 = arith.constant 0 : i32
      %dma_wait3A_291 = tpu.memref_slice %arg3[%dma_wait3A_289, %dma_wait3A_290] : memref<10000x16xf32, #tpu.memory_space<hbm>> -> memref<10000x16xf32, #tpu.memory_space<hbm>>
      tpu.wait_indirect_dma semaphore(%arg20 : memref<!tpu.dma_semaphore, #tpu.memory_space<semaphore_mem>>) src(%dma_wait3A_291 : memref<10000x16xf32, #tpu.memory_space<hbm>>) dst(%dma_wait3A_285 : memref<128x16xf32, #tpu.memory_space<vmem>>)
      %dma_wait3A_292 = arith.constant 0 : i32
      %dma_wait3A_293 = arith.constant 0 : i32
      %dma_wait3A_294 = arith.constant 0 : i32
      %dma_wait3A_295 = tpu.memref_slice %arg14[%dma_wait3A_293, %dma_wait3A_294] : memref<256x64xf32, #tpu.memory_space<vmem>> -> memref<128x64xf32, #tpu.memory_space<vmem>>
      %dma_wait3A_296 = arith.constant 0 : i32
      %dma_wait3A_297 = tpu.memref_slice %arg16[%dma_wait3A_292, %dma_wait3A_296] : memref<6x128xi32, #tpu.memory_space<vmem>> -> memref<1x128xi32, #tpu.memory_space<vmem>>
      %dma_wait3A_298 = tpu.memref_squeeze %dma_wait3A_297 : memref<1x128xi32, #tpu.memory_space<vmem>> -> memref<128xi32, #tpu.memory_space<vmem>>
      %dma_wait3A_299 = arith.constant 0 : i32
      %dma_wait3A_300 = arith.constant 0 : i32
      %dma_wait3A_301 = tpu.memref_slice %arg2[%dma_wait3A_299, %dma_wait3A_300] : memref<10000x64xf32, #tpu.memory_space<hbm>> -> memref<10000x64xf32, #tpu.memory_space<hbm>>
      tpu.wait_indirect_dma semaphore(%arg20 : memref<!tpu.dma_semaphore, #tpu.memory_space<semaphore_mem>>) src(%dma_wait3A_301 : memref<10000x64xf32, #tpu.memory_space<hbm>>) dst(%dma_wait3A_295 : memref<128x64xf32, #tpu.memory_space<vmem>>)
      %dma_wait3A_302 = arith.constant 1 : i32
      %dma_wait3A_303 = arith.constant 128 : i32
      %dma_wait3A_304 = arith.constant 0 : i32
      %dma_wait3A_305 = tpu.memref_slice %arg12[%dma_wait3A_303, %dma_wait3A_304] : memref<256x16xf32, #tpu.memory_space<vmem>> -> memref<128x16xf32, #tpu.memory_space<vmem>>
      %dma_wait3A_306 = arith.constant 0 : i32
      %dma_wait3A_307 = tpu.memref_slice %arg16[%dma_wait3A_302, %dma_wait3A_306] : memref<6x128xi32, #tpu.memory_space<vmem>> -> memref<1x128xi32, #tpu.memory_space<vmem>>
      %dma_wait3A_308 = tpu.memref_squeeze %dma_wait3A_307 : memref<1x128xi32, #tpu.memory_space<vmem>> -> memref<128xi32, #tpu.memory_space<vmem>>
      %dma_wait3A_309 = arith.constant 0 : i32
      %dma_wait3A_310 = arith.constant 0 : i32
      %dma_wait3A_311 = tpu.memref_slice %arg3[%dma_wait3A_309, %dma_wait3A_310] : memref<10000x16xf32, #tpu.memory_space<hbm>> -> memref<10000x16xf32, #tpu.memory_space<hbm>>
      tpu.wait_indirect_dma semaphore(%arg20 : memref<!tpu.dma_semaphore, #tpu.memory_space<semaphore_mem>>) src(%dma_wait3A_311 : memref<10000x16xf32, #tpu.memory_space<hbm>>) dst(%dma_wait3A_305 : memref<128x16xf32, #tpu.memory_space<vmem>>)
      %dma_wait3A_312 = arith.constant 3 : i32
      %dma_wait3A_313 = arith.constant 128 : i32
      %dma_wait3A_314 = arith.constant 0 : i32
      %dma_wait3A_315 = tpu.memref_slice %arg13[%dma_wait3A_313, %dma_wait3A_314] : memref<256x16xf32, #tpu.memory_space<vmem>> -> memref<128x16xf32, #tpu.memory_space<vmem>>
      %dma_wait3A_316 = arith.constant 0 : i32
      %dma_wait3A_317 = tpu.memref_slice %arg16[%dma_wait3A_312, %dma_wait3A_316] : memref<6x128xi32, #tpu.memory_space<vmem>> -> memref<1x128xi32, #tpu.memory_space<vmem>>
      %dma_wait3A_318 = tpu.memref_squeeze %dma_wait3A_317 : memref<1x128xi32, #tpu.memory_space<vmem>> -> memref<128xi32, #tpu.memory_space<vmem>>
      %dma_wait3A_319 = arith.constant 0 : i32
      %dma_wait3A_320 = arith.constant 0 : i32
      %dma_wait3A_321 = tpu.memref_slice %arg3[%dma_wait3A_319, %dma_wait3A_320] : memref<10000x16xf32, #tpu.memory_space<hbm>> -> memref<10000x16xf32, #tpu.memory_space<hbm>>
      tpu.wait_indirect_dma semaphore(%arg20 : memref<!tpu.dma_semaphore, #tpu.memory_space<semaphore_mem>>) src(%dma_wait3A_321 : memref<10000x16xf32, #tpu.memory_space<hbm>>) dst(%dma_wait3A_315 : memref<128x16xf32, #tpu.memory_space<vmem>>)
      %dma_wait3A_322 = arith.constant 1 : i32
      %dma_wait3A_323 = arith.constant 128 : i32
      %dma_wait3A_324 = arith.constant 0 : i32
      %dma_wait3A_325 = tpu.memref_slice %arg14[%dma_wait3A_323, %dma_wait3A_324] : memref<256x64xf32, #tpu.memory_space<vmem>> -> memref<128x64xf32, #tpu.memory_space<vmem>>
      %dma_wait3A_326 = arith.constant 0 : i32
      %dma_wait3A_327 = tpu.memref_slice %arg16[%dma_wait3A_322, %dma_wait3A_326] : memref<6x128xi32, #tpu.memory_space<vmem>> -> memref<1x128xi32, #tpu.memory_space<vmem>>
      %dma_wait3A_328 = tpu.memref_squeeze %dma_wait3A_327 : memref<1x128xi32, #tpu.memory_space<vmem>> -> memref<128xi32, #tpu.memory_space<vmem>>
      %dma_wait3A_329 = arith.constant 0 : i32
      %dma_wait3A_330 = arith.constant 0 : i32
      %dma_wait3A_331 = tpu.memref_slice %arg2[%dma_wait3A_329, %dma_wait3A_330] : memref<10000x64xf32, #tpu.memory_space<hbm>> -> memref<10000x64xf32, #tpu.memory_space<hbm>>
      tpu.wait_indirect_dma semaphore(%arg20 : memref<!tpu.dma_semaphore, #tpu.memory_space<semaphore_mem>>) src(%dma_wait3A_331 : memref<10000x64xf32, #tpu.memory_space<hbm>>) dst(%dma_wait3A_325 : memref<128x64xf32, #tpu.memory_space<vmem>>)
      %parallel_loop3A_332 = arith.constant 0 : i32
      %parallel_loop3A_333 = arith.constant 128 : i32
      %parallel_loop3A_334 = arith.constant 1 : i32
      scf.for %parallel_loop3A_468 = %parallel_loop3A_332 to %parallel_loop3A_333 step %parallel_loop3A_334  : i32 {
        %parallel_loop3A_469 = arith.constant 2 : i32
        %parallel_loop3A_470 = arith.muli %parallel_loop3A_469, %parallel_loop3A_468 : i32
        %parallel_loop3A_471 = vector.broadcast %parallel_loop3A_470 : i32 to vector<16xi32>
        %parallel_loop3A_472 = arith.addi %parallel_loop3A_471, %convert_element_type3A : vector<16xi32>
        %parallel_loop3A_473 = tpu.vector_load_idx %arg12[%parallel_loop3A_472, %sub3A] : memref<256x16xf32, #tpu.memory_space<vmem>>[vector<16xi32>, vector<16xi32>], vector<16xf32>,
        %parallel_loop3A_474 = arith.constant 8 : i32
        %parallel_loop3A_475 = vector.broadcast %parallel_loop3A_474 : i32 to vector<16xi32>
        %parallel_loop3A_476 = arith.addi %parallel_loop3A_475, %sub3A : vector<16xi32>
        %parallel_loop3A_477 = tpu.vector_load_idx %arg13[%parallel_loop3A_472, %parallel_loop3A_476] : memref<256x16xf32, #tpu.memory_space<vmem>>[vector<16xi32>, vector<16xi32>], vector<16xf32>,
        %parallel_loop3A_478 = arith.constant 7 : i32
        %parallel_loop3A_479 = vector.broadcast %parallel_loop3A_478 : i32 to vector<16xi32>
        %parallel_loop3A_480 = arith.shrsi %parallel_loop3A_472, %parallel_loop3A_479 : vector<16xi32>
        %parallel_loop3A_481 = arith.constant 4 : i32
        %parallel_loop3A_482 = vector.broadcast %parallel_loop3A_481 : i32 to vector<16xi32>
        %parallel_loop3A_483 = arith.addi %parallel_loop3A_482, %parallel_loop3A_480 : vector<16xi32>
        %parallel_loop3A_484 = arith.constant 127 : i32
        %parallel_loop3A_485 = vector.broadcast %parallel_loop3A_484 : i32 to vector<16xi32>
        %parallel_loop3A_486 = arith.andi %parallel_loop3A_472, %parallel_loop3A_485 : vector<16xi32>
        %parallel_loop3A_487 = tpu.vector_load_idx %arg16[%parallel_loop3A_483, %parallel_loop3A_486] : memref<6x128xi32, #tpu.memory_space<vmem>>[vector<16xi32>, vector<16xi32>], vector<16xi32>,
        %parallel_loop3A_488 = arith.addf %parallel_loop3A_473, %parallel_loop3A_477 : vector<16xf32>
        %parallel_loop3A_489 = arith.constant 2.000000e-01 : f32
        %parallel_loop3A_490 = vector.broadcast %parallel_loop3A_489 : f32 to vector<16xf32>
        %parallel_loop3A_491 = arith.mulf %parallel_loop3A_490, %parallel_loop3A_488 : vector<16xf32>
        %parallel_loop3A_492 = arith.maximumf %parallel_loop3A_488, %parallel_loop3A_491 : vector<16xf32>
        %parallel_loop3A_493 = vector.bitcast %parallel_loop3A_487 : vector<16xi32> to vector<16xf32>
        %parallel_loop3A_494 = math.exp %parallel_loop3A_492 : vector<16xf32>
        %parallel_loop3A_495 = arith.mulf %parallel_loop3A_493, %parallel_loop3A_494 : vector<16xf32>
        tpu.vector_store_idx %arg15[%parallel_loop3A_472, %sub3A], %parallel_loop3A_495 : memref<256x16xf32, #tpu.memory_space<vmem>>[vector<16xi32>, vector<16xi32>], vector<16xf32>,
        %parallel_loop3A_496 = arith.constant 2 : i32
        %parallel_loop3A_497 = arith.muli %parallel_loop3A_496, %parallel_loop3A_468 : i32
        %parallel_loop3A_498 = arith.constant 0 : i32
        %parallel_loop3A_499 = arith.addi %parallel_loop3A_497, %parallel_loop3A_498 : i32
        %parallel_loop3A_500 = arith.constant 0 : i32
        %parallel_loop3A_501 = vector.broadcast %parallel_loop3A_500 : i32 to vector<16xi32>
        %parallel_loop3A_502 = arith.addi %parallel_loop3A_501, %convert_element_type3A : vector<16xi32>
        %parallel_loop3A_503 = vector.shape_cast %parallel_loop3A_502 : vector<16xi32> to vector<16x1xi32>
        %parallel_loop3A_504 = vector.shape_cast %parallel_loop3A_503 : vector<16x1xi32> to vector<16xi32>
        %parallel_loop3A_505 = tpu.dynamic_gather %parallel_loop3A_495[%parallel_loop3A_504] in [0] : vector<16xf32>, vector<16xi32> -> vector<16xf32>
        %parallel_loop3A_506 = arith.index_cast %parallel_loop3A_499 : i32 to index
        %parallel_loop3A_507 = arith.constant 0 : index
        %parallel_loop3A_508 = tpu.vector_load %arg14[%parallel_loop3A_506, %parallel_loop3A_507] {strides = array<i32>} : memref<256x64xf32, #tpu.memory_space<vmem>>, vector<16xf32>,
        %parallel_loop3A_509 = arith.mulf %parallel_loop3A_508, %parallel_loop3A_505 : vector<16xf32>
        %parallel_loop3A_510 = arith.index_cast %parallel_loop3A_499 : i32 to index
        %parallel_loop3A_511 = arith.constant 0 : index
        %parallel_loop3A_512 = tpu.vector_load %arg14[%parallel_loop3A_510, %parallel_loop3A_511] {strides = array<i32>} : memref<256x64xf32, #tpu.memory_space<vmem>>, vector<16xf32>,
        tpu.vector_store %arg14[%parallel_loop3A_510, %parallel_loop3A_511], %parallel_loop3A_509 {strides = array<i32>} : memref<256x64xf32, #tpu.memory_space<vmem>>, vector<16xf32>,
        %parallel_loop3A_513 = arith.constant 2 : i32
        %parallel_loop3A_514 = vector.broadcast %parallel_loop3A_513 : i32 to vector<16xi32>
        %parallel_loop3A_515 = arith.addi %parallel_loop3A_514, %convert_element_type3A : vector<16xi32>
        %parallel_loop3A_516 = vector.shape_cast %parallel_loop3A_515 : vector<16xi32> to vector<16x1xi32>
        %parallel_loop3A_517 = vector.shape_cast %parallel_loop3A_516 : vector<16x1xi32> to vector<16xi32>
        %parallel_loop3A_518 = tpu.dynamic_gather %parallel_loop3A_495[%parallel_loop3A_517] in [0] : vector<16xf32>, vector<16xi32> -> vector<16xf32>
        %parallel_loop3A_519 = arith.index_cast %parallel_loop3A_499 : i32 to index
        %parallel_loop3A_520 = arith.constant 16 : index
        %parallel_loop3A_521 = tpu.vector_load %arg14[%parallel_loop3A_519, %parallel_loop3A_520] {strides = array<i32>} : memref<256x64xf32, #tpu.memory_space<vmem>>, vector<16xf32>,
        %parallel_loop3A_522 = arith.mulf %parallel_loop3A_521, %parallel_loop3A_518 : vector<16xf32>
        %parallel_loop3A_523 = arith.index_cast %parallel_loop3A_499 : i32 to index
        %parallel_loop3A_524 = arith.constant 16 : index
        %parallel_loop3A_525 = tpu.vector_load %arg14[%parallel_loop3A_523, %parallel_loop3A_524] {strides = array<i32>} : memref<256x64xf32, #tpu.memory_space<vmem>>, vector<16xf32>,
        tpu.vector_store %arg14[%parallel_loop3A_523, %parallel_loop3A_524], %parallel_loop3A_522 {strides = array<i32>} : memref<256x64xf32, #tpu.memory_space<vmem>>, vector<16xf32>,
        %parallel_loop3A_526 = arith.constant 4 : i32
        %parallel_loop3A_527 = vector.broadcast %parallel_loop3A_526 : i32 to vector<16xi32>
        %parallel_loop3A_528 = arith.addi %parallel_loop3A_527, %convert_element_type3A : vector<16xi32>
        %parallel_loop3A_529 = vector.shape_cast %parallel_loop3A_528 : vector<16xi32> to vector<16x1xi32>
        %parallel_loop3A_530 = vector.shape_cast %parallel_loop3A_529 : vector<16x1xi32> to vector<16xi32>
        %parallel_loop3A_531 = tpu.dynamic_gather %parallel_loop3A_495[%parallel_loop3A_530] in [0] : vector<16xf32>, vector<16xi32> -> vector<16xf32>
        %parallel_loop3A_532 = arith.index_cast %parallel_loop3A_499 : i32 to index
        %parallel_loop3A_533 = arith.constant 32 : index
        %parallel_loop3A_534 = tpu.vector_load %arg14[%parallel_loop3A_532, %parallel_loop3A_533] {strides = array<i32>} : memref<256x64xf32, #tpu.memory_space<vmem>>, vector<16xf32>,
        %parallel_loop3A_535 = arith.mulf %parallel_loop3A_534, %parallel_loop3A_531 : vector<16xf32>
        %parallel_loop3A_536 = arith.index_cast %parallel_loop3A_499 : i32 to index
        %parallel_loop3A_537 = arith.constant 32 : index
        %parallel_loop3A_538 = tpu.vector_load %arg14[%parallel_loop3A_536, %parallel_loop3A_537] {strides = array<i32>} : memref<256x64xf32, #tpu.memory_space<vmem>>, vector<16xf32>,
        tpu.vector_store %arg14[%parallel_loop3A_536, %parallel_loop3A_537], %parallel_loop3A_535 {strides = array<i32>} : memref<256x64xf32, #tpu.memory_space<vmem>>, vector<16xf32>,
        %parallel_loop3A_539 = arith.constant 6 : i32
        %parallel_loop3A_540 = vector.broadcast %parallel_loop3A_539 : i32 to vector<16xi32>
        %parallel_loop3A_541 = arith.addi %parallel_loop3A_540, %convert_element_type3A : vector<16xi32>
        %parallel_loop3A_542 = vector.shape_cast %parallel_loop3A_541 : vector<16xi32> to vector<16x1xi32>
        %parallel_loop3A_543 = vector.shape_cast %parallel_loop3A_542 : vector<16x1xi32> to vector<16xi32>
        %parallel_loop3A_544 = tpu.dynamic_gather %parallel_loop3A_495[%parallel_loop3A_543] in [0] : vector<16xf32>, vector<16xi32> -> vector<16xf32>
        %parallel_loop3A_545 = arith.index_cast %parallel_loop3A_499 : i32 to index
        %parallel_loop3A_546 = arith.constant 48 : index
        %parallel_loop3A_547 = tpu.vector_load %arg14[%parallel_loop3A_545, %parallel_loop3A_546] {strides = array<i32>} : memref<256x64xf32, #tpu.memory_space<vmem>>, vector<16xf32>,
        %parallel_loop3A_548 = arith.mulf %parallel_loop3A_547, %parallel_loop3A_544 : vector<16xf32>
        %parallel_loop3A_549 = arith.index_cast %parallel_loop3A_499 : i32 to index
        %parallel_loop3A_550 = arith.constant 48 : index
        %parallel_loop3A_551 = tpu.vector_load %arg14[%parallel_loop3A_549, %parallel_loop3A_550] {strides = array<i32>} : memref<256x64xf32, #tpu.memory_space<vmem>>, vector<16xf32>,
        tpu.vector_store %arg14[%parallel_loop3A_549, %parallel_loop3A_550], %parallel_loop3A_548 {strides = array<i32>} : memref<256x64xf32, #tpu.memory_space<vmem>>, vector<16xf32>,
        %parallel_loop3A_552 = arith.constant 2 : i32
        %parallel_loop3A_553 = arith.muli %parallel_loop3A_552, %parallel_loop3A_468 : i32
        %parallel_loop3A_554 = arith.constant 1 : i32
        %parallel_loop3A_555 = arith.addi %parallel_loop3A_553, %parallel_loop3A_554 : i32
        %parallel_loop3A_556 = arith.constant 8 : i32
        %parallel_loop3A_557 = vector.broadcast %parallel_loop3A_556 : i32 to vector<16xi32>
        %parallel_loop3A_558 = arith.addi %parallel_loop3A_557, %convert_element_type3A : vector<16xi32>
        %parallel_loop3A_559 = vector.shape_cast %parallel_loop3A_558 : vector<16xi32> to vector<16x1xi32>
        %parallel_loop3A_560 = vector.shape_cast %parallel_loop3A_559 : vector<16x1xi32> to vector<16xi32>
        %parallel_loop3A_561 = tpu.dynamic_gather %parallel_loop3A_495[%parallel_loop3A_560] in [0] : vector<16xf32>, vector<16xi32> -> vector<16xf32>
        %parallel_loop3A_562 = arith.index_cast %parallel_loop3A_555 : i32 to index
        %parallel_loop3A_563 = arith.constant 0 : index
        %parallel_loop3A_564 = tpu.vector_load %arg14[%parallel_loop3A_562, %parallel_loop3A_563] {strides = array<i32>} : memref<256x64xf32, #tpu.memory_space<vmem>>, vector<16xf32>,
        %parallel_loop3A_565 = arith.mulf %parallel_loop3A_564, %parallel_loop3A_561 : vector<16xf32>
        %parallel_loop3A_566 = arith.index_cast %parallel_loop3A_555 : i32 to index
        %parallel_loop3A_567 = arith.constant 0 : index
        %parallel_loop3A_568 = tpu.vector_load %arg14[%parallel_loop3A_566, %parallel_loop3A_567] {strides = array<i32>} : memref<256x64xf32, #tpu.memory_space<vmem>>, vector<16xf32>,
        tpu.vector_store %arg14[%parallel_loop3A_566, %parallel_loop3A_567], %parallel_loop3A_565 {strides = array<i32>} : memref<256x64xf32, #tpu.memory_space<vmem>>, vector<16xf32>,
        %parallel_loop3A_569 = arith.constant 10 : i32
        %parallel_loop3A_570 = vector.broadcast %parallel_loop3A_569 : i32 to vector<16xi32>
        %parallel_loop3A_571 = arith.addi %parallel_loop3A_570, %convert_element_type3A : vector<16xi32>
        %parallel_loop3A_572 = vector.shape_cast %parallel_loop3A_571 : vector<16xi32> to vector<16x1xi32>
        %parallel_loop3A_573 = vector.shape_cast %parallel_loop3A_572 : vector<16x1xi32> to vector<16xi32>
        %parallel_loop3A_574 = tpu.dynamic_gather %parallel_loop3A_495[%parallel_loop3A_573] in [0] : vector<16xf32>, vector<16xi32> -> vector<16xf32>
        %parallel_loop3A_575 = arith.index_cast %parallel_loop3A_555 : i32 to index
        %parallel_loop3A_576 = arith.constant 16 : index
        %parallel_loop3A_577 = tpu.vector_load %arg14[%parallel_loop3A_575, %parallel_loop3A_576] {strides = array<i32>} : memref<256x64xf32, #tpu.memory_space<vmem>>, vector<16xf32>,
        %parallel_loop3A_578 = arith.mulf %parallel_loop3A_577, %parallel_loop3A_574 : vector<16xf32>
        %parallel_loop3A_579 = arith.index_cast %parallel_loop3A_555 : i32 to index
        %parallel_loop3A_580 = arith.constant 16 : index
        %parallel_loop3A_581 = tpu.vector_load %arg14[%parallel_loop3A_579, %parallel_loop3A_580] {strides = array<i32>} : memref<256x64xf32, #tpu.memory_space<vmem>>, vector<16xf32>,
        tpu.vector_store %arg14[%parallel_loop3A_579, %parallel_loop3A_580], %parallel_loop3A_578 {strides = array<i32>} : memref<256x64xf32, #tpu.memory_space<vmem>>, vector<16xf32>,
        %parallel_loop3A_582 = arith.constant 12 : i32
        %parallel_loop3A_583 = vector.broadcast %parallel_loop3A_582 : i32 to vector<16xi32>
        %parallel_loop3A_584 = arith.addi %parallel_loop3A_583, %convert_element_type3A : vector<16xi32>
        %parallel_loop3A_585 = vector.shape_cast %parallel_loop3A_584 : vector<16xi32> to vector<16x1xi32>
        %parallel_loop3A_586 = vector.shape_cast %parallel_loop3A_585 : vector<16x1xi32> to vector<16xi32>
        %parallel_loop3A_587 = tpu.dynamic_gather %parallel_loop3A_495[%parallel_loop3A_586] in [0] : vector<16xf32>, vector<16xi32> -> vector<16xf32>
        %parallel_loop3A_588 = arith.index_cast %parallel_loop3A_555 : i32 to index
        %parallel_loop3A_589 = arith.constant 32 : index
        %parallel_loop3A_590 = tpu.vector_load %arg14[%parallel_loop3A_588, %parallel_loop3A_589] {strides = array<i32>} : memref<256x64xf32, #tpu.memory_space<vmem>>, vector<16xf32>,
        %parallel_loop3A_591 = arith.mulf %parallel_loop3A_590, %parallel_loop3A_587 : vector<16xf32>
        %parallel_loop3A_592 = arith.index_cast %parallel_loop3A_555 : i32 to index
        %parallel_loop3A_593 = arith.constant 32 : index
        %parallel_loop3A_594 = tpu.vector_load %arg14[%parallel_loop3A_592, %parallel_loop3A_593] {strides = array<i32>} : memref<256x64xf32, #tpu.memory_space<vmem>>, vector<16xf32>,
        tpu.vector_store %arg14[%parallel_loop3A_592, %parallel_loop3A_593], %parallel_loop3A_591 {strides = array<i32>} : memref<256x64xf32, #tpu.memory_space<vmem>>, vector<16xf32>,
        %parallel_loop3A_595 = arith.constant 14 : i32
        %parallel_loop3A_596 = vector.broadcast %parallel_loop3A_595 : i32 to vector<16xi32>
        %parallel_loop3A_597 = arith.addi %parallel_loop3A_596, %convert_element_type3A : vector<16xi32>
        %parallel_loop3A_598 = vector.shape_cast %parallel_loop3A_597 : vector<16xi32> to vector<16x1xi32>
        %parallel_loop3A_599 = vector.shape_cast %parallel_loop3A_598 : vector<16x1xi32> to vector<16xi32>
        %parallel_loop3A_600 = tpu.dynamic_gather %parallel_loop3A_495[%parallel_loop3A_599] in [0] : vector<16xf32>, vector<16xi32> -> vector<16xf32>
        %parallel_loop3A_601 = arith.index_cast %parallel_loop3A_555 : i32 to index
        %parallel_loop3A_602 = arith.constant 48 : index
        %parallel_loop3A_603 = tpu.vector_load %arg14[%parallel_loop3A_601, %parallel_loop3A_602] {strides = array<i32>} : memref<256x64xf32, #tpu.memory_space<vmem>>, vector<16xf32>,
        %parallel_loop3A_604 = arith.mulf %parallel_loop3A_603, %parallel_loop3A_600 : vector<16xf32>
        %parallel_loop3A_605 = arith.index_cast %parallel_loop3A_555 : i32 to index
        %parallel_loop3A_606 = arith.constant 48 : index
        %parallel_loop3A_607 = tpu.vector_load %arg14[%parallel_loop3A_605, %parallel_loop3A_606] {strides = array<i32>} : memref<256x64xf32, #tpu.memory_space<vmem>>, vector<16xf32>,
        tpu.vector_store %arg14[%parallel_loop3A_605, %parallel_loop3A_606], %parallel_loop3A_604 {strides = array<i32>} : memref<256x64xf32, #tpu.memory_space<vmem>>, vector<16xf32>,
      } {sc.loop_unroll_factor = 2 : i64, sc.parallel_access}
      %dma_start3A_335 = arith.constant 2 : i32
      %dma_start3A_336 = arith.constant 0 : i32
      %dma_start3A_337 = arith.constant 0 : i32
      %dma_start3A_338 = tpu.memref_slice %arg14[%dma_start3A_336, %dma_start3A_337] : memref<256x64xf32, #tpu.memory_space<vmem>> -> memref<128x64xf32, #tpu.memory_space<vmem>>
      %dma_start3A_339 = arith.constant 0 : i32
      %dma_start3A_340 = tpu.memref_slice %arg16[%dma_start3A_335, %dma_start3A_339] : memref<6x128xi32, #tpu.memory_space<vmem>> -> memref<1x128xi32, #tpu.memory_space<vmem>>
      %dma_start3A_341 = tpu.memref_squeeze %dma_start3A_340 : memref<1x128xi32, #tpu.memory_space<vmem>> -> memref<128xi32, #tpu.memory_space<vmem>>
      %dma_start3A_342 = arith.constant 0 : i32
      %dma_start3A_343 = arith.constant 0 : i32
      %dma_start3A_344 = tpu.memref_slice %arg17[%dma_start3A_342, %dma_start3A_343] : memref<10240x64xf32, #tpu.memory_space<vmem_shared>> -> memref<10240x64xf32, #tpu.memory_space<vmem_shared>>
      tpu.enqueue_indirect_dma source(%dma_start3A_338 : memref<128x64xf32, #tpu.memory_space<vmem>>) target(%dma_start3A_344 : memref<10240x64xf32, #tpu.memory_space<vmem_shared>>) offsets(%dma_start3A_341 : memref<128xi32, #tpu.memory_space<vmem>>) semaphore(%arg22 : memref<!tpu.dma_semaphore, #tpu.memory_space<semaphore_mem>>) {add = true}
      %dma_start3A_345 = arith.constant 2 : i32
      %dma_start3A_346 = arith.constant 0 : i32
      %dma_start3A_347 = arith.constant 0 : i32
      %dma_start3A_348 = tpu.memref_slice %arg15[%dma_start3A_346, %dma_start3A_347] : memref<256x16xf32, #tpu.memory_space<vmem>> -> memref<128x16xf32, #tpu.memory_space<vmem>>
      %dma_start3A_349 = arith.constant 0 : i32
      %dma_start3A_350 = tpu.memref_slice %arg16[%dma_start3A_345, %dma_start3A_349] : memref<6x128xi32, #tpu.memory_space<vmem>> -> memref<1x128xi32, #tpu.memory_space<vmem>>
      %dma_start3A_351 = tpu.memref_squeeze %dma_start3A_350 : memref<1x128xi32, #tpu.memory_space<vmem>> -> memref<128xi32, #tpu.memory_space<vmem>>
      %dma_start3A_352 = arith.constant 0 : i32
      %dma_start3A_353 = arith.constant 0 : i32
      %dma_start3A_354 = tpu.memref_slice %arg18[%dma_start3A_352, %dma_start3A_353] : memref<10240x16xf32, #tpu.memory_space<vmem_shared>> -> memref<10240x16xf32, #tpu.memory_space<vmem_shared>>
      tpu.enqueue_indirect_dma source(%dma_start3A_348 : memref<128x16xf32, #tpu.memory_space<vmem>>) target(%dma_start3A_354 : memref<10240x16xf32, #tpu.memory_space<vmem_shared>>) offsets(%dma_start3A_351 : memref<128xi32, #tpu.memory_space<vmem>>) semaphore(%arg22 : memref<!tpu.dma_semaphore, #tpu.memory_space<semaphore_mem>>) {add = true}
      %dma_start3A_355 = arith.constant 3 : i32
      %dma_start3A_356 = arith.constant 128 : i32
      %dma_start3A_357 = arith.constant 0 : i32
      %dma_start3A_358 = tpu.memref_slice %arg14[%dma_start3A_356, %dma_start3A_357] : memref<256x64xf32, #tpu.memory_space<vmem>> -> memref<128x64xf32, #tpu.memory_space<vmem>>
      %dma_start3A_359 = arith.constant 0 : i32
      %dma_start3A_360 = tpu.memref_slice %arg16[%dma_start3A_355, %dma_start3A_359] : memref<6x128xi32, #tpu.memory_space<vmem>> -> memref<1x128xi32, #tpu.memory_space<vmem>>
      %dma_start3A_361 = tpu.memref_squeeze %dma_start3A_360 : memref<1x128xi32, #tpu.memory_space<vmem>> -> memref<128xi32, #tpu.memory_space<vmem>>
      %dma_start3A_362 = arith.constant 0 : i32
      %dma_start3A_363 = arith.constant 0 : i32
      %dma_start3A_364 = tpu.memref_slice %arg17[%dma_start3A_362, %dma_start3A_363] : memref<10240x64xf32, #tpu.memory_space<vmem_shared>> -> memref<10240x64xf32, #tpu.memory_space<vmem_shared>>
      tpu.enqueue_indirect_dma source(%dma_start3A_358 : memref<128x64xf32, #tpu.memory_space<vmem>>) target(%dma_start3A_364 : memref<10240x64xf32, #tpu.memory_space<vmem_shared>>) offsets(%dma_start3A_361 : memref<128xi32, #tpu.memory_space<vmem>>) semaphore(%arg22 : memref<!tpu.dma_semaphore, #tpu.memory_space<semaphore_mem>>) {add = true}
      %dma_start3A_365 = arith.constant 3 : i32
      %dma_start3A_366 = arith.constant 128 : i32
      %dma_start3A_367 = arith.constant 0 : i32
      %dma_start3A_368 = tpu.memref_slice %arg15[%dma_start3A_366, %dma_start3A_367] : memref<256x16xf32, #tpu.memory_space<vmem>> -> memref<128x16xf32, #tpu.memory_space<vmem>>
      %dma_start3A_369 = arith.constant 0 : i32
      %dma_start3A_370 = tpu.memref_slice %arg16[%dma_start3A_365, %dma_start3A_369] : memref<6x128xi32, #tpu.memory_space<vmem>> -> memref<1x128xi32, #tpu.memory_space<vmem>>
      %dma_start3A_371 = tpu.memref_squeeze %dma_start3A_370 : memref<1x128xi32, #tpu.memory_space<vmem>> -> memref<128xi32, #tpu.memory_space<vmem>>
      %dma_start3A_372 = arith.constant 0 : i32
      %dma_start3A_373 = arith.constant 0 : i32
      %dma_start3A_374 = tpu.memref_slice %arg18[%dma_start3A_372, %dma_start3A_373] : memref<10240x16xf32, #tpu.memory_space<vmem_shared>> -> memref<10240x16xf32, #tpu.memory_space<vmem_shared>>
      tpu.enqueue_indirect_dma source(%dma_start3A_368 : memref<128x16xf32, #tpu.memory_space<vmem>>) target(%dma_start3A_374 : memref<10240x16xf32, #tpu.memory_space<vmem_shared>>) offsets(%dma_start3A_371 : memref<128xi32, #tpu.memory_space<vmem>>) semaphore(%arg22 : memref<!tpu.dma_semaphore, #tpu.memory_space<semaphore_mem>>) {add = true}
      %dma_wait3A_375 = arith.constant 2 : i32
      %dma_wait3A_376 = arith.constant 0 : i32
      %dma_wait3A_377 = arith.constant 0 : i32
      %dma_wait3A_378 = tpu.memref_slice %arg9[%dma_wait3A_376, %dma_wait3A_377] : memref<256x64xf32, #tpu.memory_space<vmem>> -> memref<128x64xf32, #tpu.memory_space<vmem>>
      %dma_wait3A_379 = arith.constant 0 : i32
      %dma_wait3A_380 = tpu.memref_slice %arg11[%dma_wait3A_375, %dma_wait3A_379] : memref<6x128xi32, #tpu.memory_space<vmem>> -> memref<1x128xi32, #tpu.memory_space<vmem>>
      %dma_wait3A_381 = tpu.memref_squeeze %dma_wait3A_380 : memref<1x128xi32, #tpu.memory_space<vmem>> -> memref<128xi32, #tpu.memory_space<vmem>>
      %dma_wait3A_382 = arith.constant 0 : i32
      %dma_wait3A_383 = arith.constant 0 : i32
      %dma_wait3A_384 = tpu.memref_slice %arg17[%dma_wait3A_382, %dma_wait3A_383] : memref<10240x64xf32, #tpu.memory_space<vmem_shared>> -> memref<10240x64xf32, #tpu.memory_space<vmem_shared>>
      tpu.wait_indirect_dma semaphore(%arg21 : memref<!tpu.dma_semaphore, #tpu.memory_space<semaphore_mem>>) src(%dma_wait3A_378 : memref<128x64xf32, #tpu.memory_space<vmem>>) dst(%dma_wait3A_384 : memref<10240x64xf32, #tpu.memory_space<vmem_shared>>)
      %dma_wait3A_385 = arith.constant 2 : i32
      %dma_wait3A_386 = arith.constant 0 : i32
      %dma_wait3A_387 = arith.constant 0 : i32
      %dma_wait3A_388 = tpu.memref_slice %arg10[%dma_wait3A_386, %dma_wait3A_387] : memref<256x16xf32, #tpu.memory_space<vmem>> -> memref<128x16xf32, #tpu.memory_space<vmem>>
      %dma_wait3A_389 = arith.constant 0 : i32
      %dma_wait3A_390 = tpu.memref_slice %arg11[%dma_wait3A_385, %dma_wait3A_389] : memref<6x128xi32, #tpu.memory_space<vmem>> -> memref<1x128xi32, #tpu.memory_space<vmem>>
      %dma_wait3A_391 = tpu.memref_squeeze %dma_wait3A_390 : memref<1x128xi32, #tpu.memory_space<vmem>> -> memref<128xi32, #tpu.memory_space<vmem>>
      %dma_wait3A_392 = arith.constant 0 : i32
      %dma_wait3A_393 = arith.constant 0 : i32
      %dma_wait3A_394 = tpu.memref_slice %arg18[%dma_wait3A_392, %dma_wait3A_393] : memref<10240x16xf32, #tpu.memory_space<vmem_shared>> -> memref<10240x16xf32, #tpu.memory_space<vmem_shared>>
      tpu.wait_indirect_dma semaphore(%arg21 : memref<!tpu.dma_semaphore, #tpu.memory_space<semaphore_mem>>) src(%dma_wait3A_388 : memref<128x16xf32, #tpu.memory_space<vmem>>) dst(%dma_wait3A_394 : memref<10240x16xf32, #tpu.memory_space<vmem_shared>>)
      %dma_wait3A_395 = arith.constant 3 : i32
      %dma_wait3A_396 = arith.constant 128 : i32
      %dma_wait3A_397 = arith.constant 0 : i32
      %dma_wait3A_398 = tpu.memref_slice %arg9[%dma_wait3A_396, %dma_wait3A_397] : memref<256x64xf32, #tpu.memory_space<vmem>> -> memref<128x64xf32, #tpu.memory_space<vmem>>
      %dma_wait3A_399 = arith.constant 0 : i32
      %dma_wait3A_400 = tpu.memref_slice %arg11[%dma_wait3A_395, %dma_wait3A_399] : memref<6x128xi32, #tpu.memory_space<vmem>> -> memref<1x128xi32, #tpu.memory_space<vmem>>
      %dma_wait3A_401 = tpu.memref_squeeze %dma_wait3A_400 : memref<1x128xi32, #tpu.memory_space<vmem>> -> memref<128xi32, #tpu.memory_space<vmem>>
      %dma_wait3A_402 = arith.constant 0 : i32
      %dma_wait3A_403 = arith.constant 0 : i32
      %dma_wait3A_404 = tpu.memref_slice %arg17[%dma_wait3A_402, %dma_wait3A_403] : memref<10240x64xf32, #tpu.memory_space<vmem_shared>> -> memref<10240x64xf32, #tpu.memory_space<vmem_shared>>
      tpu.wait_indirect_dma semaphore(%arg21 : memref<!tpu.dma_semaphore, #tpu.memory_space<semaphore_mem>>) src(%dma_wait3A_398 : memref<128x64xf32, #tpu.memory_space<vmem>>) dst(%dma_wait3A_404 : memref<10240x64xf32, #tpu.memory_space<vmem_shared>>)
      %dma_wait3A_405 = arith.constant 3 : i32
      %dma_wait3A_406 = arith.constant 128 : i32
      %dma_wait3A_407 = arith.constant 0 : i32
      %dma_wait3A_408 = tpu.memref_slice %arg10[%dma_wait3A_406, %dma_wait3A_407] : memref<256x16xf32, #tpu.memory_space<vmem>> -> memref<128x16xf32, #tpu.memory_space<vmem>>
      %dma_wait3A_409 = arith.constant 0 : i32
      %dma_wait3A_410 = tpu.memref_slice %arg11[%dma_wait3A_405, %dma_wait3A_409] : memref<6x128xi32, #tpu.memory_space<vmem>> -> memref<1x128xi32, #tpu.memory_space<vmem>>
      %dma_wait3A_411 = tpu.memref_squeeze %dma_wait3A_410 : memref<1x128xi32, #tpu.memory_space<vmem>> -> memref<128xi32, #tpu.memory_space<vmem>>
      %dma_wait3A_412 = arith.constant 0 : i32
      %dma_wait3A_413 = arith.constant 0 : i32
      %dma_wait3A_414 = tpu.memref_slice %arg18[%dma_wait3A_412, %dma_wait3A_413] : memref<10240x16xf32, #tpu.memory_space<vmem_shared>> -> memref<10240x16xf32, #tpu.memory_space<vmem_shared>>
      tpu.wait_indirect_dma semaphore(%arg21 : memref<!tpu.dma_semaphore, #tpu.memory_space<semaphore_mem>>) src(%dma_wait3A_408 : memref<128x16xf32, #tpu.memory_space<vmem>>) dst(%dma_wait3A_414 : memref<10240x16xf32, #tpu.memory_space<vmem_shared>>)
      %add3A_415 = arith.constant 1 : i32
      %add3A_416 = arith.addi %scan3A_169, %add3A_415 : i32
      %lt3A = arith.constant 21 : i32
      %lt3A_417 = arith.cmpi slt, %add3A_416, %lt3A : i32
      %convert_element_type3A_418 = arith.extui %lt3A_417 : i1 to i32
      %cond3A = arith.constant 0 : i32
      %cond3A_419 = arith.cmpi ne, %convert_element_type3A_418, %cond3A : i32
      scf.if %cond3A_419 {
        %mul3A_468 = arith.constant 2 : i32
        %mul3A_469 = arith.muli %mul3A_468, %scan3A_169 : i32
        %add3A_470 = arith.constant 2 : i32
        %add3A_471 = arith.addi %mul3A_469, %add3A_470 : i32
        %mul3A_472 = arith.constant 32 : i32
        %mul3A_473 = arith.muli %mul3A_472, %add3A_471 : i32
        %add3A_474 = arith.addi %add3A, %mul3A_473 : i32
        "tpu.region"() ({
          %run_scoped3A = tpu.sem_alloc : memref<!tpu.dma_semaphore, #tpu.memory_space<semaphore_mem>>
          %dma_start3A_535 = arith.constant 0 : i32
          %dma_start3A_536 = arith.constant 0 : i32
          %dma_start3A_537 = tpu.memref_slice %arg4[%add3A_474, %dma_start3A_535, %dma_start3A_536] : memref<1344x6x128xi32, #tpu.memory_space<hbm>> -> memref<1x6x128xi32, #tpu.memory_space<hbm>>
          %dma_start3A_538 = tpu.memref_squeeze %dma_start3A_537 : memref<1x6x128xi32, #tpu.memory_space<hbm>> -> memref<6x128xi32, #tpu.memory_space<hbm>>
          %dma_start3A_539 = arith.constant 0 : i32
          %dma_start3A_540 = arith.constant 0 : i32
          %dma_start3A_541 = tpu.memref_slice %arg4[%add3A_474, %dma_start3A_539, %dma_start3A_540] : memref<1344x6x128xi32, #tpu.memory_space<hbm>> -> memref<1x6x128xi32, #tpu.memory_space<hbm>>
          %dma_start3A_542 = tpu.memref_squeeze %dma_start3A_541 : memref<1x6x128xi32, #tpu.memory_space<hbm>> -> memref<6x128xi32, #tpu.memory_space<hbm>>
          tpu.enqueue_dma source(%dma_start3A_542 : memref<6x128xi32, #tpu.memory_space<hbm>>) target(%arg11 : memref<6x128xi32, #tpu.memory_space<vmem>>) target_semaphore(%run_scoped3A : memref<!tpu.dma_semaphore, #tpu.memory_space<semaphore_mem>>)
          %dma_wait3A_543 = arith.constant 0 : i32
          %dma_wait3A_544 = arith.constant 0 : i32
          %dma_wait3A_545 = tpu.memref_slice %arg4[%add3A_474, %dma_wait3A_543, %dma_wait3A_544] : memref<1344x6x128xi32, #tpu.memory_space<hbm>> -> memref<1x6x128xi32, #tpu.memory_space<hbm>>
          %dma_wait3A_546 = tpu.memref_squeeze %dma_wait3A_545 : memref<1x6x128xi32, #tpu.memory_space<hbm>> -> memref<6x128xi32, #tpu.memory_space<hbm>>
          %dma_wait3A_547 = arith.constant 0 : i32
          %dma_wait3A_548 = arith.constant 0 : i32
          %dma_wait3A_549 = tpu.memref_slice %arg4[%add3A_474, %dma_wait3A_547, %dma_wait3A_548] : memref<1344x6x128xi32, #tpu.memory_space<hbm>> -> memref<1x6x128xi32, #tpu.memory_space<hbm>>
          %dma_wait3A_550 = tpu.memref_squeeze %dma_wait3A_549 : memref<1x6x128xi32, #tpu.memory_space<hbm>> -> memref<6x128xi32, #tpu.memory_space<hbm>>
          tpu.wait_dma2 semaphore(%run_scoped3A : memref<!tpu.dma_semaphore, #tpu.memory_space<semaphore_mem>>) src(%dma_wait3A_550 : memref<6x128xi32, #tpu.memory_space<hbm>>) dst(%arg11 : memref<6x128xi32, #tpu.memory_space<vmem>>)
          tpu.yield
        }) : () -> ()
        %dma_start3A_475 = arith.constant 0 : i32
        %dma_start3A_476 = arith.constant 0 : i32
        %dma_start3A_477 = arith.constant 0 : i32
        %dma_start3A_478 = tpu.memref_slice %arg7[%dma_start3A_476, %dma_start3A_477] : memref<256x16xf32, #tpu.memory_space<vmem>> -> memref<128x16xf32, #tpu.memory_space<vmem>>
        %dma_start3A_479 = arith.constant 0 : i32
        %dma_start3A_480 = tpu.memref_slice %arg11[%dma_start3A_475, %dma_start3A_479] : memref<6x128xi32, #tpu.memory_space<vmem>> -> memref<1x128xi32, #tpu.memory_space<vmem>>
        %dma_start3A_481 = tpu.memref_squeeze %dma_start3A_480 : memref<1x128xi32, #tpu.memory_space<vmem>> -> memref<128xi32, #tpu.memory_space<vmem>>
        %dma_start3A_482 = arith.constant 0 : i32
        %dma_start3A_483 = arith.constant 0 : i32
        %dma_start3A_484 = tpu.memref_slice %arg3[%dma_start3A_482, %dma_start3A_483] : memref<10000x16xf32, #tpu.memory_space<hbm>> -> memref<10000x16xf32, #tpu.memory_space<hbm>>
        tpu.enqueue_indirect_dma source(%dma_start3A_484 : memref<10000x16xf32, #tpu.memory_space<hbm>>) target(%dma_start3A_478 : memref<128x16xf32, #tpu.memory_space<vmem>>) offsets(%dma_start3A_481 : memref<128xi32, #tpu.memory_space<vmem>>) semaphore(%arg19 : memref<!tpu.dma_semaphore, #tpu.memory_space<semaphore_mem>>)
        %dma_start3A_485 = arith.constant 2 : i32
        %dma_start3A_486 = arith.constant 0 : i32
        %dma_start3A_487 = arith.constant 0 : i32
        %dma_start3A_488 = tpu.memref_slice %arg8[%dma_start3A_486, %dma_start3A_487] : memref<256x16xf32, #tpu.memory_space<vmem>> -> memref<128x16xf32, #tpu.memory_space<vmem>>
        %dma_start3A_489 = arith.constant 0 : i32
        %dma_start3A_490 = tpu.memref_slice %arg11[%dma_start3A_485, %dma_start3A_489] : memref<6x128xi32, #tpu.memory_space<vmem>> -> memref<1x128xi32, #tpu.memory_space<vmem>>
        %dma_start3A_491 = tpu.memref_squeeze %dma_start3A_490 : memref<1x128xi32, #tpu.memory_space<vmem>> -> memref<128xi32, #tpu.memory_space<vmem>>
        %dma_start3A_492 = arith.constant 0 : i32
        %dma_start3A_493 = arith.constant 0 : i32
        %dma_start3A_494 = tpu.memref_slice %arg3[%dma_start3A_492, %dma_start3A_493] : memref<10000x16xf32, #tpu.memory_space<hbm>> -> memref<10000x16xf32, #tpu.memory_space<hbm>>
        tpu.enqueue_indirect_dma source(%dma_start3A_494 : memref<10000x16xf32, #tpu.memory_space<hbm>>) target(%dma_start3A_488 : memref<128x16xf32, #tpu.memory_space<vmem>>) offsets(%dma_start3A_491 : memref<128xi32, #tpu.memory_space<vmem>>) semaphore(%arg19 : memref<!tpu.dma_semaphore, #tpu.memory_space<semaphore_mem>>)
        %dma_start3A_495 = arith.constant 0 : i32
        %dma_start3A_496 = arith.constant 0 : i32
        %dma_start3A_497 = arith.constant 0 : i32
        %dma_start3A_498 = tpu.memref_slice %arg9[%dma_start3A_496, %dma_start3A_497] : memref<256x64xf32, #tpu.memory_space<vmem>> -> memref<128x64xf32, #tpu.memory_space<vmem>>
        %dma_start3A_499 = arith.constant 0 : i32
        %dma_start3A_500 = tpu.memref_slice %arg11[%dma_start3A_495, %dma_start3A_499] : memref<6x128xi32, #tpu.memory_space<vmem>> -> memref<1x128xi32, #tpu.memory_space<vmem>>
        %dma_start3A_501 = tpu.memref_squeeze %dma_start3A_500 : memref<1x128xi32, #tpu.memory_space<vmem>> -> memref<128xi32, #tpu.memory_space<vmem>>
        %dma_start3A_502 = arith.constant 0 : i32
        %dma_start3A_503 = arith.constant 0 : i32
        %dma_start3A_504 = tpu.memref_slice %arg2[%dma_start3A_502, %dma_start3A_503] : memref<10000x64xf32, #tpu.memory_space<hbm>> -> memref<10000x64xf32, #tpu.memory_space<hbm>>
        tpu.enqueue_indirect_dma source(%dma_start3A_504 : memref<10000x64xf32, #tpu.memory_space<hbm>>) target(%dma_start3A_498 : memref<128x64xf32, #tpu.memory_space<vmem>>) offsets(%dma_start3A_501 : memref<128xi32, #tpu.memory_space<vmem>>) semaphore(%arg19 : memref<!tpu.dma_semaphore, #tpu.memory_space<semaphore_mem>>)
        %dma_start3A_505 = arith.constant 1 : i32
        %dma_start3A_506 = arith.constant 128 : i32
        %dma_start3A_507 = arith.constant 0 : i32
        %dma_start3A_508 = tpu.memref_slice %arg7[%dma_start3A_506, %dma_start3A_507] : memref<256x16xf32, #tpu.memory_space<vmem>> -> memref<128x16xf32, #tpu.memory_space<vmem>>
        %dma_start3A_509 = arith.constant 0 : i32
        %dma_start3A_510 = tpu.memref_slice %arg11[%dma_start3A_505, %dma_start3A_509] : memref<6x128xi32, #tpu.memory_space<vmem>> -> memref<1x128xi32, #tpu.memory_space<vmem>>
        %dma_start3A_511 = tpu.memref_squeeze %dma_start3A_510 : memref<1x128xi32, #tpu.memory_space<vmem>> -> memref<128xi32, #tpu.memory_space<vmem>>
        %dma_start3A_512 = arith.constant 0 : i32
        %dma_start3A_513 = arith.constant 0 : i32
        %dma_start3A_514 = tpu.memref_slice %arg3[%dma_start3A_512, %dma_start3A_513] : memref<10000x16xf32, #tpu.memory_space<hbm>> -> memref<10000x16xf32, #tpu.memory_space<hbm>>
        tpu.enqueue_indirect_dma source(%dma_start3A_514 : memref<10000x16xf32, #tpu.memory_space<hbm>>) target(%dma_start3A_508 : memref<128x16xf32, #tpu.memory_space<vmem>>) offsets(%dma_start3A_511 : memref<128xi32, #tpu.memory_space<vmem>>) semaphore(%arg19 : memref<!tpu.dma_semaphore, #tpu.memory_space<semaphore_mem>>)
        %dma_start3A_515 = arith.constant 3 : i32
        %dma_start3A_516 = arith.constant 128 : i32
        %dma_start3A_517 = arith.constant 0 : i32
        %dma_start3A_518 = tpu.memref_slice %arg8[%dma_start3A_516, %dma_start3A_517] : memref<256x16xf32, #tpu.memory_space<vmem>> -> memref<128x16xf32, #tpu.memory_space<vmem>>
        %dma_start3A_519 = arith.constant 0 : i32
        %dma_start3A_520 = tpu.memref_slice %arg11[%dma_start3A_515, %dma_start3A_519] : memref<6x128xi32, #tpu.memory_space<vmem>> -> memref<1x128xi32, #tpu.memory_space<vmem>>
        %dma_start3A_521 = tpu.memref_squeeze %dma_start3A_520 : memref<1x128xi32, #tpu.memory_space<vmem>> -> memref<128xi32, #tpu.memory_space<vmem>>
        %dma_start3A_522 = arith.constant 0 : i32
        %dma_start3A_523 = arith.constant 0 : i32
        %dma_start3A_524 = tpu.memref_slice %arg3[%dma_start3A_522, %dma_start3A_523] : memref<10000x16xf32, #tpu.memory_space<hbm>> -> memref<10000x16xf32, #tpu.memory_space<hbm>>
        tpu.enqueue_indirect_dma source(%dma_start3A_524 : memref<10000x16xf32, #tpu.memory_space<hbm>>) target(%dma_start3A_518 : memref<128x16xf32, #tpu.memory_space<vmem>>) offsets(%dma_start3A_521 : memref<128xi32, #tpu.memory_space<vmem>>) semaphore(%arg19 : memref<!tpu.dma_semaphore, #tpu.memory_space<semaphore_mem>>)
        %dma_start3A_525 = arith.constant 1 : i32
        %dma_start3A_526 = arith.constant 128 : i32
        %dma_start3A_527 = arith.constant 0 : i32
        %dma_start3A_528 = tpu.memref_slice %arg9[%dma_start3A_526, %dma_start3A_527] : memref<256x64xf32, #tpu.memory_space<vmem>> -> memref<128x64xf32, #tpu.memory_space<vmem>>
        %dma_start3A_529 = arith.constant 0 : i32
        %dma_start3A_530 = tpu.memref_slice %arg11[%dma_start3A_525, %dma_start3A_529] : memref<6x128xi32, #tpu.memory_space<vmem>> -> memref<1x128xi32, #tpu.memory_space<vmem>>
        %dma_start3A_531 = tpu.memref_squeeze %dma_start3A_530 : memref<1x128xi32, #tpu.memory_space<vmem>> -> memref<128xi32, #tpu.memory_space<vmem>>
        %dma_start3A_532 = arith.constant 0 : i32
        %dma_start3A_533 = arith.constant 0 : i32
        %dma_start3A_534 = tpu.memref_slice %arg2[%dma_start3A_532, %dma_start3A_533] : memref<10000x64xf32, #tpu.memory_space<hbm>> -> memref<10000x64xf32, #tpu.memory_space<hbm>>
        tpu.enqueue_indirect_dma source(%dma_start3A_534 : memref<10000x64xf32, #tpu.memory_space<hbm>>) target(%dma_start3A_528 : memref<128x64xf32, #tpu.memory_space<vmem>>) offsets(%dma_start3A_531 : memref<128xi32, #tpu.memory_space<vmem>>) semaphore(%arg19 : memref<!tpu.dma_semaphore, #tpu.memory_space<semaphore_mem>>)
      } else {
      }
      %dma_wait3A_420 = arith.constant 2 : i32
      %dma_wait3A_421 = arith.constant 0 : i32
      %dma_wait3A_422 = arith.constant 0 : i32
      %dma_wait3A_423 = tpu.memref_slice %arg14[%dma_wait3A_421, %dma_wait3A_422] : memref<256x64xf32, #tpu.memory_space<vmem>> -> memref<128x64xf32, #tpu.memory_space<vmem>>
      %dma_wait3A_424 = arith.constant 0 : i32
      %dma_wait3A_425 = tpu.memref_slice %arg16[%dma_wait3A_420, %dma_wait3A_424] : memref<6x128xi32, #tpu.memory_space<vmem>> -> memref<1x128xi32, #tpu.memory_space<vmem>>
      %dma_wait3A_426 = tpu.memref_squeeze %dma_wait3A_425 : memref<1x128xi32, #tpu.memory_space<vmem>> -> memref<128xi32, #tpu.memory_space<vmem>>
      %dma_wait3A_427 = arith.constant 0 : i32
      %dma_wait3A_428 = arith.constant 0 : i32
      %dma_wait3A_429 = tpu.memref_slice %arg17[%dma_wait3A_427, %dma_wait3A_428] : memref<10240x64xf32, #tpu.memory_space<vmem_shared>> -> memref<10240x64xf32, #tpu.memory_space<vmem_shared>>
      tpu.wait_indirect_dma semaphore(%arg22 : memref<!tpu.dma_semaphore, #tpu.memory_space<semaphore_mem>>) src(%dma_wait3A_423 : memref<128x64xf32, #tpu.memory_space<vmem>>) dst(%dma_wait3A_429 : memref<10240x64xf32, #tpu.memory_space<vmem_shared>>)
      %dma_wait3A_430 = arith.constant 2 : i32
      %dma_wait3A_431 = arith.constant 0 : i32
      %dma_wait3A_432 = arith.constant 0 : i32
      %dma_wait3A_433 = tpu.memref_slice %arg15[%dma_wait3A_431, %dma_wait3A_432] : memref<256x16xf32, #tpu.memory_space<vmem>> -> memref<128x16xf32, #tpu.memory_space<vmem>>
      %dma_wait3A_434 = arith.constant 0 : i32
      %dma_wait3A_435 = tpu.memref_slice %arg16[%dma_wait3A_430, %dma_wait3A_434] : memref<6x128xi32, #tpu.memory_space<vmem>> -> memref<1x128xi32, #tpu.memory_space<vmem>>
      %dma_wait3A_436 = tpu.memref_squeeze %dma_wait3A_435 : memref<1x128xi32, #tpu.memory_space<vmem>> -> memref<128xi32, #tpu.memory_space<vmem>>
      %dma_wait3A_437 = arith.constant 0 : i32
      %dma_wait3A_438 = arith.constant 0 : i32
      %dma_wait3A_439 = tpu.memref_slice %arg18[%dma_wait3A_437, %dma_wait3A_438] : memref<10240x16xf32, #tpu.memory_space<vmem_shared>> -> memref<10240x16xf32, #tpu.memory_space<vmem_shared>>
      tpu.wait_indirect_dma semaphore(%arg22 : memref<!tpu.dma_semaphore, #tpu.memory_space<semaphore_mem>>) src(%dma_wait3A_433 : memref<128x16xf32, #tpu.memory_space<vmem>>) dst(%dma_wait3A_439 : memref<10240x16xf32, #tpu.memory_space<vmem_shared>>)
      %dma_wait3A_440 = arith.constant 3 : i32
      %dma_wait3A_441 = arith.constant 128 : i32
      %dma_wait3A_442 = arith.constant 0 : i32
      %dma_wait3A_443 = tpu.memref_slice %arg14[%dma_wait3A_441, %dma_wait3A_442] : memref<256x64xf32, #tpu.memory_space<vmem>> -> memref<128x64xf32, #tpu.memory_space<vmem>>
      %dma_wait3A_444 = arith.constant 0 : i32
      %dma_wait3A_445 = tpu.memref_slice %arg16[%dma_wait3A_440, %dma_wait3A_444] : memref<6x128xi32, #tpu.memory_space<vmem>> -> memref<1x128xi32, #tpu.memory_space<vmem>>
      %dma_wait3A_446 = tpu.memref_squeeze %dma_wait3A_445 : memref<1x128xi32, #tpu.memory_space<vmem>> -> memref<128xi32, #tpu.memory_space<vmem>>
      %dma_wait3A_447 = arith.constant 0 : i32
      %dma_wait3A_448 = arith.constant 0 : i32
      %dma_wait3A_449 = tpu.memref_slice %arg17[%dma_wait3A_447, %dma_wait3A_448] : memref<10240x64xf32, #tpu.memory_space<vmem_shared>> -> memref<10240x64xf32, #tpu.memory_space<vmem_shared>>
      tpu.wait_indirect_dma semaphore(%arg22 : memref<!tpu.dma_semaphore, #tpu.memory_space<semaphore_mem>>) src(%dma_wait3A_443 : memref<128x64xf32, #tpu.memory_space<vmem>>) dst(%dma_wait3A_449 : memref<10240x64xf32, #tpu.memory_space<vmem_shared>>)
      %dma_wait3A_450 = arith.constant 3 : i32
      %dma_wait3A_451 = arith.constant 128 : i32
      %dma_wait3A_452 = arith.constant 0 : i32
      %dma_wait3A_453 = tpu.memref_slice %arg15[%dma_wait3A_451, %dma_wait3A_452] : memref<256x16xf32, #tpu.memory_space<vmem>> -> memref<128x16xf32, #tpu.memory_space<vmem>>
      %dma_wait3A_454 = arith.constant 0 : i32
      %dma_wait3A_455 = tpu.memref_slice %arg16[%dma_wait3A_450, %dma_wait3A_454] : memref<6x128xi32, #tpu.memory_space<vmem>> -> memref<1x128xi32, #tpu.memory_space<vmem>>
      %dma_wait3A_456 = tpu.memref_squeeze %dma_wait3A_455 : memref<1x128xi32, #tpu.memory_space<vmem>> -> memref<128xi32, #tpu.memory_space<vmem>>
      %dma_wait3A_457 = arith.constant 0 : i32
      %dma_wait3A_458 = arith.constant 0 : i32
      %dma_wait3A_459 = tpu.memref_slice %arg18[%dma_wait3A_457, %dma_wait3A_458] : memref<10240x16xf32, #tpu.memory_space<vmem_shared>> -> memref<10240x16xf32, #tpu.memory_space<vmem_shared>>
      tpu.wait_indirect_dma semaphore(%arg22 : memref<!tpu.dma_semaphore, #tpu.memory_space<semaphore_mem>>) src(%dma_wait3A_453 : memref<128x16xf32, #tpu.memory_space<vmem>>) dst(%dma_wait3A_459 : memref<10240x16xf32, #tpu.memory_space<vmem_shared>>)
      %add3A_460 = arith.constant 1 : i32
      %add3A_461 = arith.addi %scan3A_169, %add3A_460 : i32
      %lt3A_462 = arith.constant 21 : i32
      %lt3A_463 = arith.cmpi slt, %add3A_461, %lt3A_462 : i32
      %convert_element_type3A_464 = arith.extui %lt3A_463 : i1 to i32
      %cond3A_465 = arith.constant 0 : i32
      %cond3A_466 = arith.cmpi ne, %convert_element_type3A_464, %cond3A_465 : i32
      scf.if %cond3A_466 {
        %mul3A_468 = arith.constant 2 : i32
        %mul3A_469 = arith.muli %mul3A_468, %scan3A_169 : i32
        %add3A_470 = arith.constant 3 : i32
        %add3A_471 = arith.addi %mul3A_469, %add3A_470 : i32
        %mul3A_472 = arith.constant 32 : i32
        %mul3A_473 = arith.muli %mul3A_472, %add3A_471 : i32
        %add3A_474 = arith.addi %add3A, %mul3A_473 : i32
        "tpu.region"() ({
          %run_scoped3A = tpu.sem_alloc : memref<!tpu.dma_semaphore, #tpu.memory_space<semaphore_mem>>
          %dma_start3A_535 = arith.constant 0 : i32
          %dma_start3A_536 = arith.constant 0 : i32
          %dma_start3A_537 = tpu.memref_slice %arg4[%add3A_474, %dma_start3A_535, %dma_start3A_536] : memref<1344x6x128xi32, #tpu.memory_space<hbm>> -> memref<1x6x128xi32, #tpu.memory_space<hbm>>
          %dma_start3A_538 = tpu.memref_squeeze %dma_start3A_537 : memref<1x6x128xi32, #tpu.memory_space<hbm>> -> memref<6x128xi32, #tpu.memory_space<hbm>>
          %dma_start3A_539 = arith.constant 0 : i32
          %dma_start3A_540 = arith.constant 0 : i32
          %dma_start3A_541 = tpu.memref_slice %arg4[%add3A_474, %dma_start3A_539, %dma_start3A_540] : memref<1344x6x128xi32, #tpu.memory_space<hbm>> -> memref<1x6x128xi32, #tpu.memory_space<hbm>>
          %dma_start3A_542 = tpu.memref_squeeze %dma_start3A_541 : memref<1x6x128xi32, #tpu.memory_space<hbm>> -> memref<6x128xi32, #tpu.memory_space<hbm>>
          tpu.enqueue_dma source(%dma_start3A_542 : memref<6x128xi32, #tpu.memory_space<hbm>>) target(%arg16 : memref<6x128xi32, #tpu.memory_space<vmem>>) target_semaphore(%run_scoped3A : memref<!tpu.dma_semaphore, #tpu.memory_space<semaphore_mem>>)
          %dma_wait3A_543 = arith.constant 0 : i32
          %dma_wait3A_544 = arith.constant 0 : i32
          %dma_wait3A_545 = tpu.memref_slice %arg4[%add3A_474, %dma_wait3A_543, %dma_wait3A_544] : memref<1344x6x128xi32, #tpu.memory_space<hbm>> -> memref<1x6x128xi32, #tpu.memory_space<hbm>>
          %dma_wait3A_546 = tpu.memref_squeeze %dma_wait3A_545 : memref<1x6x128xi32, #tpu.memory_space<hbm>> -> memref<6x128xi32, #tpu.memory_space<hbm>>
          %dma_wait3A_547 = arith.constant 0 : i32
          %dma_wait3A_548 = arith.constant 0 : i32
          %dma_wait3A_549 = tpu.memref_slice %arg4[%add3A_474, %dma_wait3A_547, %dma_wait3A_548] : memref<1344x6x128xi32, #tpu.memory_space<hbm>> -> memref<1x6x128xi32, #tpu.memory_space<hbm>>
          %dma_wait3A_550 = tpu.memref_squeeze %dma_wait3A_549 : memref<1x6x128xi32, #tpu.memory_space<hbm>> -> memref<6x128xi32, #tpu.memory_space<hbm>>
          tpu.wait_dma2 semaphore(%run_scoped3A : memref<!tpu.dma_semaphore, #tpu.memory_space<semaphore_mem>>) src(%dma_wait3A_550 : memref<6x128xi32, #tpu.memory_space<hbm>>) dst(%arg16 : memref<6x128xi32, #tpu.memory_space<vmem>>)
          tpu.yield
        }) : () -> ()
        %dma_start3A_475 = arith.constant 0 : i32
        %dma_start3A_476 = arith.constant 0 : i32
        %dma_start3A_477 = arith.constant 0 : i32
        %dma_start3A_478 = tpu.memref_slice %arg12[%dma_start3A_476, %dma_start3A_477] : memref<256x16xf32, #tpu.memory_space<vmem>> -> memref<128x16xf32, #tpu.memory_space<vmem>>
        %dma_start3A_479 = arith.constant 0 : i32
        %dma_start3A_480 = tpu.memref_slice %arg16[%dma_start3A_475, %dma_start3A_479] : memref<6x128xi32, #tpu.memory_space<vmem>> -> memref<1x128xi32, #tpu.memory_space<vmem>>
        %dma_start3A_481 = tpu.memref_squeeze %dma_start3A_480 : memref<1x128xi32, #tpu.memory_space<vmem>> -> memref<128xi32, #tpu.memory_space<vmem>>
        %dma_start3A_482 = arith.constant 0 : i32
        %dma_start3A_483 = arith.constant 0 : i32
        %dma_start3A_484 = tpu.memref_slice %arg3[%dma_start3A_482, %dma_start3A_483] : memref<10000x16xf32, #tpu.memory_space<hbm>> -> memref<10000x16xf32, #tpu.memory_space<hbm>>
        tpu.enqueue_indirect_dma source(%dma_start3A_484 : memref<10000x16xf32, #tpu.memory_space<hbm>>) target(%dma_start3A_478 : memref<128x16xf32, #tpu.memory_space<vmem>>) offsets(%dma_start3A_481 : memref<128xi32, #tpu.memory_space<vmem>>) semaphore(%arg20 : memref<!tpu.dma_semaphore, #tpu.memory_space<semaphore_mem>>)
        %dma_start3A_485 = arith.constant 2 : i32
        %dma_start3A_486 = arith.constant 0 : i32
        %dma_start3A_487 = arith.constant 0 : i32
        %dma_start3A_488 = tpu.memref_slice %arg13[%dma_start3A_486, %dma_start3A_487] : memref<256x16xf32, #tpu.memory_space<vmem>> -> memref<128x16xf32, #tpu.memory_space<vmem>>
        %dma_start3A_489 = arith.constant 0 : i32
        %dma_start3A_490 = tpu.memref_slice %arg16[%dma_start3A_485, %dma_start3A_489] : memref<6x128xi32, #tpu.memory_space<vmem>> -> memref<1x128xi32, #tpu.memory_space<vmem>>
        %dma_start3A_491 = tpu.memref_squeeze %dma_start3A_490 : memref<1x128xi32, #tpu.memory_space<vmem>> -> memref<128xi32, #tpu.memory_space<vmem>>
        %dma_start3A_492 = arith.constant 0 : i32
        %dma_start3A_493 = arith.constant 0 : i32
        %dma_start3A_494 = tpu.memref_slice %arg3[%dma_start3A_492, %dma_start3A_493] : memref<10000x16xf32, #tpu.memory_space<hbm>> -> memref<10000x16xf32, #tpu.memory_space<hbm>>
        tpu.enqueue_indirect_dma source(%dma_start3A_494 : memref<10000x16xf32, #tpu.memory_space<hbm>>) target(%dma_start3A_488 : memref<128x16xf32, #tpu.memory_space<vmem>>) offsets(%dma_start3A_491 : memref<128xi32, #tpu.memory_space<vmem>>) semaphore(%arg20 : memref<!tpu.dma_semaphore, #tpu.memory_space<semaphore_mem>>)
        %dma_start3A_495 = arith.constant 0 : i32
        %dma_start3A_496 = arith.constant 0 : i32
        %dma_start3A_497 = arith.constant 0 : i32
        %dma_start3A_498 = tpu.memref_slice %arg14[%dma_start3A_496, %dma_start3A_497] : memref<256x64xf32, #tpu.memory_space<vmem>> -> memref<128x64xf32, #tpu.memory_space<vmem>>
        %dma_start3A_499 = arith.constant 0 : i32
        %dma_start3A_500 = tpu.memref_slice %arg16[%dma_start3A_495, %dma_start3A_499] : memref<6x128xi32, #tpu.memory_space<vmem>> -> memref<1x128xi32, #tpu.memory_space<vmem>>
        %dma_start3A_501 = tpu.memref_squeeze %dma_start3A_500 : memref<1x128xi32, #tpu.memory_space<vmem>> -> memref<128xi32, #tpu.memory_space<vmem>>
        %dma_start3A_502 = arith.constant 0 : i32
        %dma_start3A_503 = arith.constant 0 : i32
        %dma_start3A_504 = tpu.memref_slice %arg2[%dma_start3A_502, %dma_start3A_503] : memref<10000x64xf32, #tpu.memory_space<hbm>> -> memref<10000x64xf32, #tpu.memory_space<hbm>>
        tpu.enqueue_indirect_dma source(%dma_start3A_504 : memref<10000x64xf32, #tpu.memory_space<hbm>>) target(%dma_start3A_498 : memref<128x64xf32, #tpu.memory_space<vmem>>) offsets(%dma_start3A_501 : memref<128xi32, #tpu.memory_space<vmem>>) semaphore(%arg20 : memref<!tpu.dma_semaphore, #tpu.memory_space<semaphore_mem>>)
        %dma_start3A_505 = arith.constant 1 : i32
        %dma_start3A_506 = arith.constant 128 : i32
        %dma_start3A_507 = arith.constant 0 : i32
        %dma_start3A_508 = tpu.memref_slice %arg12[%dma_start3A_506, %dma_start3A_507] : memref<256x16xf32, #tpu.memory_space<vmem>> -> memref<128x16xf32, #tpu.memory_space<vmem>>
        %dma_start3A_509 = arith.constant 0 : i32
        %dma_start3A_510 = tpu.memref_slice %arg16[%dma_start3A_505, %dma_start3A_509] : memref<6x128xi32, #tpu.memory_space<vmem>> -> memref<1x128xi32, #tpu.memory_space<vmem>>
        %dma_start3A_511 = tpu.memref_squeeze %dma_start3A_510 : memref<1x128xi32, #tpu.memory_space<vmem>> -> memref<128xi32, #tpu.memory_space<vmem>>
        %dma_start3A_512 = arith.constant 0 : i32
        %dma_start3A_513 = arith.constant 0 : i32
        %dma_start3A_514 = tpu.memref_slice %arg3[%dma_start3A_512, %dma_start3A_513] : memref<10000x16xf32, #tpu.memory_space<hbm>> -> memref<10000x16xf32, #tpu.memory_space<hbm>>
        tpu.enqueue_indirect_dma source(%dma_start3A_514 : memref<10000x16xf32, #tpu.memory_space<hbm>>) target(%dma_start3A_508 : memref<128x16xf32, #tpu.memory_space<vmem>>) offsets(%dma_start3A_511 : memref<128xi32, #tpu.memory_space<vmem>>) semaphore(%arg20 : memref<!tpu.dma_semaphore, #tpu.memory_space<semaphore_mem>>)
        %dma_start3A_515 = arith.constant 3 : i32
        %dma_start3A_516 = arith.constant 128 : i32
        %dma_start3A_517 = arith.constant 0 : i32
        %dma_start3A_518 = tpu.memref_slice %arg13[%dma_start3A_516, %dma_start3A_517] : memref<256x16xf32, #tpu.memory_space<vmem>> -> memref<128x16xf32, #tpu.memory_space<vmem>>
        %dma_start3A_519 = arith.constant 0 : i32
        %dma_start3A_520 = tpu.memref_slice %arg16[%dma_start3A_515, %dma_start3A_519] : memref<6x128xi32, #tpu.memory_space<vmem>> -> memref<1x128xi32, #tpu.memory_space<vmem>>
        %dma_start3A_521 = tpu.memref_squeeze %dma_start3A_520 : memref<1x128xi32, #tpu.memory_space<vmem>> -> memref<128xi32, #tpu.memory_space<vmem>>
        %dma_start3A_522 = arith.constant 0 : i32
        %dma_start3A_523 = arith.constant 0 : i32
        %dma_start3A_524 = tpu.memref_slice %arg3[%dma_start3A_522, %dma_start3A_523] : memref<10000x16xf32, #tpu.memory_space<hbm>> -> memref<10000x16xf32, #tpu.memory_space<hbm>>
        tpu.enqueue_indirect_dma source(%dma_start3A_524 : memref<10000x16xf32, #tpu.memory_space<hbm>>) target(%dma_start3A_518 : memref<128x16xf32, #tpu.memory_space<vmem>>) offsets(%dma_start3A_521 : memref<128xi32, #tpu.memory_space<vmem>>) semaphore(%arg20 : memref<!tpu.dma_semaphore, #tpu.memory_space<semaphore_mem>>)
        %dma_start3A_525 = arith.constant 1 : i32
        %dma_start3A_526 = arith.constant 128 : i32
        %dma_start3A_527 = arith.constant 0 : i32
        %dma_start3A_528 = tpu.memref_slice %arg14[%dma_start3A_526, %dma_start3A_527] : memref<256x64xf32, #tpu.memory_space<vmem>> -> memref<128x64xf32, #tpu.memory_space<vmem>>
        %dma_start3A_529 = arith.constant 0 : i32
        %dma_start3A_530 = tpu.memref_slice %arg16[%dma_start3A_525, %dma_start3A_529] : memref<6x128xi32, #tpu.memory_space<vmem>> -> memref<1x128xi32, #tpu.memory_space<vmem>>
        %dma_start3A_531 = tpu.memref_squeeze %dma_start3A_530 : memref<1x128xi32, #tpu.memory_space<vmem>> -> memref<128xi32, #tpu.memory_space<vmem>>
        %dma_start3A_532 = arith.constant 0 : i32
        %dma_start3A_533 = arith.constant 0 : i32
        %dma_start3A_534 = tpu.memref_slice %arg2[%dma_start3A_532, %dma_start3A_533] : memref<10000x64xf32, #tpu.memory_space<hbm>> -> memref<10000x64xf32, #tpu.memory_space<hbm>>
        tpu.enqueue_indirect_dma source(%dma_start3A_534 : memref<10000x64xf32, #tpu.memory_space<hbm>>) target(%dma_start3A_528 : memref<128x64xf32, #tpu.memory_space<vmem>>) offsets(%dma_start3A_531 : memref<128xi32, #tpu.memory_space<vmem>>) semaphore(%arg20 : memref<!tpu.dma_semaphore, #tpu.memory_space<semaphore_mem>>)
      } else {
      }
      %scan3A_467 = arith.constant 0 : i32
      scf.yield %scan3A_467 : i32
    }
    %scan3A_159 = arith.constant 21 : i32
    %barrier3A_160 = arith.constant 0 : index
    tpu.barrier barrier_id(%barrier3A_160)
    %mul3A_161 = arith.constant 320 : i32
    %mul3A_162 = arith.muli %arg1, %mul3A_161 : i32
    %add3A_163 = arith.constant 0 : i32
    %add3A_164 = arith.addi %mul3A_162, %add3A_163 : i32
    "tpu.region"() ({
      %run_scoped3A = tpu.sem_alloc : memref<!tpu.dma_semaphore, #tpu.memory_space<semaphore_mem>>
      %dma_start3A_169 = arith.constant 0 : i32
      %dma_start3A_170 = arith.constant 0 : i32
      %dma_start3A_171 = tpu.memref_slice %arg9[%dma_start3A_169, %dma_start3A_170] : memref<256x64xf32, #tpu.memory_space<vmem>> -> memref<160x64xf32, #tpu.memory_space<vmem>>
      %dma_start3A_172 = arith.constant 0 : i32
      %dma_start3A_173 = tpu.memref_slice %arg17[%add3A_164, %dma_start3A_172] : memref<10240x64xf32, #tpu.memory_space<vmem_shared>> -> memref<160x64xf32, #tpu.memory_space<vmem_shared>>
      %dma_start3A_174 = arith.constant 0 : i32
      %dma_start3A_175 = arith.constant 0 : i32
      %dma_start3A_176 = tpu.memref_slice %arg9[%dma_start3A_174, %dma_start3A_175] : memref<256x64xf32, #tpu.memory_space<vmem>> -> memref<160x64xf32, #tpu.memory_space<vmem>>
      %dma_start3A_177 = arith.constant 0 : i32
      %dma_start3A_178 = tpu.memref_slice %arg17[%add3A_164, %dma_start3A_177] : memref<10240x64xf32, #tpu.memory_space<vmem_shared>> -> memref<160x64xf32, #tpu.memory_space<vmem_shared>>
      tpu.enqueue_dma source(%dma_start3A_178 : memref<160x64xf32, #tpu.memory_space<vmem_shared>>) target(%dma_start3A_176 : memref<160x64xf32, #tpu.memory_space<vmem>>) target_semaphore(%run_scoped3A : memref<!tpu.dma_semaphore, #tpu.memory_space<semaphore_mem>>)
      %dma_wait3A = arith.constant 0 : i32
      %dma_wait3A_179 = arith.constant 0 : i32
      %dma_wait3A_180 = tpu.memref_slice %arg9[%dma_wait3A, %dma_wait3A_179] : memref<256x64xf32, #tpu.memory_space<vmem>> -> memref<160x64xf32, #tpu.memory_space<vmem>>
      %dma_wait3A_181 = arith.constant 0 : i32
      %dma_wait3A_182 = tpu.memref_slice %arg17[%add3A_164, %dma_wait3A_181] : memref<10240x64xf32, #tpu.memory_space<vmem_shared>> -> memref<160x64xf32, #tpu.memory_space<vmem_shared>>
      %dma_wait3A_183 = arith.constant 0 : i32
      %dma_wait3A_184 = arith.constant 0 : i32
      %dma_wait3A_185 = tpu.memref_slice %arg9[%dma_wait3A_183, %dma_wait3A_184] : memref<256x64xf32, #tpu.memory_space<vmem>> -> memref<160x64xf32, #tpu.memory_space<vmem>>
      %dma_wait3A_186 = arith.constant 0 : i32
      %dma_wait3A_187 = tpu.memref_slice %arg17[%add3A_164, %dma_wait3A_186] : memref<10240x64xf32, #tpu.memory_space<vmem_shared>> -> memref<160x64xf32, #tpu.memory_space<vmem_shared>>
      tpu.wait_dma2 semaphore(%run_scoped3A : memref<!tpu.dma_semaphore, #tpu.memory_space<semaphore_mem>>) src(%dma_wait3A_187 : memref<160x64xf32, #tpu.memory_space<vmem_shared>>) dst(%dma_wait3A_185 : memref<160x64xf32, #tpu.memory_space<vmem>>)
      tpu.yield
    }) : () -> ()
    "tpu.region"() ({
      %run_scoped3A = tpu.sem_alloc : memref<!tpu.dma_semaphore, #tpu.memory_space<semaphore_mem>>
      %dma_start3A_169 = arith.constant 0 : i32
      %dma_start3A_170 = arith.constant 0 : i32
      %dma_start3A_171 = tpu.memref_slice %arg9[%dma_start3A_169, %dma_start3A_170] : memref<256x64xf32, #tpu.memory_space<vmem>> -> memref<160x64xf32, #tpu.memory_space<vmem>>
      %dma_start3A_172 = arith.constant 0 : i32
      %dma_start3A_173 = tpu.memref_slice %arg5[%arg0, %add3A_164, %dma_start3A_172] : memref<2x10240x64xf32, #tpu.memory_space<hbm>> -> memref<1x160x64xf32, #tpu.memory_space<hbm>>
      %dma_start3A_174 = tpu.memref_squeeze %dma_start3A_173 : memref<1x160x64xf32, #tpu.memory_space<hbm>> -> memref<160x64xf32, #tpu.memory_space<hbm>>
      %dma_start3A_175 = arith.constant 0 : i32
      %dma_start3A_176 = tpu.memref_slice %arg5[%arg0, %add3A_164, %dma_start3A_175] : memref<2x10240x64xf32, #tpu.memory_space<hbm>> -> memref<1x160x64xf32, #tpu.memory_space<hbm>>
      %dma_start3A_177 = tpu.memref_squeeze %dma_start3A_176 : memref<1x160x64xf32, #tpu.memory_space<hbm>> -> memref<160x64xf32, #tpu.memory_space<hbm>>
      %dma_start3A_178 = arith.constant 0 : i32
      %dma_start3A_179 = arith.constant 0 : i32
      %dma_start3A_180 = tpu.memref_slice %arg9[%dma_start3A_178, %dma_start3A_179] : memref<256x64xf32, #tpu.memory_space<vmem>> -> memref<160x64xf32, #tpu.memory_space<vmem>>
      tpu.enqueue_dma source(%dma_start3A_180 : memref<160x64xf32, #tpu.memory_space<vmem>>) target(%dma_start3A_177 : memref<160x64xf32, #tpu.memory_space<hbm>>) target_semaphore(%run_scoped3A : memref<!tpu.dma_semaphore, #tpu.memory_space<semaphore_mem>>)
      %dma_wait3A = arith.constant 0 : i32
      %dma_wait3A_181 = arith.constant 0 : i32
      %dma_wait3A_182 = tpu.memref_slice %arg9[%dma_wait3A, %dma_wait3A_181] : memref<256x64xf32, #tpu.memory_space<vmem>> -> memref<160x64xf32, #tpu.memory_space<vmem>>
      %dma_wait3A_183 = arith.constant 0 : i32
      %dma_wait3A_184 = tpu.memref_slice %arg5[%arg0, %add3A_164, %dma_wait3A_183] : memref<2x10240x64xf32, #tpu.memory_space<hbm>> -> memref<1x160x64xf32, #tpu.memory_space<hbm>>
      %dma_wait3A_185 = tpu.memref_squeeze %dma_wait3A_184 : memref<1x160x64xf32, #tpu.memory_space<hbm>> -> memref<160x64xf32, #tpu.memory_space<hbm>>
      %dma_wait3A_186 = arith.constant 0 : i32
      %dma_wait3A_187 = tpu.memref_slice %arg5[%arg0, %add3A_164, %dma_wait3A_186] : memref<2x10240x64xf32, #tpu.memory_space<hbm>> -> memref<1x160x64xf32, #tpu.memory_space<hbm>>
      %dma_wait3A_188 = tpu.memref_squeeze %dma_wait3A_187 : memref<1x160x64xf32, #tpu.memory_space<hbm>> -> memref<160x64xf32, #tpu.memory_space<hbm>>
      %dma_wait3A_189 = arith.constant 0 : i32
      %dma_wait3A_190 = arith.constant 0 : i32
      %dma_wait3A_191 = tpu.memref_slice %arg9[%dma_wait3A_189, %dma_wait3A_190] : memref<256x64xf32, #tpu.memory_space<vmem>> -> memref<160x64xf32, #tpu.memory_space<vmem>>
      tpu.wait_dma2 semaphore(%run_scoped3A : memref<!tpu.dma_semaphore, #tpu.memory_space<semaphore_mem>>) src(%dma_wait3A_191 : memref<160x64xf32, #tpu.memory_space<vmem>>) dst(%dma_wait3A_188 : memref<160x64xf32, #tpu.memory_space<hbm>>)
      tpu.yield
    }) : () -> ()
    "tpu.region"() ({
      %run_scoped3A = tpu.sem_alloc : memref<!tpu.dma_semaphore, #tpu.memory_space<semaphore_mem>>
      %dma_start3A_169 = arith.constant 0 : i32
      %dma_start3A_170 = arith.constant 0 : i32
      %dma_start3A_171 = tpu.memref_slice %arg10[%dma_start3A_169, %dma_start3A_170] : memref<256x16xf32, #tpu.memory_space<vmem>> -> memref<160x16xf32, #tpu.memory_space<vmem>>
      %dma_start3A_172 = arith.constant 0 : i32
      %dma_start3A_173 = tpu.memref_slice %arg18[%add3A_164, %dma_start3A_172] : memref<10240x16xf32, #tpu.memory_space<vmem_shared>> -> memref<160x16xf32, #tpu.memory_space<vmem_shared>>
      %dma_start3A_174 = arith.constant 0 : i32
      %dma_start3A_175 = arith.constant 0 : i32
      %dma_start3A_176 = tpu.memref_slice %arg10[%dma_start3A_174, %dma_start3A_175] : memref<256x16xf32, #tpu.memory_space<vmem>> -> memref<160x16xf32, #tpu.memory_space<vmem>>
      %dma_start3A_177 = arith.constant 0 : i32
      %dma_start3A_178 = tpu.memref_slice %arg18[%add3A_164, %dma_start3A_177] : memref<10240x16xf32, #tpu.memory_space<vmem_shared>> -> memref<160x16xf32, #tpu.memory_space<vmem_shared>>
      tpu.enqueue_dma source(%dma_start3A_178 : memref<160x16xf32, #tpu.memory_space<vmem_shared>>) target(%dma_start3A_176 : memref<160x16xf32, #tpu.memory_space<vmem>>) target_semaphore(%run_scoped3A : memref<!tpu.dma_semaphore, #tpu.memory_space<semaphore_mem>>)
      %dma_wait3A = arith.constant 0 : i32
      %dma_wait3A_179 = arith.constant 0 : i32
      %dma_wait3A_180 = tpu.memref_slice %arg10[%dma_wait3A, %dma_wait3A_179] : memref<256x16xf32, #tpu.memory_space<vmem>> -> memref<160x16xf32, #tpu.memory_space<vmem>>
      %dma_wait3A_181 = arith.constant 0 : i32
      %dma_wait3A_182 = tpu.memref_slice %arg18[%add3A_164, %dma_wait3A_181] : memref<10240x16xf32, #tpu.memory_space<vmem_shared>> -> memref<160x16xf32, #tpu.memory_space<vmem_shared>>
      %dma_wait3A_183 = arith.constant 0 : i32
      %dma_wait3A_184 = arith.constant 0 : i32
      %dma_wait3A_185 = tpu.memref_slice %arg10[%dma_wait3A_183, %dma_wait3A_184] : memref<256x16xf32, #tpu.memory_space<vmem>> -> memref<160x16xf32, #tpu.memory_space<vmem>>
      %dma_wait3A_186 = arith.constant 0 : i32
      %dma_wait3A_187 = tpu.memref_slice %arg18[%add3A_164, %dma_wait3A_186] : memref<10240x16xf32, #tpu.memory_space<vmem_shared>> -> memref<160x16xf32, #tpu.memory_space<vmem_shared>>
      tpu.wait_dma2 semaphore(%run_scoped3A : memref<!tpu.dma_semaphore, #tpu.memory_space<semaphore_mem>>) src(%dma_wait3A_187 : memref<160x16xf32, #tpu.memory_space<vmem_shared>>) dst(%dma_wait3A_185 : memref<160x16xf32, #tpu.memory_space<vmem>>)
      tpu.yield
    }) : () -> ()
    "tpu.region"() ({
      %run_scoped3A = tpu.sem_alloc : memref<!tpu.dma_semaphore, #tpu.memory_space<semaphore_mem>>
      %dma_start3A_169 = arith.constant 0 : i32
      %dma_start3A_170 = arith.constant 0 : i32
      %dma_start3A_171 = tpu.memref_slice %arg10[%dma_start3A_169, %dma_start3A_170] : memref<256x16xf32, #tpu.memory_space<vmem>> -> memref<160x16xf32, #tpu.memory_space<vmem>>
      %dma_start3A_172 = arith.constant 0 : i32
      %dma_start3A_173 = tpu.memref_slice %arg6[%arg0, %add3A_164, %dma_start3A_172] : memref<2x10240x16xf32, #tpu.memory_space<hbm>> -> memref<1x160x16xf32, #tpu.memory_space<hbm>>
      %dma_start3A_174 = tpu.memref_squeeze %dma_start3A_173 : memref<1x160x16xf32, #tpu.memory_space<hbm>> -> memref<160x16xf32, #tpu.memory_space<hbm>>
      %dma_start3A_175 = arith.constant 0 : i32
      %dma_start3A_176 = tpu.memref_slice %arg6[%arg0, %add3A_164, %dma_start3A_175] : memref<2x10240x16xf32, #tpu.memory_space<hbm>> -> memref<1x160x16xf32, #tpu.memory_space<hbm>>
      %dma_start3A_177 = tpu.memref_squeeze %dma_start3A_176 : memref<1x160x16xf32, #tpu.memory_space<hbm>> -> memref<160x16xf32, #tpu.memory_space<hbm>>
      %dma_start3A_178 = arith.constant 0 : i32
      %dma_start3A_179 = arith.constant 0 : i32
      %dma_start3A_180 = tpu.memref_slice %arg10[%dma_start3A_178, %dma_start3A_179] : memref<256x16xf32, #tpu.memory_space<vmem>> -> memref<160x16xf32, #tpu.memory_space<vmem>>
      tpu.enqueue_dma source(%dma_start3A_180 : memref<160x16xf32, #tpu.memory_space<vmem>>) target(%dma_start3A_177 : memref<160x16xf32, #tpu.memory_space<hbm>>) target_semaphore(%run_scoped3A : memref<!tpu.dma_semaphore, #tpu.memory_space<semaphore_mem>>)
      %dma_wait3A = arith.constant 0 : i32
      %dma_wait3A_181 = arith.constant 0 : i32
      %dma_wait3A_182 = tpu.memref_slice %arg10[%dma_wait3A, %dma_wait3A_181] : memref<256x16xf32, #tpu.memory_space<vmem>> -> memref<160x16xf32, #tpu.memory_space<vmem>>
      %dma_wait3A_183 = arith.constant 0 : i32
      %dma_wait3A_184 = tpu.memref_slice %arg6[%arg0, %add3A_164, %dma_wait3A_183] : memref<2x10240x16xf32, #tpu.memory_space<hbm>> -> memref<1x160x16xf32, #tpu.memory_space<hbm>>
      %dma_wait3A_185 = tpu.memref_squeeze %dma_wait3A_184 : memref<1x160x16xf32, #tpu.memory_space<hbm>> -> memref<160x16xf32, #tpu.memory_space<hbm>>
      %dma_wait3A_186 = arith.constant 0 : i32
      %dma_wait3A_187 = tpu.memref_slice %arg6[%arg0, %add3A_164, %dma_wait3A_186] : memref<2x10240x16xf32, #tpu.memory_space<hbm>> -> memref<1x160x16xf32, #tpu.memory_space<hbm>>
      %dma_wait3A_188 = tpu.memref_squeeze %dma_wait3A_187 : memref<1x160x16xf32, #tpu.memory_space<hbm>> -> memref<160x16xf32, #tpu.memory_space<hbm>>
      %dma_wait3A_189 = arith.constant 0 : i32
      %dma_wait3A_190 = arith.constant 0 : i32
      %dma_wait3A_191 = tpu.memref_slice %arg10[%dma_wait3A_189, %dma_wait3A_190] : memref<256x16xf32, #tpu.memory_space<vmem>> -> memref<160x16xf32, #tpu.memory_space<vmem>>
      tpu.wait_dma2 semaphore(%run_scoped3A : memref<!tpu.dma_semaphore, #tpu.memory_space<semaphore_mem>>) src(%dma_wait3A_191 : memref<160x16xf32, #tpu.memory_space<vmem>>) dst(%dma_wait3A_188 : memref<160x16xf32, #tpu.memory_space<hbm>>)
      tpu.yield
    }) : () -> ()
    %mul3A_165 = arith.constant 320 : i32
    %mul3A_166 = arith.muli %arg1, %mul3A_165 : i32
    %add3A_167 = arith.constant 160 : i32
    %add3A_168 = arith.addi %mul3A_166, %add3A_167 : i32
    "tpu.region"() ({
      %run_scoped3A = tpu.sem_alloc : memref<!tpu.dma_semaphore, #tpu.memory_space<semaphore_mem>>
      %dma_start3A_169 = arith.constant 0 : i32
      %dma_start3A_170 = arith.constant 0 : i32
      %dma_start3A_171 = tpu.memref_slice %arg9[%dma_start3A_169, %dma_start3A_170] : memref<256x64xf32, #tpu.memory_space<vmem>> -> memref<160x64xf32, #tpu.memory_space<vmem>>
      %dma_start3A_172 = arith.constant 0 : i32
      %dma_start3A_173 = tpu.memref_slice %arg17[%add3A_168, %dma_start3A_172] : memref<10240x64xf32, #tpu.memory_space<vmem_shared>> -> memref<160x64xf32, #tpu.memory_space<vmem_shared>>
      %dma_start3A_174 = arith.constant 0 : i32
      %dma_start3A_175 = arith.constant 0 : i32
      %dma_start3A_176 = tpu.memref_slice %arg9[%dma_start3A_174, %dma_start3A_175] : memref<256x64xf32, #tpu.memory_space<vmem>> -> memref<160x64xf32, #tpu.memory_space<vmem>>
      %dma_start3A_177 = arith.constant 0 : i32
      %dma_start3A_178 = tpu.memref_slice %arg17[%add3A_168, %dma_start3A_177] : memref<10240x64xf32, #tpu.memory_space<vmem_shared>> -> memref<160x64xf32, #tpu.memory_space<vmem_shared>>
      tpu.enqueue_dma source(%dma_start3A_178 : memref<160x64xf32, #tpu.memory_space<vmem_shared>>) target(%dma_start3A_176 : memref<160x64xf32, #tpu.memory_space<vmem>>) target_semaphore(%run_scoped3A : memref<!tpu.dma_semaphore, #tpu.memory_space<semaphore_mem>>)
      %dma_wait3A = arith.constant 0 : i32
      %dma_wait3A_179 = arith.constant 0 : i32
      %dma_wait3A_180 = tpu.memref_slice %arg9[%dma_wait3A, %dma_wait3A_179] : memref<256x64xf32, #tpu.memory_space<vmem>> -> memref<160x64xf32, #tpu.memory_space<vmem>>
      %dma_wait3A_181 = arith.constant 0 : i32
      %dma_wait3A_182 = tpu.memref_slice %arg17[%add3A_168, %dma_wait3A_181] : memref<10240x64xf32, #tpu.memory_space<vmem_shared>> -> memref<160x64xf32, #tpu.memory_space<vmem_shared>>
      %dma_wait3A_183 = arith.constant 0 : i32
      %dma_wait3A_184 = arith.constant 0 : i32
      %dma_wait3A_185 = tpu.memref_slice %arg9[%dma_wait3A_183, %dma_wait3A_184] : memref<256x64xf32, #tpu.memory_space<vmem>> -> memref<160x64xf32, #tpu.memory_space<vmem>>
      %dma_wait3A_186 = arith.constant 0 : i32
      %dma_wait3A_187 = tpu.memref_slice %arg17[%add3A_168, %dma_wait3A_186] : memref<10240x64xf32, #tpu.memory_space<vmem_shared>> -> memref<160x64xf32, #tpu.memory_space<vmem_shared>>
      tpu.wait_dma2 semaphore(%run_scoped3A : memref<!tpu.dma_semaphore, #tpu.memory_space<semaphore_mem>>) src(%dma_wait3A_187 : memref<160x64xf32, #tpu.memory_space<vmem_shared>>) dst(%dma_wait3A_185 : memref<160x64xf32, #tpu.memory_space<vmem>>)
      tpu.yield
    }) : () -> ()
    "tpu.region"() ({
      %run_scoped3A = tpu.sem_alloc : memref<!tpu.dma_semaphore, #tpu.memory_space<semaphore_mem>>
      %dma_start3A_169 = arith.constant 0 : i32
      %dma_start3A_170 = arith.constant 0 : i32
      %dma_start3A_171 = tpu.memref_slice %arg9[%dma_start3A_169, %dma_start3A_170] : memref<256x64xf32, #tpu.memory_space<vmem>> -> memref<160x64xf32, #tpu.memory_space<vmem>>
      %dma_start3A_172 = arith.constant 0 : i32
      %dma_start3A_173 = tpu.memref_slice %arg5[%arg0, %add3A_168, %dma_start3A_172] : memref<2x10240x64xf32, #tpu.memory_space<hbm>> -> memref<1x160x64xf32, #tpu.memory_space<hbm>>
      %dma_start3A_174 = tpu.memref_squeeze %dma_start3A_173 : memref<1x160x64xf32, #tpu.memory_space<hbm>> -> memref<160x64xf32, #tpu.memory_space<hbm>>
      %dma_start3A_175 = arith.constant 0 : i32
      %dma_start3A_176 = tpu.memref_slice %arg5[%arg0, %add3A_168, %dma_start3A_175] : memref<2x10240x64xf32, #tpu.memory_space<hbm>> -> memref<1x160x64xf32, #tpu.memory_space<hbm>>
      %dma_start3A_177 = tpu.memref_squeeze %dma_start3A_176 : memref<1x160x64xf32, #tpu.memory_space<hbm>> -> memref<160x64xf32, #tpu.memory_space<hbm>>
      %dma_start3A_178 = arith.constant 0 : i32
      %dma_start3A_179 = arith.constant 0 : i32
      %dma_start3A_180 = tpu.memref_slice %arg9[%dma_start3A_178, %dma_start3A_179] : memref<256x64xf32, #tpu.memory_space<vmem>> -> memref<160x64xf32, #tpu.memory_space<vmem>>
      tpu.enqueue_dma source(%dma_start3A_180 : memref<160x64xf32, #tpu.memory_space<vmem>>) target(%dma_start3A_177 : memref<160x64xf32, #tpu.memory_space<hbm>>) target_semaphore(%run_scoped3A : memref<!tpu.dma_semaphore, #tpu.memory_space<semaphore_mem>>)
      %dma_wait3A = arith.constant 0 : i32
      %dma_wait3A_181 = arith.constant 0 : i32
      %dma_wait3A_182 = tpu.memref_slice %arg9[%dma_wait3A, %dma_wait3A_181] : memref<256x64xf32, #tpu.memory_space<vmem>> -> memref<160x64xf32, #tpu.memory_space<vmem>>
      %dma_wait3A_183 = arith.constant 0 : i32
      %dma_wait3A_184 = tpu.memref_slice %arg5[%arg0, %add3A_168, %dma_wait3A_183] : memref<2x10240x64xf32, #tpu.memory_space<hbm>> -> memref<1x160x64xf32, #tpu.memory_space<hbm>>
      %dma_wait3A_185 = tpu.memref_squeeze %dma_wait3A_184 : memref<1x160x64xf32, #tpu.memory_space<hbm>> -> memref<160x64xf32, #tpu.memory_space<hbm>>
      %dma_wait3A_186 = arith.constant 0 : i32
      %dma_wait3A_187 = tpu.memref_slice %arg5[%arg0, %add3A_168, %dma_wait3A_186] : memref<2x10240x64xf32, #tpu.memory_space<hbm>> -> memref<1x160x64xf32, #tpu.memory_space<hbm>>
      %dma_wait3A_188 = tpu.memref_squeeze %dma_wait3A_187 : memref<1x160x64xf32, #tpu.memory_space<hbm>> -> memref<160x64xf32, #tpu.memory_space<hbm>>
      %dma_wait3A_189 = arith.constant 0 : i32
      %dma_wait3A_190 = arith.constant 0 : i32
      %dma_wait3A_191 = tpu.memref_slice %arg9[%dma_wait3A_189, %dma_wait3A_190] : memref<256x64xf32, #tpu.memory_space<vmem>> -> memref<160x64xf32, #tpu.memory_space<vmem>>
      tpu.wait_dma2 semaphore(%run_scoped3A : memref<!tpu.dma_semaphore, #tpu.memory_space<semaphore_mem>>) src(%dma_wait3A_191 : memref<160x64xf32, #tpu.memory_space<vmem>>) dst(%dma_wait3A_188 : memref<160x64xf32, #tpu.memory_space<hbm>>)
      tpu.yield
    }) : () -> ()
    "tpu.region"() ({
      %run_scoped3A = tpu.sem_alloc : memref<!tpu.dma_semaphore, #tpu.memory_space<semaphore_mem>>
      %dma_start3A_169 = arith.constant 0 : i32
      %dma_start3A_170 = arith.constant 0 : i32
      %dma_start3A_171 = tpu.memref_slice %arg10[%dma_start3A_169, %dma_start3A_170] : memref<256x16xf32, #tpu.memory_space<vmem>> -> memref<160x16xf32, #tpu.memory_space<vmem>>
      %dma_start3A_172 = arith.constant 0 : i32
      %dma_start3A_173 = tpu.memref_slice %arg18[%add3A_168, %dma_start3A_172] : memref<10240x16xf32, #tpu.memory_space<vmem_shared>> -> memref<160x16xf32, #tpu.memory_space<vmem_shared>>
      %dma_start3A_174 = arith.constant 0 : i32
      %dma_start3A_175 = arith.constant 0 : i32
      %dma_start3A_176 = tpu.memref_slice %arg10[%dma_start3A_174, %dma_start3A_175] : memref<256x16xf32, #tpu.memory_space<vmem>> -> memref<160x16xf32, #tpu.memory_space<vmem>>
      %dma_start3A_177 = arith.constant 0 : i32
      %dma_start3A_178 = tpu.memref_slice %arg18[%add3A_168, %dma_start3A_177] : memref<10240x16xf32, #tpu.memory_space<vmem_shared>> -> memref<160x16xf32, #tpu.memory_space<vmem_shared>>
      tpu.enqueue_dma source(%dma_start3A_178 : memref<160x16xf32, #tpu.memory_space<vmem_shared>>) target(%dma_start3A_176 : memref<160x16xf32, #tpu.memory_space<vmem>>) target_semaphore(%run_scoped3A : memref<!tpu.dma_semaphore, #tpu.memory_space<semaphore_mem>>)
      %dma_wait3A = arith.constant 0 : i32
      %dma_wait3A_179 = arith.constant 0 : i32
      %dma_wait3A_180 = tpu.memref_slice %arg10[%dma_wait3A, %dma_wait3A_179] : memref<256x16xf32, #tpu.memory_space<vmem>> -> memref<160x16xf32, #tpu.memory_space<vmem>>
      %dma_wait3A_181 = arith.constant 0 : i32
      %dma_wait3A_182 = tpu.memref_slice %arg18[%add3A_168, %dma_wait3A_181] : memref<10240x16xf32, #tpu.memory_space<vmem_shared>> -> memref<160x16xf32, #tpu.memory_space<vmem_shared>>
      %dma_wait3A_183 = arith.constant 0 : i32
      %dma_wait3A_184 = arith.constant 0 : i32
      %dma_wait3A_185 = tpu.memref_slice %arg10[%dma_wait3A_183, %dma_wait3A_184] : memref<256x16xf32, #tpu.memory_space<vmem>> -> memref<160x16xf32, #tpu.memory_space<vmem>>
      %dma_wait3A_186 = arith.constant 0 : i32
      %dma_wait3A_187 = tpu.memref_slice %arg18[%add3A_168, %dma_wait3A_186] : memref<10240x16xf32, #tpu.memory_space<vmem_shared>> -> memref<160x16xf32, #tpu.memory_space<vmem_shared>>
      tpu.wait_dma2 semaphore(%run_scoped3A : memref<!tpu.dma_semaphore, #tpu.memory_space<semaphore_mem>>) src(%dma_wait3A_187 : memref<160x16xf32, #tpu.memory_space<vmem_shared>>) dst(%dma_wait3A_185 : memref<160x16xf32, #tpu.memory_space<vmem>>)
      tpu.yield
    }) : () -> ()
    "tpu.region"() ({
      %run_scoped3A = tpu.sem_alloc : memref<!tpu.dma_semaphore, #tpu.memory_space<semaphore_mem>>
      %dma_start3A_169 = arith.constant 0 : i32
      %dma_start3A_170 = arith.constant 0 : i32
      %dma_start3A_171 = tpu.memref_slice %arg10[%dma_start3A_169, %dma_start3A_170] : memref<256x16xf32, #tpu.memory_space<vmem>> -> memref<160x16xf32, #tpu.memory_space<vmem>>
      %dma_start3A_172 = arith.constant 0 : i32
      %dma_start3A_173 = tpu.memref_slice %arg6[%arg0, %add3A_168, %dma_start3A_172] : memref<2x10240x16xf32, #tpu.memory_space<hbm>> -> memref<1x160x16xf32, #tpu.memory_space<hbm>>
      %dma_start3A_174 = tpu.memref_squeeze %dma_start3A_173 : memref<1x160x16xf32, #tpu.memory_space<hbm>> -> memref<160x16xf32, #tpu.memory_space<hbm>>
      %dma_start3A_175 = arith.constant 0 : i32
      %dma_start3A_176 = tpu.memref_slice %arg6[%arg0, %add3A_168, %dma_start3A_175] : memref<2x10240x16xf32, #tpu.memory_space<hbm>> -> memref<1x160x16xf32, #tpu.memory_space<hbm>>
      %dma_start3A_177 = tpu.memref_squeeze %dma_start3A_176 : memref<1x160x16xf32, #tpu.memory_space<hbm>> -> memref<160x16xf32, #tpu.memory_space<hbm>>
      %dma_start3A_178 = arith.constant 0 : i32
      %dma_start3A_179 = arith.constant 0 : i32
      %dma_start3A_180 = tpu.memref_slice %arg10[%dma_start3A_178, %dma_start3A_179] : memref<256x16xf32, #tpu.memory_space<vmem>> -> memref<160x16xf32, #tpu.memory_space<vmem>>
      tpu.enqueue_dma source(%dma_start3A_180 : memref<160x16xf32, #tpu.memory_space<vmem>>) target(%dma_start3A_177 : memref<160x16xf32, #tpu.memory_space<hbm>>) target_semaphore(%run_scoped3A : memref<!tpu.dma_semaphore, #tpu.memory_space<semaphore_mem>>)
      %dma_wait3A = arith.constant 0 : i32
      %dma_wait3A_181 = arith.constant 0 : i32
      %dma_wait3A_182 = tpu.memref_slice %arg10[%dma_wait3A, %dma_wait3A_181] : memref<256x16xf32, #tpu.memory_space<vmem>> -> memref<160x16xf32, #tpu.memory_space<vmem>>
      %dma_wait3A_183 = arith.constant 0 : i32
      %dma_wait3A_184 = tpu.memref_slice %arg6[%arg0, %add3A_168, %dma_wait3A_183] : memref<2x10240x16xf32, #tpu.memory_space<hbm>> -> memref<1x160x16xf32, #tpu.memory_space<hbm>>
      %dma_wait3A_185 = tpu.memref_squeeze %dma_wait3A_184 : memref<1x160x16xf32, #tpu.memory_space<hbm>> -> memref<160x16xf32, #tpu.memory_space<hbm>>
      %dma_wait3A_186 = arith.constant 0 : i32
      %dma_wait3A_187 = tpu.memref_slice %arg6[%arg0, %add3A_168, %dma_wait3A_186] : memref<2x10240x16xf32, #tpu.memory_space<hbm>> -> memref<1x160x16xf32, #tpu.memory_space<hbm>>
      %dma_wait3A_188 = tpu.memref_squeeze %dma_wait3A_187 : memref<1x160x16xf32, #tpu.memory_space<hbm>> -> memref<160x16xf32, #tpu.memory_space<hbm>>
      %dma_wait3A_189 = arith.constant 0 : i32
      %dma_wait3A_190 = arith.constant 0 : i32
      %dma_wait3A_191 = tpu.memref_slice %arg10[%dma_wait3A_189, %dma_wait3A_190] : memref<256x16xf32, #tpu.memory_space<vmem>> -> memref<160x16xf32, #tpu.memory_space<vmem>>
      tpu.wait_dma2 semaphore(%run_scoped3A : memref<!tpu.dma_semaphore, #tpu.memory_space<semaphore_mem>>) src(%dma_wait3A_191 : memref<160x16xf32, #tpu.memory_space<vmem>>) dst(%dma_wait3A_188 : memref<160x16xf32, #tpu.memory_space<hbm>>)
      tpu.yield
    }) : () -> ()
    return
  }
}

#map = affine_map<(d0, d1) -> (0, 0)>
#map1 = affine_map<(d0, d1) -> (0, 0, 0)>
module attributes {stable_mosaic.version = 14 : i64} {
  func.func @_sc_edge_pass(%arg0: i32, %arg1: i32, %arg2: memref<10000x64xf32, #tpu.memory_space<hbm>>, %arg3: memref<10000x16xf32, #tpu.memory_space<hbm>>, %arg4: memref<1344x6x128xi32, #tpu.memory_space<hbm>>, %arg5: memref<2x10240x64xf32, #tpu.memory_space<hbm>>, %arg6: memref<2x10240x16xf32, #tpu.memory_space<hbm>>, %arg7: memref<256x16xf32, #tpu.memory_space<vmem>>, %arg8: memref<256x16xf32, #tpu.memory_space<vmem>>, %arg9: memref<256x64xf32, #tpu.memory_space<vmem>>, %arg10: memref<256x16xf32, #tpu.memory_space<vmem>>, %arg11: memref<6x128xi32, #tpu.memory_space<vmem>>, %arg12: memref<256x16xf32, #tpu.memory_space<vmem>>, %arg13: memref<256x16xf32, #tpu.memory_space<vmem>>, %arg14: memref<256x64xf32, #tpu.memory_space<vmem>>, %arg15: memref<256x16xf32, #tpu.memory_space<vmem>>, %arg16: memref<6x128xi32, #tpu.memory_space<vmem>>, %arg17: memref<10240x64xf32, #tpu.memory_space<vmem_shared>>, %arg18: memref<10240x16xf32, #tpu.memory_space<vmem_shared>>, %arg19: memref<!tpu.dma_semaphore, #tpu.memory_space<semaphore_mem>>, %arg20: memref<!tpu.dma_semaphore, #tpu.memory_space<semaphore_mem>>, %arg21: memref<!tpu.dma_semaphore, #tpu.memory_space<semaphore_mem>>, %arg22: memref<!tpu.dma_semaphore, #tpu.memory_space<semaphore_mem>>) attributes {dimension_semantics = [#tpu.dimension_semantics<core_parallel>, #tpu.dimension_semantics<subcore_parallel>], iteration_bounds = array<i64: 2, 16>, scalar_prefetch = 0 : i64, scratch_operands = 16 : i64, tpu.core_type = #tpu.core_type<sc_vector_subcore>, window_params = [{transform_indices = #map}, {transform_indices = #map}, {transform_indices = #map1}, {transform_indices = #map1}, {transform_indices = #map1}]} {
    %mul3A = arith.constant 16 : i32
    %mul3A_0 = arith.muli %arg0, %mul3A : i32
    %add3A = arith.addi %mul3A_0, %arg1 : i32
    %iota3A = tpu.iota {dimensions = array<i32: 0>} : vector<16xi32>
    %ge3A = arith.constant 8 : i32
    %ge3A_1 = vector.broadcast %ge3A : i32 to vector<16xi32>
    %ge3A_2 = arith.cmpi sge, %iota3A, %ge3A_1 : vector<16xi32>
    %convert_element_type3A = arith.extui %ge3A_2 : vector<16xi1> to vector<16xi32>
    %mul3A_3 = arith.constant 8 : i32
    %mul3A_4 = vector.broadcast %mul3A_3 : i32 to vector<16xi32>
    %mul3A_5 = arith.muli %mul3A_4, %convert_element_type3A : vector<16xi32>
    %sub3A = arith.subi %iota3A, %mul3A_5 : vector<16xi32>
    %broadcast_in_dim3A = arith.constant 0.000000e+00 : f32
    %broadcast_in_dim3A_6 = vector.broadcast %broadcast_in_dim3A : f32 to vector<16xf32>
    %scan3A = arith.constant 0 : i32
    %scan3A_7 = arith.constant 0 : i32
    %scan3A_8 = arith.constant 256 : i32
    %scan3A_9 = arith.addi %scan3A_7, %scan3A_8 : i32
    %scan3A_10 = arith.constant 1 : i32
    %scan3A_11 = scf.for %scan3A_169 = %scan3A_7 to %scan3A_9 step %scan3A_10 iter_args(%scan3A_170 = %scan3A) -> (i32)  : i32 {
      %swap3A = arith.index_cast %scan3A_169 : i32 to index
      %swap3A_171 = arith.constant 0 : index
      %swap3A_172 = tpu.vector_load %arg9[%swap3A, %swap3A_171] {strides = array<i32>} : memref<256x64xf32, #tpu.memory_space<vmem>>, vector<16xf32>,
      tpu.vector_store %arg9[%swap3A, %swap3A_171], %broadcast_in_dim3A_6 {strides = array<i32>} : memref<256x64xf32, #tpu.memory_space<vmem>>, vector<16xf32>,
      %swap3A_173 = arith.index_cast %scan3A_169 : i32 to index
      %swap3A_174 = arith.constant 16 : index
      %swap3A_175 = tpu.vector_load %arg9[%swap3A_173, %swap3A_174] {strides = array<i32>} : memref<256x64xf32, #tpu.memory_space<vmem>>, vector<16xf32>,
      tpu.vector_store %arg9[%swap3A_173, %swap3A_174], %broadcast_in_dim3A_6 {strides = array<i32>} : memref<256x64xf32, #tpu.memory_space<vmem>>, vector<16xf32>,
      %swap3A_176 = arith.index_cast %scan3A_169 : i32 to index
      %swap3A_177 = arith.constant 32 : index
      %swap3A_178 = tpu.vector_load %arg9[%swap3A_176, %swap3A_177] {strides = array<i32>} : memref<256x64xf32, #tpu.memory_space<vmem>>, vector<16xf32>,
      tpu.vector_store %arg9[%swap3A_176, %swap3A_177], %broadcast_in_dim3A_6 {strides = array<i32>} : memref<256x64xf32, #tpu.memory_space<vmem>>, vector<16xf32>,
      %swap3A_179 = arith.index_cast %scan3A_169 : i32 to index
      %swap3A_180 = arith.constant 48 : index
      %swap3A_181 = tpu.vector_load %arg9[%swap3A_179, %swap3A_180] {strides = array<i32>} : memref<256x64xf32, #tpu.memory_space<vmem>>, vector<16xf32>,
      tpu.vector_store %arg9[%swap3A_179, %swap3A_180], %broadcast_in_dim3A_6 {strides = array<i32>} : memref<256x64xf32, #tpu.memory_space<vmem>>, vector<16xf32>,
      %scan3A_182 = arith.constant 0 : i32
      scf.yield %scan3A_182 : i32
    }
    %scan3A_12 = arith.constant 256 : i32
    %broadcast_in_dim3A_13 = arith.constant 0.000000e+00 : f32
    %broadcast_in_dim3A_14 = vector.broadcast %broadcast_in_dim3A_13 : f32 to vector<16xf32>
    %scan3A_15 = arith.constant 0 : i32
    %scan3A_16 = arith.constant 0 : i32
    %scan3A_17 = arith.constant 256 : i32
    %scan3A_18 = arith.addi %scan3A_16, %scan3A_17 : i32
    %scan3A_19 = arith.constant 1 : i32
    %scan3A_20 = scf.for %scan3A_169 = %scan3A_16 to %scan3A_18 step %scan3A_19 iter_args(%scan3A_170 = %scan3A_15) -> (i32)  : i32 {
      %swap3A = arith.index_cast %scan3A_169 : i32 to index
      %swap3A_171 = arith.constant 0 : index
      %swap3A_172 = tpu.vector_load %arg10[%swap3A, %swap3A_171] {strides = array<i32>} : memref<256x16xf32, #tpu.memory_space<vmem>>, vector<16xf32>,
      tpu.vector_store %arg10[%swap3A, %swap3A_171], %broadcast_in_dim3A_14 {strides = array<i32>} : memref<256x16xf32, #tpu.memory_space<vmem>>, vector<16xf32>,
      %scan3A_173 = arith.constant 0 : i32
      scf.yield %scan3A_173 : i32
    }
    %scan3A_21 = arith.constant 256 : i32
    %mul3A_22 = arith.constant 320 : i32
    %mul3A_23 = arith.muli %arg1, %mul3A_22 : i32
    %add3A_24 = arith.constant 0 : i32
    %add3A_25 = arith.addi %mul3A_23, %add3A_24 : i32
    "tpu.region"() ({
      %run_scoped3A = tpu.sem_alloc : memref<!tpu.dma_semaphore, #tpu.memory_space<semaphore_mem>>
      %dma_start3A_169 = arith.constant 0 : i32
      %dma_start3A_170 = arith.constant 0 : i32
      %dma_start3A_171 = tpu.memref_slice %arg9[%dma_start3A_169, %dma_start3A_170] : memref<256x64xf32, #tpu.memory_space<vmem>> -> memref<160x64xf32, #tpu.memory_space<vmem>>
      %dma_start3A_172 = arith.constant 0 : i32
      %dma_start3A_173 = tpu.memref_slice %arg17[%add3A_25, %dma_start3A_172] : memref<10240x64xf32, #tpu.memory_space<vmem_shared>> -> memref<160x64xf32, #tpu.memory_space<vmem_shared>>
      %dma_start3A_174 = arith.constant 0 : i32
      %dma_start3A_175 = tpu.memref_slice %arg17[%add3A_25, %dma_start3A_174] : memref<10240x64xf32, #tpu.memory_space<vmem_shared>> -> memref<160x64xf32, #tpu.memory_space<vmem_shared>>
      %dma_start3A_176 = arith.constant 0 : i32
      %dma_start3A_177 = arith.constant 0 : i32
      %dma_start3A_178 = tpu.memref_slice %arg9[%dma_start3A_176, %dma_start3A_177] : memref<256x64xf32, #tpu.memory_space<vmem>> -> memref<160x64xf32, #tpu.memory_space<vmem>>
      tpu.enqueue_dma source(%dma_start3A_178 : memref<160x64xf32, #tpu.memory_space<vmem>>) target(%dma_start3A_175 : memref<160x64xf32, #tpu.memory_space<vmem_shared>>) target_semaphore(%run_scoped3A : memref<!tpu.dma_semaphore, #tpu.memory_space<semaphore_mem>>)
      %dma_wait3A = arith.constant 0 : i32
      %dma_wait3A_179 = arith.constant 0 : i32
      %dma_wait3A_180 = tpu.memref_slice %arg9[%dma_wait3A, %dma_wait3A_179] : memref<256x64xf32, #tpu.memory_space<vmem>> -> memref<160x64xf32, #tpu.memory_space<vmem>>
      %dma_wait3A_181 = arith.constant 0 : i32
      %dma_wait3A_182 = tpu.memref_slice %arg17[%add3A_25, %dma_wait3A_181] : memref<10240x64xf32, #tpu.memory_space<vmem_shared>> -> memref<160x64xf32, #tpu.memory_space<vmem_shared>>
      %dma_wait3A_183 = arith.constant 0 : i32
      %dma_wait3A_184 = tpu.memref_slice %arg17[%add3A_25, %dma_wait3A_183] : memref<10240x64xf32, #tpu.memory_space<vmem_shared>> -> memref<160x64xf32, #tpu.memory_space<vmem_shared>>
      %dma_wait3A_185 = arith.constant 0 : i32
      %dma_wait3A_186 = arith.constant 0 : i32
      %dma_wait3A_187 = tpu.memref_slice %arg9[%dma_wait3A_185, %dma_wait3A_186] : memref<256x64xf32, #tpu.memory_space<vmem>> -> memref<160x64xf32, #tpu.memory_space<vmem>>
      tpu.wait_dma2 semaphore(%run_scoped3A : memref<!tpu.dma_semaphore, #tpu.memory_space<semaphore_mem>>) src(%dma_wait3A_187 : memref<160x64xf32, #tpu.memory_space<vmem>>) dst(%dma_wait3A_184 : memref<160x64xf32, #tpu.memory_space<vmem_shared>>)
      tpu.yield
    }) : () -> ()
    "tpu.region"() ({
      %run_scoped3A = tpu.sem_alloc : memref<!tpu.dma_semaphore, #tpu.memory_space<semaphore_mem>>
      %dma_start3A_169 = arith.constant 0 : i32
      %dma_start3A_170 = arith.constant 0 : i32
      %dma_start3A_171 = tpu.memref_slice %arg10[%dma_start3A_169, %dma_start3A_170] : memref<256x16xf32, #tpu.memory_space<vmem>> -> memref<160x16xf32, #tpu.memory_space<vmem>>
      %dma_start3A_172 = arith.constant 0 : i32
      %dma_start3A_173 = tpu.memref_slice %arg18[%add3A_25, %dma_start3A_172] : memref<10240x16xf32, #tpu.memory_space<vmem_shared>> -> memref<160x16xf32, #tpu.memory_space<vmem_shared>>
      %dma_start3A_174 = arith.constant 0 : i32
      %dma_start3A_175 = tpu.memref_slice %arg18[%add3A_25, %dma_start3A_174] : memref<10240x16xf32, #tpu.memory_space<vmem_shared>> -> memref<160x16xf32, #tpu.memory_space<vmem_shared>>
      %dma_start3A_176 = arith.constant 0 : i32
      %dma_start3A_177 = arith.constant 0 : i32
      %dma_start3A_178 = tpu.memref_slice %arg10[%dma_start3A_176, %dma_start3A_177] : memref<256x16xf32, #tpu.memory_space<vmem>> -> memref<160x16xf32, #tpu.memory_space<vmem>>
      tpu.enqueue_dma source(%dma_start3A_178 : memref<160x16xf32, #tpu.memory_space<vmem>>) target(%dma_start3A_175 : memref<160x16xf32, #tpu.memory_space<vmem_shared>>) target_semaphore(%run_scoped3A : memref<!tpu.dma_semaphore, #tpu.memory_space<semaphore_mem>>)
      %dma_wait3A = arith.constant 0 : i32
      %dma_wait3A_179 = arith.constant 0 : i32
      %dma_wait3A_180 = tpu.memref_slice %arg10[%dma_wait3A, %dma_wait3A_179] : memref<256x16xf32, #tpu.memory_space<vmem>> -> memref<160x16xf32, #tpu.memory_space<vmem>>
      %dma_wait3A_181 = arith.constant 0 : i32
      %dma_wait3A_182 = tpu.memref_slice %arg18[%add3A_25, %dma_wait3A_181] : memref<10240x16xf32, #tpu.memory_space<vmem_shared>> -> memref<160x16xf32, #tpu.memory_space<vmem_shared>>
      %dma_wait3A_183 = arith.constant 0 : i32
      %dma_wait3A_184 = tpu.memref_slice %arg18[%add3A_25, %dma_wait3A_183] : memref<10240x16xf32, #tpu.memory_space<vmem_shared>> -> memref<160x16xf32, #tpu.memory_space<vmem_shared>>
      %dma_wait3A_185 = arith.constant 0 : i32
      %dma_wait3A_186 = arith.constant 0 : i32
      %dma_wait3A_187 = tpu.memref_slice %arg10[%dma_wait3A_185, %dma_wait3A_186] : memref<256x16xf32, #tpu.memory_space<vmem>> -> memref<160x16xf32, #tpu.memory_space<vmem>>
      tpu.wait_dma2 semaphore(%run_scoped3A : memref<!tpu.dma_semaphore, #tpu.memory_space<semaphore_mem>>) src(%dma_wait3A_187 : memref<160x16xf32, #tpu.memory_space<vmem>>) dst(%dma_wait3A_184 : memref<160x16xf32, #tpu.memory_space<vmem_shared>>)
      tpu.yield
    }) : () -> ()
    %mul3A_26 = arith.constant 320 : i32
    %mul3A_27 = arith.muli %arg1, %mul3A_26 : i32
    %add3A_28 = arith.constant 160 : i32
    %add3A_29 = arith.addi %mul3A_27, %add3A_28 : i32
    "tpu.region"() ({
      %run_scoped3A = tpu.sem_alloc : memref<!tpu.dma_semaphore, #tpu.memory_space<semaphore_mem>>
      %dma_start3A_169 = arith.constant 0 : i32
      %dma_start3A_170 = arith.constant 0 : i32
      %dma_start3A_171 = tpu.memref_slice %arg9[%dma_start3A_169, %dma_start3A_170] : memref<256x64xf32, #tpu.memory_space<vmem>> -> memref<160x64xf32, #tpu.memory_space<vmem>>
      %dma_start3A_172 = arith.constant 0 : i32
      %dma_start3A_173 = tpu.memref_slice %arg17[%add3A_29, %dma_start3A_172] : memref<10240x64xf32, #tpu.memory_space<vmem_shared>> -> memref<160x64xf32, #tpu.memory_space<vmem_shared>>
      %dma_start3A_174 = arith.constant 0 : i32
      %dma_start3A_175 = tpu.memref_slice %arg17[%add3A_29, %dma_start3A_174] : memref<10240x64xf32, #tpu.memory_space<vmem_shared>> -> memref<160x64xf32, #tpu.memory_space<vmem_shared>>
      %dma_start3A_176 = arith.constant 0 : i32
      %dma_start3A_177 = arith.constant 0 : i32
      %dma_start3A_178 = tpu.memref_slice %arg9[%dma_start3A_176, %dma_start3A_177] : memref<256x64xf32, #tpu.memory_space<vmem>> -> memref<160x64xf32, #tpu.memory_space<vmem>>
      tpu.enqueue_dma source(%dma_start3A_178 : memref<160x64xf32, #tpu.memory_space<vmem>>) target(%dma_start3A_175 : memref<160x64xf32, #tpu.memory_space<vmem_shared>>) target_semaphore(%run_scoped3A : memref<!tpu.dma_semaphore, #tpu.memory_space<semaphore_mem>>)
      %dma_wait3A = arith.constant 0 : i32
      %dma_wait3A_179 = arith.constant 0 : i32
      %dma_wait3A_180 = tpu.memref_slice %arg9[%dma_wait3A, %dma_wait3A_179] : memref<256x64xf32, #tpu.memory_space<vmem>> -> memref<160x64xf32, #tpu.memory_space<vmem>>
      %dma_wait3A_181 = arith.constant 0 : i32
      %dma_wait3A_182 = tpu.memref_slice %arg17[%add3A_29, %dma_wait3A_181] : memref<10240x64xf32, #tpu.memory_space<vmem_shared>> -> memref<160x64xf32, #tpu.memory_space<vmem_shared>>
      %dma_wait3A_183 = arith.constant 0 : i32
      %dma_wait3A_184 = tpu.memref_slice %arg17[%add3A_29, %dma_wait3A_183] : memref<10240x64xf32, #tpu.memory_space<vmem_shared>> -> memref<160x64xf32, #tpu.memory_space<vmem_shared>>
      %dma_wait3A_185 = arith.constant 0 : i32
      %dma_wait3A_186 = arith.constant 0 : i32
      %dma_wait3A_187 = tpu.memref_slice %arg9[%dma_wait3A_185, %dma_wait3A_186] : memref<256x64xf32, #tpu.memory_space<vmem>> -> memref<160x64xf32, #tpu.memory_space<vmem>>
      tpu.wait_dma2 semaphore(%run_scoped3A : memref<!tpu.dma_semaphore, #tpu.memory_space<semaphore_mem>>) src(%dma_wait3A_187 : memref<160x64xf32, #tpu.memory_space<vmem>>) dst(%dma_wait3A_184 : memref<160x64xf32, #tpu.memory_space<vmem_shared>>)
      tpu.yield
    }) : () -> ()
    "tpu.region"() ({
      %run_scoped3A = tpu.sem_alloc : memref<!tpu.dma_semaphore, #tpu.memory_space<semaphore_mem>>
      %dma_start3A_169 = arith.constant 0 : i32
      %dma_start3A_170 = arith.constant 0 : i32
      %dma_start3A_171 = tpu.memref_slice %arg10[%dma_start3A_169, %dma_start3A_170] : memref<256x16xf32, #tpu.memory_space<vmem>> -> memref<160x16xf32, #tpu.memory_space<vmem>>
      %dma_start3A_172 = arith.constant 0 : i32
      %dma_start3A_173 = tpu.memref_slice %arg18[%add3A_29, %dma_start3A_172] : memref<10240x16xf32, #tpu.memory_space<vmem_shared>> -> memref<160x16xf32, #tpu.memory_space<vmem_shared>>
      %dma_start3A_174 = arith.constant 0 : i32
      %dma_start3A_175 = tpu.memref_slice %arg18[%add3A_29, %dma_start3A_174] : memref<10240x16xf32, #tpu.memory_space<vmem_shared>> -> memref<160x16xf32, #tpu.memory_space<vmem_shared>>
      %dma_start3A_176 = arith.constant 0 : i32
      %dma_start3A_177 = arith.constant 0 : i32
      %dma_start3A_178 = tpu.memref_slice %arg10[%dma_start3A_176, %dma_start3A_177] : memref<256x16xf32, #tpu.memory_space<vmem>> -> memref<160x16xf32, #tpu.memory_space<vmem>>
      tpu.enqueue_dma source(%dma_start3A_178 : memref<160x16xf32, #tpu.memory_space<vmem>>) target(%dma_start3A_175 : memref<160x16xf32, #tpu.memory_space<vmem_shared>>) target_semaphore(%run_scoped3A : memref<!tpu.dma_semaphore, #tpu.memory_space<semaphore_mem>>)
      %dma_wait3A = arith.constant 0 : i32
      %dma_wait3A_179 = arith.constant 0 : i32
      %dma_wait3A_180 = tpu.memref_slice %arg10[%dma_wait3A, %dma_wait3A_179] : memref<256x16xf32, #tpu.memory_space<vmem>> -> memref<160x16xf32, #tpu.memory_space<vmem>>
      %dma_wait3A_181 = arith.constant 0 : i32
      %dma_wait3A_182 = tpu.memref_slice %arg18[%add3A_29, %dma_wait3A_181] : memref<10240x16xf32, #tpu.memory_space<vmem_shared>> -> memref<160x16xf32, #tpu.memory_space<vmem_shared>>
      %dma_wait3A_183 = arith.constant 0 : i32
      %dma_wait3A_184 = tpu.memref_slice %arg18[%add3A_29, %dma_wait3A_183] : memref<10240x16xf32, #tpu.memory_space<vmem_shared>> -> memref<160x16xf32, #tpu.memory_space<vmem_shared>>
      %dma_wait3A_185 = arith.constant 0 : i32
      %dma_wait3A_186 = arith.constant 0 : i32
      %dma_wait3A_187 = tpu.memref_slice %arg10[%dma_wait3A_185, %dma_wait3A_186] : memref<256x16xf32, #tpu.memory_space<vmem>> -> memref<160x16xf32, #tpu.memory_space<vmem>>
      tpu.wait_dma2 semaphore(%run_scoped3A : memref<!tpu.dma_semaphore, #tpu.memory_space<semaphore_mem>>) src(%dma_wait3A_187 : memref<160x16xf32, #tpu.memory_space<vmem>>) dst(%dma_wait3A_184 : memref<160x16xf32, #tpu.memory_space<vmem_shared>>)
      tpu.yield
    }) : () -> ()
    %barrier3A = arith.constant 0 : index
    tpu.barrier barrier_id(%barrier3A)
    %add3A_30 = arith.constant 0 : i32
    %add3A_31 = arith.addi %add3A, %add3A_30 : i32
    "tpu.region"() ({
      %run_scoped3A = tpu.sem_alloc : memref<!tpu.dma_semaphore, #tpu.memory_space<semaphore_mem>>
      %dma_start3A_169 = arith.constant 0 : i32
      %dma_start3A_170 = arith.constant 0 : i32
      %dma_start3A_171 = tpu.memref_slice %arg4[%add3A_31, %dma_start3A_169, %dma_start3A_170] : memref<1344x6x128xi32, #tpu.memory_space<hbm>> -> memref<1x6x128xi32, #tpu.memory_space<hbm>>
      %dma_start3A_172 = tpu.memref_squeeze %dma_start3A_171 : memref<1x6x128xi32, #tpu.memory_space<hbm>> -> memref<6x128xi32, #tpu.memory_space<hbm>>
      %dma_start3A_173 = arith.constant 0 : i32
      %dma_start3A_174 = arith.constant 0 : i32
      %dma_start3A_175 = tpu.memref_slice %arg4[%add3A_31, %dma_start3A_173, %dma_start3A_174] : memref<1344x6x128xi32, #tpu.memory_space<hbm>> -> memref<1x6x128xi32, #tpu.memory_space<hbm>>
      %dma_start3A_176 = tpu.memref_squeeze %dma_start3A_175 : memref<1x6x128xi32, #tpu.memory_space<hbm>> -> memref<6x128xi32, #tpu.memory_space<hbm>>
      tpu.enqueue_dma source(%dma_start3A_176 : memref<6x128xi32, #tpu.memory_space<hbm>>) target(%arg11 : memref<6x128xi32, #tpu.memory_space<vmem>>) target_semaphore(%run_scoped3A : memref<!tpu.dma_semaphore, #tpu.memory_space<semaphore_mem>>)
      %dma_wait3A = arith.constant 0 : i32
      %dma_wait3A_177 = arith.constant 0 : i32
      %dma_wait3A_178 = tpu.memref_slice %arg4[%add3A_31, %dma_wait3A, %dma_wait3A_177] : memref<1344x6x128xi32, #tpu.memory_space<hbm>> -> memref<1x6x128xi32, #tpu.memory_space<hbm>>
      %dma_wait3A_179 = tpu.memref_squeeze %dma_wait3A_178 : memref<1x6x128xi32, #tpu.memory_space<hbm>> -> memref<6x128xi32, #tpu.memory_space<hbm>>
      %dma_wait3A_180 = arith.constant 0 : i32
      %dma_wait3A_181 = arith.constant 0 : i32
      %dma_wait3A_182 = tpu.memref_slice %arg4[%add3A_31, %dma_wait3A_180, %dma_wait3A_181] : memref<1344x6x128xi32, #tpu.memory_space<hbm>> -> memref<1x6x128xi32, #tpu.memory_space<hbm>>
      %dma_wait3A_183 = tpu.memref_squeeze %dma_wait3A_182 : memref<1x6x128xi32, #tpu.memory_space<hbm>> -> memref<6x128xi32, #tpu.memory_space<hbm>>
      tpu.wait_dma2 semaphore(%run_scoped3A : memref<!tpu.dma_semaphore, #tpu.memory_space<semaphore_mem>>) src(%dma_wait3A_183 : memref<6x128xi32, #tpu.memory_space<hbm>>) dst(%arg11 : memref<6x128xi32, #tpu.memory_space<vmem>>)
      tpu.yield
    }) : () -> ()
    %dma_start3A = arith.constant 0 : i32
    %dma_start3A_32 = arith.constant 0 : i32
    %dma_start3A_33 = arith.constant 0 : i32
    %dma_start3A_34 = tpu.memref_slice %arg7[%dma_start3A_32, %dma_start3A_33] : memref<256x16xf32, #tpu.memory_space<vmem>> -> memref<128x16xf32, #tpu.memory_space<vmem>>
    %dma_start3A_35 = arith.constant 0 : i32
    %dma_start3A_36 = tpu.memref_slice %arg11[%dma_start3A, %dma_start3A_35] : memref<6x128xi32, #tpu.memory_space<vmem>> -> memref<1x128xi32, #tpu.memory_space<vmem>>
    %dma_start3A_37 = tpu.memref_squeeze %dma_start3A_36 : memref<1x128xi32, #tpu.memory_space<vmem>> -> memref<128xi32, #tpu.memory_space<vmem>>
    %dma_start3A_38 = arith.constant 0 : i32
    %dma_start3A_39 = arith.constant 0 : i32
    %dma_start3A_40 = tpu.memref_slice %arg3[%dma_start3A_38, %dma_start3A_39] : memref<10000x16xf32, #tpu.memory_space<hbm>> -> memref<10000x16xf32, #tpu.memory_space<hbm>>
    tpu.enqueue_indirect_dma source(%dma_start3A_40 : memref<10000x16xf32, #tpu.memory_space<hbm>>) target(%dma_start3A_34 : memref<128x16xf32, #tpu.memory_space<vmem>>) offsets(%dma_start3A_37 : memref<128xi32, #tpu.memory_space<vmem>>) semaphore(%arg19 : memref<!tpu.dma_semaphore, #tpu.memory_space<semaphore_mem>>)
    %dma_start3A_41 = arith.constant 2 : i32
    %dma_start3A_42 = arith.constant 0 : i32
    %dma_start3A_43 = arith.constant 0 : i32
    %dma_start3A_44 = tpu.memref_slice %arg8[%dma_start3A_42, %dma_start3A_43] : memref<256x16xf32, #tpu.memory_space<vmem>> -> memref<128x16xf32, #tpu.memory_space<vmem>>
    %dma_start3A_45 = arith.constant 0 : i32
    %dma_start3A_46 = tpu.memref_slice %arg11[%dma_start3A_41, %dma_start3A_45] : memref<6x128xi32, #tpu.memory_space<vmem>> -> memref<1x128xi32, #tpu.memory_space<vmem>>
    %dma_start3A_47 = tpu.memref_squeeze %dma_start3A_46 : memref<1x128xi32, #tpu.memory_space<vmem>> -> memref<128xi32, #tpu.memory_space<vmem>>
    %dma_start3A_48 = arith.constant 0 : i32
    %dma_start3A_49 = arith.constant 0 : i32
    %dma_start3A_50 = tpu.memref_slice %arg3[%dma_start3A_48, %dma_start3A_49] : memref<10000x16xf32, #tpu.memory_space<hbm>> -> memref<10000x16xf32, #tpu.memory_space<hbm>>
    tpu.enqueue_indirect_dma source(%dma_start3A_50 : memref<10000x16xf32, #tpu.memory_space<hbm>>) target(%dma_start3A_44 : memref<128x16xf32, #tpu.memory_space<vmem>>) offsets(%dma_start3A_47 : memref<128xi32, #tpu.memory_space<vmem>>) semaphore(%arg19 : memref<!tpu.dma_semaphore, #tpu.memory_space<semaphore_mem>>)
    %dma_start3A_51 = arith.constant 0 : i32
    %dma_start3A_52 = arith.constant 0 : i32
    %dma_start3A_53 = arith.constant 0 : i32
    %dma_start3A_54 = tpu.memref_slice %arg9[%dma_start3A_52, %dma_start3A_53] : memref<256x64xf32, #tpu.memory_space<vmem>> -> memref<128x64xf32, #tpu.memory_space<vmem>>
    %dma_start3A_55 = arith.constant 0 : i32
    %dma_start3A_56 = tpu.memref_slice %arg11[%dma_start3A_51, %dma_start3A_55] : memref<6x128xi32, #tpu.memory_space<vmem>> -> memref<1x128xi32, #tpu.memory_space<vmem>>
    %dma_start3A_57 = tpu.memref_squeeze %dma_start3A_56 : memref<1x128xi32, #tpu.memory_space<vmem>> -> memref<128xi32, #tpu.memory_space<vmem>>
    %dma_start3A_58 = arith.constant 0 : i32
    %dma_start3A_59 = arith.constant 0 : i32
    %dma_start3A_60 = tpu.memref_slice %arg2[%dma_start3A_58, %dma_start3A_59] : memref<10000x64xf32, #tpu.memory_space<hbm>> -> memref<10000x64xf32, #tpu.memory_space<hbm>>
    tpu.enqueue_indirect_dma source(%dma_start3A_60 : memref<10000x64xf32, #tpu.memory_space<hbm>>) target(%dma_start3A_54 : memref<128x64xf32, #tpu.memory_space<vmem>>) offsets(%dma_start3A_57 : memref<128xi32, #tpu.memory_space<vmem>>) semaphore(%arg19 : memref<!tpu.dma_semaphore, #tpu.memory_space<semaphore_mem>>)
    %dma_start3A_61 = arith.constant 1 : i32
    %dma_start3A_62 = arith.constant 128 : i32
    %dma_start3A_63 = arith.constant 0 : i32
    %dma_start3A_64 = tpu.memref_slice %arg7[%dma_start3A_62, %dma_start3A_63] : memref<256x16xf32, #tpu.memory_space<vmem>> -> memref<128x16xf32, #tpu.memory_space<vmem>>
    %dma_start3A_65 = arith.constant 0 : i32
    %dma_start3A_66 = tpu.memref_slice %arg11[%dma_start3A_61, %dma_start3A_65] : memref<6x128xi32, #tpu.memory_space<vmem>> -> memref<1x128xi32, #tpu.memory_space<vmem>>
    %dma_start3A_67 = tpu.memref_squeeze %dma_start3A_66 : memref<1x128xi32, #tpu.memory_space<vmem>> -> memref<128xi32, #tpu.memory_space<vmem>>
    %dma_start3A_68 = arith.constant 0 : i32
    %dma_start3A_69 = arith.constant 0 : i32
    %dma_start3A_70 = tpu.memref_slice %arg3[%dma_start3A_68, %dma_start3A_69] : memref<10000x16xf32, #tpu.memory_space<hbm>> -> memref<10000x16xf32, #tpu.memory_space<hbm>>
    tpu.enqueue_indirect_dma source(%dma_start3A_70 : memref<10000x16xf32, #tpu.memory_space<hbm>>) target(%dma_start3A_64 : memref<128x16xf32, #tpu.memory_space<vmem>>) offsets(%dma_start3A_67 : memref<128xi32, #tpu.memory_space<vmem>>) semaphore(%arg19 : memref<!tpu.dma_semaphore, #tpu.memory_space<semaphore_mem>>)
    %dma_start3A_71 = arith.constant 3 : i32
    %dma_start3A_72 = arith.constant 128 : i32
    %dma_start3A_73 = arith.constant 0 : i32
    %dma_start3A_74 = tpu.memref_slice %arg8[%dma_start3A_72, %dma_start3A_73] : memref<256x16xf32, #tpu.memory_space<vmem>> -> memref<128x16xf32, #tpu.memory_space<vmem>>
    %dma_start3A_75 = arith.constant 0 : i32
    %dma_start3A_76 = tpu.memref_slice %arg11[%dma_start3A_71, %dma_start3A_75] : memref<6x128xi32, #tpu.memory_space<vmem>> -> memref<1x128xi32, #tpu.memory_space<vmem>>
    %dma_start3A_77 = tpu.memref_squeeze %dma_start3A_76 : memref<1x128xi32, #tpu.memory_space<vmem>> -> memref<128xi32, #tpu.memory_space<vmem>>
    %dma_start3A_78 = arith.constant 0 : i32
    %dma_start3A_79 = arith.constant 0 : i32
    %dma_start3A_80 = tpu.memref_slice %arg3[%dma_start3A_78, %dma_start3A_79] : memref<10000x16xf32, #tpu.memory_space<hbm>> -> memref<10000x16xf32, #tpu.memory_space<hbm>>
    tpu.enqueue_indirect_dma source(%dma_start3A_80 : memref<10000x16xf32, #tpu.memory_space<hbm>>) target(%dma_start3A_74 : memref<128x16xf32, #tpu.memory_space<vmem>>) offsets(%dma_start3A_77 : memref<128xi32, #tpu.memory_space<vmem>>) semaphore(%arg19 : memref<!tpu.dma_semaphore, #tpu.memory_space<semaphore_mem>>)
    %dma_start3A_81 = arith.constant 1 : i32
    %dma_start3A_82 = arith.constant 128 : i32
    %dma_start3A_83 = arith.constant 0 : i32
    %dma_start3A_84 = tpu.memref_slice %arg9[%dma_start3A_82, %dma_start3A_83] : memref<256x64xf32, #tpu.memory_space<vmem>> -> memref<128x64xf32, #tpu.memory_space<vmem>>
    %dma_start3A_85 = arith.constant 0 : i32
    %dma_start3A_86 = tpu.memref_slice %arg11[%dma_start3A_81, %dma_start3A_85] : memref<6x128xi32, #tpu.memory_space<vmem>> -> memref<1x128xi32, #tpu.memory_space<vmem>>
    %dma_start3A_87 = tpu.memref_squeeze %dma_start3A_86 : memref<1x128xi32, #tpu.memory_space<vmem>> -> memref<128xi32, #tpu.memory_space<vmem>>
    %dma_start3A_88 = arith.constant 0 : i32
    %dma_start3A_89 = arith.constant 0 : i32
    %dma_start3A_90 = tpu.memref_slice %arg2[%dma_start3A_88, %dma_start3A_89] : memref<10000x64xf32, #tpu.memory_space<hbm>> -> memref<10000x64xf32, #tpu.memory_space<hbm>>
    tpu.enqueue_indirect_dma source(%dma_start3A_90 : memref<10000x64xf32, #tpu.memory_space<hbm>>) target(%dma_start3A_84 : memref<128x64xf32, #tpu.memory_space<vmem>>) offsets(%dma_start3A_87 : memref<128xi32, #tpu.memory_space<vmem>>) semaphore(%arg19 : memref<!tpu.dma_semaphore, #tpu.memory_space<semaphore_mem>>)
    %add3A_91 = arith.constant 32 : i32
    %add3A_92 = arith.addi %add3A, %add3A_91 : i32
    "tpu.region"() ({
      %run_scoped3A = tpu.sem_alloc : memref<!tpu.dma_semaphore, #tpu.memory_space<semaphore_mem>>
      %dma_start3A_169 = arith.constant 0 : i32
      %dma_start3A_170 = arith.constant 0 : i32
      %dma_start3A_171 = tpu.memref_slice %arg4[%add3A_92, %dma_start3A_169, %dma_start3A_170] : memref<1344x6x128xi32, #tpu.memory_space<hbm>> -> memref<1x6x128xi32, #tpu.memory_space<hbm>>
      %dma_start3A_172 = tpu.memref_squeeze %dma_start3A_171 : memref<1x6x128xi32, #tpu.memory_space<hbm>> -> memref<6x128xi32, #tpu.memory_space<hbm>>
      %dma_start3A_173 = arith.constant 0 : i32
      %dma_start3A_174 = arith.constant 0 : i32
      %dma_start3A_175 = tpu.memref_slice %arg4[%add3A_92, %dma_start3A_173, %dma_start3A_174] : memref<1344x6x128xi32, #tpu.memory_space<hbm>> -> memref<1x6x128xi32, #tpu.memory_space<hbm>>
      %dma_start3A_176 = tpu.memref_squeeze %dma_start3A_175 : memref<1x6x128xi32, #tpu.memory_space<hbm>> -> memref<6x128xi32, #tpu.memory_space<hbm>>
      tpu.enqueue_dma source(%dma_start3A_176 : memref<6x128xi32, #tpu.memory_space<hbm>>) target(%arg16 : memref<6x128xi32, #tpu.memory_space<vmem>>) target_semaphore(%run_scoped3A : memref<!tpu.dma_semaphore, #tpu.memory_space<semaphore_mem>>)
      %dma_wait3A = arith.constant 0 : i32
      %dma_wait3A_177 = arith.constant 0 : i32
      %dma_wait3A_178 = tpu.memref_slice %arg4[%add3A_92, %dma_wait3A, %dma_wait3A_177] : memref<1344x6x128xi32, #tpu.memory_space<hbm>> -> memref<1x6x128xi32, #tpu.memory_space<hbm>>
      %dma_wait3A_179 = tpu.memref_squeeze %dma_wait3A_178 : memref<1x6x128xi32, #tpu.memory_space<hbm>> -> memref<6x128xi32, #tpu.memory_space<hbm>>
      %dma_wait3A_180 = arith.constant 0 : i32
      %dma_wait3A_181 = arith.constant 0 : i32
      %dma_wait3A_182 = tpu.memref_slice %arg4[%add3A_92, %dma_wait3A_180, %dma_wait3A_181] : memref<1344x6x128xi32, #tpu.memory_space<hbm>> -> memref<1x6x128xi32, #tpu.memory_space<hbm>>
      %dma_wait3A_183 = tpu.memref_squeeze %dma_wait3A_182 : memref<1x6x128xi32, #tpu.memory_space<hbm>> -> memref<6x128xi32, #tpu.memory_space<hbm>>
      tpu.wait_dma2 semaphore(%run_scoped3A : memref<!tpu.dma_semaphore, #tpu.memory_space<semaphore_mem>>) src(%dma_wait3A_183 : memref<6x128xi32, #tpu.memory_space<hbm>>) dst(%arg16 : memref<6x128xi32, #tpu.memory_space<vmem>>)
      tpu.yield
    }) : () -> ()
    %dma_start3A_93 = arith.constant 0 : i32
    %dma_start3A_94 = arith.constant 0 : i32
    %dma_start3A_95 = arith.constant 0 : i32
    %dma_start3A_96 = tpu.memref_slice %arg12[%dma_start3A_94, %dma_start3A_95] : memref<256x16xf32, #tpu.memory_space<vmem>> -> memref<128x16xf32, #tpu.memory_space<vmem>>
    %dma_start3A_97 = arith.constant 0 : i32
    %dma_start3A_98 = tpu.memref_slice %arg16[%dma_start3A_93, %dma_start3A_97] : memref<6x128xi32, #tpu.memory_space<vmem>> -> memref<1x128xi32, #tpu.memory_space<vmem>>
    %dma_start3A_99 = tpu.memref_squeeze %dma_start3A_98 : memref<1x128xi32, #tpu.memory_space<vmem>> -> memref<128xi32, #tpu.memory_space<vmem>>
    %dma_start3A_100 = arith.constant 0 : i32
    %dma_start3A_101 = arith.constant 0 : i32
    %dma_start3A_102 = tpu.memref_slice %arg3[%dma_start3A_100, %dma_start3A_101] : memref<10000x16xf32, #tpu.memory_space<hbm>> -> memref<10000x16xf32, #tpu.memory_space<hbm>>
    tpu.enqueue_indirect_dma source(%dma_start3A_102 : memref<10000x16xf32, #tpu.memory_space<hbm>>) target(%dma_start3A_96 : memref<128x16xf32, #tpu.memory_space<vmem>>) offsets(%dma_start3A_99 : memref<128xi32, #tpu.memory_space<vmem>>) semaphore(%arg20 : memref<!tpu.dma_semaphore, #tpu.memory_space<semaphore_mem>>)
    %dma_start3A_103 = arith.constant 2 : i32
    %dma_start3A_104 = arith.constant 0 : i32
    %dma_start3A_105 = arith.constant 0 : i32
    %dma_start3A_106 = tpu.memref_slice %arg13[%dma_start3A_104, %dma_start3A_105] : memref<256x16xf32, #tpu.memory_space<vmem>> -> memref<128x16xf32, #tpu.memory_space<vmem>>
    %dma_start3A_107 = arith.constant 0 : i32
    %dma_start3A_108 = tpu.memref_slice %arg16[%dma_start3A_103, %dma_start3A_107] : memref<6x128xi32, #tpu.memory_space<vmem>> -> memref<1x128xi32, #tpu.memory_space<vmem>>
    %dma_start3A_109 = tpu.memref_squeeze %dma_start3A_108 : memref<1x128xi32, #tpu.memory_space<vmem>> -> memref<128xi32, #tpu.memory_space<vmem>>
    %dma_start3A_110 = arith.constant 0 : i32
    %dma_start3A_111 = arith.constant 0 : i32
    %dma_start3A_112 = tpu.memref_slice %arg3[%dma_start3A_110, %dma_start3A_111] : memref<10000x16xf32, #tpu.memory_space<hbm>> -> memref<10000x16xf32, #tpu.memory_space<hbm>>
    tpu.enqueue_indirect_dma source(%dma_start3A_112 : memref<10000x16xf32, #tpu.memory_space<hbm>>) target(%dma_start3A_106 : memref<128x16xf32, #tpu.memory_space<vmem>>) offsets(%dma_start3A_109 : memref<128xi32, #tpu.memory_space<vmem>>) semaphore(%arg20 : memref<!tpu.dma_semaphore, #tpu.memory_space<semaphore_mem>>)
    %dma_start3A_113 = arith.constant 0 : i32
    %dma_start3A_114 = arith.constant 0 : i32
    %dma_start3A_115 = arith.constant 0 : i32
    %dma_start3A_116 = tpu.memref_slice %arg14[%dma_start3A_114, %dma_start3A_115] : memref<256x64xf32, #tpu.memory_space<vmem>> -> memref<128x64xf32, #tpu.memory_space<vmem>>
    %dma_start3A_117 = arith.constant 0 : i32
    %dma_start3A_118 = tpu.memref_slice %arg16[%dma_start3A_113, %dma_start3A_117] : memref<6x128xi32, #tpu.memory_space<vmem>> -> memref<1x128xi32, #tpu.memory_space<vmem>>
    %dma_start3A_119 = tpu.memref_squeeze %dma_start3A_118 : memref<1x128xi32, #tpu.memory_space<vmem>> -> memref<128xi32, #tpu.memory_space<vmem>>
    %dma_start3A_120 = arith.constant 0 : i32
    %dma_start3A_121 = arith.constant 0 : i32
    %dma_start3A_122 = tpu.memref_slice %arg2[%dma_start3A_120, %dma_start3A_121] : memref<10000x64xf32, #tpu.memory_space<hbm>> -> memref<10000x64xf32, #tpu.memory_space<hbm>>
    tpu.enqueue_indirect_dma source(%dma_start3A_122 : memref<10000x64xf32, #tpu.memory_space<hbm>>) target(%dma_start3A_116 : memref<128x64xf32, #tpu.memory_space<vmem>>) offsets(%dma_start3A_119 : memref<128xi32, #tpu.memory_space<vmem>>) semaphore(%arg20 : memref<!tpu.dma_semaphore, #tpu.memory_space<semaphore_mem>>)
    %dma_start3A_123 = arith.constant 1 : i32
    %dma_start3A_124 = arith.constant 128 : i32
    %dma_start3A_125 = arith.constant 0 : i32
    %dma_start3A_126 = tpu.memref_slice %arg12[%dma_start3A_124, %dma_start3A_125] : memref<256x16xf32, #tpu.memory_space<vmem>> -> memref<128x16xf32, #tpu.memory_space<vmem>>
    %dma_start3A_127 = arith.constant 0 : i32
    %dma_start3A_128 = tpu.memref_slice %arg16[%dma_start3A_123, %dma_start3A_127] : memref<6x128xi32, #tpu.memory_space<vmem>> -> memref<1x128xi32, #tpu.memory_space<vmem>>
    %dma_start3A_129 = tpu.memref_squeeze %dma_start3A_128 : memref<1x128xi32, #tpu.memory_space<vmem>> -> memref<128xi32, #tpu.memory_space<vmem>>
    %dma_start3A_130 = arith.constant 0 : i32
    %dma_start3A_131 = arith.constant 0 : i32
    %dma_start3A_132 = tpu.memref_slice %arg3[%dma_start3A_130, %dma_start3A_131] : memref<10000x16xf32, #tpu.memory_space<hbm>> -> memref<10000x16xf32, #tpu.memory_space<hbm>>
    tpu.enqueue_indirect_dma source(%dma_start3A_132 : memref<10000x16xf32, #tpu.memory_space<hbm>>) target(%dma_start3A_126 : memref<128x16xf32, #tpu.memory_space<vmem>>) offsets(%dma_start3A_129 : memref<128xi32, #tpu.memory_space<vmem>>) semaphore(%arg20 : memref<!tpu.dma_semaphore, #tpu.memory_space<semaphore_mem>>)
    %dma_start3A_133 = arith.constant 3 : i32
    %dma_start3A_134 = arith.constant 128 : i32
    %dma_start3A_135 = arith.constant 0 : i32
    %dma_start3A_136 = tpu.memref_slice %arg13[%dma_start3A_134, %dma_start3A_135] : memref<256x16xf32, #tpu.memory_space<vmem>> -> memref<128x16xf32, #tpu.memory_space<vmem>>
    %dma_start3A_137 = arith.constant 0 : i32
    %dma_start3A_138 = tpu.memref_slice %arg16[%dma_start3A_133, %dma_start3A_137] : memref<6x128xi32, #tpu.memory_space<vmem>> -> memref<1x128xi32, #tpu.memory_space<vmem>>
    %dma_start3A_139 = tpu.memref_squeeze %dma_start3A_138 : memref<1x128xi32, #tpu.memory_space<vmem>> -> memref<128xi32, #tpu.memory_space<vmem>>
    %dma_start3A_140 = arith.constant 0 : i32
    %dma_start3A_141 = arith.constant 0 : i32
    %dma_start3A_142 = tpu.memref_slice %arg3[%dma_start3A_140, %dma_start3A_141] : memref<10000x16xf32, #tpu.memory_space<hbm>> -> memref<10000x16xf32, #tpu.memory_space<hbm>>
    tpu.enqueue_indirect_dma source(%dma_start3A_142 : memref<10000x16xf32, #tpu.memory_space<hbm>>) target(%dma_start3A_136 : memref<128x16xf32, #tpu.memory_space<vmem>>) offsets(%dma_start3A_139 : memref<128xi32, #tpu.memory_space<vmem>>) semaphore(%arg20 : memref<!tpu.dma_semaphore, #tpu.memory_space<semaphore_mem>>)
    %dma_start3A_143 = arith.constant 1 : i32
    %dma_start3A_144 = arith.constant 128 : i32
    %dma_start3A_145 = arith.constant 0 : i32
    %dma_start3A_146 = tpu.memref_slice %arg14[%dma_start3A_144, %dma_start3A_145] : memref<256x64xf32, #tpu.memory_space<vmem>> -> memref<128x64xf32, #tpu.memory_space<vmem>>
    %dma_start3A_147 = arith.constant 0 : i32
    %dma_start3A_148 = tpu.memref_slice %arg16[%dma_start3A_143, %dma_start3A_147] : memref<6x128xi32, #tpu.memory_space<vmem>> -> memref<1x128xi32, #tpu.memory_space<vmem>>
    %dma_start3A_149 = tpu.memref_squeeze %dma_start3A_148 : memref<1x128xi32, #tpu.memory_space<vmem>> -> memref<128xi32, #tpu.memory_space<vmem>>
    %dma_start3A_150 = arith.constant 0 : i32
    %dma_start3A_151 = arith.constant 0 : i32
    %dma_start3A_152 = tpu.memref_slice %arg2[%dma_start3A_150, %dma_start3A_151] : memref<10000x64xf32, #tpu.memory_space<hbm>> -> memref<10000x64xf32, #tpu.memory_space<hbm>>
    tpu.enqueue_indirect_dma source(%dma_start3A_152 : memref<10000x64xf32, #tpu.memory_space<hbm>>) target(%dma_start3A_146 : memref<128x64xf32, #tpu.memory_space<vmem>>) offsets(%dma_start3A_149 : memref<128xi32, #tpu.memory_space<vmem>>) semaphore(%arg20 : memref<!tpu.dma_semaphore, #tpu.memory_space<semaphore_mem>>)
    %scan3A_153 = arith.constant 0 : i32
    %scan3A_154 = arith.constant 0 : i32
    %scan3A_155 = arith.constant 21 : i32
    %scan3A_156 = arith.addi %scan3A_154, %scan3A_155 : i32
    %scan3A_157 = arith.constant 1 : i32
    %scan3A_158 = scf.for %scan3A_169 = %scan3A_154 to %scan3A_156 step %scan3A_157 iter_args(%scan3A_170 = %scan3A_153) -> (i32)  : i32 {
      %dma_wait3A = arith.constant 0 : i32
      %dma_wait3A_171 = arith.constant 0 : i32
      %dma_wait3A_172 = arith.constant 0 : i32
      %dma_wait3A_173 = tpu.memref_slice %arg7[%dma_wait3A_171, %dma_wait3A_172] : memref<256x16xf32, #tpu.memory_space<vmem>> -> memref<128x16xf32, #tpu.memory_space<vmem>>
      %dma_wait3A_174 = arith.constant 0 : i32
      %dma_wait3A_175 = tpu.memref_slice %arg11[%dma_wait3A, %dma_wait3A_174] : memref<6x128xi32, #tpu.memory_space<vmem>> -> memref<1x128xi32, #tpu.memory_space<vmem>>
      %dma_wait3A_176 = tpu.memref_squeeze %dma_wait3A_175 : memref<1x128xi32, #tpu.memory_space<vmem>> -> memref<128xi32, #tpu.memory_space<vmem>>
      %dma_wait3A_177 = arith.constant 0 : i32
      %dma_wait3A_178 = arith.constant 0 : i32
      %dma_wait3A_179 = tpu.memref_slice %arg3[%dma_wait3A_177, %dma_wait3A_178] : memref<10000x16xf32, #tpu.memory_space<hbm>> -> memref<10000x16xf32, #tpu.memory_space<hbm>>
      tpu.wait_indirect_dma semaphore(%arg19 : memref<!tpu.dma_semaphore, #tpu.memory_space<semaphore_mem>>) src(%dma_wait3A_179 : memref<10000x16xf32, #tpu.memory_space<hbm>>) dst(%dma_wait3A_173 : memref<128x16xf32, #tpu.memory_space<vmem>>)
      %dma_wait3A_180 = arith.constant 2 : i32
      %dma_wait3A_181 = arith.constant 0 : i32
      %dma_wait3A_182 = arith.constant 0 : i32
      %dma_wait3A_183 = tpu.memref_slice %arg8[%dma_wait3A_181, %dma_wait3A_182] : memref<256x16xf32, #tpu.memory_space<vmem>> -> memref<128x16xf32, #tpu.memory_space<vmem>>
      %dma_wait3A_184 = arith.constant 0 : i32
      %dma_wait3A_185 = tpu.memref_slice %arg11[%dma_wait3A_180, %dma_wait3A_184] : memref<6x128xi32, #tpu.memory_space<vmem>> -> memref<1x128xi32, #tpu.memory_space<vmem>>
      %dma_wait3A_186 = tpu.memref_squeeze %dma_wait3A_185 : memref<1x128xi32, #tpu.memory_space<vmem>> -> memref<128xi32, #tpu.memory_space<vmem>>
      %dma_wait3A_187 = arith.constant 0 : i32
      %dma_wait3A_188 = arith.constant 0 : i32
      %dma_wait3A_189 = tpu.memref_slice %arg3[%dma_wait3A_187, %dma_wait3A_188] : memref<10000x16xf32, #tpu.memory_space<hbm>> -> memref<10000x16xf32, #tpu.memory_space<hbm>>
      tpu.wait_indirect_dma semaphore(%arg19 : memref<!tpu.dma_semaphore, #tpu.memory_space<semaphore_mem>>) src(%dma_wait3A_189 : memref<10000x16xf32, #tpu.memory_space<hbm>>) dst(%dma_wait3A_183 : memref<128x16xf32, #tpu.memory_space<vmem>>)
      %dma_wait3A_190 = arith.constant 0 : i32
      %dma_wait3A_191 = arith.constant 0 : i32
      %dma_wait3A_192 = arith.constant 0 : i32
      %dma_wait3A_193 = tpu.memref_slice %arg9[%dma_wait3A_191, %dma_wait3A_192] : memref<256x64xf32, #tpu.memory_space<vmem>> -> memref<128x64xf32, #tpu.memory_space<vmem>>
      %dma_wait3A_194 = arith.constant 0 : i32
      %dma_wait3A_195 = tpu.memref_slice %arg11[%dma_wait3A_190, %dma_wait3A_194] : memref<6x128xi32, #tpu.memory_space<vmem>> -> memref<1x128xi32, #tpu.memory_space<vmem>>
      %dma_wait3A_196 = tpu.memref_squeeze %dma_wait3A_195 : memref<1x128xi32, #tpu.memory_space<vmem>> -> memref<128xi32, #tpu.memory_space<vmem>>
      %dma_wait3A_197 = arith.constant 0 : i32
      %dma_wait3A_198 = arith.constant 0 : i32
      %dma_wait3A_199 = tpu.memref_slice %arg2[%dma_wait3A_197, %dma_wait3A_198] : memref<10000x64xf32, #tpu.memory_space<hbm>> -> memref<10000x64xf32, #tpu.memory_space<hbm>>
      tpu.wait_indirect_dma semaphore(%arg19 : memref<!tpu.dma_semaphore, #tpu.memory_space<semaphore_mem>>) src(%dma_wait3A_199 : memref<10000x64xf32, #tpu.memory_space<hbm>>) dst(%dma_wait3A_193 : memref<128x64xf32, #tpu.memory_space<vmem>>)
      %dma_wait3A_200 = arith.constant 1 : i32
      %dma_wait3A_201 = arith.constant 128 : i32
      %dma_wait3A_202 = arith.constant 0 : i32
      %dma_wait3A_203 = tpu.memref_slice %arg7[%dma_wait3A_201, %dma_wait3A_202] : memref<256x16xf32, #tpu.memory_space<vmem>> -> memref<128x16xf32, #tpu.memory_space<vmem>>
      %dma_wait3A_204 = arith.constant 0 : i32
      %dma_wait3A_205 = tpu.memref_slice %arg11[%dma_wait3A_200, %dma_wait3A_204] : memref<6x128xi32, #tpu.memory_space<vmem>> -> memref<1x128xi32, #tpu.memory_space<vmem>>
      %dma_wait3A_206 = tpu.memref_squeeze %dma_wait3A_205 : memref<1x128xi32, #tpu.memory_space<vmem>> -> memref<128xi32, #tpu.memory_space<vmem>>
      %dma_wait3A_207 = arith.constant 0 : i32
      %dma_wait3A_208 = arith.constant 0 : i32
      %dma_wait3A_209 = tpu.memref_slice %arg3[%dma_wait3A_207, %dma_wait3A_208] : memref<10000x16xf32, #tpu.memory_space<hbm>> -> memref<10000x16xf32, #tpu.memory_space<hbm>>
      tpu.wait_indirect_dma semaphore(%arg19 : memref<!tpu.dma_semaphore, #tpu.memory_space<semaphore_mem>>) src(%dma_wait3A_209 : memref<10000x16xf32, #tpu.memory_space<hbm>>) dst(%dma_wait3A_203 : memref<128x16xf32, #tpu.memory_space<vmem>>)
      %dma_wait3A_210 = arith.constant 3 : i32
      %dma_wait3A_211 = arith.constant 128 : i32
      %dma_wait3A_212 = arith.constant 0 : i32
      %dma_wait3A_213 = tpu.memref_slice %arg8[%dma_wait3A_211, %dma_wait3A_212] : memref<256x16xf32, #tpu.memory_space<vmem>> -> memref<128x16xf32, #tpu.memory_space<vmem>>
      %dma_wait3A_214 = arith.constant 0 : i32
      %dma_wait3A_215 = tpu.memref_slice %arg11[%dma_wait3A_210, %dma_wait3A_214] : memref<6x128xi32, #tpu.memory_space<vmem>> -> memref<1x128xi32, #tpu.memory_space<vmem>>
      %dma_wait3A_216 = tpu.memref_squeeze %dma_wait3A_215 : memref<1x128xi32, #tpu.memory_space<vmem>> -> memref<128xi32, #tpu.memory_space<vmem>>
      %dma_wait3A_217 = arith.constant 0 : i32
      %dma_wait3A_218 = arith.constant 0 : i32
      %dma_wait3A_219 = tpu.memref_slice %arg3[%dma_wait3A_217, %dma_wait3A_218] : memref<10000x16xf32, #tpu.memory_space<hbm>> -> memref<10000x16xf32, #tpu.memory_space<hbm>>
      tpu.wait_indirect_dma semaphore(%arg19 : memref<!tpu.dma_semaphore, #tpu.memory_space<semaphore_mem>>) src(%dma_wait3A_219 : memref<10000x16xf32, #tpu.memory_space<hbm>>) dst(%dma_wait3A_213 : memref<128x16xf32, #tpu.memory_space<vmem>>)
      %dma_wait3A_220 = arith.constant 1 : i32
      %dma_wait3A_221 = arith.constant 128 : i32
      %dma_wait3A_222 = arith.constant 0 : i32
      %dma_wait3A_223 = tpu.memref_slice %arg9[%dma_wait3A_221, %dma_wait3A_222] : memref<256x64xf32, #tpu.memory_space<vmem>> -> memref<128x64xf32, #tpu.memory_space<vmem>>
      %dma_wait3A_224 = arith.constant 0 : i32
      %dma_wait3A_225 = tpu.memref_slice %arg11[%dma_wait3A_220, %dma_wait3A_224] : memref<6x128xi32, #tpu.memory_space<vmem>> -> memref<1x128xi32, #tpu.memory_space<vmem>>
      %dma_wait3A_226 = tpu.memref_squeeze %dma_wait3A_225 : memref<1x128xi32, #tpu.memory_space<vmem>> -> memref<128xi32, #tpu.memory_space<vmem>>
      %dma_wait3A_227 = arith.constant 0 : i32
      %dma_wait3A_228 = arith.constant 0 : i32
      %dma_wait3A_229 = tpu.memref_slice %arg2[%dma_wait3A_227, %dma_wait3A_228] : memref<10000x64xf32, #tpu.memory_space<hbm>> -> memref<10000x64xf32, #tpu.memory_space<hbm>>
      tpu.wait_indirect_dma semaphore(%arg19 : memref<!tpu.dma_semaphore, #tpu.memory_space<semaphore_mem>>) src(%dma_wait3A_229 : memref<10000x64xf32, #tpu.memory_space<hbm>>) dst(%dma_wait3A_223 : memref<128x64xf32, #tpu.memory_space<vmem>>)
      %parallel_loop3A = arith.constant 0 : i32
      %parallel_loop3A_230 = arith.constant 128 : i32
      %parallel_loop3A_231 = arith.constant 1 : i32
      scf.for %parallel_loop3A_468 = %parallel_loop3A to %parallel_loop3A_230 step %parallel_loop3A_231  : i32 {
        %parallel_loop3A_469 = arith.constant 2 : i32
        %parallel_loop3A_470 = arith.muli %parallel_loop3A_469, %parallel_loop3A_468 : i32
        %parallel_loop3A_471 = vector.broadcast %parallel_loop3A_470 : i32 to vector<16xi32>
        %parallel_loop3A_472 = arith.addi %parallel_loop3A_471, %convert_element_type3A : vector<16xi32>
        %parallel_loop3A_473 = tpu.vector_load_idx %arg7[%parallel_loop3A_472, %sub3A] : memref<256x16xf32, #tpu.memory_space<vmem>>[vector<16xi32>, vector<16xi32>], vector<16xf32>,
        %parallel_loop3A_474 = arith.constant 8 : i32
        %parallel_loop3A_475 = vector.broadcast %parallel_loop3A_474 : i32 to vector<16xi32>
        %parallel_loop3A_476 = arith.addi %parallel_loop3A_475, %sub3A : vector<16xi32>
        %parallel_loop3A_477 = tpu.vector_load_idx %arg8[%parallel_loop3A_472, %parallel_loop3A_476] : memref<256x16xf32, #tpu.memory_space<vmem>>[vector<16xi32>, vector<16xi32>], vector<16xf32>,
        %parallel_loop3A_478 = arith.constant 7 : i32
        %parallel_loop3A_479 = vector.broadcast %parallel_loop3A_478 : i32 to vector<16xi32>
        %parallel_loop3A_480 = arith.shrsi %parallel_loop3A_472, %parallel_loop3A_479 : vector<16xi32>
        %parallel_loop3A_481 = arith.constant 4 : i32
        %parallel_loop3A_482 = vector.broadcast %parallel_loop3A_481 : i32 to vector<16xi32>
        %parallel_loop3A_483 = arith.addi %parallel_loop3A_482, %parallel_loop3A_480 : vector<16xi32>
        %parallel_loop3A_484 = arith.constant 127 : i32
        %parallel_loop3A_485 = vector.broadcast %parallel_loop3A_484 : i32 to vector<16xi32>
        %parallel_loop3A_486 = arith.andi %parallel_loop3A_472, %parallel_loop3A_485 : vector<16xi32>
        %parallel_loop3A_487 = tpu.vector_load_idx %arg11[%parallel_loop3A_483, %parallel_loop3A_486] : memref<6x128xi32, #tpu.memory_space<vmem>>[vector<16xi32>, vector<16xi32>], vector<16xi32>,
        %parallel_loop3A_488 = arith.addf %parallel_loop3A_473, %parallel_loop3A_477 : vector<16xf32>
        %parallel_loop3A_489 = arith.constant 2.000000e-01 : f32
        %parallel_loop3A_490 = vector.broadcast %parallel_loop3A_489 : f32 to vector<16xf32>
        %parallel_loop3A_491 = arith.mulf %parallel_loop3A_490, %parallel_loop3A_488 : vector<16xf32>
        %parallel_loop3A_492 = arith.maximumf %parallel_loop3A_488, %parallel_loop3A_491 : vector<16xf32>
        %parallel_loop3A_493 = vector.bitcast %parallel_loop3A_487 : vector<16xi32> to vector<16xf32>
        %parallel_loop3A_494 = math.exp %parallel_loop3A_492 : vector<16xf32>
        %parallel_loop3A_495 = arith.mulf %parallel_loop3A_493, %parallel_loop3A_494 : vector<16xf32>
        tpu.vector_store_idx %arg10[%parallel_loop3A_472, %sub3A], %parallel_loop3A_495 : memref<256x16xf32, #tpu.memory_space<vmem>>[vector<16xi32>, vector<16xi32>], vector<16xf32>,
        %parallel_loop3A_496 = arith.constant 2 : i32
        %parallel_loop3A_497 = arith.muli %parallel_loop3A_496, %parallel_loop3A_468 : i32
        %parallel_loop3A_498 = arith.constant 0 : i32
        %parallel_loop3A_499 = arith.addi %parallel_loop3A_497, %parallel_loop3A_498 : i32
        %parallel_loop3A_500 = arith.constant 0 : i32
        %parallel_loop3A_501 = vector.broadcast %parallel_loop3A_500 : i32 to vector<16xi32>
        %parallel_loop3A_502 = arith.addi %parallel_loop3A_501, %convert_element_type3A : vector<16xi32>
        %parallel_loop3A_503 = vector.shape_cast %parallel_loop3A_502 : vector<16xi32> to vector<16x1xi32>
        %parallel_loop3A_504 = vector.shape_cast %parallel_loop3A_503 : vector<16x1xi32> to vector<16xi32>
        %parallel_loop3A_505 = tpu.dynamic_gather %parallel_loop3A_495[%parallel_loop3A_504] in [0] : vector<16xf32>, vector<16xi32> -> vector<16xf32>
        %parallel_loop3A_506 = arith.index_cast %parallel_loop3A_499 : i32 to index
        %parallel_loop3A_507 = arith.constant 0 : index
        %parallel_loop3A_508 = tpu.vector_load %arg9[%parallel_loop3A_506, %parallel_loop3A_507] {strides = array<i32>} : memref<256x64xf32, #tpu.memory_space<vmem>>, vector<16xf32>,
        %parallel_loop3A_509 = arith.mulf %parallel_loop3A_508, %parallel_loop3A_505 : vector<16xf32>
        %parallel_loop3A_510 = arith.index_cast %parallel_loop3A_499 : i32 to index
        %parallel_loop3A_511 = arith.constant 0 : index
        %parallel_loop3A_512 = tpu.vector_load %arg9[%parallel_loop3A_510, %parallel_loop3A_511] {strides = array<i32>} : memref<256x64xf32, #tpu.memory_space<vmem>>, vector<16xf32>,
        tpu.vector_store %arg9[%parallel_loop3A_510, %parallel_loop3A_511], %parallel_loop3A_509 {strides = array<i32>} : memref<256x64xf32, #tpu.memory_space<vmem>>, vector<16xf32>,
        %parallel_loop3A_513 = arith.constant 2 : i32
        %parallel_loop3A_514 = vector.broadcast %parallel_loop3A_513 : i32 to vector<16xi32>
        %parallel_loop3A_515 = arith.addi %parallel_loop3A_514, %convert_element_type3A : vector<16xi32>
        %parallel_loop3A_516 = vector.shape_cast %parallel_loop3A_515 : vector<16xi32> to vector<16x1xi32>
        %parallel_loop3A_517 = vector.shape_cast %parallel_loop3A_516 : vector<16x1xi32> to vector<16xi32>
        %parallel_loop3A_518 = tpu.dynamic_gather %parallel_loop3A_495[%parallel_loop3A_517] in [0] : vector<16xf32>, vector<16xi32> -> vector<16xf32>
        %parallel_loop3A_519 = arith.index_cast %parallel_loop3A_499 : i32 to index
        %parallel_loop3A_520 = arith.constant 16 : index
        %parallel_loop3A_521 = tpu.vector_load %arg9[%parallel_loop3A_519, %parallel_loop3A_520] {strides = array<i32>} : memref<256x64xf32, #tpu.memory_space<vmem>>, vector<16xf32>,
        %parallel_loop3A_522 = arith.mulf %parallel_loop3A_521, %parallel_loop3A_518 : vector<16xf32>
        %parallel_loop3A_523 = arith.index_cast %parallel_loop3A_499 : i32 to index
        %parallel_loop3A_524 = arith.constant 16 : index
        %parallel_loop3A_525 = tpu.vector_load %arg9[%parallel_loop3A_523, %parallel_loop3A_524] {strides = array<i32>} : memref<256x64xf32, #tpu.memory_space<vmem>>, vector<16xf32>,
        tpu.vector_store %arg9[%parallel_loop3A_523, %parallel_loop3A_524], %parallel_loop3A_522 {strides = array<i32>} : memref<256x64xf32, #tpu.memory_space<vmem>>, vector<16xf32>,
        %parallel_loop3A_526 = arith.constant 4 : i32
        %parallel_loop3A_527 = vector.broadcast %parallel_loop3A_526 : i32 to vector<16xi32>
        %parallel_loop3A_528 = arith.addi %parallel_loop3A_527, %convert_element_type3A : vector<16xi32>
        %parallel_loop3A_529 = vector.shape_cast %parallel_loop3A_528 : vector<16xi32> to vector<16x1xi32>
        %parallel_loop3A_530 = vector.shape_cast %parallel_loop3A_529 : vector<16x1xi32> to vector<16xi32>
        %parallel_loop3A_531 = tpu.dynamic_gather %parallel_loop3A_495[%parallel_loop3A_530] in [0] : vector<16xf32>, vector<16xi32> -> vector<16xf32>
        %parallel_loop3A_532 = arith.index_cast %parallel_loop3A_499 : i32 to index
        %parallel_loop3A_533 = arith.constant 32 : index
        %parallel_loop3A_534 = tpu.vector_load %arg9[%parallel_loop3A_532, %parallel_loop3A_533] {strides = array<i32>} : memref<256x64xf32, #tpu.memory_space<vmem>>, vector<16xf32>,
        %parallel_loop3A_535 = arith.mulf %parallel_loop3A_534, %parallel_loop3A_531 : vector<16xf32>
        %parallel_loop3A_536 = arith.index_cast %parallel_loop3A_499 : i32 to index
        %parallel_loop3A_537 = arith.constant 32 : index
        %parallel_loop3A_538 = tpu.vector_load %arg9[%parallel_loop3A_536, %parallel_loop3A_537] {strides = array<i32>} : memref<256x64xf32, #tpu.memory_space<vmem>>, vector<16xf32>,
        tpu.vector_store %arg9[%parallel_loop3A_536, %parallel_loop3A_537], %parallel_loop3A_535 {strides = array<i32>} : memref<256x64xf32, #tpu.memory_space<vmem>>, vector<16xf32>,
        %parallel_loop3A_539 = arith.constant 6 : i32
        %parallel_loop3A_540 = vector.broadcast %parallel_loop3A_539 : i32 to vector<16xi32>
        %parallel_loop3A_541 = arith.addi %parallel_loop3A_540, %convert_element_type3A : vector<16xi32>
        %parallel_loop3A_542 = vector.shape_cast %parallel_loop3A_541 : vector<16xi32> to vector<16x1xi32>
        %parallel_loop3A_543 = vector.shape_cast %parallel_loop3A_542 : vector<16x1xi32> to vector<16xi32>
        %parallel_loop3A_544 = tpu.dynamic_gather %parallel_loop3A_495[%parallel_loop3A_543] in [0] : vector<16xf32>, vector<16xi32> -> vector<16xf32>
        %parallel_loop3A_545 = arith.index_cast %parallel_loop3A_499 : i32 to index
        %parallel_loop3A_546 = arith.constant 48 : index
        %parallel_loop3A_547 = tpu.vector_load %arg9[%parallel_loop3A_545, %parallel_loop3A_546] {strides = array<i32>} : memref<256x64xf32, #tpu.memory_space<vmem>>, vector<16xf32>,
        %parallel_loop3A_548 = arith.mulf %parallel_loop3A_547, %parallel_loop3A_544 : vector<16xf32>
        %parallel_loop3A_549 = arith.index_cast %parallel_loop3A_499 : i32 to index
        %parallel_loop3A_550 = arith.constant 48 : index
        %parallel_loop3A_551 = tpu.vector_load %arg9[%parallel_loop3A_549, %parallel_loop3A_550] {strides = array<i32>} : memref<256x64xf32, #tpu.memory_space<vmem>>, vector<16xf32>,
        tpu.vector_store %arg9[%parallel_loop3A_549, %parallel_loop3A_550], %parallel_loop3A_548 {strides = array<i32>} : memref<256x64xf32, #tpu.memory_space<vmem>>, vector<16xf32>,
        %parallel_loop3A_552 = arith.constant 2 : i32
        %parallel_loop3A_553 = arith.muli %parallel_loop3A_552, %parallel_loop3A_468 : i32
        %parallel_loop3A_554 = arith.constant 1 : i32
        %parallel_loop3A_555 = arith.addi %parallel_loop3A_553, %parallel_loop3A_554 : i32
        %parallel_loop3A_556 = arith.constant 8 : i32
        %parallel_loop3A_557 = vector.broadcast %parallel_loop3A_556 : i32 to vector<16xi32>
        %parallel_loop3A_558 = arith.addi %parallel_loop3A_557, %convert_element_type3A : vector<16xi32>
        %parallel_loop3A_559 = vector.shape_cast %parallel_loop3A_558 : vector<16xi32> to vector<16x1xi32>
        %parallel_loop3A_560 = vector.shape_cast %parallel_loop3A_559 : vector<16x1xi32> to vector<16xi32>
        %parallel_loop3A_561 = tpu.dynamic_gather %parallel_loop3A_495[%parallel_loop3A_560] in [0] : vector<16xf32>, vector<16xi32> -> vector<16xf32>
        %parallel_loop3A_562 = arith.index_cast %parallel_loop3A_555 : i32 to index
        %parallel_loop3A_563 = arith.constant 0 : index
        %parallel_loop3A_564 = tpu.vector_load %arg9[%parallel_loop3A_562, %parallel_loop3A_563] {strides = array<i32>} : memref<256x64xf32, #tpu.memory_space<vmem>>, vector<16xf32>,
        %parallel_loop3A_565 = arith.mulf %parallel_loop3A_564, %parallel_loop3A_561 : vector<16xf32>
        %parallel_loop3A_566 = arith.index_cast %parallel_loop3A_555 : i32 to index
        %parallel_loop3A_567 = arith.constant 0 : index
        %parallel_loop3A_568 = tpu.vector_load %arg9[%parallel_loop3A_566, %parallel_loop3A_567] {strides = array<i32>} : memref<256x64xf32, #tpu.memory_space<vmem>>, vector<16xf32>,
        tpu.vector_store %arg9[%parallel_loop3A_566, %parallel_loop3A_567], %parallel_loop3A_565 {strides = array<i32>} : memref<256x64xf32, #tpu.memory_space<vmem>>, vector<16xf32>,
        %parallel_loop3A_569 = arith.constant 10 : i32
        %parallel_loop3A_570 = vector.broadcast %parallel_loop3A_569 : i32 to vector<16xi32>
        %parallel_loop3A_571 = arith.addi %parallel_loop3A_570, %convert_element_type3A : vector<16xi32>
        %parallel_loop3A_572 = vector.shape_cast %parallel_loop3A_571 : vector<16xi32> to vector<16x1xi32>
        %parallel_loop3A_573 = vector.shape_cast %parallel_loop3A_572 : vector<16x1xi32> to vector<16xi32>
        %parallel_loop3A_574 = tpu.dynamic_gather %parallel_loop3A_495[%parallel_loop3A_573] in [0] : vector<16xf32>, vector<16xi32> -> vector<16xf32>
        %parallel_loop3A_575 = arith.index_cast %parallel_loop3A_555 : i32 to index
        %parallel_loop3A_576 = arith.constant 16 : index
        %parallel_loop3A_577 = tpu.vector_load %arg9[%parallel_loop3A_575, %parallel_loop3A_576] {strides = array<i32>} : memref<256x64xf32, #tpu.memory_space<vmem>>, vector<16xf32>,
        %parallel_loop3A_578 = arith.mulf %parallel_loop3A_577, %parallel_loop3A_574 : vector<16xf32>
        %parallel_loop3A_579 = arith.index_cast %parallel_loop3A_555 : i32 to index
        %parallel_loop3A_580 = arith.constant 16 : index
        %parallel_loop3A_581 = tpu.vector_load %arg9[%parallel_loop3A_579, %parallel_loop3A_580] {strides = array<i32>} : memref<256x64xf32, #tpu.memory_space<vmem>>, vector<16xf32>,
        tpu.vector_store %arg9[%parallel_loop3A_579, %parallel_loop3A_580], %parallel_loop3A_578 {strides = array<i32>} : memref<256x64xf32, #tpu.memory_space<vmem>>, vector<16xf32>,
        %parallel_loop3A_582 = arith.constant 12 : i32
        %parallel_loop3A_583 = vector.broadcast %parallel_loop3A_582 : i32 to vector<16xi32>
        %parallel_loop3A_584 = arith.addi %parallel_loop3A_583, %convert_element_type3A : vector<16xi32>
        %parallel_loop3A_585 = vector.shape_cast %parallel_loop3A_584 : vector<16xi32> to vector<16x1xi32>
        %parallel_loop3A_586 = vector.shape_cast %parallel_loop3A_585 : vector<16x1xi32> to vector<16xi32>
        %parallel_loop3A_587 = tpu.dynamic_gather %parallel_loop3A_495[%parallel_loop3A_586] in [0] : vector<16xf32>, vector<16xi32> -> vector<16xf32>
        %parallel_loop3A_588 = arith.index_cast %parallel_loop3A_555 : i32 to index
        %parallel_loop3A_589 = arith.constant 32 : index
        %parallel_loop3A_590 = tpu.vector_load %arg9[%parallel_loop3A_588, %parallel_loop3A_589] {strides = array<i32>} : memref<256x64xf32, #tpu.memory_space<vmem>>, vector<16xf32>,
        %parallel_loop3A_591 = arith.mulf %parallel_loop3A_590, %parallel_loop3A_587 : vector<16xf32>
        %parallel_loop3A_592 = arith.index_cast %parallel_loop3A_555 : i32 to index
        %parallel_loop3A_593 = arith.constant 32 : index
        %parallel_loop3A_594 = tpu.vector_load %arg9[%parallel_loop3A_592, %parallel_loop3A_593] {strides = array<i32>} : memref<256x64xf32, #tpu.memory_space<vmem>>, vector<16xf32>,
        tpu.vector_store %arg9[%parallel_loop3A_592, %parallel_loop3A_593], %parallel_loop3A_591 {strides = array<i32>} : memref<256x64xf32, #tpu.memory_space<vmem>>, vector<16xf32>,
        %parallel_loop3A_595 = arith.constant 14 : i32
        %parallel_loop3A_596 = vector.broadcast %parallel_loop3A_595 : i32 to vector<16xi32>
        %parallel_loop3A_597 = arith.addi %parallel_loop3A_596, %convert_element_type3A : vector<16xi32>
        %parallel_loop3A_598 = vector.shape_cast %parallel_loop3A_597 : vector<16xi32> to vector<16x1xi32>
        %parallel_loop3A_599 = vector.shape_cast %parallel_loop3A_598 : vector<16x1xi32> to vector<16xi32>
        %parallel_loop3A_600 = tpu.dynamic_gather %parallel_loop3A_495[%parallel_loop3A_599] in [0] : vector<16xf32>, vector<16xi32> -> vector<16xf32>
        %parallel_loop3A_601 = arith.index_cast %parallel_loop3A_555 : i32 to index
        %parallel_loop3A_602 = arith.constant 48 : index
        %parallel_loop3A_603 = tpu.vector_load %arg9[%parallel_loop3A_601, %parallel_loop3A_602] {strides = array<i32>} : memref<256x64xf32, #tpu.memory_space<vmem>>, vector<16xf32>,
        %parallel_loop3A_604 = arith.mulf %parallel_loop3A_603, %parallel_loop3A_600 : vector<16xf32>
        %parallel_loop3A_605 = arith.index_cast %parallel_loop3A_555 : i32 to index
        %parallel_loop3A_606 = arith.constant 48 : index
        %parallel_loop3A_607 = tpu.vector_load %arg9[%parallel_loop3A_605, %parallel_loop3A_606] {strides = array<i32>} : memref<256x64xf32, #tpu.memory_space<vmem>>, vector<16xf32>,
        tpu.vector_store %arg9[%parallel_loop3A_605, %parallel_loop3A_606], %parallel_loop3A_604 {strides = array<i32>} : memref<256x64xf32, #tpu.memory_space<vmem>>, vector<16xf32>,
      } {sc.loop_unroll_factor = 2 : i64, sc.parallel_access}
      %dma_start3A_232 = arith.constant 2 : i32
      %dma_start3A_233 = arith.constant 0 : i32
      %dma_start3A_234 = arith.constant 0 : i32
      %dma_start3A_235 = tpu.memref_slice %arg9[%dma_start3A_233, %dma_start3A_234] : memref<256x64xf32, #tpu.memory_space<vmem>> -> memref<128x64xf32, #tpu.memory_space<vmem>>
      %dma_start3A_236 = arith.constant 0 : i32
      %dma_start3A_237 = tpu.memref_slice %arg11[%dma_start3A_232, %dma_start3A_236] : memref<6x128xi32, #tpu.memory_space<vmem>> -> memref<1x128xi32, #tpu.memory_space<vmem>>
      %dma_start3A_238 = tpu.memref_squeeze %dma_start3A_237 : memref<1x128xi32, #tpu.memory_space<vmem>> -> memref<128xi32, #tpu.memory_space<vmem>>
      %dma_start3A_239 = arith.constant 0 : i32
      %dma_start3A_240 = arith.constant 0 : i32
      %dma_start3A_241 = tpu.memref_slice %arg17[%dma_start3A_239, %dma_start3A_240] : memref<10240x64xf32, #tpu.memory_space<vmem_shared>> -> memref<10240x64xf32, #tpu.memory_space<vmem_shared>>
      tpu.enqueue_indirect_dma source(%dma_start3A_235 : memref<128x64xf32, #tpu.memory_space<vmem>>) target(%dma_start3A_241 : memref<10240x64xf32, #tpu.memory_space<vmem_shared>>) offsets(%dma_start3A_238 : memref<128xi32, #tpu.memory_space<vmem>>) semaphore(%arg21 : memref<!tpu.dma_semaphore, #tpu.memory_space<semaphore_mem>>) {add = true}
      %dma_start3A_242 = arith.constant 2 : i32
      %dma_start3A_243 = arith.constant 0 : i32
      %dma_start3A_244 = arith.constant 0 : i32
      %dma_start3A_245 = tpu.memref_slice %arg10[%dma_start3A_243, %dma_start3A_244] : memref<256x16xf32, #tpu.memory_space<vmem>> -> memref<128x16xf32, #tpu.memory_space<vmem>>
      %dma_start3A_246 = arith.constant 0 : i32
      %dma_start3A_247 = tpu.memref_slice %arg11[%dma_start3A_242, %dma_start3A_246] : memref<6x128xi32, #tpu.memory_space<vmem>> -> memref<1x128xi32, #tpu.memory_space<vmem>>
      %dma_start3A_248 = tpu.memref_squeeze %dma_start3A_247 : memref<1x128xi32, #tpu.memory_space<vmem>> -> memref<128xi32, #tpu.memory_space<vmem>>
      %dma_start3A_249 = arith.constant 0 : i32
      %dma_start3A_250 = arith.constant 0 : i32
      %dma_start3A_251 = tpu.memref_slice %arg18[%dma_start3A_249, %dma_start3A_250] : memref<10240x16xf32, #tpu.memory_space<vmem_shared>> -> memref<10240x16xf32, #tpu.memory_space<vmem_shared>>
      tpu.enqueue_indirect_dma source(%dma_start3A_245 : memref<128x16xf32, #tpu.memory_space<vmem>>) target(%dma_start3A_251 : memref<10240x16xf32, #tpu.memory_space<vmem_shared>>) offsets(%dma_start3A_248 : memref<128xi32, #tpu.memory_space<vmem>>) semaphore(%arg21 : memref<!tpu.dma_semaphore, #tpu.memory_space<semaphore_mem>>) {add = true}
      %dma_start3A_252 = arith.constant 3 : i32
      %dma_start3A_253 = arith.constant 128 : i32
      %dma_start3A_254 = arith.constant 0 : i32
      %dma_start3A_255 = tpu.memref_slice %arg9[%dma_start3A_253, %dma_start3A_254] : memref<256x64xf32, #tpu.memory_space<vmem>> -> memref<128x64xf32, #tpu.memory_space<vmem>>
      %dma_start3A_256 = arith.constant 0 : i32
      %dma_start3A_257 = tpu.memref_slice %arg11[%dma_start3A_252, %dma_start3A_256] : memref<6x128xi32, #tpu.memory_space<vmem>> -> memref<1x128xi32, #tpu.memory_space<vmem>>
      %dma_start3A_258 = tpu.memref_squeeze %dma_start3A_257 : memref<1x128xi32, #tpu.memory_space<vmem>> -> memref<128xi32, #tpu.memory_space<vmem>>
      %dma_start3A_259 = arith.constant 0 : i32
      %dma_start3A_260 = arith.constant 0 : i32
      %dma_start3A_261 = tpu.memref_slice %arg17[%dma_start3A_259, %dma_start3A_260] : memref<10240x64xf32, #tpu.memory_space<vmem_shared>> -> memref<10240x64xf32, #tpu.memory_space<vmem_shared>>
      tpu.enqueue_indirect_dma source(%dma_start3A_255 : memref<128x64xf32, #tpu.memory_space<vmem>>) target(%dma_start3A_261 : memref<10240x64xf32, #tpu.memory_space<vmem_shared>>) offsets(%dma_start3A_258 : memref<128xi32, #tpu.memory_space<vmem>>) semaphore(%arg21 : memref<!tpu.dma_semaphore, #tpu.memory_space<semaphore_mem>>) {add = true}
      %dma_start3A_262 = arith.constant 3 : i32
      %dma_start3A_263 = arith.constant 128 : i32
      %dma_start3A_264 = arith.constant 0 : i32
      %dma_start3A_265 = tpu.memref_slice %arg10[%dma_start3A_263, %dma_start3A_264] : memref<256x16xf32, #tpu.memory_space<vmem>> -> memref<128x16xf32, #tpu.memory_space<vmem>>
      %dma_start3A_266 = arith.constant 0 : i32
      %dma_start3A_267 = tpu.memref_slice %arg11[%dma_start3A_262, %dma_start3A_266] : memref<6x128xi32, #tpu.memory_space<vmem>> -> memref<1x128xi32, #tpu.memory_space<vmem>>
      %dma_start3A_268 = tpu.memref_squeeze %dma_start3A_267 : memref<1x128xi32, #tpu.memory_space<vmem>> -> memref<128xi32, #tpu.memory_space<vmem>>
      %dma_start3A_269 = arith.constant 0 : i32
      %dma_start3A_270 = arith.constant 0 : i32
      %dma_start3A_271 = tpu.memref_slice %arg18[%dma_start3A_269, %dma_start3A_270] : memref<10240x16xf32, #tpu.memory_space<vmem_shared>> -> memref<10240x16xf32, #tpu.memory_space<vmem_shared>>
      tpu.enqueue_indirect_dma source(%dma_start3A_265 : memref<128x16xf32, #tpu.memory_space<vmem>>) target(%dma_start3A_271 : memref<10240x16xf32, #tpu.memory_space<vmem_shared>>) offsets(%dma_start3A_268 : memref<128xi32, #tpu.memory_space<vmem>>) semaphore(%arg21 : memref<!tpu.dma_semaphore, #tpu.memory_space<semaphore_mem>>) {add = true}
      %dma_wait3A_272 = arith.constant 0 : i32
      %dma_wait3A_273 = arith.constant 0 : i32
      %dma_wait3A_274 = arith.constant 0 : i32
      %dma_wait3A_275 = tpu.memref_slice %arg12[%dma_wait3A_273, %dma_wait3A_274] : memref<256x16xf32, #tpu.memory_space<vmem>> -> memref<128x16xf32, #tpu.memory_space<vmem>>
      %dma_wait3A_276 = arith.constant 0 : i32
      %dma_wait3A_277 = tpu.memref_slice %arg16[%dma_wait3A_272, %dma_wait3A_276] : memref<6x128xi32, #tpu.memory_space<vmem>> -> memref<1x128xi32, #tpu.memory_space<vmem>>
      %dma_wait3A_278 = tpu.memref_squeeze %dma_wait3A_277 : memref<1x128xi32, #tpu.memory_space<vmem>> -> memref<128xi32, #tpu.memory_space<vmem>>
      %dma_wait3A_279 = arith.constant 0 : i32
      %dma_wait3A_280 = arith.constant 0 : i32
      %dma_wait3A_281 = tpu.memref_slice %arg3[%dma_wait3A_279, %dma_wait3A_280] : memref<10000x16xf32, #tpu.memory_space<hbm>> -> memref<10000x16xf32, #tpu.memory_space<hbm>>
      tpu.wait_indirect_dma semaphore(%arg20 : memref<!tpu.dma_semaphore, #tpu.memory_space<semaphore_mem>>) src(%dma_wait3A_281 : memref<10000x16xf32, #tpu.memory_space<hbm>>) dst(%dma_wait3A_275 : memref<128x16xf32, #tpu.memory_space<vmem>>)
      %dma_wait3A_282 = arith.constant 2 : i32
      %dma_wait3A_283 = arith.constant 0 : i32
      %dma_wait3A_284 = arith.constant 0 : i32
      %dma_wait3A_285 = tpu.memref_slice %arg13[%dma_wait3A_283, %dma_wait3A_284] : memref<256x16xf32, #tpu.memory_space<vmem>> -> memref<128x16xf32, #tpu.memory_space<vmem>>
      %dma_wait3A_286 = arith.constant 0 : i32
      %dma_wait3A_287 = tpu.memref_slice %arg16[%dma_wait3A_282, %dma_wait3A_286] : memref<6x128xi32, #tpu.memory_space<vmem>> -> memref<1x128xi32, #tpu.memory_space<vmem>>
      %dma_wait3A_288 = tpu.memref_squeeze %dma_wait3A_287 : memref<1x128xi32, #tpu.memory_space<vmem>> -> memref<128xi32, #tpu.memory_space<vmem>>
      %dma_wait3A_289 = arith.constant 0 : i32
      %dma_wait3A_290 = arith.constant 0 : i32
      %dma_wait3A_291 = tpu.memref_slice %arg3[%dma_wait3A_289, %dma_wait3A_290] : memref<10000x16xf32, #tpu.memory_space<hbm>> -> memref<10000x16xf32, #tpu.memory_space<hbm>>
      tpu.wait_indirect_dma semaphore(%arg20 : memref<!tpu.dma_semaphore, #tpu.memory_space<semaphore_mem>>) src(%dma_wait3A_291 : memref<10000x16xf32, #tpu.memory_space<hbm>>) dst(%dma_wait3A_285 : memref<128x16xf32, #tpu.memory_space<vmem>>)
      %dma_wait3A_292 = arith.constant 0 : i32
      %dma_wait3A_293 = arith.constant 0 : i32
      %dma_wait3A_294 = arith.constant 0 : i32
      %dma_wait3A_295 = tpu.memref_slice %arg14[%dma_wait3A_293, %dma_wait3A_294] : memref<256x64xf32, #tpu.memory_space<vmem>> -> memref<128x64xf32, #tpu.memory_space<vmem>>
      %dma_wait3A_296 = arith.constant 0 : i32
      %dma_wait3A_297 = tpu.memref_slice %arg16[%dma_wait3A_292, %dma_wait3A_296] : memref<6x128xi32, #tpu.memory_space<vmem>> -> memref<1x128xi32, #tpu.memory_space<vmem>>
      %dma_wait3A_298 = tpu.memref_squeeze %dma_wait3A_297 : memref<1x128xi32, #tpu.memory_space<vmem>> -> memref<128xi32, #tpu.memory_space<vmem>>
      %dma_wait3A_299 = arith.constant 0 : i32
      %dma_wait3A_300 = arith.constant 0 : i32
      %dma_wait3A_301 = tpu.memref_slice %arg2[%dma_wait3A_299, %dma_wait3A_300] : memref<10000x64xf32, #tpu.memory_space<hbm>> -> memref<10000x64xf32, #tpu.memory_space<hbm>>
      tpu.wait_indirect_dma semaphore(%arg20 : memref<!tpu.dma_semaphore, #tpu.memory_space<semaphore_mem>>) src(%dma_wait3A_301 : memref<10000x64xf32, #tpu.memory_space<hbm>>) dst(%dma_wait3A_295 : memref<128x64xf32, #tpu.memory_space<vmem>>)
      %dma_wait3A_302 = arith.constant 1 : i32
      %dma_wait3A_303 = arith.constant 128 : i32
      %dma_wait3A_304 = arith.constant 0 : i32
      %dma_wait3A_305 = tpu.memref_slice %arg12[%dma_wait3A_303, %dma_wait3A_304] : memref<256x16xf32, #tpu.memory_space<vmem>> -> memref<128x16xf32, #tpu.memory_space<vmem>>
      %dma_wait3A_306 = arith.constant 0 : i32
      %dma_wait3A_307 = tpu.memref_slice %arg16[%dma_wait3A_302, %dma_wait3A_306] : memref<6x128xi32, #tpu.memory_space<vmem>> -> memref<1x128xi32, #tpu.memory_space<vmem>>
      %dma_wait3A_308 = tpu.memref_squeeze %dma_wait3A_307 : memref<1x128xi32, #tpu.memory_space<vmem>> -> memref<128xi32, #tpu.memory_space<vmem>>
      %dma_wait3A_309 = arith.constant 0 : i32
      %dma_wait3A_310 = arith.constant 0 : i32
      %dma_wait3A_311 = tpu.memref_slice %arg3[%dma_wait3A_309, %dma_wait3A_310] : memref<10000x16xf32, #tpu.memory_space<hbm>> -> memref<10000x16xf32, #tpu.memory_space<hbm>>
      tpu.wait_indirect_dma semaphore(%arg20 : memref<!tpu.dma_semaphore, #tpu.memory_space<semaphore_mem>>) src(%dma_wait3A_311 : memref<10000x16xf32, #tpu.memory_space<hbm>>) dst(%dma_wait3A_305 : memref<128x16xf32, #tpu.memory_space<vmem>>)
      %dma_wait3A_312 = arith.constant 3 : i32
      %dma_wait3A_313 = arith.constant 128 : i32
      %dma_wait3A_314 = arith.constant 0 : i32
      %dma_wait3A_315 = tpu.memref_slice %arg13[%dma_wait3A_313, %dma_wait3A_314] : memref<256x16xf32, #tpu.memory_space<vmem>> -> memref<128x16xf32, #tpu.memory_space<vmem>>
      %dma_wait3A_316 = arith.constant 0 : i32
      %dma_wait3A_317 = tpu.memref_slice %arg16[%dma_wait3A_312, %dma_wait3A_316] : memref<6x128xi32, #tpu.memory_space<vmem>> -> memref<1x128xi32, #tpu.memory_space<vmem>>
      %dma_wait3A_318 = tpu.memref_squeeze %dma_wait3A_317 : memref<1x128xi32, #tpu.memory_space<vmem>> -> memref<128xi32, #tpu.memory_space<vmem>>
      %dma_wait3A_319 = arith.constant 0 : i32
      %dma_wait3A_320 = arith.constant 0 : i32
      %dma_wait3A_321 = tpu.memref_slice %arg3[%dma_wait3A_319, %dma_wait3A_320] : memref<10000x16xf32, #tpu.memory_space<hbm>> -> memref<10000x16xf32, #tpu.memory_space<hbm>>
      tpu.wait_indirect_dma semaphore(%arg20 : memref<!tpu.dma_semaphore, #tpu.memory_space<semaphore_mem>>) src(%dma_wait3A_321 : memref<10000x16xf32, #tpu.memory_space<hbm>>) dst(%dma_wait3A_315 : memref<128x16xf32, #tpu.memory_space<vmem>>)
      %dma_wait3A_322 = arith.constant 1 : i32
      %dma_wait3A_323 = arith.constant 128 : i32
      %dma_wait3A_324 = arith.constant 0 : i32
      %dma_wait3A_325 = tpu.memref_slice %arg14[%dma_wait3A_323, %dma_wait3A_324] : memref<256x64xf32, #tpu.memory_space<vmem>> -> memref<128x64xf32, #tpu.memory_space<vmem>>
      %dma_wait3A_326 = arith.constant 0 : i32
      %dma_wait3A_327 = tpu.memref_slice %arg16[%dma_wait3A_322, %dma_wait3A_326] : memref<6x128xi32, #tpu.memory_space<vmem>> -> memref<1x128xi32, #tpu.memory_space<vmem>>
      %dma_wait3A_328 = tpu.memref_squeeze %dma_wait3A_327 : memref<1x128xi32, #tpu.memory_space<vmem>> -> memref<128xi32, #tpu.memory_space<vmem>>
      %dma_wait3A_329 = arith.constant 0 : i32
      %dma_wait3A_330 = arith.constant 0 : i32
      %dma_wait3A_331 = tpu.memref_slice %arg2[%dma_wait3A_329, %dma_wait3A_330] : memref<10000x64xf32, #tpu.memory_space<hbm>> -> memref<10000x64xf32, #tpu.memory_space<hbm>>
      tpu.wait_indirect_dma semaphore(%arg20 : memref<!tpu.dma_semaphore, #tpu.memory_space<semaphore_mem>>) src(%dma_wait3A_331 : memref<10000x64xf32, #tpu.memory_space<hbm>>) dst(%dma_wait3A_325 : memref<128x64xf32, #tpu.memory_space<vmem>>)
      %parallel_loop3A_332 = arith.constant 0 : i32
      %parallel_loop3A_333 = arith.constant 128 : i32
      %parallel_loop3A_334 = arith.constant 1 : i32
      scf.for %parallel_loop3A_468 = %parallel_loop3A_332 to %parallel_loop3A_333 step %parallel_loop3A_334  : i32 {
        %parallel_loop3A_469 = arith.constant 2 : i32
        %parallel_loop3A_470 = arith.muli %parallel_loop3A_469, %parallel_loop3A_468 : i32
        %parallel_loop3A_471 = vector.broadcast %parallel_loop3A_470 : i32 to vector<16xi32>
        %parallel_loop3A_472 = arith.addi %parallel_loop3A_471, %convert_element_type3A : vector<16xi32>
        %parallel_loop3A_473 = tpu.vector_load_idx %arg12[%parallel_loop3A_472, %sub3A] : memref<256x16xf32, #tpu.memory_space<vmem>>[vector<16xi32>, vector<16xi32>], vector<16xf32>,
        %parallel_loop3A_474 = arith.constant 8 : i32
        %parallel_loop3A_475 = vector.broadcast %parallel_loop3A_474 : i32 to vector<16xi32>
        %parallel_loop3A_476 = arith.addi %parallel_loop3A_475, %sub3A : vector<16xi32>
        %parallel_loop3A_477 = tpu.vector_load_idx %arg13[%parallel_loop3A_472, %parallel_loop3A_476] : memref<256x16xf32, #tpu.memory_space<vmem>>[vector<16xi32>, vector<16xi32>], vector<16xf32>,
        %parallel_loop3A_478 = arith.constant 7 : i32
        %parallel_loop3A_479 = vector.broadcast %parallel_loop3A_478 : i32 to vector<16xi32>
        %parallel_loop3A_480 = arith.shrsi %parallel_loop3A_472, %parallel_loop3A_479 : vector<16xi32>
        %parallel_loop3A_481 = arith.constant 4 : i32
        %parallel_loop3A_482 = vector.broadcast %parallel_loop3A_481 : i32 to vector<16xi32>
        %parallel_loop3A_483 = arith.addi %parallel_loop3A_482, %parallel_loop3A_480 : vector<16xi32>
        %parallel_loop3A_484 = arith.constant 127 : i32
        %parallel_loop3A_485 = vector.broadcast %parallel_loop3A_484 : i32 to vector<16xi32>
        %parallel_loop3A_486 = arith.andi %parallel_loop3A_472, %parallel_loop3A_485 : vector<16xi32>
        %parallel_loop3A_487 = tpu.vector_load_idx %arg16[%parallel_loop3A_483, %parallel_loop3A_486] : memref<6x128xi32, #tpu.memory_space<vmem>>[vector<16xi32>, vector<16xi32>], vector<16xi32>,
        %parallel_loop3A_488 = arith.addf %parallel_loop3A_473, %parallel_loop3A_477 : vector<16xf32>
        %parallel_loop3A_489 = arith.constant 2.000000e-01 : f32
        %parallel_loop3A_490 = vector.broadcast %parallel_loop3A_489 : f32 to vector<16xf32>
        %parallel_loop3A_491 = arith.mulf %parallel_loop3A_490, %parallel_loop3A_488 : vector<16xf32>
        %parallel_loop3A_492 = arith.maximumf %parallel_loop3A_488, %parallel_loop3A_491 : vector<16xf32>
        %parallel_loop3A_493 = vector.bitcast %parallel_loop3A_487 : vector<16xi32> to vector<16xf32>
        %parallel_loop3A_494 = math.exp %parallel_loop3A_492 : vector<16xf32>
        %parallel_loop3A_495 = arith.mulf %parallel_loop3A_493, %parallel_loop3A_494 : vector<16xf32>
        tpu.vector_store_idx %arg15[%parallel_loop3A_472, %sub3A], %parallel_loop3A_495 : memref<256x16xf32, #tpu.memory_space<vmem>>[vector<16xi32>, vector<16xi32>], vector<16xf32>,
        %parallel_loop3A_496 = arith.constant 2 : i32
        %parallel_loop3A_497 = arith.muli %parallel_loop3A_496, %parallel_loop3A_468 : i32
        %parallel_loop3A_498 = arith.constant 0 : i32
        %parallel_loop3A_499 = arith.addi %parallel_loop3A_497, %parallel_loop3A_498 : i32
        %parallel_loop3A_500 = arith.constant 0 : i32
        %parallel_loop3A_501 = vector.broadcast %parallel_loop3A_500 : i32 to vector<16xi32>
        %parallel_loop3A_502 = arith.addi %parallel_loop3A_501, %convert_element_type3A : vector<16xi32>
        %parallel_loop3A_503 = vector.shape_cast %parallel_loop3A_502 : vector<16xi32> to vector<16x1xi32>
        %parallel_loop3A_504 = vector.shape_cast %parallel_loop3A_503 : vector<16x1xi32> to vector<16xi32>
        %parallel_loop3A_505 = tpu.dynamic_gather %parallel_loop3A_495[%parallel_loop3A_504] in [0] : vector<16xf32>, vector<16xi32> -> vector<16xf32>
        %parallel_loop3A_506 = arith.index_cast %parallel_loop3A_499 : i32 to index
        %parallel_loop3A_507 = arith.constant 0 : index
        %parallel_loop3A_508 = tpu.vector_load %arg14[%parallel_loop3A_506, %parallel_loop3A_507] {strides = array<i32>} : memref<256x64xf32, #tpu.memory_space<vmem>>, vector<16xf32>,
        %parallel_loop3A_509 = arith.mulf %parallel_loop3A_508, %parallel_loop3A_505 : vector<16xf32>
        %parallel_loop3A_510 = arith.index_cast %parallel_loop3A_499 : i32 to index
        %parallel_loop3A_511 = arith.constant 0 : index
        %parallel_loop3A_512 = tpu.vector_load %arg14[%parallel_loop3A_510, %parallel_loop3A_511] {strides = array<i32>} : memref<256x64xf32, #tpu.memory_space<vmem>>, vector<16xf32>,
        tpu.vector_store %arg14[%parallel_loop3A_510, %parallel_loop3A_511], %parallel_loop3A_509 {strides = array<i32>} : memref<256x64xf32, #tpu.memory_space<vmem>>, vector<16xf32>,
        %parallel_loop3A_513 = arith.constant 2 : i32
        %parallel_loop3A_514 = vector.broadcast %parallel_loop3A_513 : i32 to vector<16xi32>
        %parallel_loop3A_515 = arith.addi %parallel_loop3A_514, %convert_element_type3A : vector<16xi32>
        %parallel_loop3A_516 = vector.shape_cast %parallel_loop3A_515 : vector<16xi32> to vector<16x1xi32>
        %parallel_loop3A_517 = vector.shape_cast %parallel_loop3A_516 : vector<16x1xi32> to vector<16xi32>
        %parallel_loop3A_518 = tpu.dynamic_gather %parallel_loop3A_495[%parallel_loop3A_517] in [0] : vector<16xf32>, vector<16xi32> -> vector<16xf32>
        %parallel_loop3A_519 = arith.index_cast %parallel_loop3A_499 : i32 to index
        %parallel_loop3A_520 = arith.constant 16 : index
        %parallel_loop3A_521 = tpu.vector_load %arg14[%parallel_loop3A_519, %parallel_loop3A_520] {strides = array<i32>} : memref<256x64xf32, #tpu.memory_space<vmem>>, vector<16xf32>,
        %parallel_loop3A_522 = arith.mulf %parallel_loop3A_521, %parallel_loop3A_518 : vector<16xf32>
        %parallel_loop3A_523 = arith.index_cast %parallel_loop3A_499 : i32 to index
        %parallel_loop3A_524 = arith.constant 16 : index
        %parallel_loop3A_525 = tpu.vector_load %arg14[%parallel_loop3A_523, %parallel_loop3A_524] {strides = array<i32>} : memref<256x64xf32, #tpu.memory_space<vmem>>, vector<16xf32>,
        tpu.vector_store %arg14[%parallel_loop3A_523, %parallel_loop3A_524], %parallel_loop3A_522 {strides = array<i32>} : memref<256x64xf32, #tpu.memory_space<vmem>>, vector<16xf32>,
        %parallel_loop3A_526 = arith.constant 4 : i32
        %parallel_loop3A_527 = vector.broadcast %parallel_loop3A_526 : i32 to vector<16xi32>
        %parallel_loop3A_528 = arith.addi %parallel_loop3A_527, %convert_element_type3A : vector<16xi32>
        %parallel_loop3A_529 = vector.shape_cast %parallel_loop3A_528 : vector<16xi32> to vector<16x1xi32>
        %parallel_loop3A_530 = vector.shape_cast %parallel_loop3A_529 : vector<16x1xi32> to vector<16xi32>
        %parallel_loop3A_531 = tpu.dynamic_gather %parallel_loop3A_495[%parallel_loop3A_530] in [0] : vector<16xf32>, vector<16xi32> -> vector<16xf32>
        %parallel_loop3A_532 = arith.index_cast %parallel_loop3A_499 : i32 to index
        %parallel_loop3A_533 = arith.constant 32 : index
        %parallel_loop3A_534 = tpu.vector_load %arg14[%parallel_loop3A_532, %parallel_loop3A_533] {strides = array<i32>} : memref<256x64xf32, #tpu.memory_space<vmem>>, vector<16xf32>,
        %parallel_loop3A_535 = arith.mulf %parallel_loop3A_534, %parallel_loop3A_531 : vector<16xf32>
        %parallel_loop3A_536 = arith.index_cast %parallel_loop3A_499 : i32 to index
        %parallel_loop3A_537 = arith.constant 32 : index
        %parallel_loop3A_538 = tpu.vector_load %arg14[%parallel_loop3A_536, %parallel_loop3A_537] {strides = array<i32>} : memref<256x64xf32, #tpu.memory_space<vmem>>, vector<16xf32>,
        tpu.vector_store %arg14[%parallel_loop3A_536, %parallel_loop3A_537], %parallel_loop3A_535 {strides = array<i32>} : memref<256x64xf32, #tpu.memory_space<vmem>>, vector<16xf32>,
        %parallel_loop3A_539 = arith.constant 6 : i32
        %parallel_loop3A_540 = vector.broadcast %parallel_loop3A_539 : i32 to vector<16xi32>
        %parallel_loop3A_541 = arith.addi %parallel_loop3A_540, %convert_element_type3A : vector<16xi32>
        %parallel_loop3A_542 = vector.shape_cast %parallel_loop3A_541 : vector<16xi32> to vector<16x1xi32>
        %parallel_loop3A_543 = vector.shape_cast %parallel_loop3A_542 : vector<16x1xi32> to vector<16xi32>
        %parallel_loop3A_544 = tpu.dynamic_gather %parallel_loop3A_495[%parallel_loop3A_543] in [0] : vector<16xf32>, vector<16xi32> -> vector<16xf32>
        %parallel_loop3A_545 = arith.index_cast %parallel_loop3A_499 : i32 to index
        %parallel_loop3A_546 = arith.constant 48 : index
        %parallel_loop3A_547 = tpu.vector_load %arg14[%parallel_loop3A_545, %parallel_loop3A_546] {strides = array<i32>} : memref<256x64xf32, #tpu.memory_space<vmem>>, vector<16xf32>,
        %parallel_loop3A_548 = arith.mulf %parallel_loop3A_547, %parallel_loop3A_544 : vector<16xf32>
        %parallel_loop3A_549 = arith.index_cast %parallel_loop3A_499 : i32 to index
        %parallel_loop3A_550 = arith.constant 48 : index
        %parallel_loop3A_551 = tpu.vector_load %arg14[%parallel_loop3A_549, %parallel_loop3A_550] {strides = array<i32>} : memref<256x64xf32, #tpu.memory_space<vmem>>, vector<16xf32>,
        tpu.vector_store %arg14[%parallel_loop3A_549, %parallel_loop3A_550], %parallel_loop3A_548 {strides = array<i32>} : memref<256x64xf32, #tpu.memory_space<vmem>>, vector<16xf32>,
        %parallel_loop3A_552 = arith.constant 2 : i32
        %parallel_loop3A_553 = arith.muli %parallel_loop3A_552, %parallel_loop3A_468 : i32
        %parallel_loop3A_554 = arith.constant 1 : i32
        %parallel_loop3A_555 = arith.addi %parallel_loop3A_553, %parallel_loop3A_554 : i32
        %parallel_loop3A_556 = arith.constant 8 : i32
        %parallel_loop3A_557 = vector.broadcast %parallel_loop3A_556 : i32 to vector<16xi32>
        %parallel_loop3A_558 = arith.addi %parallel_loop3A_557, %convert_element_type3A : vector<16xi32>
        %parallel_loop3A_559 = vector.shape_cast %parallel_loop3A_558 : vector<16xi32> to vector<16x1xi32>
        %parallel_loop3A_560 = vector.shape_cast %parallel_loop3A_559 : vector<16x1xi32> to vector<16xi32>
        %parallel_loop3A_561 = tpu.dynamic_gather %parallel_loop3A_495[%parallel_loop3A_560] in [0] : vector<16xf32>, vector<16xi32> -> vector<16xf32>
        %parallel_loop3A_562 = arith.index_cast %parallel_loop3A_555 : i32 to index
        %parallel_loop3A_563 = arith.constant 0 : index
        %parallel_loop3A_564 = tpu.vector_load %arg14[%parallel_loop3A_562, %parallel_loop3A_563] {strides = array<i32>} : memref<256x64xf32, #tpu.memory_space<vmem>>, vector<16xf32>,
        %parallel_loop3A_565 = arith.mulf %parallel_loop3A_564, %parallel_loop3A_561 : vector<16xf32>
        %parallel_loop3A_566 = arith.index_cast %parallel_loop3A_555 : i32 to index
        %parallel_loop3A_567 = arith.constant 0 : index
        %parallel_loop3A_568 = tpu.vector_load %arg14[%parallel_loop3A_566, %parallel_loop3A_567] {strides = array<i32>} : memref<256x64xf32, #tpu.memory_space<vmem>>, vector<16xf32>,
        tpu.vector_store %arg14[%parallel_loop3A_566, %parallel_loop3A_567], %parallel_loop3A_565 {strides = array<i32>} : memref<256x64xf32, #tpu.memory_space<vmem>>, vector<16xf32>,
        %parallel_loop3A_569 = arith.constant 10 : i32
        %parallel_loop3A_570 = vector.broadcast %parallel_loop3A_569 : i32 to vector<16xi32>
        %parallel_loop3A_571 = arith.addi %parallel_loop3A_570, %convert_element_type3A : vector<16xi32>
        %parallel_loop3A_572 = vector.shape_cast %parallel_loop3A_571 : vector<16xi32> to vector<16x1xi32>
        %parallel_loop3A_573 = vector.shape_cast %parallel_loop3A_572 : vector<16x1xi32> to vector<16xi32>
        %parallel_loop3A_574 = tpu.dynamic_gather %parallel_loop3A_495[%parallel_loop3A_573] in [0] : vector<16xf32>, vector<16xi32> -> vector<16xf32>
        %parallel_loop3A_575 = arith.index_cast %parallel_loop3A_555 : i32 to index
        %parallel_loop3A_576 = arith.constant 16 : index
        %parallel_loop3A_577 = tpu.vector_load %arg14[%parallel_loop3A_575, %parallel_loop3A_576] {strides = array<i32>} : memref<256x64xf32, #tpu.memory_space<vmem>>, vector<16xf32>,
        %parallel_loop3A_578 = arith.mulf %parallel_loop3A_577, %parallel_loop3A_574 : vector<16xf32>
        %parallel_loop3A_579 = arith.index_cast %parallel_loop3A_555 : i32 to index
        %parallel_loop3A_580 = arith.constant 16 : index
        %parallel_loop3A_581 = tpu.vector_load %arg14[%parallel_loop3A_579, %parallel_loop3A_580] {strides = array<i32>} : memref<256x64xf32, #tpu.memory_space<vmem>>, vector<16xf32>,
        tpu.vector_store %arg14[%parallel_loop3A_579, %parallel_loop3A_580], %parallel_loop3A_578 {strides = array<i32>} : memref<256x64xf32, #tpu.memory_space<vmem>>, vector<16xf32>,
        %parallel_loop3A_582 = arith.constant 12 : i32
        %parallel_loop3A_583 = vector.broadcast %parallel_loop3A_582 : i32 to vector<16xi32>
        %parallel_loop3A_584 = arith.addi %parallel_loop3A_583, %convert_element_type3A : vector<16xi32>
        %parallel_loop3A_585 = vector.shape_cast %parallel_loop3A_584 : vector<16xi32> to vector<16x1xi32>
        %parallel_loop3A_586 = vector.shape_cast %parallel_loop3A_585 : vector<16x1xi32> to vector<16xi32>
        %parallel_loop3A_587 = tpu.dynamic_gather %parallel_loop3A_495[%parallel_loop3A_586] in [0] : vector<16xf32>, vector<16xi32> -> vector<16xf32>
        %parallel_loop3A_588 = arith.index_cast %parallel_loop3A_555 : i32 to index
        %parallel_loop3A_589 = arith.constant 32 : index
        %parallel_loop3A_590 = tpu.vector_load %arg14[%parallel_loop3A_588, %parallel_loop3A_589] {strides = array<i32>} : memref<256x64xf32, #tpu.memory_space<vmem>>, vector<16xf32>,
        %parallel_loop3A_591 = arith.mulf %parallel_loop3A_590, %parallel_loop3A_587 : vector<16xf32>
        %parallel_loop3A_592 = arith.index_cast %parallel_loop3A_555 : i32 to index
        %parallel_loop3A_593 = arith.constant 32 : index
        %parallel_loop3A_594 = tpu.vector_load %arg14[%parallel_loop3A_592, %parallel_loop3A_593] {strides = array<i32>} : memref<256x64xf32, #tpu.memory_space<vmem>>, vector<16xf32>,
        tpu.vector_store %arg14[%parallel_loop3A_592, %parallel_loop3A_593], %parallel_loop3A_591 {strides = array<i32>} : memref<256x64xf32, #tpu.memory_space<vmem>>, vector<16xf32>,
        %parallel_loop3A_595 = arith.constant 14 : i32
        %parallel_loop3A_596 = vector.broadcast %parallel_loop3A_595 : i32 to vector<16xi32>
        %parallel_loop3A_597 = arith.addi %parallel_loop3A_596, %convert_element_type3A : vector<16xi32>
        %parallel_loop3A_598 = vector.shape_cast %parallel_loop3A_597 : vector<16xi32> to vector<16x1xi32>
        %parallel_loop3A_599 = vector.shape_cast %parallel_loop3A_598 : vector<16x1xi32> to vector<16xi32>
        %parallel_loop3A_600 = tpu.dynamic_gather %parallel_loop3A_495[%parallel_loop3A_599] in [0] : vector<16xf32>, vector<16xi32> -> vector<16xf32>
        %parallel_loop3A_601 = arith.index_cast %parallel_loop3A_555 : i32 to index
        %parallel_loop3A_602 = arith.constant 48 : index
        %parallel_loop3A_603 = tpu.vector_load %arg14[%parallel_loop3A_601, %parallel_loop3A_602] {strides = array<i32>} : memref<256x64xf32, #tpu.memory_space<vmem>>, vector<16xf32>,
        %parallel_loop3A_604 = arith.mulf %parallel_loop3A_603, %parallel_loop3A_600 : vector<16xf32>
        %parallel_loop3A_605 = arith.index_cast %parallel_loop3A_555 : i32 to index
        %parallel_loop3A_606 = arith.constant 48 : index
        %parallel_loop3A_607 = tpu.vector_load %arg14[%parallel_loop3A_605, %parallel_loop3A_606] {strides = array<i32>} : memref<256x64xf32, #tpu.memory_space<vmem>>, vector<16xf32>,
        tpu.vector_store %arg14[%parallel_loop3A_605, %parallel_loop3A_606], %parallel_loop3A_604 {strides = array<i32>} : memref<256x64xf32, #tpu.memory_space<vmem>>, vector<16xf32>,
      } {sc.loop_unroll_factor = 2 : i64, sc.parallel_access}
      %dma_start3A_335 = arith.constant 2 : i32
      %dma_start3A_336 = arith.constant 0 : i32
      %dma_start3A_337 = arith.constant 0 : i32
      %dma_start3A_338 = tpu.memref_slice %arg14[%dma_start3A_336, %dma_start3A_337] : memref<256x64xf32, #tpu.memory_space<vmem>> -> memref<128x64xf32, #tpu.memory_space<vmem>>
      %dma_start3A_339 = arith.constant 0 : i32
      %dma_start3A_340 = tpu.memref_slice %arg16[%dma_start3A_335, %dma_start3A_339] : memref<6x128xi32, #tpu.memory_space<vmem>> -> memref<1x128xi32, #tpu.memory_space<vmem>>
      %dma_start3A_341 = tpu.memref_squeeze %dma_start3A_340 : memref<1x128xi32, #tpu.memory_space<vmem>> -> memref<128xi32, #tpu.memory_space<vmem>>
      %dma_start3A_342 = arith.constant 0 : i32
      %dma_start3A_343 = arith.constant 0 : i32
      %dma_start3A_344 = tpu.memref_slice %arg17[%dma_start3A_342, %dma_start3A_343] : memref<10240x64xf32, #tpu.memory_space<vmem_shared>> -> memref<10240x64xf32, #tpu.memory_space<vmem_shared>>
      tpu.enqueue_indirect_dma source(%dma_start3A_338 : memref<128x64xf32, #tpu.memory_space<vmem>>) target(%dma_start3A_344 : memref<10240x64xf32, #tpu.memory_space<vmem_shared>>) offsets(%dma_start3A_341 : memref<128xi32, #tpu.memory_space<vmem>>) semaphore(%arg22 : memref<!tpu.dma_semaphore, #tpu.memory_space<semaphore_mem>>) {add = true}
      %dma_start3A_345 = arith.constant 2 : i32
      %dma_start3A_346 = arith.constant 0 : i32
      %dma_start3A_347 = arith.constant 0 : i32
      %dma_start3A_348 = tpu.memref_slice %arg15[%dma_start3A_346, %dma_start3A_347] : memref<256x16xf32, #tpu.memory_space<vmem>> -> memref<128x16xf32, #tpu.memory_space<vmem>>
      %dma_start3A_349 = arith.constant 0 : i32
      %dma_start3A_350 = tpu.memref_slice %arg16[%dma_start3A_345, %dma_start3A_349] : memref<6x128xi32, #tpu.memory_space<vmem>> -> memref<1x128xi32, #tpu.memory_space<vmem>>
      %dma_start3A_351 = tpu.memref_squeeze %dma_start3A_350 : memref<1x128xi32, #tpu.memory_space<vmem>> -> memref<128xi32, #tpu.memory_space<vmem>>
      %dma_start3A_352 = arith.constant 0 : i32
      %dma_start3A_353 = arith.constant 0 : i32
      %dma_start3A_354 = tpu.memref_slice %arg18[%dma_start3A_352, %dma_start3A_353] : memref<10240x16xf32, #tpu.memory_space<vmem_shared>> -> memref<10240x16xf32, #tpu.memory_space<vmem_shared>>
      tpu.enqueue_indirect_dma source(%dma_start3A_348 : memref<128x16xf32, #tpu.memory_space<vmem>>) target(%dma_start3A_354 : memref<10240x16xf32, #tpu.memory_space<vmem_shared>>) offsets(%dma_start3A_351 : memref<128xi32, #tpu.memory_space<vmem>>) semaphore(%arg22 : memref<!tpu.dma_semaphore, #tpu.memory_space<semaphore_mem>>) {add = true}
      %dma_start3A_355 = arith.constant 3 : i32
      %dma_start3A_356 = arith.constant 128 : i32
      %dma_start3A_357 = arith.constant 0 : i32
      %dma_start3A_358 = tpu.memref_slice %arg14[%dma_start3A_356, %dma_start3A_357] : memref<256x64xf32, #tpu.memory_space<vmem>> -> memref<128x64xf32, #tpu.memory_space<vmem>>
      %dma_start3A_359 = arith.constant 0 : i32
      %dma_start3A_360 = tpu.memref_slice %arg16[%dma_start3A_355, %dma_start3A_359] : memref<6x128xi32, #tpu.memory_space<vmem>> -> memref<1x128xi32, #tpu.memory_space<vmem>>
      %dma_start3A_361 = tpu.memref_squeeze %dma_start3A_360 : memref<1x128xi32, #tpu.memory_space<vmem>> -> memref<128xi32, #tpu.memory_space<vmem>>
      %dma_start3A_362 = arith.constant 0 : i32
      %dma_start3A_363 = arith.constant 0 : i32
      %dma_start3A_364 = tpu.memref_slice %arg17[%dma_start3A_362, %dma_start3A_363] : memref<10240x64xf32, #tpu.memory_space<vmem_shared>> -> memref<10240x64xf32, #tpu.memory_space<vmem_shared>>
      tpu.enqueue_indirect_dma source(%dma_start3A_358 : memref<128x64xf32, #tpu.memory_space<vmem>>) target(%dma_start3A_364 : memref<10240x64xf32, #tpu.memory_space<vmem_shared>>) offsets(%dma_start3A_361 : memref<128xi32, #tpu.memory_space<vmem>>) semaphore(%arg22 : memref<!tpu.dma_semaphore, #tpu.memory_space<semaphore_mem>>) {add = true}
      %dma_start3A_365 = arith.constant 3 : i32
      %dma_start3A_366 = arith.constant 128 : i32
      %dma_start3A_367 = arith.constant 0 : i32
      %dma_start3A_368 = tpu.memref_slice %arg15[%dma_start3A_366, %dma_start3A_367] : memref<256x16xf32, #tpu.memory_space<vmem>> -> memref<128x16xf32, #tpu.memory_space<vmem>>
      %dma_start3A_369 = arith.constant 0 : i32
      %dma_start3A_370 = tpu.memref_slice %arg16[%dma_start3A_365, %dma_start3A_369] : memref<6x128xi32, #tpu.memory_space<vmem>> -> memref<1x128xi32, #tpu.memory_space<vmem>>
      %dma_start3A_371 = tpu.memref_squeeze %dma_start3A_370 : memref<1x128xi32, #tpu.memory_space<vmem>> -> memref<128xi32, #tpu.memory_space<vmem>>
      %dma_start3A_372 = arith.constant 0 : i32
      %dma_start3A_373 = arith.constant 0 : i32
      %dma_start3A_374 = tpu.memref_slice %arg18[%dma_start3A_372, %dma_start3A_373] : memref<10240x16xf32, #tpu.memory_space<vmem_shared>> -> memref<10240x16xf32, #tpu.memory_space<vmem_shared>>
      tpu.enqueue_indirect_dma source(%dma_start3A_368 : memref<128x16xf32, #tpu.memory_space<vmem>>) target(%dma_start3A_374 : memref<10240x16xf32, #tpu.memory_space<vmem_shared>>) offsets(%dma_start3A_371 : memref<128xi32, #tpu.memory_space<vmem>>) semaphore(%arg22 : memref<!tpu.dma_semaphore, #tpu.memory_space<semaphore_mem>>) {add = true}
      %dma_wait3A_375 = arith.constant 2 : i32
      %dma_wait3A_376 = arith.constant 0 : i32
      %dma_wait3A_377 = arith.constant 0 : i32
      %dma_wait3A_378 = tpu.memref_slice %arg9[%dma_wait3A_376, %dma_wait3A_377] : memref<256x64xf32, #tpu.memory_space<vmem>> -> memref<128x64xf32, #tpu.memory_space<vmem>>
      %dma_wait3A_379 = arith.constant 0 : i32
      %dma_wait3A_380 = tpu.memref_slice %arg11[%dma_wait3A_375, %dma_wait3A_379] : memref<6x128xi32, #tpu.memory_space<vmem>> -> memref<1x128xi32, #tpu.memory_space<vmem>>
      %dma_wait3A_381 = tpu.memref_squeeze %dma_wait3A_380 : memref<1x128xi32, #tpu.memory_space<vmem>> -> memref<128xi32, #tpu.memory_space<vmem>>
      %dma_wait3A_382 = arith.constant 0 : i32
      %dma_wait3A_383 = arith.constant 0 : i32
      %dma_wait3A_384 = tpu.memref_slice %arg17[%dma_wait3A_382, %dma_wait3A_383] : memref<10240x64xf32, #tpu.memory_space<vmem_shared>> -> memref<10240x64xf32, #tpu.memory_space<vmem_shared>>
      tpu.wait_indirect_dma semaphore(%arg21 : memref<!tpu.dma_semaphore, #tpu.memory_space<semaphore_mem>>) src(%dma_wait3A_378 : memref<128x64xf32, #tpu.memory_space<vmem>>) dst(%dma_wait3A_384 : memref<10240x64xf32, #tpu.memory_space<vmem_shared>>)
      %dma_wait3A_385 = arith.constant 2 : i32
      %dma_wait3A_386 = arith.constant 0 : i32
      %dma_wait3A_387 = arith.constant 0 : i32
      %dma_wait3A_388 = tpu.memref_slice %arg10[%dma_wait3A_386, %dma_wait3A_387] : memref<256x16xf32, #tpu.memory_space<vmem>> -> memref<128x16xf32, #tpu.memory_space<vmem>>
      %dma_wait3A_389 = arith.constant 0 : i32
      %dma_wait3A_390 = tpu.memref_slice %arg11[%dma_wait3A_385, %dma_wait3A_389] : memref<6x128xi32, #tpu.memory_space<vmem>> -> memref<1x128xi32, #tpu.memory_space<vmem>>
      %dma_wait3A_391 = tpu.memref_squeeze %dma_wait3A_390 : memref<1x128xi32, #tpu.memory_space<vmem>> -> memref<128xi32, #tpu.memory_space<vmem>>
      %dma_wait3A_392 = arith.constant 0 : i32
      %dma_wait3A_393 = arith.constant 0 : i32
      %dma_wait3A_394 = tpu.memref_slice %arg18[%dma_wait3A_392, %dma_wait3A_393] : memref<10240x16xf32, #tpu.memory_space<vmem_shared>> -> memref<10240x16xf32, #tpu.memory_space<vmem_shared>>
      tpu.wait_indirect_dma semaphore(%arg21 : memref<!tpu.dma_semaphore, #tpu.memory_space<semaphore_mem>>) src(%dma_wait3A_388 : memref<128x16xf32, #tpu.memory_space<vmem>>) dst(%dma_wait3A_394 : memref<10240x16xf32, #tpu.memory_space<vmem_shared>>)
      %dma_wait3A_395 = arith.constant 3 : i32
      %dma_wait3A_396 = arith.constant 128 : i32
      %dma_wait3A_397 = arith.constant 0 : i32
      %dma_wait3A_398 = tpu.memref_slice %arg9[%dma_wait3A_396, %dma_wait3A_397] : memref<256x64xf32, #tpu.memory_space<vmem>> -> memref<128x64xf32, #tpu.memory_space<vmem>>
      %dma_wait3A_399 = arith.constant 0 : i32
      %dma_wait3A_400 = tpu.memref_slice %arg11[%dma_wait3A_395, %dma_wait3A_399] : memref<6x128xi32, #tpu.memory_space<vmem>> -> memref<1x128xi32, #tpu.memory_space<vmem>>
      %dma_wait3A_401 = tpu.memref_squeeze %dma_wait3A_400 : memref<1x128xi32, #tpu.memory_space<vmem>> -> memref<128xi32, #tpu.memory_space<vmem>>
      %dma_wait3A_402 = arith.constant 0 : i32
      %dma_wait3A_403 = arith.constant 0 : i32
      %dma_wait3A_404 = tpu.memref_slice %arg17[%dma_wait3A_402, %dma_wait3A_403] : memref<10240x64xf32, #tpu.memory_space<vmem_shared>> -> memref<10240x64xf32, #tpu.memory_space<vmem_shared>>
      tpu.wait_indirect_dma semaphore(%arg21 : memref<!tpu.dma_semaphore, #tpu.memory_space<semaphore_mem>>) src(%dma_wait3A_398 : memref<128x64xf32, #tpu.memory_space<vmem>>) dst(%dma_wait3A_404 : memref<10240x64xf32, #tpu.memory_space<vmem_shared>>)
      %dma_wait3A_405 = arith.constant 3 : i32
      %dma_wait3A_406 = arith.constant 128 : i32
      %dma_wait3A_407 = arith.constant 0 : i32
      %dma_wait3A_408 = tpu.memref_slice %arg10[%dma_wait3A_406, %dma_wait3A_407] : memref<256x16xf32, #tpu.memory_space<vmem>> -> memref<128x16xf32, #tpu.memory_space<vmem>>
      %dma_wait3A_409 = arith.constant 0 : i32
      %dma_wait3A_410 = tpu.memref_slice %arg11[%dma_wait3A_405, %dma_wait3A_409] : memref<6x128xi32, #tpu.memory_space<vmem>> -> memref<1x128xi32, #tpu.memory_space<vmem>>
      %dma_wait3A_411 = tpu.memref_squeeze %dma_wait3A_410 : memref<1x128xi32, #tpu.memory_space<vmem>> -> memref<128xi32, #tpu.memory_space<vmem>>
      %dma_wait3A_412 = arith.constant 0 : i32
      %dma_wait3A_413 = arith.constant 0 : i32
      %dma_wait3A_414 = tpu.memref_slice %arg18[%dma_wait3A_412, %dma_wait3A_413] : memref<10240x16xf32, #tpu.memory_space<vmem_shared>> -> memref<10240x16xf32, #tpu.memory_space<vmem_shared>>
      tpu.wait_indirect_dma semaphore(%arg21 : memref<!tpu.dma_semaphore, #tpu.memory_space<semaphore_mem>>) src(%dma_wait3A_408 : memref<128x16xf32, #tpu.memory_space<vmem>>) dst(%dma_wait3A_414 : memref<10240x16xf32, #tpu.memory_space<vmem_shared>>)
      %add3A_415 = arith.constant 1 : i32
      %add3A_416 = arith.addi %scan3A_169, %add3A_415 : i32
      %lt3A = arith.constant 21 : i32
      %lt3A_417 = arith.cmpi slt, %add3A_416, %lt3A : i32
      %convert_element_type3A_418 = arith.extui %lt3A_417 : i1 to i32
      %cond3A = arith.constant 0 : i32
      %cond3A_419 = arith.cmpi ne, %convert_element_type3A_418, %cond3A : i32
      scf.if %cond3A_419 {
        %mul3A_468 = arith.constant 2 : i32
        %mul3A_469 = arith.muli %mul3A_468, %scan3A_169 : i32
        %add3A_470 = arith.constant 2 : i32
        %add3A_471 = arith.addi %mul3A_469, %add3A_470 : i32
        %mul3A_472 = arith.constant 32 : i32
        %mul3A_473 = arith.muli %mul3A_472, %add3A_471 : i32
        %add3A_474 = arith.addi %add3A, %mul3A_473 : i32
        "tpu.region"() ({
          %run_scoped3A = tpu.sem_alloc : memref<!tpu.dma_semaphore, #tpu.memory_space<semaphore_mem>>
          %dma_start3A_535 = arith.constant 0 : i32
          %dma_start3A_536 = arith.constant 0 : i32
          %dma_start3A_537 = tpu.memref_slice %arg4[%add3A_474, %dma_start3A_535, %dma_start3A_536] : memref<1344x6x128xi32, #tpu.memory_space<hbm>> -> memref<1x6x128xi32, #tpu.memory_space<hbm>>
          %dma_start3A_538 = tpu.memref_squeeze %dma_start3A_537 : memref<1x6x128xi32, #tpu.memory_space<hbm>> -> memref<6x128xi32, #tpu.memory_space<hbm>>
          %dma_start3A_539 = arith.constant 0 : i32
          %dma_start3A_540 = arith.constant 0 : i32
          %dma_start3A_541 = tpu.memref_slice %arg4[%add3A_474, %dma_start3A_539, %dma_start3A_540] : memref<1344x6x128xi32, #tpu.memory_space<hbm>> -> memref<1x6x128xi32, #tpu.memory_space<hbm>>
          %dma_start3A_542 = tpu.memref_squeeze %dma_start3A_541 : memref<1x6x128xi32, #tpu.memory_space<hbm>> -> memref<6x128xi32, #tpu.memory_space<hbm>>
          tpu.enqueue_dma source(%dma_start3A_542 : memref<6x128xi32, #tpu.memory_space<hbm>>) target(%arg11 : memref<6x128xi32, #tpu.memory_space<vmem>>) target_semaphore(%run_scoped3A : memref<!tpu.dma_semaphore, #tpu.memory_space<semaphore_mem>>)
          %dma_wait3A_543 = arith.constant 0 : i32
          %dma_wait3A_544 = arith.constant 0 : i32
          %dma_wait3A_545 = tpu.memref_slice %arg4[%add3A_474, %dma_wait3A_543, %dma_wait3A_544] : memref<1344x6x128xi32, #tpu.memory_space<hbm>> -> memref<1x6x128xi32, #tpu.memory_space<hbm>>
          %dma_wait3A_546 = tpu.memref_squeeze %dma_wait3A_545 : memref<1x6x128xi32, #tpu.memory_space<hbm>> -> memref<6x128xi32, #tpu.memory_space<hbm>>
          %dma_wait3A_547 = arith.constant 0 : i32
          %dma_wait3A_548 = arith.constant 0 : i32
          %dma_wait3A_549 = tpu.memref_slice %arg4[%add3A_474, %dma_wait3A_547, %dma_wait3A_548] : memref<1344x6x128xi32, #tpu.memory_space<hbm>> -> memref<1x6x128xi32, #tpu.memory_space<hbm>>
          %dma_wait3A_550 = tpu.memref_squeeze %dma_wait3A_549 : memref<1x6x128xi32, #tpu.memory_space<hbm>> -> memref<6x128xi32, #tpu.memory_space<hbm>>
          tpu.wait_dma2 semaphore(%run_scoped3A : memref<!tpu.dma_semaphore, #tpu.memory_space<semaphore_mem>>) src(%dma_wait3A_550 : memref<6x128xi32, #tpu.memory_space<hbm>>) dst(%arg11 : memref<6x128xi32, #tpu.memory_space<vmem>>)
          tpu.yield
        }) : () -> ()
        %dma_start3A_475 = arith.constant 0 : i32
        %dma_start3A_476 = arith.constant 0 : i32
        %dma_start3A_477 = arith.constant 0 : i32
        %dma_start3A_478 = tpu.memref_slice %arg7[%dma_start3A_476, %dma_start3A_477] : memref<256x16xf32, #tpu.memory_space<vmem>> -> memref<128x16xf32, #tpu.memory_space<vmem>>
        %dma_start3A_479 = arith.constant 0 : i32
        %dma_start3A_480 = tpu.memref_slice %arg11[%dma_start3A_475, %dma_start3A_479] : memref<6x128xi32, #tpu.memory_space<vmem>> -> memref<1x128xi32, #tpu.memory_space<vmem>>
        %dma_start3A_481 = tpu.memref_squeeze %dma_start3A_480 : memref<1x128xi32, #tpu.memory_space<vmem>> -> memref<128xi32, #tpu.memory_space<vmem>>
        %dma_start3A_482 = arith.constant 0 : i32
        %dma_start3A_483 = arith.constant 0 : i32
        %dma_start3A_484 = tpu.memref_slice %arg3[%dma_start3A_482, %dma_start3A_483] : memref<10000x16xf32, #tpu.memory_space<hbm>> -> memref<10000x16xf32, #tpu.memory_space<hbm>>
        tpu.enqueue_indirect_dma source(%dma_start3A_484 : memref<10000x16xf32, #tpu.memory_space<hbm>>) target(%dma_start3A_478 : memref<128x16xf32, #tpu.memory_space<vmem>>) offsets(%dma_start3A_481 : memref<128xi32, #tpu.memory_space<vmem>>) semaphore(%arg19 : memref<!tpu.dma_semaphore, #tpu.memory_space<semaphore_mem>>)
        %dma_start3A_485 = arith.constant 2 : i32
        %dma_start3A_486 = arith.constant 0 : i32
        %dma_start3A_487 = arith.constant 0 : i32
        %dma_start3A_488 = tpu.memref_slice %arg8[%dma_start3A_486, %dma_start3A_487] : memref<256x16xf32, #tpu.memory_space<vmem>> -> memref<128x16xf32, #tpu.memory_space<vmem>>
        %dma_start3A_489 = arith.constant 0 : i32
        %dma_start3A_490 = tpu.memref_slice %arg11[%dma_start3A_485, %dma_start3A_489] : memref<6x128xi32, #tpu.memory_space<vmem>> -> memref<1x128xi32, #tpu.memory_space<vmem>>
        %dma_start3A_491 = tpu.memref_squeeze %dma_start3A_490 : memref<1x128xi32, #tpu.memory_space<vmem>> -> memref<128xi32, #tpu.memory_space<vmem>>
        %dma_start3A_492 = arith.constant 0 : i32
        %dma_start3A_493 = arith.constant 0 : i32
        %dma_start3A_494 = tpu.memref_slice %arg3[%dma_start3A_492, %dma_start3A_493] : memref<10000x16xf32, #tpu.memory_space<hbm>> -> memref<10000x16xf32, #tpu.memory_space<hbm>>
        tpu.enqueue_indirect_dma source(%dma_start3A_494 : memref<10000x16xf32, #tpu.memory_space<hbm>>) target(%dma_start3A_488 : memref<128x16xf32, #tpu.memory_space<vmem>>) offsets(%dma_start3A_491 : memref<128xi32, #tpu.memory_space<vmem>>) semaphore(%arg19 : memref<!tpu.dma_semaphore, #tpu.memory_space<semaphore_mem>>)
        %dma_start3A_495 = arith.constant 0 : i32
        %dma_start3A_496 = arith.constant 0 : i32
        %dma_start3A_497 = arith.constant 0 : i32
        %dma_start3A_498 = tpu.memref_slice %arg9[%dma_start3A_496, %dma_start3A_497] : memref<256x64xf32, #tpu.memory_space<vmem>> -> memref<128x64xf32, #tpu.memory_space<vmem>>
        %dma_start3A_499 = arith.constant 0 : i32
        %dma_start3A_500 = tpu.memref_slice %arg11[%dma_start3A_495, %dma_start3A_499] : memref<6x128xi32, #tpu.memory_space<vmem>> -> memref<1x128xi32, #tpu.memory_space<vmem>>
        %dma_start3A_501 = tpu.memref_squeeze %dma_start3A_500 : memref<1x128xi32, #tpu.memory_space<vmem>> -> memref<128xi32, #tpu.memory_space<vmem>>
        %dma_start3A_502 = arith.constant 0 : i32
        %dma_start3A_503 = arith.constant 0 : i32
        %dma_start3A_504 = tpu.memref_slice %arg2[%dma_start3A_502, %dma_start3A_503] : memref<10000x64xf32, #tpu.memory_space<hbm>> -> memref<10000x64xf32, #tpu.memory_space<hbm>>
        tpu.enqueue_indirect_dma source(%dma_start3A_504 : memref<10000x64xf32, #tpu.memory_space<hbm>>) target(%dma_start3A_498 : memref<128x64xf32, #tpu.memory_space<vmem>>) offsets(%dma_start3A_501 : memref<128xi32, #tpu.memory_space<vmem>>) semaphore(%arg19 : memref<!tpu.dma_semaphore, #tpu.memory_space<semaphore_mem>>)
        %dma_start3A_505 = arith.constant 1 : i32
        %dma_start3A_506 = arith.constant 128 : i32
        %dma_start3A_507 = arith.constant 0 : i32
        %dma_start3A_508 = tpu.memref_slice %arg7[%dma_start3A_506, %dma_start3A_507] : memref<256x16xf32, #tpu.memory_space<vmem>> -> memref<128x16xf32, #tpu.memory_space<vmem>>
        %dma_start3A_509 = arith.constant 0 : i32
        %dma_start3A_510 = tpu.memref_slice %arg11[%dma_start3A_505, %dma_start3A_509] : memref<6x128xi32, #tpu.memory_space<vmem>> -> memref<1x128xi32, #tpu.memory_space<vmem>>
        %dma_start3A_511 = tpu.memref_squeeze %dma_start3A_510 : memref<1x128xi32, #tpu.memory_space<vmem>> -> memref<128xi32, #tpu.memory_space<vmem>>
        %dma_start3A_512 = arith.constant 0 : i32
        %dma_start3A_513 = arith.constant 0 : i32
        %dma_start3A_514 = tpu.memref_slice %arg3[%dma_start3A_512, %dma_start3A_513] : memref<10000x16xf32, #tpu.memory_space<hbm>> -> memref<10000x16xf32, #tpu.memory_space<hbm>>
        tpu.enqueue_indirect_dma source(%dma_start3A_514 : memref<10000x16xf32, #tpu.memory_space<hbm>>) target(%dma_start3A_508 : memref<128x16xf32, #tpu.memory_space<vmem>>) offsets(%dma_start3A_511 : memref<128xi32, #tpu.memory_space<vmem>>) semaphore(%arg19 : memref<!tpu.dma_semaphore, #tpu.memory_space<semaphore_mem>>)
        %dma_start3A_515 = arith.constant 3 : i32
        %dma_start3A_516 = arith.constant 128 : i32
        %dma_start3A_517 = arith.constant 0 : i32
        %dma_start3A_518 = tpu.memref_slice %arg8[%dma_start3A_516, %dma_start3A_517] : memref<256x16xf32, #tpu.memory_space<vmem>> -> memref<128x16xf32, #tpu.memory_space<vmem>>
        %dma_start3A_519 = arith.constant 0 : i32
        %dma_start3A_520 = tpu.memref_slice %arg11[%dma_start3A_515, %dma_start3A_519] : memref<6x128xi32, #tpu.memory_space<vmem>> -> memref<1x128xi32, #tpu.memory_space<vmem>>
        %dma_start3A_521 = tpu.memref_squeeze %dma_start3A_520 : memref<1x128xi32, #tpu.memory_space<vmem>> -> memref<128xi32, #tpu.memory_space<vmem>>
        %dma_start3A_522 = arith.constant 0 : i32
        %dma_start3A_523 = arith.constant 0 : i32
        %dma_start3A_524 = tpu.memref_slice %arg3[%dma_start3A_522, %dma_start3A_523] : memref<10000x16xf32, #tpu.memory_space<hbm>> -> memref<10000x16xf32, #tpu.memory_space<hbm>>
        tpu.enqueue_indirect_dma source(%dma_start3A_524 : memref<10000x16xf32, #tpu.memory_space<hbm>>) target(%dma_start3A_518 : memref<128x16xf32, #tpu.memory_space<vmem>>) offsets(%dma_start3A_521 : memref<128xi32, #tpu.memory_space<vmem>>) semaphore(%arg19 : memref<!tpu.dma_semaphore, #tpu.memory_space<semaphore_mem>>)
        %dma_start3A_525 = arith.constant 1 : i32
        %dma_start3A_526 = arith.constant 128 : i32
        %dma_start3A_527 = arith.constant 0 : i32
        %dma_start3A_528 = tpu.memref_slice %arg9[%dma_start3A_526, %dma_start3A_527] : memref<256x64xf32, #tpu.memory_space<vmem>> -> memref<128x64xf32, #tpu.memory_space<vmem>>
        %dma_start3A_529 = arith.constant 0 : i32
        %dma_start3A_530 = tpu.memref_slice %arg11[%dma_start3A_525, %dma_start3A_529] : memref<6x128xi32, #tpu.memory_space<vmem>> -> memref<1x128xi32, #tpu.memory_space<vmem>>
        %dma_start3A_531 = tpu.memref_squeeze %dma_start3A_530 : memref<1x128xi32, #tpu.memory_space<vmem>> -> memref<128xi32, #tpu.memory_space<vmem>>
        %dma_start3A_532 = arith.constant 0 : i32
        %dma_start3A_533 = arith.constant 0 : i32
        %dma_start3A_534 = tpu.memref_slice %arg2[%dma_start3A_532, %dma_start3A_533] : memref<10000x64xf32, #tpu.memory_space<hbm>> -> memref<10000x64xf32, #tpu.memory_space<hbm>>
        tpu.enqueue_indirect_dma source(%dma_start3A_534 : memref<10000x64xf32, #tpu.memory_space<hbm>>) target(%dma_start3A_528 : memref<128x64xf32, #tpu.memory_space<vmem>>) offsets(%dma_start3A_531 : memref<128xi32, #tpu.memory_space<vmem>>) semaphore(%arg19 : memref<!tpu.dma_semaphore, #tpu.memory_space<semaphore_mem>>)
      } else {
      }
      %dma_wait3A_420 = arith.constant 2 : i32
      %dma_wait3A_421 = arith.constant 0 : i32
      %dma_wait3A_422 = arith.constant 0 : i32
      %dma_wait3A_423 = tpu.memref_slice %arg14[%dma_wait3A_421, %dma_wait3A_422] : memref<256x64xf32, #tpu.memory_space<vmem>> -> memref<128x64xf32, #tpu.memory_space<vmem>>
      %dma_wait3A_424 = arith.constant 0 : i32
      %dma_wait3A_425 = tpu.memref_slice %arg16[%dma_wait3A_420, %dma_wait3A_424] : memref<6x128xi32, #tpu.memory_space<vmem>> -> memref<1x128xi32, #tpu.memory_space<vmem>>
      %dma_wait3A_426 = tpu.memref_squeeze %dma_wait3A_425 : memref<1x128xi32, #tpu.memory_space<vmem>> -> memref<128xi32, #tpu.memory_space<vmem>>
      %dma_wait3A_427 = arith.constant 0 : i32
      %dma_wait3A_428 = arith.constant 0 : i32
      %dma_wait3A_429 = tpu.memref_slice %arg17[%dma_wait3A_427, %dma_wait3A_428] : memref<10240x64xf32, #tpu.memory_space<vmem_shared>> -> memref<10240x64xf32, #tpu.memory_space<vmem_shared>>
      tpu.wait_indirect_dma semaphore(%arg22 : memref<!tpu.dma_semaphore, #tpu.memory_space<semaphore_mem>>) src(%dma_wait3A_423 : memref<128x64xf32, #tpu.memory_space<vmem>>) dst(%dma_wait3A_429 : memref<10240x64xf32, #tpu.memory_space<vmem_shared>>)
      %dma_wait3A_430 = arith.constant 2 : i32
      %dma_wait3A_431 = arith.constant 0 : i32
      %dma_wait3A_432 = arith.constant 0 : i32
      %dma_wait3A_433 = tpu.memref_slice %arg15[%dma_wait3A_431, %dma_wait3A_432] : memref<256x16xf32, #tpu.memory_space<vmem>> -> memref<128x16xf32, #tpu.memory_space<vmem>>
      %dma_wait3A_434 = arith.constant 0 : i32
      %dma_wait3A_435 = tpu.memref_slice %arg16[%dma_wait3A_430, %dma_wait3A_434] : memref<6x128xi32, #tpu.memory_space<vmem>> -> memref<1x128xi32, #tpu.memory_space<vmem>>
      %dma_wait3A_436 = tpu.memref_squeeze %dma_wait3A_435 : memref<1x128xi32, #tpu.memory_space<vmem>> -> memref<128xi32, #tpu.memory_space<vmem>>
      %dma_wait3A_437 = arith.constant 0 : i32
      %dma_wait3A_438 = arith.constant 0 : i32
      %dma_wait3A_439 = tpu.memref_slice %arg18[%dma_wait3A_437, %dma_wait3A_438] : memref<10240x16xf32, #tpu.memory_space<vmem_shared>> -> memref<10240x16xf32, #tpu.memory_space<vmem_shared>>
      tpu.wait_indirect_dma semaphore(%arg22 : memref<!tpu.dma_semaphore, #tpu.memory_space<semaphore_mem>>) src(%dma_wait3A_433 : memref<128x16xf32, #tpu.memory_space<vmem>>) dst(%dma_wait3A_439 : memref<10240x16xf32, #tpu.memory_space<vmem_shared>>)
      %dma_wait3A_440 = arith.constant 3 : i32
      %dma_wait3A_441 = arith.constant 128 : i32
      %dma_wait3A_442 = arith.constant 0 : i32
      %dma_wait3A_443 = tpu.memref_slice %arg14[%dma_wait3A_441, %dma_wait3A_442] : memref<256x64xf32, #tpu.memory_space<vmem>> -> memref<128x64xf32, #tpu.memory_space<vmem>>
      %dma_wait3A_444 = arith.constant 0 : i32
      %dma_wait3A_445 = tpu.memref_slice %arg16[%dma_wait3A_440, %dma_wait3A_444] : memref<6x128xi32, #tpu.memory_space<vmem>> -> memref<1x128xi32, #tpu.memory_space<vmem>>
      %dma_wait3A_446 = tpu.memref_squeeze %dma_wait3A_445 : memref<1x128xi32, #tpu.memory_space<vmem>> -> memref<128xi32, #tpu.memory_space<vmem>>
      %dma_wait3A_447 = arith.constant 0 : i32
      %dma_wait3A_448 = arith.constant 0 : i32
      %dma_wait3A_449 = tpu.memref_slice %arg17[%dma_wait3A_447, %dma_wait3A_448] : memref<10240x64xf32, #tpu.memory_space<vmem_shared>> -> memref<10240x64xf32, #tpu.memory_space<vmem_shared>>
      tpu.wait_indirect_dma semaphore(%arg22 : memref<!tpu.dma_semaphore, #tpu.memory_space<semaphore_mem>>) src(%dma_wait3A_443 : memref<128x64xf32, #tpu.memory_space<vmem>>) dst(%dma_wait3A_449 : memref<10240x64xf32, #tpu.memory_space<vmem_shared>>)
      %dma_wait3A_450 = arith.constant 3 : i32
      %dma_wait3A_451 = arith.constant 128 : i32
      %dma_wait3A_452 = arith.constant 0 : i32
      %dma_wait3A_453 = tpu.memref_slice %arg15[%dma_wait3A_451, %dma_wait3A_452] : memref<256x16xf32, #tpu.memory_space<vmem>> -> memref<128x16xf32, #tpu.memory_space<vmem>>
      %dma_wait3A_454 = arith.constant 0 : i32
      %dma_wait3A_455 = tpu.memref_slice %arg16[%dma_wait3A_450, %dma_wait3A_454] : memref<6x128xi32, #tpu.memory_space<vmem>> -> memref<1x128xi32, #tpu.memory_space<vmem>>
      %dma_wait3A_456 = tpu.memref_squeeze %dma_wait3A_455 : memref<1x128xi32, #tpu.memory_space<vmem>> -> memref<128xi32, #tpu.memory_space<vmem>>
      %dma_wait3A_457 = arith.constant 0 : i32
      %dma_wait3A_458 = arith.constant 0 : i32
      %dma_wait3A_459 = tpu.memref_slice %arg18[%dma_wait3A_457, %dma_wait3A_458] : memref<10240x16xf32, #tpu.memory_space<vmem_shared>> -> memref<10240x16xf32, #tpu.memory_space<vmem_shared>>
      tpu.wait_indirect_dma semaphore(%arg22 : memref<!tpu.dma_semaphore, #tpu.memory_space<semaphore_mem>>) src(%dma_wait3A_453 : memref<128x16xf32, #tpu.memory_space<vmem>>) dst(%dma_wait3A_459 : memref<10240x16xf32, #tpu.memory_space<vmem_shared>>)
      %add3A_460 = arith.constant 1 : i32
      %add3A_461 = arith.addi %scan3A_169, %add3A_460 : i32
      %lt3A_462 = arith.constant 21 : i32
      %lt3A_463 = arith.cmpi slt, %add3A_461, %lt3A_462 : i32
      %convert_element_type3A_464 = arith.extui %lt3A_463 : i1 to i32
      %cond3A_465 = arith.constant 0 : i32
      %cond3A_466 = arith.cmpi ne, %convert_element_type3A_464, %cond3A_465 : i32
      scf.if %cond3A_466 {
        %mul3A_468 = arith.constant 2 : i32
        %mul3A_469 = arith.muli %mul3A_468, %scan3A_169 : i32
        %add3A_470 = arith.constant 3 : i32
        %add3A_471 = arith.addi %mul3A_469, %add3A_470 : i32
        %mul3A_472 = arith.constant 32 : i32
        %mul3A_473 = arith.muli %mul3A_472, %add3A_471 : i32
        %add3A_474 = arith.addi %add3A, %mul3A_473 : i32
        "tpu.region"() ({
          %run_scoped3A = tpu.sem_alloc : memref<!tpu.dma_semaphore, #tpu.memory_space<semaphore_mem>>
          %dma_start3A_535 = arith.constant 0 : i32
          %dma_start3A_536 = arith.constant 0 : i32
          %dma_start3A_537 = tpu.memref_slice %arg4[%add3A_474, %dma_start3A_535, %dma_start3A_536] : memref<1344x6x128xi32, #tpu.memory_space<hbm>> -> memref<1x6x128xi32, #tpu.memory_space<hbm>>
          %dma_start3A_538 = tpu.memref_squeeze %dma_start3A_537 : memref<1x6x128xi32, #tpu.memory_space<hbm>> -> memref<6x128xi32, #tpu.memory_space<hbm>>
          %dma_start3A_539 = arith.constant 0 : i32
          %dma_start3A_540 = arith.constant 0 : i32
          %dma_start3A_541 = tpu.memref_slice %arg4[%add3A_474, %dma_start3A_539, %dma_start3A_540] : memref<1344x6x128xi32, #tpu.memory_space<hbm>> -> memref<1x6x128xi32, #tpu.memory_space<hbm>>
          %dma_start3A_542 = tpu.memref_squeeze %dma_start3A_541 : memref<1x6x128xi32, #tpu.memory_space<hbm>> -> memref<6x128xi32, #tpu.memory_space<hbm>>
          tpu.enqueue_dma source(%dma_start3A_542 : memref<6x128xi32, #tpu.memory_space<hbm>>) target(%arg16 : memref<6x128xi32, #tpu.memory_space<vmem>>) target_semaphore(%run_scoped3A : memref<!tpu.dma_semaphore, #tpu.memory_space<semaphore_mem>>)
          %dma_wait3A_543 = arith.constant 0 : i32
          %dma_wait3A_544 = arith.constant 0 : i32
          %dma_wait3A_545 = tpu.memref_slice %arg4[%add3A_474, %dma_wait3A_543, %dma_wait3A_544] : memref<1344x6x128xi32, #tpu.memory_space<hbm>> -> memref<1x6x128xi32, #tpu.memory_space<hbm>>
          %dma_wait3A_546 = tpu.memref_squeeze %dma_wait3A_545 : memref<1x6x128xi32, #tpu.memory_space<hbm>> -> memref<6x128xi32, #tpu.memory_space<hbm>>
          %dma_wait3A_547 = arith.constant 0 : i32
          %dma_wait3A_548 = arith.constant 0 : i32
          %dma_wait3A_549 = tpu.memref_slice %arg4[%add3A_474, %dma_wait3A_547, %dma_wait3A_548] : memref<1344x6x128xi32, #tpu.memory_space<hbm>> -> memref<1x6x128xi32, #tpu.memory_space<hbm>>
          %dma_wait3A_550 = tpu.memref_squeeze %dma_wait3A_549 : memref<1x6x128xi32, #tpu.memory_space<hbm>> -> memref<6x128xi32, #tpu.memory_space<hbm>>
          tpu.wait_dma2 semaphore(%run_scoped3A : memref<!tpu.dma_semaphore, #tpu.memory_space<semaphore_mem>>) src(%dma_wait3A_550 : memref<6x128xi32, #tpu.memory_space<hbm>>) dst(%arg16 : memref<6x128xi32, #tpu.memory_space<vmem>>)
          tpu.yield
        }) : () -> ()
        %dma_start3A_475 = arith.constant 0 : i32
        %dma_start3A_476 = arith.constant 0 : i32
        %dma_start3A_477 = arith.constant 0 : i32
        %dma_start3A_478 = tpu.memref_slice %arg12[%dma_start3A_476, %dma_start3A_477] : memref<256x16xf32, #tpu.memory_space<vmem>> -> memref<128x16xf32, #tpu.memory_space<vmem>>
        %dma_start3A_479 = arith.constant 0 : i32
        %dma_start3A_480 = tpu.memref_slice %arg16[%dma_start3A_475, %dma_start3A_479] : memref<6x128xi32, #tpu.memory_space<vmem>> -> memref<1x128xi32, #tpu.memory_space<vmem>>
        %dma_start3A_481 = tpu.memref_squeeze %dma_start3A_480 : memref<1x128xi32, #tpu.memory_space<vmem>> -> memref<128xi32, #tpu.memory_space<vmem>>
        %dma_start3A_482 = arith.constant 0 : i32
        %dma_start3A_483 = arith.constant 0 : i32
        %dma_start3A_484 = tpu.memref_slice %arg3[%dma_start3A_482, %dma_start3A_483] : memref<10000x16xf32, #tpu.memory_space<hbm>> -> memref<10000x16xf32, #tpu.memory_space<hbm>>
        tpu.enqueue_indirect_dma source(%dma_start3A_484 : memref<10000x16xf32, #tpu.memory_space<hbm>>) target(%dma_start3A_478 : memref<128x16xf32, #tpu.memory_space<vmem>>) offsets(%dma_start3A_481 : memref<128xi32, #tpu.memory_space<vmem>>) semaphore(%arg20 : memref<!tpu.dma_semaphore, #tpu.memory_space<semaphore_mem>>)
        %dma_start3A_485 = arith.constant 2 : i32
        %dma_start3A_486 = arith.constant 0 : i32
        %dma_start3A_487 = arith.constant 0 : i32
        %dma_start3A_488 = tpu.memref_slice %arg13[%dma_start3A_486, %dma_start3A_487] : memref<256x16xf32, #tpu.memory_space<vmem>> -> memref<128x16xf32, #tpu.memory_space<vmem>>
        %dma_start3A_489 = arith.constant 0 : i32
        %dma_start3A_490 = tpu.memref_slice %arg16[%dma_start3A_485, %dma_start3A_489] : memref<6x128xi32, #tpu.memory_space<vmem>> -> memref<1x128xi32, #tpu.memory_space<vmem>>
        %dma_start3A_491 = tpu.memref_squeeze %dma_start3A_490 : memref<1x128xi32, #tpu.memory_space<vmem>> -> memref<128xi32, #tpu.memory_space<vmem>>
        %dma_start3A_492 = arith.constant 0 : i32
        %dma_start3A_493 = arith.constant 0 : i32
        %dma_start3A_494 = tpu.memref_slice %arg3[%dma_start3A_492, %dma_start3A_493] : memref<10000x16xf32, #tpu.memory_space<hbm>> -> memref<10000x16xf32, #tpu.memory_space<hbm>>
        tpu.enqueue_indirect_dma source(%dma_start3A_494 : memref<10000x16xf32, #tpu.memory_space<hbm>>) target(%dma_start3A_488 : memref<128x16xf32, #tpu.memory_space<vmem>>) offsets(%dma_start3A_491 : memref<128xi32, #tpu.memory_space<vmem>>) semaphore(%arg20 : memref<!tpu.dma_semaphore, #tpu.memory_space<semaphore_mem>>)
        %dma_start3A_495 = arith.constant 0 : i32
        %dma_start3A_496 = arith.constant 0 : i32
        %dma_start3A_497 = arith.constant 0 : i32
        %dma_start3A_498 = tpu.memref_slice %arg14[%dma_start3A_496, %dma_start3A_497] : memref<256x64xf32, #tpu.memory_space<vmem>> -> memref<128x64xf32, #tpu.memory_space<vmem>>
        %dma_start3A_499 = arith.constant 0 : i32
        %dma_start3A_500 = tpu.memref_slice %arg16[%dma_start3A_495, %dma_start3A_499] : memref<6x128xi32, #tpu.memory_space<vmem>> -> memref<1x128xi32, #tpu.memory_space<vmem>>
        %dma_start3A_501 = tpu.memref_squeeze %dma_start3A_500 : memref<1x128xi32, #tpu.memory_space<vmem>> -> memref<128xi32, #tpu.memory_space<vmem>>
        %dma_start3A_502 = arith.constant 0 : i32
        %dma_start3A_503 = arith.constant 0 : i32
        %dma_start3A_504 = tpu.memref_slice %arg2[%dma_start3A_502, %dma_start3A_503] : memref<10000x64xf32, #tpu.memory_space<hbm>> -> memref<10000x64xf32, #tpu.memory_space<hbm>>
        tpu.enqueue_indirect_dma source(%dma_start3A_504 : memref<10000x64xf32, #tpu.memory_space<hbm>>) target(%dma_start3A_498 : memref<128x64xf32, #tpu.memory_space<vmem>>) offsets(%dma_start3A_501 : memref<128xi32, #tpu.memory_space<vmem>>) semaphore(%arg20 : memref<!tpu.dma_semaphore, #tpu.memory_space<semaphore_mem>>)
        %dma_start3A_505 = arith.constant 1 : i32
        %dma_start3A_506 = arith.constant 128 : i32
        %dma_start3A_507 = arith.constant 0 : i32
        %dma_start3A_508 = tpu.memref_slice %arg12[%dma_start3A_506, %dma_start3A_507] : memref<256x16xf32, #tpu.memory_space<vmem>> -> memref<128x16xf32, #tpu.memory_space<vmem>>
        %dma_start3A_509 = arith.constant 0 : i32
        %dma_start3A_510 = tpu.memref_slice %arg16[%dma_start3A_505, %dma_start3A_509] : memref<6x128xi32, #tpu.memory_space<vmem>> -> memref<1x128xi32, #tpu.memory_space<vmem>>
        %dma_start3A_511 = tpu.memref_squeeze %dma_start3A_510 : memref<1x128xi32, #tpu.memory_space<vmem>> -> memref<128xi32, #tpu.memory_space<vmem>>
        %dma_start3A_512 = arith.constant 0 : i32
        %dma_start3A_513 = arith.constant 0 : i32
        %dma_start3A_514 = tpu.memref_slice %arg3[%dma_start3A_512, %dma_start3A_513] : memref<10000x16xf32, #tpu.memory_space<hbm>> -> memref<10000x16xf32, #tpu.memory_space<hbm>>
        tpu.enqueue_indirect_dma source(%dma_start3A_514 : memref<10000x16xf32, #tpu.memory_space<hbm>>) target(%dma_start3A_508 : memref<128x16xf32, #tpu.memory_space<vmem>>) offsets(%dma_start3A_511 : memref<128xi32, #tpu.memory_space<vmem>>) semaphore(%arg20 : memref<!tpu.dma_semaphore, #tpu.memory_space<semaphore_mem>>)
        %dma_start3A_515 = arith.constant 3 : i32
        %dma_start3A_516 = arith.constant 128 : i32
        %dma_start3A_517 = arith.constant 0 : i32
        %dma_start3A_518 = tpu.memref_slice %arg13[%dma_start3A_516, %dma_start3A_517] : memref<256x16xf32, #tpu.memory_space<vmem>> -> memref<128x16xf32, #tpu.memory_space<vmem>>
        %dma_start3A_519 = arith.constant 0 : i32
        %dma_start3A_520 = tpu.memref_slice %arg16[%dma_start3A_515, %dma_start3A_519] : memref<6x128xi32, #tpu.memory_space<vmem>> -> memref<1x128xi32, #tpu.memory_space<vmem>>
        %dma_start3A_521 = tpu.memref_squeeze %dma_start3A_520 : memref<1x128xi32, #tpu.memory_space<vmem>> -> memref<128xi32, #tpu.memory_space<vmem>>
        %dma_start3A_522 = arith.constant 0 : i32
        %dma_start3A_523 = arith.constant 0 : i32
        %dma_start3A_524 = tpu.memref_slice %arg3[%dma_start3A_522, %dma_start3A_523] : memref<10000x16xf32, #tpu.memory_space<hbm>> -> memref<10000x16xf32, #tpu.memory_space<hbm>>
        tpu.enqueue_indirect_dma source(%dma_start3A_524 : memref<10000x16xf32, #tpu.memory_space<hbm>>) target(%dma_start3A_518 : memref<128x16xf32, #tpu.memory_space<vmem>>) offsets(%dma_start3A_521 : memref<128xi32, #tpu.memory_space<vmem>>) semaphore(%arg20 : memref<!tpu.dma_semaphore, #tpu.memory_space<semaphore_mem>>)
        %dma_start3A_525 = arith.constant 1 : i32
        %dma_start3A_526 = arith.constant 128 : i32
        %dma_start3A_527 = arith.constant 0 : i32
        %dma_start3A_528 = tpu.memref_slice %arg14[%dma_start3A_526, %dma_start3A_527] : memref<256x64xf32, #tpu.memory_space<vmem>> -> memref<128x64xf32, #tpu.memory_space<vmem>>
        %dma_start3A_529 = arith.constant 0 : i32
        %dma_start3A_530 = tpu.memref_slice %arg16[%dma_start3A_525, %dma_start3A_529] : memref<6x128xi32, #tpu.memory_space<vmem>> -> memref<1x128xi32, #tpu.memory_space<vmem>>
        %dma_start3A_531 = tpu.memref_squeeze %dma_start3A_530 : memref<1x128xi32, #tpu.memory_space<vmem>> -> memref<128xi32, #tpu.memory_space<vmem>>
        %dma_start3A_532 = arith.constant 0 : i32
        %dma_start3A_533 = arith.constant 0 : i32
        %dma_start3A_534 = tpu.memref_slice %arg2[%dma_start3A_532, %dma_start3A_533] : memref<10000x64xf32, #tpu.memory_space<hbm>> -> memref<10000x64xf32, #tpu.memory_space<hbm>>
        tpu.enqueue_indirect_dma source(%dma_start3A_534 : memref<10000x64xf32, #tpu.memory_space<hbm>>) target(%dma_start3A_528 : memref<128x64xf32, #tpu.memory_space<vmem>>) offsets(%dma_start3A_531 : memref<128xi32, #tpu.memory_space<vmem>>) semaphore(%arg20 : memref<!tpu.dma_semaphore, #tpu.memory_space<semaphore_mem>>)
      } else {
      }
      %scan3A_467 = arith.constant 0 : i32
      scf.yield %scan3A_467 : i32
    }
    %scan3A_159 = arith.constant 21 : i32
    %barrier3A_160 = arith.constant 0 : index
    tpu.barrier barrier_id(%barrier3A_160)
    %mul3A_161 = arith.constant 320 : i32
    %mul3A_162 = arith.muli %arg1, %mul3A_161 : i32
    %add3A_163 = arith.constant 0 : i32
    %add3A_164 = arith.addi %mul3A_162, %add3A_163 : i32
    "tpu.region"() ({
      %run_scoped3A = tpu.sem_alloc : memref<!tpu.dma_semaphore, #tpu.memory_space<semaphore_mem>>
      %dma_start3A_169 = arith.constant 0 : i32
      %dma_start3A_170 = arith.constant 0 : i32
      %dma_start3A_171 = tpu.memref_slice %arg9[%dma_start3A_169, %dma_start3A_170] : memref<256x64xf32, #tpu.memory_space<vmem>> -> memref<160x64xf32, #tpu.memory_space<vmem>>
      %dma_start3A_172 = arith.constant 0 : i32
      %dma_start3A_173 = tpu.memref_slice %arg17[%add3A_164, %dma_start3A_172] : memref<10240x64xf32, #tpu.memory_space<vmem_shared>> -> memref<160x64xf32, #tpu.memory_space<vmem_shared>>
      %dma_start3A_174 = arith.constant 0 : i32
      %dma_start3A_175 = arith.constant 0 : i32
      %dma_start3A_176 = tpu.memref_slice %arg9[%dma_start3A_174, %dma_start3A_175] : memref<256x64xf32, #tpu.memory_space<vmem>> -> memref<160x64xf32, #tpu.memory_space<vmem>>
      %dma_start3A_177 = arith.constant 0 : i32
      %dma_start3A_178 = tpu.memref_slice %arg17[%add3A_164, %dma_start3A_177] : memref<10240x64xf32, #tpu.memory_space<vmem_shared>> -> memref<160x64xf32, #tpu.memory_space<vmem_shared>>
      tpu.enqueue_dma source(%dma_start3A_178 : memref<160x64xf32, #tpu.memory_space<vmem_shared>>) target(%dma_start3A_176 : memref<160x64xf32, #tpu.memory_space<vmem>>) target_semaphore(%run_scoped3A : memref<!tpu.dma_semaphore, #tpu.memory_space<semaphore_mem>>)
      %dma_wait3A = arith.constant 0 : i32
      %dma_wait3A_179 = arith.constant 0 : i32
      %dma_wait3A_180 = tpu.memref_slice %arg9[%dma_wait3A, %dma_wait3A_179] : memref<256x64xf32, #tpu.memory_space<vmem>> -> memref<160x64xf32, #tpu.memory_space<vmem>>
      %dma_wait3A_181 = arith.constant 0 : i32
      %dma_wait3A_182 = tpu.memref_slice %arg17[%add3A_164, %dma_wait3A_181] : memref<10240x64xf32, #tpu.memory_space<vmem_shared>> -> memref<160x64xf32, #tpu.memory_space<vmem_shared>>
      %dma_wait3A_183 = arith.constant 0 : i32
      %dma_wait3A_184 = arith.constant 0 : i32
      %dma_wait3A_185 = tpu.memref_slice %arg9[%dma_wait3A_183, %dma_wait3A_184] : memref<256x64xf32, #tpu.memory_space<vmem>> -> memref<160x64xf32, #tpu.memory_space<vmem>>
      %dma_wait3A_186 = arith.constant 0 : i32
      %dma_wait3A_187 = tpu.memref_slice %arg17[%add3A_164, %dma_wait3A_186] : memref<10240x64xf32, #tpu.memory_space<vmem_shared>> -> memref<160x64xf32, #tpu.memory_space<vmem_shared>>
      tpu.wait_dma2 semaphore(%run_scoped3A : memref<!tpu.dma_semaphore, #tpu.memory_space<semaphore_mem>>) src(%dma_wait3A_187 : memref<160x64xf32, #tpu.memory_space<vmem_shared>>) dst(%dma_wait3A_185 : memref<160x64xf32, #tpu.memory_space<vmem>>)
      tpu.yield
    }) : () -> ()
    "tpu.region"() ({
      %run_scoped3A = tpu.sem_alloc : memref<!tpu.dma_semaphore, #tpu.memory_space<semaphore_mem>>
      %dma_start3A_169 = arith.constant 0 : i32
      %dma_start3A_170 = arith.constant 0 : i32
      %dma_start3A_171 = tpu.memref_slice %arg9[%dma_start3A_169, %dma_start3A_170] : memref<256x64xf32, #tpu.memory_space<vmem>> -> memref<160x64xf32, #tpu.memory_space<vmem>>
      %dma_start3A_172 = arith.constant 0 : i32
      %dma_start3A_173 = tpu.memref_slice %arg5[%arg0, %add3A_164, %dma_start3A_172] : memref<2x10240x64xf32, #tpu.memory_space<hbm>> -> memref<1x160x64xf32, #tpu.memory_space<hbm>>
      %dma_start3A_174 = tpu.memref_squeeze %dma_start3A_173 : memref<1x160x64xf32, #tpu.memory_space<hbm>> -> memref<160x64xf32, #tpu.memory_space<hbm>>
      %dma_start3A_175 = arith.constant 0 : i32
      %dma_start3A_176 = tpu.memref_slice %arg5[%arg0, %add3A_164, %dma_start3A_175] : memref<2x10240x64xf32, #tpu.memory_space<hbm>> -> memref<1x160x64xf32, #tpu.memory_space<hbm>>
      %dma_start3A_177 = tpu.memref_squeeze %dma_start3A_176 : memref<1x160x64xf32, #tpu.memory_space<hbm>> -> memref<160x64xf32, #tpu.memory_space<hbm>>
      %dma_start3A_178 = arith.constant 0 : i32
      %dma_start3A_179 = arith.constant 0 : i32
      %dma_start3A_180 = tpu.memref_slice %arg9[%dma_start3A_178, %dma_start3A_179] : memref<256x64xf32, #tpu.memory_space<vmem>> -> memref<160x64xf32, #tpu.memory_space<vmem>>
      tpu.enqueue_dma source(%dma_start3A_180 : memref<160x64xf32, #tpu.memory_space<vmem>>) target(%dma_start3A_177 : memref<160x64xf32, #tpu.memory_space<hbm>>) target_semaphore(%run_scoped3A : memref<!tpu.dma_semaphore, #tpu.memory_space<semaphore_mem>>)
      %dma_wait3A = arith.constant 0 : i32
      %dma_wait3A_181 = arith.constant 0 : i32
      %dma_wait3A_182 = tpu.memref_slice %arg9[%dma_wait3A, %dma_wait3A_181] : memref<256x64xf32, #tpu.memory_space<vmem>> -> memref<160x64xf32, #tpu.memory_space<vmem>>
      %dma_wait3A_183 = arith.constant 0 : i32
      %dma_wait3A_184 = tpu.memref_slice %arg5[%arg0, %add3A_164, %dma_wait3A_183] : memref<2x10240x64xf32, #tpu.memory_space<hbm>> -> memref<1x160x64xf32, #tpu.memory_space<hbm>>
      %dma_wait3A_185 = tpu.memref_squeeze %dma_wait3A_184 : memref<1x160x64xf32, #tpu.memory_space<hbm>> -> memref<160x64xf32, #tpu.memory_space<hbm>>
      %dma_wait3A_186 = arith.constant 0 : i32
      %dma_wait3A_187 = tpu.memref_slice %arg5[%arg0, %add3A_164, %dma_wait3A_186] : memref<2x10240x64xf32, #tpu.memory_space<hbm>> -> memref<1x160x64xf32, #tpu.memory_space<hbm>>
      %dma_wait3A_188 = tpu.memref_squeeze %dma_wait3A_187 : memref<1x160x64xf32, #tpu.memory_space<hbm>> -> memref<160x64xf32, #tpu.memory_space<hbm>>
      %dma_wait3A_189 = arith.constant 0 : i32
      %dma_wait3A_190 = arith.constant 0 : i32
      %dma_wait3A_191 = tpu.memref_slice %arg9[%dma_wait3A_189, %dma_wait3A_190] : memref<256x64xf32, #tpu.memory_space<vmem>> -> memref<160x64xf32, #tpu.memory_space<vmem>>
      tpu.wait_dma2 semaphore(%run_scoped3A : memref<!tpu.dma_semaphore, #tpu.memory_space<semaphore_mem>>) src(%dma_wait3A_191 : memref<160x64xf32, #tpu.memory_space<vmem>>) dst(%dma_wait3A_188 : memref<160x64xf32, #tpu.memory_space<hbm>>)
      tpu.yield
    }) : () -> ()
    "tpu.region"() ({
      %run_scoped3A = tpu.sem_alloc : memref<!tpu.dma_semaphore, #tpu.memory_space<semaphore_mem>>
      %dma_start3A_169 = arith.constant 0 : i32
      %dma_start3A_170 = arith.constant 0 : i32
      %dma_start3A_171 = tpu.memref_slice %arg10[%dma_start3A_169, %dma_start3A_170] : memref<256x16xf32, #tpu.memory_space<vmem>> -> memref<160x16xf32, #tpu.memory_space<vmem>>
      %dma_start3A_172 = arith.constant 0 : i32
      %dma_start3A_173 = tpu.memref_slice %arg18[%add3A_164, %dma_start3A_172] : memref<10240x16xf32, #tpu.memory_space<vmem_shared>> -> memref<160x16xf32, #tpu.memory_space<vmem_shared>>
      %dma_start3A_174 = arith.constant 0 : i32
      %dma_start3A_175 = arith.constant 0 : i32
      %dma_start3A_176 = tpu.memref_slice %arg10[%dma_start3A_174, %dma_start3A_175] : memref<256x16xf32, #tpu.memory_space<vmem>> -> memref<160x16xf32, #tpu.memory_space<vmem>>
      %dma_start3A_177 = arith.constant 0 : i32
      %dma_start3A_178 = tpu.memref_slice %arg18[%add3A_164, %dma_start3A_177] : memref<10240x16xf32, #tpu.memory_space<vmem_shared>> -> memref<160x16xf32, #tpu.memory_space<vmem_shared>>
      tpu.enqueue_dma source(%dma_start3A_178 : memref<160x16xf32, #tpu.memory_space<vmem_shared>>) target(%dma_start3A_176 : memref<160x16xf32, #tpu.memory_space<vmem>>) target_semaphore(%run_scoped3A : memref<!tpu.dma_semaphore, #tpu.memory_space<semaphore_mem>>)
      %dma_wait3A = arith.constant 0 : i32
      %dma_wait3A_179 = arith.constant 0 : i32
      %dma_wait3A_180 = tpu.memref_slice %arg10[%dma_wait3A, %dma_wait3A_179] : memref<256x16xf32, #tpu.memory_space<vmem>> -> memref<160x16xf32, #tpu.memory_space<vmem>>
      %dma_wait3A_181 = arith.constant 0 : i32
      %dma_wait3A_182 = tpu.memref_slice %arg18[%add3A_164, %dma_wait3A_181] : memref<10240x16xf32, #tpu.memory_space<vmem_shared>> -> memref<160x16xf32, #tpu.memory_space<vmem_shared>>
      %dma_wait3A_183 = arith.constant 0 : i32
      %dma_wait3A_184 = arith.constant 0 : i32
      %dma_wait3A_185 = tpu.memref_slice %arg10[%dma_wait3A_183, %dma_wait3A_184] : memref<256x16xf32, #tpu.memory_space<vmem>> -> memref<160x16xf32, #tpu.memory_space<vmem>>
      %dma_wait3A_186 = arith.constant 0 : i32
      %dma_wait3A_187 = tpu.memref_slice %arg18[%add3A_164, %dma_wait3A_186] : memref<10240x16xf32, #tpu.memory_space<vmem_shared>> -> memref<160x16xf32, #tpu.memory_space<vmem_shared>>
      tpu.wait_dma2 semaphore(%run_scoped3A : memref<!tpu.dma_semaphore, #tpu.memory_space<semaphore_mem>>) src(%dma_wait3A_187 : memref<160x16xf32, #tpu.memory_space<vmem_shared>>) dst(%dma_wait3A_185 : memref<160x16xf32, #tpu.memory_space<vmem>>)
      tpu.yield
    }) : () -> ()
    "tpu.region"() ({
      %run_scoped3A = tpu.sem_alloc : memref<!tpu.dma_semaphore, #tpu.memory_space<semaphore_mem>>
      %dma_start3A_169 = arith.constant 0 : i32
      %dma_start3A_170 = arith.constant 0 : i32
      %dma_start3A_171 = tpu.memref_slice %arg10[%dma_start3A_169, %dma_start3A_170] : memref<256x16xf32, #tpu.memory_space<vmem>> -> memref<160x16xf32, #tpu.memory_space<vmem>>
      %dma_start3A_172 = arith.constant 0 : i32
      %dma_start3A_173 = tpu.memref_slice %arg6[%arg0, %add3A_164, %dma_start3A_172] : memref<2x10240x16xf32, #tpu.memory_space<hbm>> -> memref<1x160x16xf32, #tpu.memory_space<hbm>>
      %dma_start3A_174 = tpu.memref_squeeze %dma_start3A_173 : memref<1x160x16xf32, #tpu.memory_space<hbm>> -> memref<160x16xf32, #tpu.memory_space<hbm>>
      %dma_start3A_175 = arith.constant 0 : i32
      %dma_start3A_176 = tpu.memref_slice %arg6[%arg0, %add3A_164, %dma_start3A_175] : memref<2x10240x16xf32, #tpu.memory_space<hbm>> -> memref<1x160x16xf32, #tpu.memory_space<hbm>>
      %dma_start3A_177 = tpu.memref_squeeze %dma_start3A_176 : memref<1x160x16xf32, #tpu.memory_space<hbm>> -> memref<160x16xf32, #tpu.memory_space<hbm>>
      %dma_start3A_178 = arith.constant 0 : i32
      %dma_start3A_179 = arith.constant 0 : i32
      %dma_start3A_180 = tpu.memref_slice %arg10[%dma_start3A_178, %dma_start3A_179] : memref<256x16xf32, #tpu.memory_space<vmem>> -> memref<160x16xf32, #tpu.memory_space<vmem>>
      tpu.enqueue_dma source(%dma_start3A_180 : memref<160x16xf32, #tpu.memory_space<vmem>>) target(%dma_start3A_177 : memref<160x16xf32, #tpu.memory_space<hbm>>) target_semaphore(%run_scoped3A : memref<!tpu.dma_semaphore, #tpu.memory_space<semaphore_mem>>)
      %dma_wait3A = arith.constant 0 : i32
      %dma_wait3A_181 = arith.constant 0 : i32
      %dma_wait3A_182 = tpu.memref_slice %arg10[%dma_wait3A, %dma_wait3A_181] : memref<256x16xf32, #tpu.memory_space<vmem>> -> memref<160x16xf32, #tpu.memory_space<vmem>>
      %dma_wait3A_183 = arith.constant 0 : i32
      %dma_wait3A_184 = tpu.memref_slice %arg6[%arg0, %add3A_164, %dma_wait3A_183] : memref<2x10240x16xf32, #tpu.memory_space<hbm>> -> memref<1x160x16xf32, #tpu.memory_space<hbm>>
      %dma_wait3A_185 = tpu.memref_squeeze %dma_wait3A_184 : memref<1x160x16xf32, #tpu.memory_space<hbm>> -> memref<160x16xf32, #tpu.memory_space<hbm>>
      %dma_wait3A_186 = arith.constant 0 : i32
      %dma_wait3A_187 = tpu.memref_slice %arg6[%arg0, %add3A_164, %dma_wait3A_186] : memref<2x10240x16xf32, #tpu.memory_space<hbm>> -> memref<1x160x16xf32, #tpu.memory_space<hbm>>
      %dma_wait3A_188 = tpu.memref_squeeze %dma_wait3A_187 : memref<1x160x16xf32, #tpu.memory_space<hbm>> -> memref<160x16xf32, #tpu.memory_space<hbm>>
      %dma_wait3A_189 = arith.constant 0 : i32
      %dma_wait3A_190 = arith.constant 0 : i32
      %dma_wait3A_191 = tpu.memref_slice %arg10[%dma_wait3A_189, %dma_wait3A_190] : memref<256x16xf32, #tpu.memory_space<vmem>> -> memref<160x16xf32, #tpu.memory_space<vmem>>
      tpu.wait_dma2 semaphore(%run_scoped3A : memref<!tpu.dma_semaphore, #tpu.memory_space<semaphore_mem>>) src(%dma_wait3A_191 : memref<160x16xf32, #tpu.memory_space<vmem>>) dst(%dma_wait3A_188 : memref<160x16xf32, #tpu.memory_space<hbm>>)
      tpu.yield
    }) : () -> ()
    %mul3A_165 = arith.constant 320 : i32
    %mul3A_166 = arith.muli %arg1, %mul3A_165 : i32
    %add3A_167 = arith.constant 160 : i32
    %add3A_168 = arith.addi %mul3A_166, %add3A_167 : i32
    "tpu.region"() ({
      %run_scoped3A = tpu.sem_alloc : memref<!tpu.dma_semaphore, #tpu.memory_space<semaphore_mem>>
      %dma_start3A_169 = arith.constant 0 : i32
      %dma_start3A_170 = arith.constant 0 : i32
      %dma_start3A_171 = tpu.memref_slice %arg9[%dma_start3A_169, %dma_start3A_170] : memref<256x64xf32, #tpu.memory_space<vmem>> -> memref<160x64xf32, #tpu.memory_space<vmem>>
      %dma_start3A_172 = arith.constant 0 : i32
      %dma_start3A_173 = tpu.memref_slice %arg17[%add3A_168, %dma_start3A_172] : memref<10240x64xf32, #tpu.memory_space<vmem_shared>> -> memref<160x64xf32, #tpu.memory_space<vmem_shared>>
      %dma_start3A_174 = arith.constant 0 : i32
      %dma_start3A_175 = arith.constant 0 : i32
      %dma_start3A_176 = tpu.memref_slice %arg9[%dma_start3A_174, %dma_start3A_175] : memref<256x64xf32, #tpu.memory_space<vmem>> -> memref<160x64xf32, #tpu.memory_space<vmem>>
      %dma_start3A_177 = arith.constant 0 : i32
      %dma_start3A_178 = tpu.memref_slice %arg17[%add3A_168, %dma_start3A_177] : memref<10240x64xf32, #tpu.memory_space<vmem_shared>> -> memref<160x64xf32, #tpu.memory_space<vmem_shared>>
      tpu.enqueue_dma source(%dma_start3A_178 : memref<160x64xf32, #tpu.memory_space<vmem_shared>>) target(%dma_start3A_176 : memref<160x64xf32, #tpu.memory_space<vmem>>) target_semaphore(%run_scoped3A : memref<!tpu.dma_semaphore, #tpu.memory_space<semaphore_mem>>)
      %dma_wait3A = arith.constant 0 : i32
      %dma_wait3A_179 = arith.constant 0 : i32
      %dma_wait3A_180 = tpu.memref_slice %arg9[%dma_wait3A, %dma_wait3A_179] : memref<256x64xf32, #tpu.memory_space<vmem>> -> memref<160x64xf32, #tpu.memory_space<vmem>>
      %dma_wait3A_181 = arith.constant 0 : i32
      %dma_wait3A_182 = tpu.memref_slice %arg17[%add3A_168, %dma_wait3A_181] : memref<10240x64xf32, #tpu.memory_space<vmem_shared>> -> memref<160x64xf32, #tpu.memory_space<vmem_shared>>
      %dma_wait3A_183 = arith.constant 0 : i32
      %dma_wait3A_184 = arith.constant 0 : i32
      %dma_wait3A_185 = tpu.memref_slice %arg9[%dma_wait3A_183, %dma_wait3A_184] : memref<256x64xf32, #tpu.memory_space<vmem>> -> memref<160x64xf32, #tpu.memory_space<vmem>>
      %dma_wait3A_186 = arith.constant 0 : i32
      %dma_wait3A_187 = tpu.memref_slice %arg17[%add3A_168, %dma_wait3A_186] : memref<10240x64xf32, #tpu.memory_space<vmem_shared>> -> memref<160x64xf32, #tpu.memory_space<vmem_shared>>
      tpu.wait_dma2 semaphore(%run_scoped3A : memref<!tpu.dma_semaphore, #tpu.memory_space<semaphore_mem>>) src(%dma_wait3A_187 : memref<160x64xf32, #tpu.memory_space<vmem_shared>>) dst(%dma_wait3A_185 : memref<160x64xf32, #tpu.memory_space<vmem>>)
      tpu.yield
    }) : () -> ()
    "tpu.region"() ({
      %run_scoped3A = tpu.sem_alloc : memref<!tpu.dma_semaphore, #tpu.memory_space<semaphore_mem>>
      %dma_start3A_169 = arith.constant 0 : i32
      %dma_start3A_170 = arith.constant 0 : i32
      %dma_start3A_171 = tpu.memref_slice %arg9[%dma_start3A_169, %dma_start3A_170] : memref<256x64xf32, #tpu.memory_space<vmem>> -> memref<160x64xf32, #tpu.memory_space<vmem>>
      %dma_start3A_172 = arith.constant 0 : i32
      %dma_start3A_173 = tpu.memref_slice %arg5[%arg0, %add3A_168, %dma_start3A_172] : memref<2x10240x64xf32, #tpu.memory_space<hbm>> -> memref<1x160x64xf32, #tpu.memory_space<hbm>>
      %dma_start3A_174 = tpu.memref_squeeze %dma_start3A_173 : memref<1x160x64xf32, #tpu.memory_space<hbm>> -> memref<160x64xf32, #tpu.memory_space<hbm>>
      %dma_start3A_175 = arith.constant 0 : i32
      %dma_start3A_176 = tpu.memref_slice %arg5[%arg0, %add3A_168, %dma_start3A_175] : memref<2x10240x64xf32, #tpu.memory_space<hbm>> -> memref<1x160x64xf32, #tpu.memory_space<hbm>>
      %dma_start3A_177 = tpu.memref_squeeze %dma_start3A_176 : memref<1x160x64xf32, #tpu.memory_space<hbm>> -> memref<160x64xf32, #tpu.memory_space<hbm>>
      %dma_start3A_178 = arith.constant 0 : i32
      %dma_start3A_179 = arith.constant 0 : i32
      %dma_start3A_180 = tpu.memref_slice %arg9[%dma_start3A_178, %dma_start3A_179] : memref<256x64xf32, #tpu.memory_space<vmem>> -> memref<160x64xf32, #tpu.memory_space<vmem>>
      tpu.enqueue_dma source(%dma_start3A_180 : memref<160x64xf32, #tpu.memory_space<vmem>>) target(%dma_start3A_177 : memref<160x64xf32, #tpu.memory_space<hbm>>) target_semaphore(%run_scoped3A : memref<!tpu.dma_semaphore, #tpu.memory_space<semaphore_mem>>)
      %dma_wait3A = arith.constant 0 : i32
      %dma_wait3A_181 = arith.constant 0 : i32
      %dma_wait3A_182 = tpu.memref_slice %arg9[%dma_wait3A, %dma_wait3A_181] : memref<256x64xf32, #tpu.memory_space<vmem>> -> memref<160x64xf32, #tpu.memory_space<vmem>>
      %dma_wait3A_183 = arith.constant 0 : i32
      %dma_wait3A_184 = tpu.memref_slice %arg5[%arg0, %add3A_168, %dma_wait3A_183] : memref<2x10240x64xf32, #tpu.memory_space<hbm>> -> memref<1x160x64xf32, #tpu.memory_space<hbm>>
      %dma_wait3A_185 = tpu.memref_squeeze %dma_wait3A_184 : memref<1x160x64xf32, #tpu.memory_space<hbm>> -> memref<160x64xf32, #tpu.memory_space<hbm>>
      %dma_wait3A_186 = arith.constant 0 : i32
      %dma_wait3A_187 = tpu.memref_slice %arg5[%arg0, %add3A_168, %dma_wait3A_186] : memref<2x10240x64xf32, #tpu.memory_space<hbm>> -> memref<1x160x64xf32, #tpu.memory_space<hbm>>
      %dma_wait3A_188 = tpu.memref_squeeze %dma_wait3A_187 : memref<1x160x64xf32, #tpu.memory_space<hbm>> -> memref<160x64xf32, #tpu.memory_space<hbm>>
      %dma_wait3A_189 = arith.constant 0 : i32
      %dma_wait3A_190 = arith.constant 0 : i32
      %dma_wait3A_191 = tpu.memref_slice %arg9[%dma_wait3A_189, %dma_wait3A_190] : memref<256x64xf32, #tpu.memory_space<vmem>> -> memref<160x64xf32, #tpu.memory_space<vmem>>
      tpu.wait_dma2 semaphore(%run_scoped3A : memref<!tpu.dma_semaphore, #tpu.memory_space<semaphore_mem>>) src(%dma_wait3A_191 : memref<160x64xf32, #tpu.memory_space<vmem>>) dst(%dma_wait3A_188 : memref<160x64xf32, #tpu.memory_space<hbm>>)
      tpu.yield
    }) : () -> ()
    "tpu.region"() ({
      %run_scoped3A = tpu.sem_alloc : memref<!tpu.dma_semaphore, #tpu.memory_space<semaphore_mem>>
      %dma_start3A_169 = arith.constant 0 : i32
      %dma_start3A_170 = arith.constant 0 : i32
      %dma_start3A_171 = tpu.memref_slice %arg10[%dma_start3A_169, %dma_start3A_170] : memref<256x16xf32, #tpu.memory_space<vmem>> -> memref<160x16xf32, #tpu.memory_space<vmem>>
      %dma_start3A_172 = arith.constant 0 : i32
      %dma_start3A_173 = tpu.memref_slice %arg18[%add3A_168, %dma_start3A_172] : memref<10240x16xf32, #tpu.memory_space<vmem_shared>> -> memref<160x16xf32, #tpu.memory_space<vmem_shared>>
      %dma_start3A_174 = arith.constant 0 : i32
      %dma_start3A_175 = arith.constant 0 : i32
      %dma_start3A_176 = tpu.memref_slice %arg10[%dma_start3A_174, %dma_start3A_175] : memref<256x16xf32, #tpu.memory_space<vmem>> -> memref<160x16xf32, #tpu.memory_space<vmem>>
      %dma_start3A_177 = arith.constant 0 : i32
      %dma_start3A_178 = tpu.memref_slice %arg18[%add3A_168, %dma_start3A_177] : memref<10240x16xf32, #tpu.memory_space<vmem_shared>> -> memref<160x16xf32, #tpu.memory_space<vmem_shared>>
      tpu.enqueue_dma source(%dma_start3A_178 : memref<160x16xf32, #tpu.memory_space<vmem_shared>>) target(%dma_start3A_176 : memref<160x16xf32, #tpu.memory_space<vmem>>) target_semaphore(%run_scoped3A : memref<!tpu.dma_semaphore, #tpu.memory_space<semaphore_mem>>)
      %dma_wait3A = arith.constant 0 : i32
      %dma_wait3A_179 = arith.constant 0 : i32
      %dma_wait3A_180 = tpu.memref_slice %arg10[%dma_wait3A, %dma_wait3A_179] : memref<256x16xf32, #tpu.memory_space<vmem>> -> memref<160x16xf32, #tpu.memory_space<vmem>>
      %dma_wait3A_181 = arith.constant 0 : i32
      %dma_wait3A_182 = tpu.memref_slice %arg18[%add3A_168, %dma_wait3A_181] : memref<10240x16xf32, #tpu.memory_space<vmem_shared>> -> memref<160x16xf32, #tpu.memory_space<vmem_shared>>
      %dma_wait3A_183 = arith.constant 0 : i32
      %dma_wait3A_184 = arith.constant 0 : i32
      %dma_wait3A_185 = tpu.memref_slice %arg10[%dma_wait3A_183, %dma_wait3A_184] : memref<256x16xf32, #tpu.memory_space<vmem>> -> memref<160x16xf32, #tpu.memory_space<vmem>>
      %dma_wait3A_186 = arith.constant 0 : i32
      %dma_wait3A_187 = tpu.memref_slice %arg18[%add3A_168, %dma_wait3A_186] : memref<10240x16xf32, #tpu.memory_space<vmem_shared>> -> memref<160x16xf32, #tpu.memory_space<vmem_shared>>
      tpu.wait_dma2 semaphore(%run_scoped3A : memref<!tpu.dma_semaphore, #tpu.memory_space<semaphore_mem>>) src(%dma_wait3A_187 : memref<160x16xf32, #tpu.memory_space<vmem_shared>>) dst(%dma_wait3A_185 : memref<160x16xf32, #tpu.memory_space<vmem>>)
      tpu.yield
    }) : () -> ()
    "tpu.region"() ({
      %run_scoped3A = tpu.sem_alloc : memref<!tpu.dma_semaphore, #tpu.memory_space<semaphore_mem>>
      %dma_start3A_169 = arith.constant 0 : i32
      %dma_start3A_170 = arith.constant 0 : i32
      %dma_start3A_171 = tpu.memref_slice %arg10[%dma_start3A_169, %dma_start3A_170] : memref<256x16xf32, #tpu.memory_space<vmem>> -> memref<160x16xf32, #tpu.memory_space<vmem>>
      %dma_start3A_172 = arith.constant 0 : i32
      %dma_start3A_173 = tpu.memref_slice %arg6[%arg0, %add3A_168, %dma_start3A_172] : memref<2x10240x16xf32, #tpu.memory_space<hbm>> -> memref<1x160x16xf32, #tpu.memory_space<hbm>>
      %dma_start3A_174 = tpu.memref_squeeze %dma_start3A_173 : memref<1x160x16xf32, #tpu.memory_space<hbm>> -> memref<160x16xf32, #tpu.memory_space<hbm>>
      %dma_start3A_175 = arith.constant 0 : i32
      %dma_start3A_176 = tpu.memref_slice %arg6[%arg0, %add3A_168, %dma_start3A_175] : memref<2x10240x16xf32, #tpu.memory_space<hbm>> -> memref<1x160x16xf32, #tpu.memory_space<hbm>>
      %dma_start3A_177 = tpu.memref_squeeze %dma_start3A_176 : memref<1x160x16xf32, #tpu.memory_space<hbm>> -> memref<160x16xf32, #tpu.memory_space<hbm>>
      %dma_start3A_178 = arith.constant 0 : i32
      %dma_start3A_179 = arith.constant 0 : i32
      %dma_start3A_180 = tpu.memref_slice %arg10[%dma_start3A_178, %dma_start3A_179] : memref<256x16xf32, #tpu.memory_space<vmem>> -> memref<160x16xf32, #tpu.memory_space<vmem>>
      tpu.enqueue_dma source(%dma_start3A_180 : memref<160x16xf32, #tpu.memory_space<vmem>>) target(%dma_start3A_177 : memref<160x16xf32, #tpu.memory_space<hbm>>) target_semaphore(%run_scoped3A : memref<!tpu.dma_semaphore, #tpu.memory_space<semaphore_mem>>)
      %dma_wait3A = arith.constant 0 : i32
      %dma_wait3A_181 = arith.constant 0 : i32
      %dma_wait3A_182 = tpu.memref_slice %arg10[%dma_wait3A, %dma_wait3A_181] : memref<256x16xf32, #tpu.memory_space<vmem>> -> memref<160x16xf32, #tpu.memory_space<vmem>>
      %dma_wait3A_183 = arith.constant 0 : i32
      %dma_wait3A_184 = tpu.memref_slice %arg6[%arg0, %add3A_168, %dma_wait3A_183] : memref<2x10240x16xf32, #tpu.memory_space<hbm>> -> memref<1x160x16xf32, #tpu.memory_space<hbm>>
      %dma_wait3A_185 = tpu.memref_squeeze %dma_wait3A_184 : memref<1x160x16xf32, #tpu.memory_space<hbm>> -> memref<160x16xf32, #tpu.memory_space<hbm>>
      %dma_wait3A_186 = arith.constant 0 : i32
      %dma_wait3A_187 = tpu.memref_slice %arg6[%arg0, %add3A_168, %dma_wait3A_186] : memref<2x10240x16xf32, #tpu.memory_space<hbm>> -> memref<1x160x16xf32, #tpu.memory_space<hbm>>
      %dma_wait3A_188 = tpu.memref_squeeze %dma_wait3A_187 : memref<1x160x16xf32, #tpu.memory_space<hbm>> -> memref<160x16xf32, #tpu.memory_space<hbm>>
      %dma_wait3A_189 = arith.constant 0 : i32
      %dma_wait3A_190 = arith.constant 0 : i32
      %dma_wait3A_191 = tpu.memref_slice %arg10[%dma_wait3A_189, %dma_wait3A_190] : memref<256x16xf32, #tpu.memory_space<vmem>> -> memref<160x16xf32, #tpu.memory_space<vmem>>
      tpu.wait_dma2 semaphore(%run_scoped3A : memref<!tpu.dma_semaphore, #tpu.memory_space<semaphore_mem>>) src(%dma_wait3A_191 : memref<160x16xf32, #tpu.memory_space<vmem>>) dst(%dma_wait3A_188 : memref<160x16xf32, #tpu.memory_space<hbm>>)
      tpu.yield
    }) : () -> ()
    return
  }
}

module attributes {stable_mosaic.version = 14 : i64} {
  func.func @_dense1_body(%arg0: i32, %arg1: memref<2000x128xf32, #tpu.memory_space<vmem>>, %arg2: memref<128x64xf32, #tpu.memory_space<vmem>>, %arg3: memref<64x16xf32, #tpu.memory_space<vmem>>, %arg4: memref<2000x64xf32, #tpu.memory_space<vmem>>, %arg5: memref<2000x16xf32, #tpu.memory_space<vmem>>) attributes {dimension_semantics = [#tpu.dimension_semantics<arbitrary>], iteration_bounds = array<i64: 5>, scalar_prefetch = 0 : i64, scratch_operands = 0 : i64, tpu.core_type = #tpu.core_type<tc>, window_params = [{transform_indices = @transform_0, window_bounds = array<i64: 2000, 128>}, {pipeline_mode = #tpu.pipeline_mode<synchronous>, transform_indices = @transform_1, window_bounds = array<i64: 128, 64>}, {pipeline_mode = #tpu.pipeline_mode<synchronous>, transform_indices = @transform_2, window_bounds = array<i64: 64, 16>}, {transform_indices = @transform_3, window_bounds = array<i64: 2000, 64>}, {transform_indices = @transform_4, window_bounds = array<i64: 2000, 16>}]} {
    %get3A = arith.constant 0 : index
    %get3A_0 = arith.constant 0 : index
    %get3A_1 = vector.load %arg1[%get3A, %get3A_0] : memref<2000x128xf32, #tpu.memory_space<vmem>>, vector<2000x128xf32>
    %get3A_2 = arith.constant 0 : index
    %get3A_3 = arith.constant 0 : index
    %get3A_4 = vector.load %arg2[%get3A_2, %get3A_3] : memref<128x64xf32, #tpu.memory_space<vmem>>, vector<128x64xf32>
    %dot_general3A = arith.constant dense<0.000000e+00> : vector<2000x64xf32>
    %dot_general3A_5 = tpu.matmul %get3A_1, %get3A_4, %dot_general3A {dimension_numbers = #tpu.dot_dimension_numbers<[1], [0], [0], [1], [0, 0, 1, 1], [], []>, transpose_lhs_hint = false} : vector<2000x128xf32>, vector<128x64xf32>, vector<2000x64xf32> -> vector<2000x64xf32>
    %swap3A = arith.constant 0 : index
    %swap3A_6 = arith.constant 0 : index
    %swap3A_7 = vector.load %arg4[%swap3A, %swap3A_6] : memref<2000x64xf32, #tpu.memory_space<vmem>>, vector<2000x64xf32>
    tpu.vector_store %arg4[%swap3A, %swap3A_6], %dot_general3A_5 {strides = array<i32>} : memref<2000x64xf32, #tpu.memory_space<vmem>>, vector<2000x64xf32>,
    %get3A_8 = arith.constant 0 : index
    %get3A_9 = arith.constant 0 : index
    %get3A_10 = vector.load %arg3[%get3A_8, %get3A_9] : memref<64x16xf32, #tpu.memory_space<vmem>>, vector<64x16xf32>
    %dot_general3A_11 = arith.constant dense<0.000000e+00> : vector<2000x16xf32>
    %dot_general3A_12 = tpu.matmul %dot_general3A_5, %get3A_10, %dot_general3A_11 {dimension_numbers = #tpu.dot_dimension_numbers<[1], [0], [0], [1], [0, 0, 1, 1], [], []>, transpose_lhs_hint = false} : vector<2000x64xf32>, vector<64x16xf32>, vector<2000x16xf32> -> vector<2000x16xf32>
    %swap3A_13 = arith.constant 0 : index
    %swap3A_14 = arith.constant 0 : index
    %swap3A_15 = vector.load %arg5[%swap3A_13, %swap3A_14] : memref<2000x16xf32, #tpu.memory_space<vmem>>, vector<2000x16xf32>
    tpu.vector_store %arg5[%swap3A_13, %swap3A_14], %dot_general3A_12 {strides = array<i32>} : memref<2000x16xf32, #tpu.memory_space<vmem>>, vector<2000x16xf32>,
    return
  }
  func.func @transform_0(%arg0: i32) -> (i32, i32) {
    %c0_i32 = arith.constant 0 : i32
    %c0_i32_0 = arith.constant 0 : i32
    return %arg0, %c0_i32 : i32, i32
  }
  func.func @transform_1(%arg0: i32) -> (i32, i32) {
    %c0_i32 = arith.constant 0 : i32
    %c0_i32_0 = arith.constant 0 : i32
    %c0_i32_1 = arith.constant 0 : i32
    return %c0_i32, %c0_i32_0 : i32, i32
  }
  func.func @transform_2(%arg0: i32) -> (i32, i32) {
    %c0_i32 = arith.constant 0 : i32
    %c0_i32_0 = arith.constant 0 : i32
    %c0_i32_1 = arith.constant 0 : i32
    return %c0_i32, %c0_i32_0 : i32, i32
  }
  func.func @transform_3(%arg0: i32) -> (i32, i32) {
    %c0_i32 = arith.constant 0 : i32
    %c0_i32_0 = arith.constant 0 : i32
    return %arg0, %c0_i32 : i32, i32
  }
  func.func @transform_4(%arg0: i32) -> (i32, i32) {
    %c0_i32 = arith.constant 0 : i32
    %c0_i32_0 = arith.constant 0 : i32
    return %arg0, %c0_i32 : i32, i32
  }
}

module attributes {stable_mosaic.version = 14 : i64} {
  func.func @_mid_body(%arg0: i32, %arg1: memref<2x2560x64xf32, #tpu.memory_space<vmem>>, %arg2: memref<2x2560x16xf32, #tpu.memory_space<vmem>>, %arg3: memref<1x64xf32, #tpu.memory_space<vmem>>, %arg4: memref<64x64xf32, #tpu.memory_space<vmem>>, %arg5: memref<64x16xf32, #tpu.memory_space<vmem>>, %arg6: memref<8x64xf32, #tpu.memory_space<vmem>>, %arg7: memref<2560x64xf32, #tpu.memory_space<vmem>>, %arg8: memref<2560x16xf32, #tpu.memory_space<vmem>>) attributes {dimension_semantics = [#tpu.dimension_semantics<arbitrary>], iteration_bounds = array<i64: 4>, scalar_prefetch = 0 : i64, scratch_operands = 0 : i64, tpu.core_type = #tpu.core_type<tc>, window_params = [{transform_indices = @transform_0, window_bounds = array<i64: 2, 2560, 64>}, {transform_indices = @transform_1, window_bounds = array<i64: 2, 2560, 16>}, {pipeline_mode = #tpu.pipeline_mode<synchronous>, transform_indices = @transform_2, window_bounds = array<i64: 1, 64>}, {pipeline_mode = #tpu.pipeline_mode<synchronous>, transform_indices = @transform_3, window_bounds = array<i64: 64, 64>}, {pipeline_mode = #tpu.pipeline_mode<synchronous>, transform_indices = @transform_4, window_bounds = array<i64: 64, 16>}, {pipeline_mode = #tpu.pipeline_mode<synchronous>, transform_indices = @transform_5, window_bounds = array<i64: 8, 64>}, {transform_indices = @transform_6, window_bounds = array<i64: 2560, 64>}, {transform_indices = @transform_7, window_bounds = array<i64: 2560, 16>}]} {
    %get3A = arith.constant 0 : index
    %get3A_0 = arith.constant 0 : index
    %get3A_1 = arith.constant 0 : index
    %get3A_2 = vector.load %arg1[%get3A, %get3A_0, %get3A_1] : memref<2x2560x64xf32, #tpu.memory_space<vmem>>, vector<1x2560x64xf32>
    %get3A_3 = vector.shape_cast %get3A_2 : vector<1x2560x64xf32> to vector<2560x64xf32>
    %get3A_4 = arith.constant 1 : index
    %get3A_5 = arith.constant 0 : index
    %get3A_6 = arith.constant 0 : index
    %get3A_7 = vector.load %arg1[%get3A_4, %get3A_5, %get3A_6] : memref<2x2560x64xf32, #tpu.memory_space<vmem>>, vector<1x2560x64xf32>
    %get3A_8 = vector.shape_cast %get3A_7 : vector<1x2560x64xf32> to vector<2560x64xf32>
    %add3A = arith.addf %get3A_3, %get3A_8 : vector<2560x64xf32>
    %get3A_9 = arith.constant 0 : index
    %get3A_10 = arith.constant 0 : index
    %get3A_11 = arith.constant 0 : index
    %get3A_12 = vector.load %arg2[%get3A_9, %get3A_10, %get3A_11] : memref<2x2560x16xf32, #tpu.memory_space<vmem>>, vector<1x2560x16xf32>
    %get3A_13 = vector.shape_cast %get3A_12 : vector<1x2560x16xf32> to vector<2560x16xf32>
    %slice3A = vector.extract_strided_slice %get3A_13 {offsets = [0, 0], sizes = [2560, 8], strides = [1, 1]} : vector<2560x16xf32> to vector<2560x8xf32>
    %get3A_14 = arith.constant 1 : index
    %get3A_15 = arith.constant 0 : index
    %get3A_16 = arith.constant 0 : index
    %get3A_17 = vector.load %arg2[%get3A_14, %get3A_15, %get3A_16] : memref<2x2560x16xf32, #tpu.memory_space<vmem>>, vector<1x2560x16xf32>
    %get3A_18 = vector.shape_cast %get3A_17 : vector<1x2560x16xf32> to vector<2560x16xf32>
    %slice3A_19 = vector.extract_strided_slice %get3A_18 {offsets = [0, 0], sizes = [2560, 8], strides = [1, 1]} : vector<2560x16xf32> to vector<2560x8xf32>
    %add3A_20 = arith.addf %slice3A, %slice3A_19 : vector<2560x8xf32>
    %get3A_21 = arith.constant 0 : index
    %get3A_22 = arith.constant 0 : index
    %get3A_23 = vector.load %arg6[%get3A_21, %get3A_22] : memref<8x64xf32, #tpu.memory_space<vmem>>, vector<8x64xf32>
    %dot_general3A = arith.constant dense<0.000000e+00> : vector<2560x64xf32>
    %dot_general3A_24 = tpu.matmul %add3A_20, %get3A_23, %dot_general3A {dimension_numbers = #tpu.dot_dimension_numbers<[1], [0], [0], [1], [0, 0, 1, 1], [], []>, transpose_lhs_hint = false} : vector<2560x8xf32>, vector<8x64xf32>, vector<2560x64xf32> -> vector<2560x64xf32>
    %add3A_25 = arith.constant 1.000000e-16 : f32
    %add3A_26 = vector.broadcast %add3A_25 : f32 to vector<2560x64xf32>
    %add3A_27 = arith.addf %dot_general3A_24, %add3A_26 : vector<2560x64xf32>
    %div3A = arith.divf %add3A, %add3A_27 : vector<2560x64xf32>
    %get3A_28 = arith.constant 0 : index
    %get3A_29 = arith.constant 0 : index
    %get3A_30 = vector.load %arg3[%get3A_28, %get3A_29] : memref<1x64xf32, #tpu.memory_space<vmem>>, vector<1x64xf32>
    %add3A_31 = vector.broadcast %get3A_30 : vector<1x64xf32> to vector<2560x64xf32>
    %add3A_32 = arith.addf %div3A, %add3A_31 : vector<2560x64xf32>
    %gt3A = arith.constant 0.000000e+00 : f32
    %gt3A_33 = vector.broadcast %gt3A : f32 to vector<2560x64xf32>
    %gt3A_34 = arith.cmpf ogt, %add3A_32, %gt3A_33 : vector<2560x64xf32>
    %min3A = arith.constant 0.000000e+00 : f32
    %min3A_35 = vector.broadcast %min3A : f32 to vector<2560x64xf32>
    %min3A_36 = arith.minimumf %add3A_32, %min3A_35 : vector<2560x64xf32>
    %exp3A = math.exp %min3A_36 : vector<2560x64xf32>
    %sub3A = arith.constant 1.000000e+00 : f32
    %sub3A_37 = vector.broadcast %sub3A : f32 to vector<2560x64xf32>
    %sub3A_38 = arith.subf %exp3A, %sub3A_37 : vector<2560x64xf32>
    %select_n3A = arith.select %gt3A_34, %add3A_32, %sub3A_38 : vector<2560x64xi1>, vector<2560x64xf32>
    %get3A_39 = arith.constant 0 : index
    %get3A_40 = arith.constant 0 : index
    %get3A_41 = vector.load %arg4[%get3A_39, %get3A_40] : memref<64x64xf32, #tpu.memory_space<vmem>>, vector<64x64xf32>
    %dot_general3A_42 = arith.constant dense<0.000000e+00> : vector<2560x64xf32>
    %dot_general3A_43 = tpu.matmul %select_n3A, %get3A_41, %dot_general3A_42 {dimension_numbers = #tpu.dot_dimension_numbers<[1], [0], [0], [1], [0, 0, 1, 1], [], []>, transpose_lhs_hint = false} : vector<2560x64xf32>, vector<64x64xf32>, vector<2560x64xf32> -> vector<2560x64xf32>
    %swap3A = arith.constant 0 : index
    %swap3A_44 = arith.constant 0 : index
    %swap3A_45 = vector.load %arg7[%swap3A, %swap3A_44] : memref<2560x64xf32, #tpu.memory_space<vmem>>, vector<2560x64xf32>
    tpu.vector_store %arg7[%swap3A, %swap3A_44], %dot_general3A_43 {strides = array<i32>} : memref<2560x64xf32, #tpu.memory_space<vmem>>, vector<2560x64xf32>,
    %get3A_46 = arith.constant 0 : index
    %get3A_47 = arith.constant 0 : index
    %get3A_48 = vector.load %arg5[%get3A_46, %get3A_47] : memref<64x16xf32, #tpu.memory_space<vmem>>, vector<64x16xf32>
    %dot_general3A_49 = arith.constant dense<0.000000e+00> : vector<2560x16xf32>
    %dot_general3A_50 = tpu.matmul %dot_general3A_43, %get3A_48, %dot_general3A_49 {dimension_numbers = #tpu.dot_dimension_numbers<[1], [0], [0], [1], [0, 0, 1, 1], [], []>, transpose_lhs_hint = false} : vector<2560x64xf32>, vector<64x16xf32>, vector<2560x16xf32> -> vector<2560x16xf32>
    %swap3A_51 = arith.constant 0 : index
    %swap3A_52 = arith.constant 0 : index
    %swap3A_53 = vector.load %arg8[%swap3A_51, %swap3A_52] : memref<2560x16xf32, #tpu.memory_space<vmem>>, vector<2560x16xf32>
    tpu.vector_store %arg8[%swap3A_51, %swap3A_52], %dot_general3A_50 {strides = array<i32>} : memref<2560x16xf32, #tpu.memory_space<vmem>>, vector<2560x16xf32>,
    return
  }
  func.func @transform_0(%arg0: i32) -> (i32, i32, i32) {
    %c0_i32 = arith.constant 0 : i32
    %c0_i32_0 = arith.constant 0 : i32
    %c0_i32_1 = arith.constant 0 : i32
    return %c0_i32, %arg0, %c0_i32_0 : i32, i32, i32
  }
  func.func @transform_1(%arg0: i32) -> (i32, i32, i32) {
    %c0_i32 = arith.constant 0 : i32
    %c0_i32_0 = arith.constant 0 : i32
    %c0_i32_1 = arith.constant 0 : i32
    return %c0_i32, %arg0, %c0_i32_0 : i32, i32, i32
  }
  func.func @transform_2(%arg0: i32) -> (i32, i32) {
    %c0_i32 = arith.constant 0 : i32
    %c0_i32_0 = arith.constant 0 : i32
    %c0_i32_1 = arith.constant 0 : i32
    return %c0_i32, %c0_i32_0 : i32, i32
  }
  func.func @transform_3(%arg0: i32) -> (i32, i32) {
    %c0_i32 = arith.constant 0 : i32
    %c0_i32_0 = arith.constant 0 : i32
    %c0_i32_1 = arith.constant 0 : i32
    return %c0_i32, %c0_i32_0 : i32, i32
  }
  func.func @transform_4(%arg0: i32) -> (i32, i32) {
    %c0_i32 = arith.constant 0 : i32
    %c0_i32_0 = arith.constant 0 : i32
    %c0_i32_1 = arith.constant 0 : i32
    return %c0_i32, %c0_i32_0 : i32, i32
  }
  func.func @transform_5(%arg0: i32) -> (i32, i32) {
    %c0_i32 = arith.constant 0 : i32
    %c0_i32_0 = arith.constant 0 : i32
    %c0_i32_1 = arith.constant 0 : i32
    return %c0_i32, %c0_i32_0 : i32, i32
  }
  func.func @transform_6(%arg0: i32) -> (i32, i32) {
    %c0_i32 = arith.constant 0 : i32
    %c0_i32_0 = arith.constant 0 : i32
    return %arg0, %c0_i32 : i32, i32
  }
  func.func @transform_7(%arg0: i32) -> (i32, i32) {
    %c0_i32 = arith.constant 0 : i32
    %c0_i32_0 = arith.constant 0 : i32
    return %arg0, %c0_i32 : i32, i32
  }
}

module attributes {stable_mosaic.version = 14 : i64} {
  func.func @_fin_body(%arg0: i32, %arg1: memref<2x2560x64xf32, #tpu.memory_space<vmem>>, %arg2: memref<2x2560x16xf32, #tpu.memory_space<vmem>>, %arg3: memref<1x64xf32, #tpu.memory_space<vmem>>, %arg4: memref<2560x64xf32, #tpu.memory_space<vmem>>) attributes {dimension_semantics = [#tpu.dimension_semantics<arbitrary>], iteration_bounds = array<i64: 4>, scalar_prefetch = 0 : i64, scratch_operands = 0 : i64, tpu.core_type = #tpu.core_type<tc>, window_params = [{transform_indices = @transform_0, window_bounds = array<i64: 2, 2560, 64>}, {transform_indices = @transform_1, window_bounds = array<i64: 2, 2560, 16>}, {pipeline_mode = #tpu.pipeline_mode<synchronous>, transform_indices = @transform_2, window_bounds = array<i64: 1, 64>}, {transform_indices = @transform_3, window_bounds = array<i64: 2560, 64>}]} {
    %get3A = arith.constant 0 : index
    %get3A_0 = arith.constant 0 : index
    %get3A_1 = arith.constant 0 : index
    %get3A_2 = vector.load %arg1[%get3A, %get3A_0, %get3A_1] : memref<2x2560x64xf32, #tpu.memory_space<vmem>>, vector<1x2560x64xf32>
    %get3A_3 = vector.shape_cast %get3A_2 : vector<1x2560x64xf32> to vector<2560x64xf32>
    %get3A_4 = arith.constant 1 : index
    %get3A_5 = arith.constant 0 : index
    %get3A_6 = arith.constant 0 : index
    %get3A_7 = vector.load %arg1[%get3A_4, %get3A_5, %get3A_6] : memref<2x2560x64xf32, #tpu.memory_space<vmem>>, vector<1x2560x64xf32>
    %get3A_8 = vector.shape_cast %get3A_7 : vector<1x2560x64xf32> to vector<2560x64xf32>
    %add3A = arith.addf %get3A_3, %get3A_8 : vector<2560x64xf32>
    %get3A_9 = arith.constant 0 : index
    %get3A_10 = arith.constant 0 : index
    %get3A_11 = arith.constant 0 : index
    %get3A_12 = vector.load %arg2[%get3A_9, %get3A_10, %get3A_11] : memref<2x2560x16xf32, #tpu.memory_space<vmem>>, vector<1x2560x16xf32>
    %get3A_13 = vector.shape_cast %get3A_12 : vector<1x2560x16xf32> to vector<2560x16xf32>
    %slice3A = vector.extract_strided_slice %get3A_13 {offsets = [0, 0], sizes = [2560, 1], strides = [1, 1]} : vector<2560x16xf32> to vector<2560x1xf32>
    %get3A_14 = arith.constant 1 : index
    %get3A_15 = arith.constant 0 : index
    %get3A_16 = arith.constant 0 : index
    %get3A_17 = vector.load %arg2[%get3A_14, %get3A_15, %get3A_16] : memref<2x2560x16xf32, #tpu.memory_space<vmem>>, vector<1x2560x16xf32>
    %get3A_18 = vector.shape_cast %get3A_17 : vector<1x2560x16xf32> to vector<2560x16xf32>
    %slice3A_19 = vector.extract_strided_slice %get3A_18 {offsets = [0, 0], sizes = [2560, 1], strides = [1, 1]} : vector<2560x16xf32> to vector<2560x1xf32>
    %add3A_20 = arith.addf %slice3A, %slice3A_19 : vector<2560x1xf32>
    %add3A_21 = arith.constant 1.000000e-16 : f32
    %add3A_22 = vector.broadcast %add3A_21 : f32 to vector<2560x1xf32>
    %add3A_23 = arith.addf %add3A_20, %add3A_22 : vector<2560x1xf32>
    %div3A = vector.broadcast %add3A_23 : vector<2560x1xf32> to vector<2560x64xf32>
    %div3A_24 = arith.divf %add3A, %div3A : vector<2560x64xf32>
    %get3A_25 = arith.constant 0 : index
    %get3A_26 = arith.constant 0 : index
    %get3A_27 = vector.load %arg3[%get3A_25, %get3A_26] : memref<1x64xf32, #tpu.memory_space<vmem>>, vector<1x64xf32>
    %add3A_28 = vector.broadcast %get3A_27 : vector<1x64xf32> to vector<2560x64xf32>
    %add3A_29 = arith.addf %div3A_24, %add3A_28 : vector<2560x64xf32>
    %swap3A = arith.constant 0 : index
    %swap3A_30 = arith.constant 0 : index
    %swap3A_31 = vector.load %arg4[%swap3A, %swap3A_30] : memref<2560x64xf32, #tpu.memory_space<vmem>>, vector<2560x64xf32>
    tpu.vector_store %arg4[%swap3A, %swap3A_30], %add3A_29 {strides = array<i32>} : memref<2560x64xf32, #tpu.memory_space<vmem>>, vector<2560x64xf32>,
    return
  }
  func.func @transform_0(%arg0: i32) -> (i32, i32, i32) {
    %c0_i32 = arith.constant 0 : i32
    %c0_i32_0 = arith.constant 0 : i32
    %c0_i32_1 = arith.constant 0 : i32
    return %c0_i32, %arg0, %c0_i32_0 : i32, i32, i32
  }
  func.func @transform_1(%arg0: i32) -> (i32, i32, i32) {
    %c0_i32 = arith.constant 0 : i32
    %c0_i32_0 = arith.constant 0 : i32
    %c0_i32_1 = arith.constant 0 : i32
    return %c0_i32, %arg0, %c0_i32_0 : i32, i32, i32
  }
  func.func @transform_2(%arg0: i32) -> (i32, i32) {
    %c0_i32 = arith.constant 0 : i32
    %c0_i32_0 = arith.constant 0 : i32
    %c0_i32_1 = arith.constant 0 : i32
    return %c0_i32, %c0_i32_0 : i32, i32
  }
  func.func @transform_3(%arg0: i32) -> (i32, i32) {
    %c0_i32 = arith.constant 0 : i32
    %c0_i32_0 = arith.constant 0 : i32
    return %arg0, %c0_i32 : i32, i32
  }
}

</mosaic_0001>

<sc_bundles>
// kernel: kernel.10.cloned.1.call-start
scs
__scs_entry_jumppad:
0x0: {  	(pc) =	sbr.rel $0x88, $3  }
0x1: {  	(tag) =	ssettag $0x0;
	lr =	simm.s32 $0x1  }
0x2: {  	[smem:$0x3F97] =	sst lr;
	_ =	strace $0xD0000000  }
0x3: {  	_ = 	snop  }
0x4: {  	_ = 	snop  }
0x5: {  	_ = 	snop  }
0x6: {  	_ = 	snop  }
0x7: {  	_ = 	snop  }
__scs_overlays_trampoline_lowered:
0x8: {  	[smem:$0x3FA6] =	sst s0  }
0x9: {  	[smem:$0x3FA7] =	sst s1  }
0xa: {  	[smem:$0x3FA8] =	sst s2  }
0xb: {  	[smem:$0x3FA9] =	sst s3  }
0xc: {  	[smem:$0x3FAA] =	sst s4  }
0xd: {  	[smem:$0x3FAB] =	sst s5  }
0xe: {  	[smem:$0x3FAC] =	sst s6  }
0xf: {  	[smem:$0x3FAD] =	sst s7  }
0x10: {  	[smem:$0x3FAE] =	sst s8  }
0x11: {  	[smem:$0x3FAF] =	sst s9;
	s0 =	simm.s32 @!p0 $0x0  }
0x12: {  	s1 =	sld [smem:$0x3F95];
	s0 =	simm.s32 @p0 $0x1  }
0x13: {  	[smem:$0x3FB0] =	sst s0;
	s0 =	simm.s32 @!p1 $0x0  }
0x14: {  	s2 =	sld [smem:$0x3F94];
	s0 =	simm.s32 @p1 $0x1  }
0x15: {  	[smem:$0x3FB1] =	sst s0;
	s0 =	simm.s32 @!p2 $0x0  }
0x16: {  	s3 =	sld [smem:$0x3FDB];
	s0 =	simm.s32 @p2 $0x1  }
0x17: {  	s4 =	simm.s32 $0x1BF5;
	[smem:$0x3FB3] =	sst s0  }
0x18: {  	s0 =	sld [smem:$0x3F96];
	_ =	swait.ge [sflag:s4], $0x0  }
0x19: {  	s7 =	sld [smem:$0x3F97]  }
0x1a: {  	s8 =	sadd.s32 $0xFFFFE003, lr  }
0x1b: {  	s9 =	sadd.s32 $0xFFFFFEF7, lr;
	s5 =	simm.s32 $0xFFFFFFFF;
	p2 =	slt.u32 s8, $0xFFFFF086  }
0x1c: {  	p1 =	slt.u32 s9, $0xF7A;
	s5 =	simm.s32 @!p2 $0x0  }
0x1d: {  	s5 =	simm.s32 @p1 $0x1;
	p0 =	seq.s32 s7, s2  }
0x1e: {  	s7 =	smul.u32 @!p0 $0xF7A, s2;
	p2 =	seq.s32 @!p0 s5, $0x0  }
0x1f: {  	s9 =	smul.u32 $0xF7A, s1;
	s8 =	simm.s32 @!p0 $0x1BF5;
	p2 =	por !p2, p0  }
0x20: {  	[sflag:s8] =	ssyncset.s32 @!p0 $0xFFFFF086;
	s6 =	sadd.s32 @!p0 s3, s7;
	s7 =	simm.s32 @!p0 $0x108  }
0x21: {  	s3 =	sadd.s32 s3, s9;
	s6 =	sadd.s32 @!p0 $0x88, s6;
	s7 =	simm.s32 @p2 $0x1082  }
0x22: {  	[simem:s7], [sflag:s8] =	dma.local @!p0 [hbm:s6], $0xF7A  }
0x23: {  	s9 =	sor.u32 $0xD0000000, s2;
	s6 =	simm.s32 $0x108;
	_ =	swait.ge @!p0 [sflag:s8], $0x0  }
0x24: {  	s3 =	sadd.s32 $0x88, s3;
	s6 =	simm.s32 @!p1 $0x1082;
	[sflag:s4] =	ssyncset.s32 $0xFFFFF086  }
0x25: {  	[simem:s6], [sflag:s4] =	dma.local [hbm:s3], $0xF7A  }
0x26: {  	[smem:$0x3F97] =	sst s1;
	(tag) =	ssettag s2;
	_ =	strace s9  }
0x27: {  	s1 =	sld [smem:$0x3FA7]  }
0x28: {  	s2 =	sld [smem:$0x3FA8]  }
0x29: {  	s4 =	sld [smem:$0x3FAA]  }
0x2a: {  	p0 =	seq.s32 s5, $0x0;
	s5 =	sld [smem:$0x3FAB]  }
0x2b: {  	s6 =	sld [smem:$0x3FAC]  }
0x2c: {  	s7 =	sld [smem:$0x3FAD]  }
0x2d: {  	s3 =	simm.s32 $0x108;
	s8 =	sld [smem:$0x3FAE]  }
0x2e: {  	s3 =	simm.s32 @!p0 $0x1082;
	s9 =	sld [smem:$0x3FAF]  }
0x2f: {  	lr =	sadd.s32 s0, s3;
	s0 =	sld [smem:$0x3FA6]  }
0x30: {  	s3 =	sld [smem:$0x3FA9]  }
0x31: {  	[smem:$0x3FB2] =	sst s10  }
0x32: {  	s10 =	sld [smem:$0x3FB0];
	_ =	sdelay $0x3  }
0x33: {  	p0 =	seq.s32 s10, $0x1;
	s10 =	sld [smem:$0x3FB2];
	_ =	sdelay $0x3  }
0x34: {  	[smem:$0x3FB2] =	sst s10  }
0x35: {  	s10 =	sld [smem:$0x3FB1];
	_ =	sdelay $0x3  }
0x36: {  	p1 =	seq.s32 s10, $0x1;
	s10 =	sld [smem:$0x3FB2];
	_ =	sdelay $0x3  }
0x37: {  	[smem:$0x3FB2] =	sst s10  }
0x38: {  	s10 =	sld [smem:$0x3FB3]  }
0x39: {  	_ = 	snop;
	(pc) =	sbr.ind lr, $3  }
0x3a: {  	_ = 	snop  }
0x3b: {  	_ = 	snop  }
0x3c: {  	p2 =	seq.s32 s10, $0x1;
	s10 =	sld [smem:$0x3FB2]  }
0x3d: {  	_ =	shalt  }
0x3e: {  	_ =	shalt  }
0x3f: {  	_ =	shalt  }
0x40: {  	_ =	shalt  }
0x41: {  	_ =	shalt  }
0x42: {  	_ =	shalt  }
0x43: {  	_ =	shalt  }
0x44: {  	_ =	shalt  }
0x45: {  	_ =	shalt  }
0x46: {  	_ =	shalt  }
0x47: {  	_ =	shalt  }
0x48: {  	_ =	shalt  }
0x49: {  	_ =	shalt  }
0x4a: {  	_ =	shalt  }
0x4b: {  	_ =	shalt  }
0x4c: {  	_ =	shalt  }
0x4d: {  	_ =	shalt  }
0x4e: {  	_ =	shalt  }
0x4f: {  	_ =	shalt  }
0x50: {  	_ =	shalt  }
0x51: {  	_ =	shalt  }
0x52: {  	_ =	shalt  }
0x53: {  	_ =	shalt  }
0x54: {  	_ =	shalt  }
0x55: {  	_ =	shalt  }
0x56: {  	_ =	shalt  }
0x57: {  	_ =	shalt  }
0x58: {  	_ =	shalt  }
0x59: {  	_ =	shalt  }
0x5a: {  	_ =	shalt  }
0x5b: {  	_ =	shalt  }
0x5c: {  	_ =	shalt  }
0x5d: {  	_ =	shalt  }
0x5e: {  	_ =	shalt  }
0x5f: {  	_ =	shalt  }
0x60: {  	_ =	shalt  }
0x61: {  	_ =	shalt  }
0x62: {  	_ =	shalt  }
0x63: {  	_ =	shalt  }
0x64: {  	_ =	shalt  }
0x65: {  	_ =	shalt  }
0x66: {  	_ =	shalt  }
0x67: {  	_ =	shalt  }
0x68: {  	_ =	shalt  }
0x69: {  	_ =	shalt  }
0x6a: {  	_ =	shalt  }
0x6b: {  	_ =	shalt  }
0x6c: {  	_ =	shalt  }
0x6d: {  	_ =	shalt  }
0x6e: {  	_ =	shalt  }
0x6f: {  	_ =	shalt  }
0x70: {  	_ =	shalt  }
0x71: {  	_ =	shalt  }
0x72: {  	_ =	shalt  }
0x73: {  	_ =	shalt  }
0x74: {  	_ =	shalt  }
0x75: {  	_ =	shalt  }
0x76: {  	_ =	shalt  }
0x77: {  	_ =	shalt  }
0x78: {  	_ =	shalt  }
0x79: {  	_ =	shalt  }
0x7a: {  	_ =	shalt  }
0x7b: {  	_ =	shalt  }
0x7c: {  	_ =	shalt  }
0x7d: {  	_ =	shalt  }
0x7e: {  	_ =	shalt  }
0x7f: {  	_ =	shalt  }
0x80: {  	_ =	shalt  }
0x81: {  	_ =	shalt  }
0x82: {  	_ =	shalt  }
0x83: {  	_ =	shalt  }
0x84: {  	_ =	shalt  }
0x85: {  	_ =	shalt  }
0x86: {  	_ =	shalt  }
0x87: {  	_ =	shalt  }
.Lfunc_end0:
.L_simem_size_0:
called_computation.1_lowered:
.L_overlay_start_0:
0x88: {  	s2 =	sld [smem:$0x3FD9]  }
0x89: {  	s3 =	sld [smem:$0x3FFE];
	_ =	sdelay $0x1  }
0x8a: {  	s1 =	srdreg.scid  }
0x8b: {  	s0 =	sand.u32 $0x1, s1  }
0x8c: {  	s17 =	sshll.u32 s0, $0xA;
	s2 =	sadd.s32 s3, s2  }
0x8d: {  	s2 =	sadd.s32 s2, s17  }
0x8e: {  	[smem:$0x3FBE] =	sst s2  }
0x8f: {  	_ = 	snop  }
0x90: {  	s2 =	sld [smem:$0x3FD0];
	(tm) =	ssettm $0x1  }
0x91: {  	s18 =	sld [smem:$0x3FFB];
	_ =	sdelay $0x3  }
0x92: {  	_ =	strace s18  }
0x93: {  	s3 =	sld [smem:$0x3FFC];
	_ =	sdelay $0x3  }
0x94: {  	_ =	strace s3  }
0x95: {  	s3 =	sld [smem:$0x3FFD];
	_ =	sdelay $0x3  }
0x96: {  	_ =	strace s3  }
0x97: {  	_ =	strace $0x8FFFFFFF  }
0x98: {  	s19 =	sld [smem:$0x3FDB];
	_ =	sdelay $0x1  }
0x99: {  	s4 =	simm.s32 $_scs_section_size  }
0x9a: {  	s5 =	simm.s32 $_size__tile_overlayer_lowered;
	s6 =	simm.s32 $_tile_overlayer_lowered  }
0x9b: {  	s22 =	simm.s32 $0x1BFF;
	s21 =	sshll.u32 s6, $0x1;
	s3 =	sadd.s32 s4, s19  }
0x9c: {  	s7 =	simm.s32 $0x0;
	s20 =	sshll.u32 s5, $0x1;
	s5 =	sadd.s32 s21, s3  }
0x9d: {  	[timem:s7], [sflag:s22] =	dma.local [hbm:s5], s20  }
0x9e: {  	_ =	swait.ge [sflag:s22], s20  }
0x9f: {  	s4 =	ssub.s32 $0x0, s20;
	[sflag:s22] =	ssyncset.done $0x0  }
0xa0: {  	[sflag:s22] =	ssyncadd.s32 s4;
	_ =	sdelay $0x1  }
0xa1: {  	s23 =	simm.s32 $0x1B8B  }
0xa2: {  	_ =	swait.ge [sflag:s23], $0x1  }
0xa3: {  	[sflag:s23] =	ssyncset.done $0x0  }
0xa4: {  	s25 =	simm.s32 $0x1B8E;
	s24 =	sld [smem:$0x3FFE];
	[sflag:s23] =	ssyncadd.s32 $0xFFFFFFFF  }
0xa5: {  	s26 =	simm.s32 $execute0_lowered;
	[smem:$0x3FD2] =	sst s25  }
0xa6: {  	s5 =	sshll.u32 s26, $0x1;
	_ =	strace $0x80000049;
	[dreg:$0x1] =	wrdreg $0xFFFFFFFF  }
0xa7: {  	s28 =	simm.s32 $_size_execute0_lowered;
	s3 =	sadd.s32 s3, s5;
	[dreg:$0x0] =	wrdreg $0x0  }
0xa8: {  	s5 =	sshll.u32 s28, $0x1;
	[dreg:$0x2] =	wrdreg s3  }
0xa9: {  	[dreg:$0x3] =	wrdreg s5  }
0xaa: {  	[dreg:$0x4] =	wrdreg $0xC0  }
0xab: {  	_ =	task [dreg:s7], $0x5FFFF  }
0xac: {  	[dreg:$0x1] =	wrdreg $0xFFFFFFFF  }
0xad: {  	[dreg:$0x0] =	wrdreg $0x60  }
0xae: {  	[dreg:$0x2] =	wrdreg s2  }
0xaf: {  	[dreg:$0x3] =	wrdreg s24  }
0xb0: {  	[dreg:$0x4] =	wrdreg $0xE6000  }
0xb1: {  	[dreg:$0x5] =	wrdreg $0x186000  }
0xb2: {  	[dreg:$0x6] =	wrdreg $0x9  }
0xb3: {  	_ =	task.clear_ibuf [dreg:s7], $0x7FFFF;
	_ =	strace $0x90000049  }
0xb4: {  	s29 =	simm.s32 $0x9;
	_ =	strace $0x8000004B  }
0xb5: {  	_ =	swait.ge [sflag:s29], $0x1  }
0xb6: {  	[sflag:s29] =	ssyncadd.s32 $0xFFFFFFFF  }
0xb7: {  	_ =	strace $0x9000004B  }
0xb8: {  	_ =	sfence  }
0xb9: {  	s30 =	sld [smem:$0x0];
	_ =	sdelay $0x2  }
0xba: {  	s31 =	sshll.u32 s1, $0xD;
	s1 =	sshrl.u32 s1, $0x2  }
0xbb: {  	s3 =	sand.u32 $0x4000, s31;
	s1 =	sadd.s32 s1, s30  }
0xbc: {  	s0 =	sor.u32 s3, s0;
	s1 =	sshll.u32 s1, $0x11  }
0xbd: {  	s0 =	sor.u32 s1, s0  }
0xbe: {  	s0 =	sadd.s32 $0x8F2B, s0  }
0xbf: {  	[sflag:s0] =	ssyncadd.remote.s32 $0x1  }
0xc0: {  	_ =	sfence.sel $0xFFFF  }
0xc1: {  	[dreg:$0x0] =	wrdreg $0xFFFFFFFF;
	(pc) =	sbr.abs _section_cstart, $3  }
0xc2: {  	[dreg:$0x1] =	wrdreg $0xFFFFFFFF  }
0xc3: {  	_ =	task.clear_ibuf [dreg:s7], $0x2FFFF;
	_ =	strace $0x9FFFFFFF  }
0xc4: {  	(tm) =	ssettm $0x7FFFFFFF  }
0xc5: {  	_ =	shalt  }
tec
execute0_lowered:
.L_overlay_start_1:
0x0: {  	(tag) =	ssettag $0x1  }
0x1: {  	s1 =	rddreg [dreg:$0x0]  }
0x2: {  	s0 =	rddreg [dreg:$0x1]  }
0x3: {  	s2 =	rddreg [dreg:$0x2]  }
0x4: {  	s3 =	rddreg [dreg:$0x3]  }
0x5: {  	s4 =	simm.s32 $0x0;
	s5 =	srdreg.scid;
	s14 =	stileid.u32  }
0x6: {  	s28 =	simm.s32 $0x1000;
	s31 =	simm.s32 $0x7180;
	s30 =	simm.s32 $0xE300  }
0x7: {  	[smem:$0x7FF] =	sst s4;
	s6 =	sadd.s32 $0x22200, s0;
	s10 =	smul.u32 $0x140, s14  }
0x8: {  	s7 =	sadd.s32 $0x2A00, s0;
	s8 =	sadd.s32 $0x27200, s0;
	s13 =	smul.u32 $0x5000, s14  }
0x9: {  	s5 =	sand.u32 $0x1, s5;
	s0 =	sadd.s32 $0x4F200, s0;
	s25 =	smul.u32 $0x1400, s14  }
0xa: {  	_ =	strace $0x8000004A;
	s9 =	ssub.s32 $0x2, s5;
	s17 =	smul.u32 $0xA0000, s5  }
0xb: {  	s12 =	sshll.u32 s5, $0x4;
	s5 =	smul.u32 $0x28000, s5;
	s11 =	sshrl.u32 s9, $0x1  }
0xc: {  	s24 =	sor.u32 s14, s12;
	s18 =	sadd.s32 s13, s2;
	s10 =	sadd.s32 $0xA0, s10  }
0xd: {  	s20 =	sadd.s32 s25, s3;
	s12 =	simm.s32 $0xE400;
	s26 =	smul.u32 $0x60, s24  }
0xe: {  	s9 =	ssub.s32 s9, s11;
	s16 =	sshll.u32 s10, $0x6;
	s15 =	smul.u32 $0x300, s24  }
0xf: {  	s10 =	sshll.u32 s10, $0x4;
	s13 =	sadd.s32 s13, s17;
	[dreg:$0x5] =	wrdreg s18  }
0x10: {  	s23 =	sadd.s32 s25, s5;
	[dreg:$0x6] =	wrdreg s20;
	s21 =	sadd.s32 s16, s2  }
0x11: {  	s22 =	sadd.s32 s10, s3;
	s13 =	sshrl.u32 s13, $0x3;
	s11 =	sshrl.u32 s23, $0x3  }
0x12: {  	s5 =	sadd.s32 s5, s10;
	s23 =	simm.s32 $0x6000;
	s10 =	simm.s32 $0x3  }
0x13: {  	s14 =	sadd.s32 s7, s26;
	s29 =	sshrl.u32 s15, $0x3;
	[dreg:$0x7] =	wrdreg s21  }
0x14: {  	s15 =	sor.u32 $0x40, s24;
	s19 =	sadd.s32 s8, s13;
	[dreg:$0x8] =	wrdreg s22  }
0x15: {  	s25 =	sadd.s32 s0, s11;
	s5 =	sshrl.u32 s5, $0x3;
	[dreg:$0x9] =	wrdreg s14  }
0x16: {  	s13 =	simm.s32 $0x8300;
	s11 =	simm.s32 $0x4;
	[dreg:$0xb] =	wrdreg s15  }
0x17: {  	s14 =	sadd.s32 s7, s29;
	s15 =	sor.u32 $0x60, s24;
	[dreg:$0xc] =	wrdreg s19  }
0x18: {  	s24 =	sadd.s32 s17, s16;
	[dreg:$0xd] =	wrdreg s25;
	s0 =	sadd.s32 s0, s5  }
0x19: {  	s29 =	smax.u32 s9, $0x1;
	s25 =	simm.s32 $0x80;
	s17 =	simm.s32 $0xE480  }
0x1a: {  	v4 =	vlaneseq.u32;
	v1 =	vimm.f32 $0.0e+00;
	s19 =	simm.s32 $0x1;
	s16 =	simm.s32 $0x2;
	s9 =	simm.s32 $0x0  }
0x1b: {  	v0 =	vshrl.u32 v4, $0x3;
	v3 =	vand.u32 $0x7, v4;
	v4 =	vor.u32 $0x8, v4;
	s14 =	sadd.s32 $0xC00, s14;
	s26 =	sshrl.u32 s24, $0x3;
	[dreg:$0xf] =	wrdreg s0  }
0x1c: {  	v2 =	vmul.u32 $0x10, v0;
	v5 =	vor.u32 $0x200, v0;
	v6 =	vor.u32 $0x2, v0;
	[dreg:$0x10] =	wrdreg s29;
	s24 =	simm.s32 $0x7000;
	s0 =	simm.s32 $0x7300  }
0x1d: {  	v7 =	vor.u32 $0x4, v0;
	v8 =	vor.u32 $0x6, v0;
	v9 =	vor.u32 $0x8, v0;
	[dreg:$0xa] =	wrdreg s14;
	s8 =	sadd.s32 s8, s26;
	s14 =	simm.s32 $0x5  }
0x1e: {  	v10 =	vor.u32 $0xA, v0;
	v11 =	vor.u32 $0xC, v0;
	v12 =	vor.u32 $0xE, v0;
	s26 =	simm.s32 $0x7100;
	[dreg:$0xe] =	wrdreg s8;
	s8 =	simm.s32 $0xD300  }
.LBB2_1:
0x1f: {  	[dreg:$0x11] =	wrdreg s9;
	s5 =	simm.s32 $0x0  }
.LBB2_2:
0x20: {  	p0 =	sne.s32 s5, $0xFF00  }
.Ltmp0:
0x21: {  	s9 =	sshra.s32 s5, $0x2;
	(pc) =	sbr.rel @p0 .LBB2_2-.Ltmp0, $4  }
0x22: {  	[tilespmem:s9+$0x2000] =	vst v1  }
0x23: {  	[tilespmem:s9+$0x2010] =	vst v1  }
0x24: {  	[tilespmem:s9+$0x2020] =	vst v1  }
0x25: {  	s5 =	sadd.s32 $0x100, s5;
	[tilespmem:s9+$0x2030] =	vst v1  }
0x26: {  	s5 =	simm.s32 $0x40;
	s9 =	simm.s32 $0x0  }
.LBB2_4:
0x27: {  	p0 =	sne.s32 s5, $0x3FC0;
	[tilespmem:s9+$0x6000] =	vst v1;
	s9 =	smov.u32 s5;
	s5 =	sadd.s32 $0x40, s5  }
.Ltmp1:
0x28: {  	(pc) =	sbr.rel @p0 .LBB2_4-.Ltmp1, $2  }
0x29: {  	_ =	sdelay $0x2  }
0x2a: {  	s9 =	sshra.s32 s9, $0x2  }
0x2b: {  	[tilespmem:s9+$0x6000] =	vst v1;
	s29 =	simm.s32 $0x2000  }
0x2c: {  	[spmem:s18] =	stream.linear.scatter [tilespmem:s29], [sflag:$0x5], $0x2800, $0x38;
	[tilespmem:$0x1AE00] =	vst v63  }
0x2d: {  	_ =	swait.ge [sflag:s14], $0x2800  }
0x2e: {  	[sflag:s14] =	ssyncset.done $0x0  }
0x2f: {  	[sflag:s14] =	ssyncadd.s32 $0xFFFFD800  }
0x30: {  	[spmem:s20] =	stream.linear.scatter [tilespmem:s23], [sflag:$0x5], $0xA00, $0x38;
	[tilespmem:$0x1AE00] =	vst v63  }
0x31: {  	_ =	swait.ge [sflag:s14], $0xA00  }
0x32: {  	[sflag:s14] =	ssyncset.done $0x0  }
0x33: {  	[sflag:s14] =	ssyncadd.s32 $0xFFFFF600  }
0x34: {  	[spmem:s21] =	stream.linear.scatter [tilespmem:s29], [sflag:$0x5], $0x2800, $0x38;
	[tilespmem:$0x1AE00] =	vst v63  }
0x35: {  	_ =	swait.ge [sflag:s14], $0x2800  }
0x36: {  	[sflag:s14] =	ssyncset.done $0x0  }
0x37: {  	[sflag:s14] =	ssyncadd.s32 $0xFFFFD800  }
0x38: {  	[spmem:s22] =	stream.linear.scatter [tilespmem:s23], [sflag:$0x5], $0xA00, $0x38;
	[tilespmem:$0x1AE00] =	vst v63  }
0x39: {  	_ =	swait.ge [sflag:s14], $0xA00  }
0x3a: {  	[sflag:s14] =	ssyncset.done $0x0  }
0x3b: {  	[sflag:s14] =	ssyncadd.s32 $0xFFFFF600  }
0x3c: {  	[bflag:$0x0] =	sbarrier.arrive $0xFFFF  }
0x3d: {  	s18 =	simm.s32 $0x0;
	s5 =	rddreg [dreg:$0x9]  }
0x3e: {  	[tilespmem:s24], [sflag:$0x5] =	stream.linear.gather [hbm4b:s5+s18], $0x300, $0x38;
	[tilespmem:$0x1AE00] =	vst v63  }
0x3f: {  	_ =	swait.ge [sflag:s14], $0x300  }
0x40: {  	[sflag:s14] =	ssyncset.done $0x0  }
0x41: {  	[sflag:s14] =	ssyncadd.s32 $0xFFFFFD00  }
0x42: {  	[tilespmem:s18], [sflag:$0x1] =	stream.indirect.gather [hbm4b:s6+s25], $0x10, s24, s25, $0xb8;
	[tilespmem:$0x1AE00] =	vst v63  }
0x43: {  	_ = 	snop  }
0x44: {  	[tilespmem:s28], [sflag:$0x1] =	stream.indirect.gather [hbm4b:s6+s25], $0x10, s26, s25, $0xb8;
	[tilespmem:$0x1AE00] =	vst v63  }
0x45: {  	_ = 	snop  }
0x46: {  	[tilespmem:s29], [sflag:$0x1] =	stream.indirect.gather [hbm4b:s1+s25], $0x40, s24, s25, $0xb8;
	[tilespmem:$0x1AE00] =	vst v63  }
0x47: {  	s20 =	simm.s32 $0x7080;
	s21 =	simm.s32 $0x800  }
0x48: {  	[tilespmem:s21], [sflag:$0x1] =	stream.indirect.gather [hbm4b:s6+s25], $0x10, s20, s25, $0xb8;
	[tilespmem:$0x1AE00] =	vst v63  }
0x49: {  	s22 =	simm.s32 $0x1800  }
0x4a: {  	[tilespmem:s22], [sflag:$0x1] =	stream.indirect.gather [hbm4b:s6+s25], $0x10, s31, s25, $0xb8;
	[tilespmem:$0x1AE00] =	vst v63  }
0x4b: {  	s29 =	simm.s32 $0x4000  }
0x4c: {  	[tilespmem:s29], [sflag:$0x1] =	stream.indirect.gather [hbm4b:s1+s25], $0x40, s20, s25, $0xb8;
	[tilespmem:$0x1AE00] =	vst v63  }
0x4d: {  	s9 =	rddreg [dreg:$0xa]  }
0x4e: {  	[tilespmem:s30], [sflag:$0x5] =	stream.linear.gather [hbm4b:s9+s18], $0x300, $0x38;
	[tilespmem:$0x1AE00] =	vst v63  }
0x4f: {  	_ =	swait.ge [sflag:s14], $0x300  }
0x50: {  	[sflag:s14] =	ssyncset.done $0x0  }
0x51: {  	[sflag:s14] =	ssyncadd.s32 $0xFFFFFD00  }
0x52: {  	[tilespmem:s0], [sflag:$0x2] =	stream.indirect.gather [hbm4b:s6+s25], $0x10, s30, s25, $0xb8;
	[tilespmem:$0x1AE00] =	vst v63  }
0x53: {  	_ = 	snop  }
0x54: {  	[tilespmem:s13], [sflag:$0x2] =	stream.indirect.gather [hbm4b:s6+s25], $0x10, s12, s25, $0xb8;
	[tilespmem:$0x1AE00] =	vst v63  }
0x55: {  	s18 =	simm.s32 $0x9300  }
0x56: {  	[tilespmem:s18], [sflag:$0x2] =	stream.indirect.gather [hbm4b:s1+s25], $0x40, s30, s25, $0xb8;
	[tilespmem:$0x1AE00] =	vst v63  }
0x57: {  	s21 =	simm.s32 $0x7B00;
	s20 =	simm.s32 $0xE380  }
0x58: {  	[tilespmem:s21], [sflag:$0x2] =	stream.indirect.gather [hbm4b:s6+s25], $0x10, s20, s25, $0xb8;
	[tilespmem:$0x1AE00] =	vst v63  }
0x59: {  	s22 =	simm.s32 $0x8B00  }
0x5a: {  	[tilespmem:s22], [sflag:$0x2] =	stream.indirect.gather [hbm4b:s6+s25], $0x10, s17, s25, $0xb8;
	[tilespmem:$0x1AE00] =	vst v63  }
0x5b: {  	s29 =	simm.s32 $0xB300;
	s9 =	simm.s32 $0x0  }
0x5c: {  	[tilespmem:s29], [sflag:$0x2] =	stream.indirect.gather [hbm4b:s1+s25], $0x40, s20, s25, $0xb8;
	[tilespmem:$0x1AE00] =	vst v63  }
.LBB2_6:
0x5d: {  	_ =	swait.ge [sflag:s19], $0x800  }
0x5e: {  	[sflag:s19] =	ssyncset.done $0x0  }
0x5f: {  	[sflag:s19] =	ssyncadd.s32 $0xFFFFF800  }
0x60: {  	_ =	swait.ge [sflag:s19], $0x800  }
0x61: {  	[sflag:s19] =	ssyncset.done $0x0  }
0x62: {  	[sflag:s19] =	ssyncadd.s32 $0xFFFFF800  }
0x63: {  	_ =	swait.ge [sflag:s19], $0x2000  }
0x64: {  	[sflag:s19] =	ssyncset.done $0x0  }
0x65: {  	[sflag:s19] =	ssyncadd.s32 $0xFFFFE000  }
0x66: {  	s5 =	simm.s32 $0x0;
	_ =	swait.ge [sflag:s19], $0x800  }
0x67: {  	v13 =	vmov s5;
	[sflag:s19] =	ssyncset.done $0x0  }
0x68: {  	v14 =	vshll.u32 v13, $0x4;
	[sflag:s19] =	ssyncadd.s32 $0xFFFFF800  }
0x69: {  	v14 =	vor.u32 v2, v14;
	_ =	swait.ge [sflag:s19], $0x800  }
0x6a: {  	v15 =	vor.u32 v4, v14;
	[sflag:s19] =	ssyncset.done $0x0  }
0x6b: {  	v18 =	vor.u32 v3, v14;
	[sflag:s19] =	ssyncadd.s32 $0xFFFFF800  }
0x6c: {  	_ =	swait.ge [sflag:s19], $0x2000  }
0x6d: {  	[sflag:s19] =	ssyncset.done $0x0  }
0x6e: {  	[sflag:s19] =	ssyncadd.s32 $0xFFFFE000  }
0x6f: {  	v14 =	vld.idx.msk [tilespmem:v15+s28+$0x0], $0xffff  }
0x70: {  	v15 =	vld.idx.msk [tilespmem:v18+s4+$0x0], $0xffff;
	_ =	sdelay $0x1  }
0x71: {  	s14 =	simm.s32 $0x2  }
0x72: {  	v17 =	vmov s14  }
0x73: {  	s18 =	simm.s32 $0x4;
	v16 =	vshll.u32 v17, $0x4  }
0x74: {  	v16 =	vor.u32 v2, v16;
	v14 =	vadd.f32 v14, v15;
	v15 =	vmov s18  }
0x75: {  	v19 =	vor.u32 v4, v16;
	v20 =	vshll.u32 v15, $0x4  }
0x76: {  	v28 =	vor.u32 v3, v16;
	v16 =	vmul.f32 $2.000000030e-01, v14;
	v20 =	vor.u32 v2, v20  }
0x77: {  	v21 =	vor.u32 v4, v20  }
0x78: {  	v14 =	vmax.f32 v14, v16;
	v16 =	vor.u32 v3, v20  }
0x79: {  	v14 =	vmul.f32 $1.442695020e+00, v14  }
0x7a: {  	v13 =	vand.u32 $0xFD, v13;
	v19 =	vld.idx.msk [tilespmem:v19+s28+$0x0], $0xffff  }
0x7b: {  	s20 =	simm.s32 $0x6;
	v13 =	vor.u32 v5, v13;
	v20 =	vld.idx.msk [tilespmem:v28+s4+$0x0], $0xffff;
	(erf) = vpow2.f32 v14  }
0x7c: {  	v22 =	vmov s20;
	v21 =	vld.idx.msk [tilespmem:v21+s28+$0x0], $0xffff  }
0x7d: {  	v14 =	vand.u32 $0xFF, v17;
	v17 =	vshll.u32 v22, $0x4;
	v23 =	vld.idx.msk [tilespmem:v16+s4+$0x0], $0xffff  }
0x7e: {  	v24 =	vor.u32 v5, v14;
	v14 =	vor.u32 v2, v17  }
0x7f: {  	v17 =	vor.u32 v4, v14  }
0x80: {  	v13 =	vld.idx.msk [tilespmem:v13+s24+$0x0], $0xffff;
	v22 =	vand.u32 $0xFF, v22;
	v14 =	vor.u32 v3, v14  }
0x81: {  	v15 =	vand.u32 $0xFD, v15;
	v19 =	vadd.f32 v19, v20;
	v20 =	vor.u32 v5, v22  }
0x82: {  	v15 =	vor.u32 v5, v15;
	v21 =	vadd.f32 v21, v23  }
0x83: {  	s21 =	simm.s32 $0xA;
	s22 =	simm.s32 $0x8;
	v22 =	vmul.f32 $2.000000030e-01, v19;
	v24 =	vld.idx.msk [tilespmem:v24+s24+$0x0], $0xffff  }
0x84: {  	v34 =	vmov s22;
	v23 =	vmov s21;
	v26 =	vld.idx.msk [tilespmem:v17+s28+$0x0], $0xffff;
	v17 =	vpop (erf);
	v27 =	vmul.f32 $2.000000030e-01, v21  }
0x85: {  	v19 =	vmax.f32 v19, v22;
	v22 =	vld.idx.msk [tilespmem:v14+s4+$0x0], $0xffff;
	v25 =	vshll.u32 v23, $0x4;
	v31 =	vmul.f32 v13, v17  }
0x86: {  	v19 =	vmul.f32 $1.442695020e+00, v19;
	v25 =	vor.u32 v2, v25;
	v17 =	vld.idx.msk [tilespmem:v20+s24+$0x0], $0xffff;
	v20 =	vmax.f32 v21, v27  }
0x87: {  	s5 =	simm.s32 $0x2080;
	v29 =	vor.u32 v4, v25;
	v21 =	vshll.u32 v34, $0x4;
	v20 =	vmul.f32 $1.442695020e+00, v20;
	[tilespmem:v18+s23+$0x0] =	vst.idx.msk $0xffff, v31;
	v18 =	vld.idx.msk [tilespmem:v15+s24+$0x0], $0xffff  }
0x88: {  	(erf) = vpow2.f32 v19;
	v13 =	vor.u32 v3, v25;
	v15 =	vor.u32 v2, v21;
	v19 =	vld [tilespmem:s5+$0xFFFFFF80]  }
0x89: {  	v21 =	vor.u32 v4, v15;
	v25 =	vld [tilespmem:s5+$0xFFFFFFE0];
	(erf) = vpow2.f32 v20  }
0x8a: {  	v33 =	vld [tilespmem:s5+$0xFFFFFFA0]  }
0x8b: {  	v38 =	vperm.xlane v31, v7;
	v37 =	vld [tilespmem:s5+$0xFFFFFFB0]  }
0x8c: {  	v15 =	vor.u32 v3, v15;
	v20 =	vadd.f32 v26, v22;
	v27 =	vld.idx.msk [tilespmem:v29+s28+$0x0], $0xffff;
	v29 =	vperm.xlane v31, v0  }
0x8d: {  	v23 =	vand.u32 $0xFF, v23;
	v22 =	vperm.xlane v31, v9;
	v26 =	vperm.xlane v31, v10;
	v36 =	vld.idx.msk [tilespmem:v13+s4+$0x0], $0xffff  }
0x8e: {  	v35 =	vmul.f32 $2.000000030e-01, v20;
	v30 =	vld.idx.msk [tilespmem:v21+s28+$0x0], $0xffff;
	v21 =	vor.u32 v5, v23;
	v29 =	vmul.f32 v19, v29  }
0x8f: {  	v19 =	vperm.xlane v31, v11;
	v23 =	vperm.xlane v31, v8  }
0x90: {  	v39 =	vld [tilespmem:s5+$0xFFFFFF90];
	v38 =	vmul.f32 v33, v38;
	v41 =	vmax.f32 v20, v35;
	v20 =	vperm.xlane v31, v12  }
0x91: {  	v32 =	vld.idx.msk [tilespmem:v15+s4+$0x0], $0xffff;
	v40 =	vpop (erf);
	v31 =	vperm.xlane v31, v6;
	v63 =	vmul.f32 $1.442695020e+00, v41  }
0x92: {  	v35 =	vld [tilespmem:s5+$0xFFFFFFD0];
	v36 =	vadd.f32 v27, v36;
	v37 =	vmul.f32 v37, v23;
	v42 =	vmul.f32 v25, v19;
	v27 =	vpop (erf)  }
0x93: {  	[tilespmem:s5+$0xFFFFFFA0] =	vst v38;
	v19 =	vand.u32 $0xFD, v34;
	v21 =	vld.idx.msk [tilespmem:v21+s24+$0x0], $0xffff;
	v18 =	vmul.f32 v18, v27;
	v27 =	vmul.f32 v24, v40  }
0x94: {  	v33 =	vld [tilespmem:s5+$0xFFFFFFC0];
	v23 =	vor.u32 v5, v19;
	v19 =	vmul.f32 $2.000000030e-01, v36;
	[tilespmem:s5+$0xFFFFFFB0] =	vst v37  }
0x95: {  	s29 =	simm.s32 $0x2180;
	v25 =	vld [tilespmem:s5+$0xFFFFFFF0];
	v34 =	vmul.f32 v39, v31;
	(erf) = vpow2.f32 v63;
	[tilespmem:v28+s23+$0x0] =	vst.idx.msk $0xffff, v27  }
0x96: {  	s20 =	simm.s32 $0xC;
	s18 =	simm.s32 $0x2180;
	s21 =	simm.s32 $0x4;
	[tilespmem:s5+$0xFFFFFFE0] =	vst v42;
	v19 =	vmax.f32 v36, v19;
	v24 =	vperm.xlane v18, v0;
	v31 =	vperm.xlane v27, v10;
	v28 =	vld [tilespmem:s5+$0x70]  }
.LBB2_7:
0x97: {  	s22 =	sadd.s32 $0x2, s20;
	s21 =	sadd.s32 $0x2, s21;
	v30 =	vadd.f32 v30, v32;
	s18 =	sadd.s32 $0x100, s18;
	[tilespmem:s5+$0xFFFFFF80] =	vst v29;
	v29 =	vperm.xlane v27, v9;
	v32 =	vld [tilespmem:s5+$0x60];
	v36 =	vperm.xlane v27, v12  }
0x98: {  	v38 =	vperm.xlane v27, v11;
	v39 =	vmovc v21;
	v37 =	vmov s22;
	p0 =	slt.u32 s21, $0x7E;
	v26 =	vmul.f32 v35, v26;
	v35 =	vld [tilespmem:s5+$0x40]  }
0x99: {  	v33 =	vmul.f32 v33, v22;
	v21 =	vshll.u32 v37, $0x4;
	v40 =	vmul.f32 $2.000000030e-01, v30;
	v41 =	vld [tilespmem:s5+$0x50]  }
0x9a: {  	v22 =	vperm.xlane v18, v9;
	v42 =	vperm.xlane v27, v7;
	v21 =	vor.u32 v2, v21;
	[tilespmem:s5+$0xFFFFFFD0] =	vst v26;
	v43 =	vld [tilespmem:s5+$0x30]  }
0x9b: {  	v45 =	vperm.xlane v27, v8;
	v44 =	vor.u32 v3, v21;
	v21 =	vor.u32 v4, v21;
	[tilespmem:s5+$0xFFFFFFC0] =	vst v33;
	v33 =	vld [tilespmem:s5+$0x10]  }
0x9c: {  	v46 =	vmov s20;
	v26 =	vmax.f32 v30, v40;
	v30 =	vperm.xlane v27, v6;
	[tilespmem:s5+$0xFFFFFF90] =	vst v34;
	v34 =	vld [tilespmem:s5+$0x20]  }
0x9d: {  	v51 =	vshll.u32 v46, $0x4;
	v27 =	vperm.xlane v27, v0;
	v47 =	vmul.f32 $1.442695020e+00, v26;
	[tilespmem:v16+s23+$0x0] =	vst.idx.msk $0xffff, v18;
	v48 =	vld [tilespmem:s5+$0x0];
	v16 =	vmovc v15  }
0x9e: {  	v50 =	vor.u32 v2, v51;
	v26 =	vperm.xlane v18, v10;
	v49 =	vld.idx.msk [tilespmem:v23+s24+$0x0], $0xffff;
	v23 =	vmul.f32 v32, v38  }
0x9f: {  	v15 =	vor.u32 v3, v50;
	v29 =	vmul.f32 v35, v29;
	v32 =	vor.u32 v4, v50;
	v38 =	vld [tilespmem:s29+$0xFFFFFF80];
	v40 =	vpop (erf)  }
0xa0: {  	v35 =	vand.u32 $0xFF, v37;
	v31 =	vmul.f32 v41, v31;
	(erf) = vpow2.f32 v47;
	v37 =	vld [tilespmem:s29+$0xFFFFFFE0];
	[tilespmem:s5+$0x60] =	vst v23  }
0xa1: {  	v41 =	vld.idx.msk [tilespmem:v21+s28+$0x0], $0xffff;
	v21 =	vor.u32 v5, v35;
	v35 =	vperm.xlane v18, v7;
	[tilespmem:s5+$0x40] =	vst v29  }
0xa2: {  	v43 =	vmul.f32 v43, v45;
	v23 =	vand.u32 $0xFD, v46;
	v46 =	vld.idx.msk [tilespmem:v44+s4+$0x0], $0xffff;
	v27 =	vmul.f32 v48, v27;
	[tilespmem:s5+$0x50] =	vst v31  }
0xa3: {  	v25 =	vmul.f32 v25, v20;
	v20 =	vmul.f32 v33, v30;
	v23 =	vor.u32 v5, v23;
	v31 =	vld [tilespmem:s29+$0xFFFFFFA0]  }
0xa4: {  	v28 =	vmul.f32 v28, v36;
	v29 =	vmul.f32 v38, v24;
	v24 =	vld [tilespmem:s29+$0xFFFFFFB0];
	[tilespmem:s5+$0x30] =	vst v43  }
0xa5: {  	v34 =	vmul.f32 v34, v42;
	v30 =	vld.idx.msk [tilespmem:v32+s28+$0x0], $0xffff;
	[tilespmem:s5+$0x10] =	vst v20  }
0xa6: {  	v36 =	vperm.xlane v18, v11;
	v32 =	vld.idx.msk [tilespmem:v15+s4+$0x0], $0xffff;
	[tilespmem:s5+$0x0] =	vst v27  }
0xa7: {  	v20 =	vperm.xlane v18, v12;
	v27 =	vperm.xlane v18, v8;
	v38 =	vld [tilespmem:s29+$0xFFFFFF90];
	[tilespmem:s5+$0x70] =	vst v28  }
0xa8: {  	v28 =	vperm.xlane v18, v6;
	v21 =	vld.idx.msk [tilespmem:v21+s24+$0x0], $0xffff;
	v31 =	vmul.f32 v31, v35;
	[tilespmem:s5+$0xFFFFFFF0] =	vst v25  }
.Ltmp2:
0xa9: {  	v36 =	vmul.f32 v37, v36;
	v41 =	vadd.f32 v41, v46;
	v18 =	vpop (erf);
	v24 =	vmul.f32 v24, v27;
	v33 =	vld [tilespmem:s29+$0xFFFFFFC0];
	[tilespmem:s5+$0x20] =	vst v34;
	s5 =	smov.u32 s29;
	s29 =	smov.u32 s18;
	(pc) =	sbr.rel @p0 .LBB2_7-.Ltmp2, $4  }
0xaa: {  	v27 =	vmul.f32 v17, v40;
	v17 =	vmov v39;
	v18 =	vmul.f32 v49, v18;
	[tilespmem:s5+$0xFFFFFFA0] =	vst v31;
	v35 =	vld [tilespmem:s5+$0xFFFFFFD0]  }
0xab: {  	v37 =	vmul.f32 $1.442695020e+00, v19;
	v31 =	vmul.f32 $2.000000030e-01, v41;
	[tilespmem:s5+$0xFFFFFFB0] =	vst v24;
	v25 =	vld [tilespmem:s5+$0xFFFFFFF0]  }
0xac: {  	v24 =	vperm.xlane v18, v0;
	v34 =	vmul.f32 v38, v28;
	[tilespmem:v14+s23+$0x0] =	vst.idx.msk $0xffff, v27;
	v14 =	vmov v13  }
0xad: {  	s20 =	sadd.s32 $0x4, s20;
	v19 =	vmax.f32 v41, v31;
	v31 =	vperm.xlane v27, v10;
	v13 =	vmovc v44;
	(erf) = vpow2.f32 v37;
	[tilespmem:s5+$0xFFFFFFE0] =	vst v36;
	v28 =	vld [tilespmem:s5+$0x70]  }
0xae: {  	_ =	sdelay $0x1  }
0xaf: {  	v36 =	vld [tilespmem:s5+$0x60]  }
0xb0: {  	v48 =	vld [tilespmem:s5+$0x40];
	[tilespmem:s5+$0xFFFFFF80] =	vst v29;
	v22 =	vmul.f32 v33, v22  }
0xb1: {  	v49 =	vld [tilespmem:s5+$0x50];
	v37 =	vperm.xlane v27, v11;
	v38 =	vperm.xlane v27, v9;
	[tilespmem:v16+s23+$0x0] =	vst.idx.msk $0xffff, v18  }
0xb2: {  	v30 =	vadd.f32 v30, v32;
	v50 =	vld [tilespmem:s5+$0x30];
	v39 =	vperm.xlane v27, v6;
	[tilespmem:s5+$0xFFFFFF90] =	vst v34;
	v26 =	vmul.f32 v35, v26  }
0xb3: {  	v16 =	vld [tilespmem:s5+$0x0];
	v52 =	vperm.xlane v27, v0;
	[tilespmem:s5+$0xFFFFFFC0] =	vst v22;
	v20 =	vmul.f32 v25, v20  }
0xb4: {  	v51 =	vld [tilespmem:s29+$0xFFFFFFA0];
	v29 =	vmul.f32 $2.000000030e-01, v30;
	[tilespmem:s5+$0xFFFFFFD0] =	vst v26;
	v36 =	vmul.f32 v36, v37  }
0xb5: {  	v22 =	vperm.xlane v27, v8;
	v26 =	vld [tilespmem:s5+$0x10];
	[tilespmem:s5+$0xFFFFFFF0] =	vst v20;
	v32 =	vmul.f32 v48, v38  }
0xb6: {  	v54 =	vperm.xlane v18, v7;
	v31 =	vmul.f32 v49, v31;
	[tilespmem:s5+$0x60] =	vst v36  }
0xb7: {  	v55 =	vld [tilespmem:s29+$0xFFFFFFE0];
	v25 =	vperm.xlane v18, v11;
	v29 =	vmax.f32 v30, v29;
	v22 =	vmul.f32 v50, v22;
	[tilespmem:s5+$0x40] =	vst v32  }
0xb8: {  	v30 =	vld [tilespmem:s5+$0x20];
	v29 =	vmul.f32 $1.442695020e+00, v29;
	v16 =	vmul.f32 v16, v52;
	[tilespmem:s5+$0x50] =	vst v31  }
0xb9: {  	v33 =	vmul.f32 v51, v54;
	v31 =	vperm.xlane v27, v12;
	[tilespmem:s5+$0x30] =	vst v22  }
0xba: {  	(erf) = vpow2.f32 v29;
	v29 =	vld [tilespmem:s29+$0xFFFFFFB0];
	[tilespmem:s5+$0x0] =	vst v16;
	v26 =	vmul.f32 v26, v39  }
0xbb: {  	v53 =	vld [tilespmem:s29+$0xFFFFFF80];
	v27 =	vperm.xlane v27, v7;
	[tilespmem:s29+$0xFFFFFFA0] =	vst v33;
	v28 =	vmul.f32 v28, v31  }
0xbc: {  	v20 =	vmul.f32 v55, v25;
	v22 =	vld [tilespmem:s29+$0xFFFFFF90];
	[tilespmem:s5+$0x10] =	vst v26  }
0xbd: {  	v27 =	vmul.f32 v30, v27;
	v26 =	vperm.xlane v18, v8;
	v31 =	vpop (erf);
	[tilespmem:s5+$0x70] =	vst v28;
	v28 =	vld [tilespmem:s29+$0xFFFFFFD0]  }
0xbe: {  	v19 =	vmul.f32 $1.442695020e+00, v19;
	v16 =	vld [tilespmem:s29+$0xFFFFFFC0];
	[tilespmem:s29+$0xFFFFFFE0] =	vst v20;
	v17 =	vmul.f32 v17, v31  }
0xbf: {  	v23 =	vld.idx.msk [tilespmem:v23+s24+$0x0], $0xffff;
	v30 =	vperm.xlane v18, v6;
	[tilespmem:s5+$0x20] =	vst v27;
	v26 =	vmul.f32 v29, v26  }
0xc0: {  	v24 =	vmul.f32 v53, v24;
	v29 =	vld [tilespmem:s29+$0xFFFFFFF0];
	[tilespmem:v14+s23+$0x0] =	vst.idx.msk $0xffff, v17;
	v14 =	vperm.xlane v18, v10  }
0xc1: {  	v22 =	vmul.f32 v22, v30;
	[tilespmem:s29+$0xFFFFFFB0] =	vst v26;
	v26 =	vperm.xlane v18, v9;
	v27 =	vld [tilespmem:s29+$0x60]  }
0xc2: {  	[tilespmem:s29+$0xFFFFFF80] =	vst v24;
	v18 =	vperm.xlane v18, v12;
	v20 =	vld [tilespmem:s29+$0x40];
	v14 =	vmul.f32 v28, v14  }
0xc3: {  	[tilespmem:s29+$0xFFFFFF90] =	vst v22;
	v24 =	vld [tilespmem:s29+$0x50];
	v31 =	vpop (erf);
	v16 =	vmul.f32 v16, v26;
	(erf) = vpow2.f32 v19  }
0xc4: {  	v26 =	vperm.xlane v17, v11;
	v23 =	vmul.f32 v23, v31;
	[tilespmem:s29+$0xFFFFFFD0] =	vst v14;
	v14 =	vld [tilespmem:s29+$0x30]  }
0xc5: {  	v19 =	vperm.xlane v17, v9;
	v18 =	vmul.f32 v29, v18;
	[tilespmem:s29+$0xFFFFFFC0] =	vst v16;
	v16 =	vld [tilespmem:s29+$0x10]  }
0xc6: {  	v22 =	vld [tilespmem:s29+$0x0];
	v28 =	vperm.xlane v17, v10;
	[tilespmem:v15+s23+$0x0] =	vst.idx.msk $0xffff, v23;
	v26 =	vmul.f32 v27, v26  }
0xc7: {  	v25 =	vld [tilespmem:s29+$0x70];
	[tilespmem:s29+$0xFFFFFFF0] =	vst v18;
	v27 =	vperm.xlane v17, v8;
	v15 =	vmul.f32 v20, v19  }
0xc8: {  	v19 =	vperm.xlane v17, v6;
	v20 =	vmul.f32 v24, v28;
	[tilespmem:s29+$0x60] =	vst v26  }
0xc9: {  	s14 =	sadd.s32 $0x100, s18;
	v30 =	vld [tilespmem:s29+$0x20];
	v24 =	vperm.xlane v17, v0;
	[tilespmem:s29+$0x40] =	vst v15;
	v14 =	vmul.f32 v14, v27  }
0xca: {  	v15 =	vperm.xlane v17, v12;
	[tilespmem:s29+$0x50] =	vst v20;
	v20 =	vld [tilespmem:s14+$0xFFFFFFA0];
	v16 =	vmul.f32 v16, v19  }
0xcb: {  	v19 =	vmul.f32 v22, v24;
	[tilespmem:s29+$0x30] =	vst v14;
	v14 =	vperm.xlane v17, v7;
	v17 =	vld [tilespmem:s14+$0xFFFFFFB0]  }
0xcc: {  	v15 =	vmul.f32 v25, v15;
	[tilespmem:s29+$0x10] =	vst v16;
	v16 =	vld [tilespmem:s14+$0xFFFFFFE0];
	v22 =	vpop (erf)  }
0xcd: {  	v24 =	vperm.xlane v23, v7;
	[tilespmem:s29+$0x0] =	vst v19;
	v19 =	vld [tilespmem:s14+$0xFFFFFF80];
	v21 =	vmul.f32 v21, v22  }
0xce: {  	v18 =	vld [tilespmem:s14+$0xFFFFFFD0];
	[tilespmem:s29+$0x70] =	vst v15;
	v15 =	vperm.xlane v23, v8;
	v14 =	vmul.f32 v30, v14  }
0xcf: {  	v22 =	vperm.xlane v23, v11;
	v20 =	vmul.f32 v20, v24;
	v24 =	vld [tilespmem:s14+$0xFFFFFFC0];
	[tilespmem:v13+s23+$0x0] =	vst.idx.msk $0xffff, v21  }
0xd0: {  	v25 =	vld [tilespmem:s14+$0xFFFFFF90];
	[tilespmem:s29+$0x20] =	vst v14;
	v14 =	vperm.xlane v23, v0;
	v15 =	vmul.f32 v17, v15  }
0xd1: {  	v13 =	vperm.xlane v23, v10;
	[tilespmem:s14+$0xFFFFFFA0] =	vst v20;
	v16 =	vmul.f32 v16, v22;
	v17 =	vld [tilespmem:s14+$0x60]  }
0xd2: {  	v20 =	vperm.xlane v23, v9;
	v14 =	vmul.f32 v19, v14;
	[tilespmem:s14+$0xFFFFFFB0] =	vst v15;
	v15 =	vld [tilespmem:s14+$0x40]  }
0xd3: {  	v13 =	vmul.f32 v18, v13;
	v19 =	vperm.xlane v23, v6;
	[tilespmem:s14+$0xFFFFFFE0] =	vst v16;
	v16 =	vld [tilespmem:s14+$0x50]  }
0xd4: {  	v18 =	vmul.f32 v24, v20;
	v20 =	vld [tilespmem:s14+$0x30];
	[tilespmem:s14+$0xFFFFFF80] =	vst v14;
	v14 =	vperm.xlane v21, v11  }
0xd5: {  	v22 =	vperm.xlane v21, v9;
	[tilespmem:s14+$0xFFFFFFD0] =	vst v13;
	v13 =	vld [tilespmem:s14+$0x10];
	v19 =	vmul.f32 v25, v19  }
0xd6: {  	v24 =	vperm.xlane v21, v10;
	[tilespmem:s14+$0xFFFFFFC0] =	vst v18;
	v18 =	vld [tilespmem:s14+$0x0];
	v14 =	vmul.f32 v17, v14  }
0xd7: {  	v25 =	vperm.xlane v21, v8;
	v17 =	vld [tilespmem:s14+$0x70];
	[tilespmem:s14+$0xFFFFFF90] =	vst v19;
	v15 =	vmul.f32 v15, v22  }
0xd8: {  	v19 =	vld [tilespmem:s14+$0xFFFFFFF0];
	v22 =	vperm.xlane v21, v6;
	v16 =	vmul.f32 v16, v24;
	[tilespmem:s14+$0x60] =	vst v14  }
0xd9: {  	v14 =	vld [tilespmem:s14+$0x20];
	v24 =	vperm.xlane v21, v0;
	[tilespmem:s14+$0x40] =	vst v15;
	v15 =	vmul.f32 v20, v25  }
0xda: {  	v20 =	vperm.xlane v21, v12;
	[tilespmem:s14+$0x50] =	vst v16;
	v13 =	vmul.f32 v13, v22  }
0xdb: {  	v16 =	vperm.xlane v23, v12;
	v18 =	vmul.f32 v18, v24;
	[tilespmem:s14+$0x30] =	vst v15  }
0xdc: {  	v15 =	vperm.xlane v21, v7;
	v17 =	vmul.f32 v17, v20;
	[tilespmem:s14+$0x10] =	vst v13  }
0xdd: {  	v13 =	vmul.f32 v19, v16;
	[tilespmem:s14+$0x0] =	vst v18  }
0xde: {  	v14 =	vmul.f32 v14, v15;
	[tilespmem:s14+$0x70] =	vst v17  }
0xdf: {  	[tilespmem:s14+$0xFFFFFFF0] =	vst v13  }
0xe0: {  	s18 =	simm.s32 $0x2000;
	[tilespmem:s14+$0x20] =	vst v14  }
0xe1: {  	[spmem:s2] =	stream.indirect.scatter.add.f32 [tilespmem:s18], [sflag:$0x3], $0x40, s26, s25, $0xb8;
	[tilespmem:$0x1AE00] =	vst v63  }
0xe2: {  	_ = 	snop  }
0xe3: {  	[spmem:s3] =	stream.indirect.scatter.add.f32 [tilespmem:s23], [sflag:$0x3], $0x10, s26, s25, $0xb8;
	[tilespmem:$0x1AE00] =	vst v63  }
0xe4: {  	s20 =	simm.s32 $0x4000  }
0xe5: {  	[spmem:s2] =	stream.indirect.scatter.add.f32 [tilespmem:s20], [sflag:$0x3], $0x40, s31, s25, $0xb8;
	[tilespmem:$0x1AE00] =	vst v63  }
0xe6: {  	s21 =	simm.s32 $0x6800  }
0xe7: {  	[spmem:s3] =	stream.indirect.scatter.add.f32 [tilespmem:s21], [sflag:$0x3], $0x10, s31, s25, $0xb8;
	[tilespmem:$0x1AE00] =	vst v63  }
0xe8: {  	_ =	swait.ge [sflag:s16], $0x800  }
0xe9: {  	[sflag:s16] =	ssyncset.done $0x0  }
0xea: {  	[sflag:s16] =	ssyncadd.s32 $0xFFFFF800  }
0xeb: {  	_ =	swait.ge [sflag:s16], $0x800  }
0xec: {  	[sflag:s16] =	ssyncset.done $0x0  }
0xed: {  	[sflag:s16] =	ssyncadd.s32 $0xFFFFF800  }
0xee: {  	_ =	swait.ge [sflag:s16], $0x2000  }
0xef: {  	[sflag:s16] =	ssyncset.done $0x0  }
0xf0: {  	[sflag:s16] =	ssyncadd.s32 $0xFFFFE000  }
0xf1: {  	s22 =	simm.s32 $0x0;
	_ =	swait.ge [sflag:s16], $0x800  }
0xf2: {  	v13 =	vmov s22;
	[sflag:s16] =	ssyncset.done $0x0  }
0xf3: {  	v14 =	vshll.u32 v13, $0x4;
	[sflag:s16] =	ssyncadd.s32 $0xFFFFF800  }
0xf4: {  	v14 =	vor.u32 v2, v14;
	_ =	swait.ge [sflag:s16], $0x800  }
0xf5: {  	v15 =	vor.u32 v4, v14;
	[sflag:s16] =	ssyncset.done $0x0  }
0xf6: {  	v18 =	vor.u32 v3, v14;
	[sflag:s16] =	ssyncadd.s32 $0xFFFFF800  }
0xf7: {  	_ =	swait.ge [sflag:s16], $0x2000  }
0xf8: {  	[sflag:s16] =	ssyncset.done $0x0  }
0xf9: {  	[sflag:s16] =	ssyncadd.s32 $0xFFFFE000  }
0xfa: {  	v14 =	vld.idx.msk [tilespmem:v15+s13+$0x0], $0xffff  }
0xfb: {  	v15 =	vld.idx.msk [tilespmem:v18+s0+$0x0], $0xffff;
	_ =	sdelay $0x1  }
0xfc: {  	s14 =	simm.s32 $0x2  }
0xfd: {  	v17 =	vmov s14  }
0xfe: {  	s18 =	simm.s32 $0x4;
	v16 =	vshll.u32 v17, $0x4  }
0xff: {  	v16 =	vor.u32 v2, v16;
	v14 =	vadd.f32 v14, v15;
	v15 =	vmov s18  }
0x100: {  	v19 =	vor.u32 v4, v16;
	v20 =	vshll.u32 v15, $0x4  }
0x101: {  	v28 =	vor.u32 v3, v16;
	v16 =	vmul.f32 $2.000000030e-01, v14;
	v20 =	vor.u32 v2, v20  }
0x102: {  	v21 =	vor.u32 v4, v20  }
0x103: {  	v14 =	vmax.f32 v14, v16;
	v16 =	vor.u32 v3, v20  }
0x104: {  	v14 =	vmul.f32 $1.442695020e+00, v14  }
0x105: {  	v13 =	vand.u32 $0xFD, v13;
	v19 =	vld.idx.msk [tilespmem:v19+s13+$0x0], $0xffff  }
0x106: {  	v13 =	vor.u32 v5, v13;
	s20 =	simm.s32 $0x6;
	v20 =	vld.idx.msk [tilespmem:v28+s0+$0x0], $0xffff;
	(erf) = vpow2.f32 v14  }
0x107: {  	v22 =	vmov s20;
	v21 =	vld.idx.msk [tilespmem:v21+s13+$0x0], $0xffff  }
0x108: {  	v14 =	vand.u32 $0xFF, v17;
	v17 =	vshll.u32 v22, $0x4;
	v23 =	vld.idx.msk [tilespmem:v16+s0+$0x0], $0xffff  }
0x109: {  	v24 =	vor.u32 v5, v14;
	v14 =	vor.u32 v2, v17  }
0x10a: {  	v17 =	vor.u32 v4, v14  }
0x10b: {  	v13 =	vld.idx.msk [tilespmem:v13+s30+$0x0], $0xffff;
	v22 =	vand.u32 $0xFF, v22;
	v14 =	vor.u32 v3, v14  }
0x10c: {  	v15 =	vand.u32 $0xFD, v15;
	v19 =	vadd.f32 v19, v20;
	v20 =	vor.u32 v5, v22  }
0x10d: {  	v15 =	vor.u32 v5, v15;
	v21 =	vadd.f32 v21, v23  }
0x10e: {  	s22 =	simm.s32 $0x8;
	s21 =	simm.s32 $0xA;
	v22 =	vmul.f32 $2.000000030e-01, v19;
	v24 =	vld.idx.msk [tilespmem:v24+s30+$0x0], $0xffff  }
0x10f: {  	v56 =	vmov s22;
	v23 =	vmov s21;
	v26 =	vld.idx.msk [tilespmem:v17+s13+$0x0], $0xffff;
	v17 =	vpop (erf);
	v27 =	vmul.f32 $2.000000030e-01, v21  }
0x110: {  	v19 =	vmax.f32 v19, v22;
	v22 =	vld.idx.msk [tilespmem:v14+s0+$0x0], $0xffff;
	v25 =	vshll.u32 v23, $0x4;
	v31 =	vmul.f32 v13, v17  }
0x111: {  	v19 =	vmul.f32 $1.442695020e+00, v19;
	v25 =	vor.u32 v2, v25;
	v17 =	vld.idx.msk [tilespmem:v20+s30+$0x0], $0xffff;
	v20 =	vmax.f32 v21, v27  }
0x112: {  	s5 =	simm.s32 $0x9380;
	v29 =	vor.u32 v4, v25;
	v21 =	vshll.u32 v56, $0x4;
	v20 =	vmul.f32 $1.442695020e+00, v20;
	[tilespmem:v18+s8+$0x0] =	vst.idx.msk $0xffff, v31;
	v18 =	vld.idx.msk [tilespmem:v15+s30+$0x0], $0xffff  }
0x113: {  	(erf) = vpow2.f32 v19;
	v13 =	vor.u32 v3, v25;
	v15 =	vor.u32 v2, v21;
	v19 =	vld [tilespmem:s5+$0xFFFFFF80]  }
0x114: {  	v21 =	vor.u32 v4, v15;
	v25 =	vld [tilespmem:s5+$0xFFFFFFE0];
	(erf) = vpow2.f32 v20  }
0x115: {  	v57 =	vld [tilespmem:s5+$0xFFFFFFA0]  }
0x116: {  	v23 =	vand.u32 $0xFF, v23;
	v60 =	vld [tilespmem:s5+$0xFFFFFFB0]  }
0x117: {  	v61 =	vperm.xlane v31, v7;
	v20 =	vadd.f32 v26, v22;
	v27 =	vld.idx.msk [tilespmem:v29+s13+$0x0], $0xffff;
	v29 =	vperm.xlane v31, v0  }
0x118: {  	v15 =	vor.u32 v3, v15;
	v22 =	vperm.xlane v31, v9;
	v26 =	vperm.xlane v31, v10;
	v59 =	vld.idx.msk [tilespmem:v13+s0+$0x0], $0xffff  }
0x119: {  	v58 =	vmul.f32 $2.000000030e-01, v20;
	v30 =	vld.idx.msk [tilespmem:v21+s13+$0x0], $0xffff;
	v21 =	vor.u32 v5, v23;
	v29 =	vmul.f32 v19, v29  }
0x11a: {  	v19 =	vperm.xlane v31, v11;
	v23 =	vperm.xlane v31, v8  }
0x11b: {  	v62 =	vld [tilespmem:s5+$0xFFFFFF90];
	v38 =	vmul.f32 v57, v61;
	v41 =	vmax.f32 v20, v58;
	v20 =	vperm.xlane v31, v12  }
0x11c: {  	v35 =	vld [tilespmem:s5+$0xFFFFFFD0];
	v40 =	vpop (erf);
	v31 =	vperm.xlane v31, v6;
	v63 =	vmul.f32 $1.442695020e+00, v41  }
0x11d: {  	v32 =	vld.idx.msk [tilespmem:v15+s0+$0x0], $0xffff;
	v36 =	vadd.f32 v27, v59;
	v37 =	vmul.f32 v60, v23;
	v42 =	vmul.f32 v25, v19;
	v27 =	vpop (erf)  }
0x11e: {  	[tilespmem:s5+$0xFFFFFFA0] =	vst v38;
	v19 =	vand.u32 $0xFD, v56;
	v21 =	vld.idx.msk [tilespmem:v21+s30+$0x0], $0xffff;
	v18 =	vmul.f32 v18, v27;
	v27 =	vmul.f32 v24, v40  }
0x11f: {  	v33 =	vld [tilespmem:s5+$0xFFFFFFC0];
	v23 =	vor.u32 v5, v19;
	v19 =	vmul.f32 $2.000000030e-01, v36;
	[tilespmem:s5+$0xFFFFFFB0] =	vst v37  }
0x120: {  	s29 =	simm.s32 $0x9480;
	v25 =	vld [tilespmem:s5+$0xFFFFFFF0];
	v34 =	vmul.f32 v62, v31;
	(erf) = vpow2.f32 v63;
	[tilespmem:v28+s8+$0x0] =	vst.idx.msk $0xffff, v27  }
0x121: {  	s20 =	simm.s32 $0xC;
	s18 =	simm.s32 $0x9480;
	s21 =	simm.s32 $0x4;
	[tilespmem:s5+$0xFFFFFFE0] =	vst v42;
	v19 =	vmax.f32 v36, v19;
	v24 =	vperm.xlane v18, v0;
	v31 =	vperm.xlane v27, v10;
	v28 =	vld [tilespmem:s5+$0x70]  }
.LBB2_9:
0x122: {  	s22 =	sadd.s32 $0x2, s20;
	s21 =	sadd.s32 $0x2, s21;
	v30 =	vadd.f32 v30, v32;
	s18 =	sadd.s32 $0x100, s18;
	[tilespmem:s5+$0xFFFFFF80] =	vst v29;
	v29 =	vperm.xlane v27, v9;
	v32 =	vld [tilespmem:s5+$0x60];
	v36 =	vperm.xlane v27, v12  }
0x123: {  	v38 =	vperm.xlane v27, v11;
	v39 =	vmovc v21;
	v37 =	vmov s22;
	p0 =	slt.u32 s21, $0x7E;
	v26 =	vmul.f32 v35, v26;
	v35 =	vld [tilespmem:s5+$0x40]  }
0x124: {  	v33 =	vmul.f32 v33, v22;
	v21 =	vshll.u32 v37, $0x4;
	v40 =	vmul.f32 $2.000000030e-01, v30;
	v41 =	vld [tilespmem:s5+$0x50]  }
0x125: {  	v22 =	vperm.xlane v18, v9;
	v42 =	vperm.xlane v27, v7;
	v21 =	vor.u32 v2, v21;
	[tilespmem:s5+$0xFFFFFFD0] =	vst v26;
	v43 =	vld [tilespmem:s5+$0x30]  }
0x126: {  	v45 =	vperm.xlane v27, v8;
	v44 =	vor.u32 v3, v21;
	v21 =	vor.u32 v4, v21;
	[tilespmem:s5+$0xFFFFFFC0] =	vst v33;
	v33 =	vld [tilespmem:s5+$0x10]  }
0x127: {  	v46 =	vmov s20;
	v26 =	vmax.f32 v30, v40;
	v30 =	vperm.xlane v27, v6;
	[tilespmem:s5+$0xFFFFFF90] =	vst v34;
	v34 =	vld [tilespmem:s5+$0x20]  }
0x128: {  	v51 =	vshll.u32 v46, $0x4;
	v27 =	vperm.xlane v27, v0;
	v47 =	vmul.f32 $1.442695020e+00, v26;
	[tilespmem:v16+s8+$0x0] =	vst.idx.msk $0xffff, v18;
	v48 =	vld [tilespmem:s5+$0x0];
	v16 =	vmovc v15  }
0x129: {  	v50 =	vor.u32 v2, v51;
	v26 =	vperm.xlane v18, v10;
	v49 =	vld.idx.msk [tilespmem:v23+s30+$0x0], $0xffff;
	v23 =	vmul.f32 v32, v38  }
0x12a: {  	v15 =	vor.u32 v3, v50;
	v29 =	vmul.f32 v35, v29;
	v32 =	vor.u32 v4, v50;
	v38 =	vld [tilespmem:s29+$0xFFFFFF80];
	v40 =	vpop (erf)  }
0x12b: {  	v35 =	vand.u32 $0xFF, v37;
	v31 =	vmul.f32 v41, v31;
	(erf) = vpow2.f32 v47;
	v37 =	vld [tilespmem:s29+$0xFFFFFFE0];
	[tilespmem:s5+$0x60] =	vst v23  }
0x12c: {  	v41 =	vld.idx.msk [tilespmem:v21+s13+$0x0], $0xffff;
	v21 =	vor.u32 v5, v35;
	v35 =	vperm.xlane v18, v7;
	[tilespmem:s5+$0x40] =	vst v29  }
0x12d: {  	v43 =	vmul.f32 v43, v45;
	v23 =	vand.u32 $0xFD, v46;
	v46 =	vld.idx.msk [tilespmem:v44+s0+$0x0], $0xffff;
	v27 =	vmul.f32 v48, v27;
	[tilespmem:s5+$0x50] =	vst v31  }
0x12e: {  	v25 =	vmul.f32 v25, v20;
	v20 =	vmul.f32 v33, v30;
	v23 =	vor.u32 v5, v23;
	v31 =	vld [tilespmem:s29+$0xFFFFFFA0]  }
0x12f: {  	v28 =	vmul.f32 v28, v36;
	v29 =	vmul.f32 v38, v24;
	v24 =	vld [tilespmem:s29+$0xFFFFFFB0];
	[tilespmem:s5+$0x30] =	vst v43  }
0x130: {  	v34 =	vmul.f32 v34, v42;
	v30 =	vld.idx.msk [tilespmem:v32+s13+$0x0], $0xffff;
	[tilespmem:s5+$0x10] =	vst v20  }
0x131: {  	v36 =	vperm.xlane v18, v11;
	v32 =	vld.idx.msk [tilespmem:v15+s0+$0x0], $0xffff;
	[tilespmem:s5+$0x0] =	vst v27  }
0x132: {  	v20 =	vperm.xlane v18, v12;
	v27 =	vperm.xlane v18, v8;
	v38 =	vld [tilespmem:s29+$0xFFFFFF90];
	[tilespmem:s5+$0x70] =	vst v28  }
0x133: {  	v28 =	vperm.xlane v18, v6;
	v21 =	vld.idx.msk [tilespmem:v21+s30+$0x0], $0xffff;
	v31 =	vmul.f32 v31, v35;
	[tilespmem:s5+$0xFFFFFFF0] =	vst v25  }
.Ltmp3:
0x134: {  	v36 =	vmul.f32 v37, v36;
	v41 =	vadd.f32 v41, v46;
	v18 =	vpop (erf);
	v24 =	vmul.f32 v24, v27;
	v33 =	vld [tilespmem:s29+$0xFFFFFFC0];
	[tilespmem:s5+$0x20] =	vst v34;
	s5 =	smov.u32 s29;
	s29 =	smov.u32 s18;
	(pc) =	sbr.rel @p0 .LBB2_9-.Ltmp3, $4  }
0x135: {  	v27 =	vmul.f32 v17, v40;
	v17 =	vmov v39;
	v18 =	vmul.f32 v49, v18;
	[tilespmem:s5+$0xFFFFFFA0] =	vst v31;
	v35 =	vld [tilespmem:s5+$0xFFFFFFD0]  }
0x136: {  	v37 =	vmul.f32 $1.442695020e+00, v19;
	v31 =	vmul.f32 $2.000000030e-01, v41;
	[tilespmem:s5+$0xFFFFFFB0] =	vst v24;
	v25 =	vld [tilespmem:s5+$0xFFFFFFF0]  }
0x137: {  	v24 =	vperm.xlane v18, v0;
	v34 =	vmul.f32 v38, v28;
	[tilespmem:v14+s8+$0x0] =	vst.idx.msk $0xffff, v27;
	v14 =	vmov v13  }
0x138: {  	s20 =	sadd.s32 $0x4, s20;
	v19 =	vmax.f32 v41, v31;
	v31 =	vperm.xlane v27, v10;
	v13 =	vmovc v44;
	(erf) = vpow2.f32 v37;
	[tilespmem:s5+$0xFFFFFFE0] =	vst v36;
	v28 =	vld [tilespmem:s5+$0x70]  }
0x139: {  	_ =	sdelay $0x1  }
0x13a: {  	v36 =	vld [tilespmem:s5+$0x60]  }
0x13b: {  	v53 =	vld [tilespmem:s5+$0x40];
	[tilespmem:s5+$0xFFFFFF80] =	vst v29;
	v22 =	vmul.f32 v33, v22  }
0x13c: {  	v54 =	vld [tilespmem:s5+$0x50];
	v37 =	vperm.xlane v27, v11;
	v38 =	vperm.xlane v27, v9;
	[tilespmem:v16+s8+$0x0] =	vst.idx.msk $0xffff, v18  }
0x13d: {  	v56 =	vld [tilespmem:s5+$0x30];
	v58 =	vperm.xlane v27, v8;
	[tilespmem:s5+$0xFFFFFF90] =	vst v34;
	v26 =	vmul.f32 v35, v26  }
0x13e: {  	v30 =	vadd.f32 v30, v32;
	v57 =	vld [tilespmem:s5+$0x10];
	v39 =	vperm.xlane v27, v6;
	[tilespmem:s5+$0xFFFFFFC0] =	vst v22;
	v20 =	vmul.f32 v25, v20  }
0x13f: {  	v60 =	vld [tilespmem:s5+$0x0];
	v62 =	vperm.xlane v27, v0;
	[tilespmem:s5+$0xFFFFFFD0] =	vst v26;
	v36 =	vmul.f32 v36, v37  }
0x140: {  	v59 =	vld [tilespmem:s5+$0x20];
	v55 =	vmul.f32 $2.000000030e-01, v30;
	[tilespmem:s5+$0xFFFFFFF0] =	vst v20;
	v32 =	vmul.f32 v53, v38  }
0x141: {  	v45 =	vperm.xlane v27, v7;
	v40 =	vld [tilespmem:s29+$0xFFFFFFE0];
	v31 =	vmul.f32 v54, v31;
	[tilespmem:s5+$0x60] =	vst v36  }
0x142: {  	v47 =	vperm.xlane v18, v11;
	v61 =	vld [tilespmem:s29+$0xFFFFFFA0];
	v29 =	vmax.f32 v30, v55;
	v22 =	vmul.f32 v56, v58;
	[tilespmem:s5+$0x40] =	vst v32  }
0x143: {  	v29 =	vmul.f32 $1.442695020e+00, v29;
	v26 =	vmul.f32 v57, v39;
	[tilespmem:s5+$0x50] =	vst v31  }
0x144: {  	v63 =	vld [tilespmem:s29+$0xFFFFFFB0];
	v38 =	vperm.xlane v18, v7;
	v16 =	vmul.f32 v60, v62;
	[tilespmem:s5+$0x30] =	vst v22  }
0x145: {  	v41 =	vld [tilespmem:s29+$0xFFFFFF90];
	v39 =	vperm.xlane v27, v12;
	v27 =	vmul.f32 v59, v45;
	[tilespmem:s5+$0x10] =	vst v26  }
0x146: {  	v43 =	vld [tilespmem:s29+$0xFFFFFFC0];
	v50 =	vmul.f32 v40, v47;
	(erf) = vpow2.f32 v29;
	[tilespmem:s5+$0x0] =	vst v16  }
0x147: {  	v42 =	vperm.xlane v18, v8;
	v33 =	vmul.f32 v61, v38;
	[tilespmem:s5+$0x20] =	vst v27  }
0x148: {  	v48 =	vperm.xlane v18, v9;
	v36 =	vld [tilespmem:s29+$0xFFFFFF80];
	v28 =	vmul.f32 v28, v39;
	v44 =	vpop (erf);
	[tilespmem:s29+$0xFFFFFFE0] =	vst v50  }
0x149: {  	v52 =	vperm.xlane v18, v6;
	v46 =	vld [tilespmem:s29+$0xFFFFFFD0];
	[tilespmem:s29+$0xFFFFFFA0] =	vst v33;
	v17 =	vmul.f32 v17, v44  }
0x14a: {  	v19 =	vmul.f32 $1.442695020e+00, v19;
	v49 =	vld [tilespmem:s29+$0xFFFFFFF0];
	v26 =	vmul.f32 v63, v42;
	[tilespmem:s5+$0x70] =	vst v28  }
0x14b: {  	v23 =	vld.idx.msk [tilespmem:v23+s30+$0x0], $0xffff;
	v16 =	vmul.f32 v43, v48;
	v22 =	vmul.f32 v41, v52;
	[tilespmem:v14+s8+$0x0] =	vst.idx.msk $0xffff, v17  }
0x14c: {  	(erf) = vpow2.f32 v19;
	[tilespmem:s29+$0xFFFFFFB0] =	vst v26;
	v14 =	vperm.xlane v18, v10;
	v54 =	vld [tilespmem:s29+$0x60]  }
0x14d: {  	[tilespmem:s29+$0xFFFFFFC0] =	vst v16;
	v24 =	vmul.f32 v36, v24;
	v56 =	vld [tilespmem:s29+$0x50];
	v36 =	vperm.xlane v18, v12  }
0x14e: {  	[tilespmem:s29+$0xFFFFFF90] =	vst v22;
	v59 =	vld [tilespmem:s29+$0x10];
	v14 =	vmul.f32 v46, v14  }
0x14f: {  	v57 =	vperm.xlane v17, v11;
	v55 =	vld [tilespmem:s29+$0x40];
	[tilespmem:s29+$0xFFFFFF80] =	vst v24;
	v18 =	vmul.f32 v49, v36;
	v53 =	vpop (erf)  }
0x150: {  	v60 =	vperm.xlane v17, v10;
	[tilespmem:s29+$0xFFFFFFD0] =	vst v14;
	v14 =	vld [tilespmem:s29+$0x30];
	v23 =	vmul.f32 v23, v53  }
0x151: {  	v33 =	vperm.xlane v17, v6;
	v61 =	vld [tilespmem:s29+$0x0];
	[tilespmem:s29+$0xFFFFFFF0] =	vst v18;
	v26 =	vmul.f32 v54, v57  }
0x152: {  	v58 =	vperm.xlane v17, v9;
	v34 =	vmul.f32 v56, v60;
	[tilespmem:v15+s8+$0x0] =	vst.idx.msk $0xffff, v23  }
0x153: {  	v62 =	vperm.xlane v17, v8;
	v51 =	vld [tilespmem:s29+$0x70];
	v16 =	vmul.f32 v59, v33;
	[tilespmem:s29+$0x60] =	vst v26  }
0x154: {  	s20 =	sadd.s32 $0x100, s18;
	v35 =	vperm.xlane v17, v0;
	v63 =	vld [tilespmem:s29+$0x20];
	v15 =	vmul.f32 v55, v58;
	[tilespmem:s29+$0x50] =	vst v34  }
0x155: {  	[tilespmem:s29+$0x10] =	vst v16;
	v14 =	vmul.f32 v14, v62;
	v38 =	vld [tilespmem:s20+$0xFFFFFFA0]  }
0x156: {  	v37 =	vmul.f32 v61, v35;
	v42 =	vpop (erf);
	v40 =	vld [tilespmem:s20+$0xFFFFFFE0];
	[tilespmem:s29+$0x40] =	vst v15;
	v15 =	vperm.xlane v17, v12  }
0x157: {  	v21 =	vmul.f32 v21, v42;
	v39 =	vld [tilespmem:s20+$0xFFFFFFB0];
	[tilespmem:s29+$0x30] =	vst v14;
	v14 =	vperm.xlane v17, v7  }
0x158: {  	[tilespmem:s29+$0x0] =	vst v37;
	v43 =	vperm.xlane v23, v7;
	v44 =	vld [tilespmem:s20+$0xFFFFFFD0];
	v15 =	vmul.f32 v51, v15  }
0x159: {  	v45 =	vperm.xlane v23, v11;
	v41 =	vld [tilespmem:s20+$0xFFFFFF80];
	[tilespmem:v13+s8+$0x0] =	vst.idx.msk $0xffff, v21;
	v14 =	vmul.f32 v63, v14  }
0x15a: {  	v46 =	vld [tilespmem:s20+$0xFFFFFFC0];
	[tilespmem:s29+$0x70] =	vst v15;
	v15 =	vperm.xlane v23, v8;
	v20 =	vmul.f32 v38, v43  }
0x15b: {  	v47 =	vld [tilespmem:s20+$0xFFFFFF90];
	v13 =	vperm.xlane v23, v10;
	v16 =	vmul.f32 v40, v45;
	[tilespmem:s29+$0x20] =	vst v14  }
0x15c: {  	v56 =	vld [tilespmem:s20+$0x0];
	v14 =	vperm.xlane v23, v0;
	v15 =	vmul.f32 v39, v15;
	[tilespmem:s20+$0xFFFFFFA0] =	vst v20  }
0x15d: {  	v49 =	vperm.xlane v23, v9;
	v48 =	vld [tilespmem:s20+$0x60];
	v13 =	vmul.f32 v44, v13;
	[tilespmem:s20+$0xFFFFFFE0] =	vst v16  }
0x15e: {  	v50 =	vperm.xlane v23, v6;
	v14 =	vmul.f32 v41, v14;
	[tilespmem:s20+$0xFFFFFFB0] =	vst v15;
	v15 =	vld [tilespmem:s20+$0x40]  }
0x15f: {  	v61 =	vperm.xlane v21, v0;
	v57 =	vld [tilespmem:s20+$0x70];
	v52 =	vmul.f32 v46, v49;
	[tilespmem:s20+$0xFFFFFFD0] =	vst v13  }
0x160: {  	v53 =	vld [tilespmem:s20+$0x30];
	v19 =	vmul.f32 v47, v50;
	[tilespmem:s20+$0xFFFFFF80] =	vst v14;
	v14 =	vperm.xlane v21, v11  }
0x161: {  	v54 =	vperm.xlane v21, v9;
	v18 =	vmul.f32 v56, v61;
	v13 =	vld [tilespmem:s20+$0x10];
	[tilespmem:s20+$0xFFFFFFC0] =	vst v52  }
0x162: {  	v62 =	vperm.xlane v21, v12;
	v51 =	vld [tilespmem:s20+$0x50];
	[tilespmem:s20+$0xFFFFFF90] =	vst v19;
	v14 =	vmul.f32 v48, v14  }
0x163: {  	v58 =	vperm.xlane v21, v8;
	v59 =	vld [tilespmem:s20+$0xFFFFFFF0];
	[tilespmem:s20+$0x0] =	vst v18;
	v15 =	vmul.f32 v15, v54  }
0x164: {  	v60 =	vperm.xlane v21, v6;
	v17 =	vmul.f32 v57, v62;
	[tilespmem:s20+$0x60] =	vst v14;
	v14 =	vld [tilespmem:s20+$0x20]  }
0x165: {  	v55 =	vperm.xlane v21, v10;
	[tilespmem:s20+$0x40] =	vst v15;
	v15 =	vmul.f32 v53, v58  }
0x166: {  	v63 =	vperm.xlane v23, v12;
	[tilespmem:s20+$0x70] =	vst v17;
	v13 =	vmul.f32 v13, v60  }
0x167: {  	v16 =	vmul.f32 v51, v55;
	[tilespmem:s20+$0x30] =	vst v15;
	v15 =	vperm.xlane v21, v7  }
0x168: {  	[tilespmem:s20+$0x10] =	vst v13;
	v13 =	vmul.f32 v59, v63  }
0x169: {  	[tilespmem:s20+$0x50] =	vst v16;
	v14 =	vmul.f32 v14, v15  }
0x16a: {  	[tilespmem:s20+$0xFFFFFFF0] =	vst v13  }
0x16b: {  	s21 =	simm.s32 $0x9300;
	[tilespmem:s20+$0x20] =	vst v14  }
0x16c: {  	[spmem:s2] =	stream.indirect.scatter.add.f32 [tilespmem:s21], [sflag:$0x4], $0x40, s12, s25, $0xb8;
	[tilespmem:$0x1AE00] =	vst v63  }
0x16d: {  	_ = 	snop  }
0x16e: {  	[spmem:s3] =	stream.indirect.scatter.add.f32 [tilespmem:s8], [sflag:$0x4], $0x10, s12, s25, $0xb8;
	[tilespmem:$0x1AE00] =	vst v63  }
0x16f: {  	s22 =	simm.s32 $0xB300  }
0x170: {  	[spmem:s2] =	stream.indirect.scatter.add.f32 [tilespmem:s22], [sflag:$0x4], $0x40, s17, s25, $0xb8;
	[tilespmem:$0x1AE00] =	vst v63  }
0x171: {  	s29 =	simm.s32 $0xDB00  }
0x172: {  	[spmem:s3] =	stream.indirect.scatter.add.f32 [tilespmem:s29], [sflag:$0x4], $0x10, s17, s25, $0xb8;
	[tilespmem:$0x1AE00] =	vst v63  }
0x173: {  	_ =	swait.ge [sflag:s10], $0x2000  }
0x174: {  	[sflag:s10] =	ssyncset.done $0x0  }
0x175: {  	[sflag:s10] =	ssyncadd.s32 $0xFFFFE000  }
0x176: {  	_ =	swait.ge [sflag:s10], $0x800  }
0x177: {  	[sflag:s10] =	ssyncset.done $0x0  }
0x178: {  	[sflag:s10] =	ssyncadd.s32 $0xFFFFF800  }
0x179: {  	_ =	swait.ge [sflag:s10], $0x2000  }
0x17a: {  	[sflag:s10] =	ssyncset.done $0x0  }
0x17b: {  	[sflag:s10] =	ssyncadd.s32 $0xFFFFE000  }
0x17c: {  	p0 =	seq.s32 s9, $0x14;
	_ =	swait.ge [sflag:s10], $0x800  }
0x17d: {  	s5 =	sshll.u32 @!p0 s9, $0x6;
	s14 =	rddreg [dreg:$0xb]  }
0x17e: {  	s18 =	sadd.s32 @!p0 s14, s5  }
0x17f: {  	s18 =	smul.u32 @!p0 $0x60, s18  }
0x180: {  	s20 =	simm.s32 @!p0 $0x0;
	[sflag:s10] =	ssyncset.done $0x0  }
0x181: {  	s21 =	simm.s32 @!p0 $0x7000;
	[sflag:s10] =	ssyncadd.s32 $0xFFFFF800;
	s18 =	sadd.s32 @!p0 s7, s18  }
0x182: {  	[tilespmem:s21], [sflag:$0x5] =	stream.linear.gather @!p0 [hbm4b:s18+s20], $0x300, $0x38;
	[tilespmem:$0x1AE00] =	vst v63  }
0x183: {  	s18 =	simm.s32 @!p0 $0x5  }
0x184: {  	_ =	swait.ge @!p0 [sflag:s18], $0x300  }
0x185: {  	[sflag:s18] =	ssyncset.done @!p0 $0x0  }
0x186: {  	s22 =	simm.s32 @!p0 $0x80;
	[sflag:s18] =	ssyncadd.s32 @!p0 $0xFFFFFD00  }
0x187: {  	[tilespmem:s20], [sflag:$0x1] =	stream.indirect.gather @!p0 [hbm4b:s6+s22], $0x10, s21, s22, $0xb8;
	[tilespmem:$0x1AE00] =	vst v63  }
0x188: {  	s29 =	simm.s32 @!p0 $0x7100;
	s14 =	simm.s32 @!p0 $0x1000  }
0x189: {  	[tilespmem:s14], [sflag:$0x1] =	stream.indirect.gather @!p0 [hbm4b:s6+s22], $0x10, s29, s22, $0xb8;
	[tilespmem:$0x1AE00] =	vst v63  }
0x18a: {  	s14 =	simm.s32 @!p0 $0x2000  }
0x18b: {  	[tilespmem:s14], [sflag:$0x1] =	stream.indirect.gather @!p0 [hbm4b:s1+s22], $0x40, s21, s22, $0xb8;
	[tilespmem:$0x1AE00] =	vst v63  }
0x18c: {  	s14 =	simm.s32 @!p0 $0x7080;
	s21 =	simm.s32 @!p0 $0x800  }
0x18d: {  	[tilespmem:s21], [sflag:$0x1] =	stream.indirect.gather @!p0 [hbm4b:s6+s22], $0x10, s14, s22, $0xb8;
	[tilespmem:$0x1AE00] =	vst v63  }
0x18e: {  	s29 =	simm.s32 @!p0 $0x1800;
	s21 =	simm.s32 @!p0 $0x7180  }
0x18f: {  	[tilespmem:s29], [sflag:$0x1] =	stream.indirect.gather @!p0 [hbm4b:s6+s22], $0x10, s21, s22, $0xb8;
	[tilespmem:$0x1AE00] =	vst v63  }
0x190: {  	s21 =	simm.s32 @!p0 $0x4000  }
0x191: {  	[tilespmem:s21], [sflag:$0x1] =	stream.indirect.gather @!p0 [hbm4b:s1+s22], $0x40, s14, s22, $0xb8;
	[tilespmem:$0x1AE00] =	vst v63  }
0x192: {  	_ =	swait.ge [sflag:s11], $0x2000  }
0x193: {  	[sflag:s11] =	ssyncset.done $0x0  }
0x194: {  	[sflag:s11] =	ssyncadd.s32 $0xFFFFE000  }
0x195: {  	_ =	swait.ge [sflag:s11], $0x800  }
0x196: {  	[sflag:s11] =	ssyncset.done $0x0  }
0x197: {  	[sflag:s11] =	ssyncadd.s32 $0xFFFFF800  }
0x198: {  	_ =	swait.ge [sflag:s11], $0x2000  }
0x199: {  	[sflag:s11] =	ssyncset.done $0x0  }
0x19a: {  	s5 =	sadd.s32 @!p0 s15, s5;
	[sflag:s11] =	ssyncadd.s32 $0xFFFFE000  }
0x19b: {  	s5 =	smul.u32 @!p0 $0x60, s5;
	_ =	swait.ge [sflag:s11], $0x800  }
0x19c: {  	[sflag:s11] =	ssyncset.done $0x0  }
0x19d: {  	s5 =	sadd.s32 @!p0 s7, s5;
	s14 =	simm.s32 @!p0 $0xE300;
	[sflag:s11] =	ssyncadd.s32 $0xFFFFF800  }
0x19e: {  	[tilespmem:s14], [sflag:$0x5] =	stream.linear.gather @!p0 [hbm4b:s5+s20], $0x300, $0x38;
	[tilespmem:$0x1AE00] =	vst v63  }
0x19f: {  	_ =	swait.ge @!p0 [sflag:s18], $0x300  }
0x1a0: {  	[sflag:s18] =	ssyncset.done @!p0 $0x0  }
0x1a1: {  	s5 =	simm.s32 @!p0 $0x7300;
	[sflag:s18] =	ssyncadd.s32 @!p0 $0xFFFFFD00  }
0x1a2: {  	[tilespmem:s5], [sflag:$0x2] =	stream.indirect.gather @!p0 [hbm4b:s6+s22], $0x10, s14, s22, $0xb8;
	[tilespmem:$0x1AE00] =	vst v63  }
0x1a3: {  	s18 =	simm.s32 @!p0 $0x8300;
	s5 =	simm.s32 @!p0 $0xE400  }
0x1a4: {  	[tilespmem:s18], [sflag:$0x2] =	stream.indirect.gather @!p0 [hbm4b:s6+s22], $0x10, s5, s22, $0xb8;
	[tilespmem:$0x1AE00] =	vst v63  }
0x1a5: {  	s5 =	simm.s32 @!p0 $0x9300  }
0x1a6: {  	[tilespmem:s5], [sflag:$0x2] =	stream.indirect.gather @!p0 [hbm4b:s1+s22], $0x40, s14, s22, $0xb8;
	[tilespmem:$0x1AE00] =	vst v63  }
0x1a7: {  	s5 =	simm.s32 @!p0 $0xE380;
	s14 =	simm.s32 @!p0 $0x7B00  }
0x1a8: {  	[tilespmem:s14], [sflag:$0x2] =	stream.indirect.gather @!p0 [hbm4b:s6+s22], $0x10, s5, s22, $0xb8;
	[tilespmem:$0x1AE00] =	vst v63  }
0x1a9: {  	s9 =	sadd.s32 $0x1, s9;
	s18 =	simm.s32 @!p0 $0x8B00;
	s14 =	simm.s32 @!p0 $0xE480  }
0x1aa: {  	[tilespmem:s18], [sflag:$0x2] =	stream.indirect.gather @!p0 [hbm4b:s6+s22], $0x10, s14, s22, $0xb8;
	[tilespmem:$0x1AE00] =	vst v63  }
0x1ab: {  	p1 =	sne.s32 @!p0 s9, $0x15;
	s14 =	simm.s32 @!p0 $0xB300  }
0x1ac: {  	[tilespmem:s14], [sflag:$0x2] =	stream.indirect.gather @!p0 [hbm4b:s1+s22], $0x40, s5, s22, $0xb8;
	[tilespmem:$0x1AE00] =	vst v63  }
0x1ad: {  	p0 =	por p0, !p1  }
.Ltmp4:
0x1ae: {  	_ = 	snop;
	(pc) =	sbr.rel @!p0 .LBB2_6-.Ltmp4, $1  }
0x1af: {  	_ =	sdelay $0x3  }
0x1b0: {  	[bflag:$0x0] =	sbarrier.arrive $0xFFFF  }
0x1b1: {  	s9 =	simm.s32 $0x2000;
	s14 =	simm.s32 $0x5;
	s18 =	rddreg [dreg:$0x5]  }
0x1b2: {  	[tilespmem:s9], [sflag:$0x5] =	stream.linear.gather [spmem:s18], $0x2800, $0x38;
	[tilespmem:$0x1AE00] =	vst v63  }
0x1b3: {  	_ =	swait.ge [sflag:s14], $0x2800  }
0x1b4: {  	[sflag:s14] =	ssyncset.done $0x0  }
0x1b5: {  	s5 =	rddreg [dreg:$0xc];
	[sflag:s14] =	ssyncadd.s32 $0xFFFFD800  }
0x1b6: {  	[hbm4b:s5+s4] =	stream.linear.scatter [tilespmem:s9], [sflag:$0x5], $0x2800, $0x38;
	[tilespmem:$0x1AE00] =	vst v63  }
0x1b7: {  	_ =	swait.ge [sflag:s14], $0x2800  }
0x1b8: {  	[sflag:s14] =	ssyncset.done $0x0  }
0x1b9: {  	s20 =	rddreg [dreg:$0x6];
	[sflag:s14] =	ssyncadd.s32 $0xFFFFD800  }
0x1ba: {  	[tilespmem:s23], [sflag:$0x5] =	stream.linear.gather [spmem:s20], $0xA00, $0x38;
	[tilespmem:$0x1AE00] =	vst v63  }
0x1bb: {  	_ =	swait.ge [sflag:s14], $0xA00  }
0x1bc: {  	[sflag:s14] =	ssyncset.done $0x0  }
0x1bd: {  	s21 =	rddreg [dreg:$0xd];
	[sflag:s14] =	ssyncadd.s32 $0xFFFFF600  }
0x1be: {  	[hbm4b:s21+s4] =	stream.linear.scatter [tilespmem:s23], [sflag:$0x5], $0xA00, $0x38;
	[tilespmem:$0x1AE00] =	vst v63  }
0x1bf: {  	_ =	swait.ge [sflag:s14], $0xA00  }
0x1c0: {  	[sflag:s14] =	ssyncset.done $0x0  }
0x1c1: {  	s21 =	rddreg [dreg:$0x7];
	[sflag:s14] =	ssyncadd.s32 $0xFFFFF600  }
0x1c2: {  	[tilespmem:s9], [sflag:$0x5] =	stream.linear.gather [spmem:s21], $0x2800, $0x38;
	[tilespmem:$0x1AE00] =	vst v63  }
0x1c3: {  	_ =	swait.ge [sflag:s14], $0x2800  }
0x1c4: {  	[sflag:s14] =	ssyncset.done $0x0  }
0x1c5: {  	s22 =	rddreg [dreg:$0xe];
	[sflag:s14] =	ssyncadd.s32 $0xFFFFD800  }
0x1c6: {  	[hbm4b:s22+s4] =	stream.linear.scatter [tilespmem:s9], [sflag:$0x5], $0x2800, $0x38;
	[tilespmem:$0x1AE00] =	vst v63  }
0x1c7: {  	_ =	swait.ge [sflag:s14], $0x2800  }
0x1c8: {  	[sflag:s14] =	ssyncset.done $0x0  }
0x1c9: {  	s22 =	rddreg [dreg:$0x8];
	[sflag:s14] =	ssyncadd.s32 $0xFFFFD800  }
0x1ca: {  	[tilespmem:s23], [sflag:$0x5] =	stream.linear.gather [spmem:s22], $0xA00, $0x38;
	[tilespmem:$0x1AE00] =	vst v63  }
0x1cb: {  	_ =	swait.ge [sflag:s14], $0xA00  }
0x1cc: {  	[sflag:s14] =	ssyncset.done $0x0  }
0x1cd: {  	s29 =	rddreg [dreg:$0xf];
	[sflag:s14] =	ssyncadd.s32 $0xFFFFF600  }
0x1ce: {  	[hbm4b:s29+s4] =	stream.linear.scatter [tilespmem:s23], [sflag:$0x5], $0xA00, $0x38;
	[tilespmem:$0x1AE00] =	vst v63  }
0x1cf: {  	_ =	swait.ge [sflag:s14], $0xA00  }
0x1d0: {  	s5 =	rddreg [dreg:$0x11]  }
0x1d1: {  	s29 =	rddreg [dreg:$0x10];
	s9 =	sadd.s32 $0x1, s5  }
0x1d2: {  	p0 =	sne.s32 s9, s29  }
.Ltmp5:
0x1d3: {  	_ = 	snop;
	(pc) =	sbr.rel @p0 .LBB2_1-.Ltmp5, $3  }
0x1d4: {  	_ =	sdelay $0x1  }
0x1d5: {  	[sflag:s14] =	ssyncset.done $0x0  }
0x1d6: {  	[sflag:s14] =	ssyncadd.s32 $0xFFFFF600  }
0x1d7: {  	_ =	sfence.sel $0x180000  }
0x1d8: {  	[bflag:$0x0] =	sbarrier.arrive $0xFFFF  }
0x1d9: {  	_ =	strace $0x9000004A  }
0x1da: {  	s0 =	stileid.u32;
	[bflag:$0x2] =	sbarrier.arrive $0xFFFF  }
0x1db: {  	p0 =	sne.s32 s0, $0x0;
	s0 =	rddreg [dreg:$0x4]  }
0x1dc: {  	s0 =	sadd.s32 @!p0 $0x100000, s0  }
0x1dd: {  	[sflag:s0] =	ssyncadd.tile.s32 @!p0 $0x1;
	_ =	shalt  }
.Lfunc_end2:
_tile_overlayer_lowered:
.L_overlay_start_2:
0x1de: {  	(tag) =	ssettag $0x2  }
0x1df: {  	s0 =	rddreg [dreg:$0x0];
	s2 =	stileid.u32  }
0x1e0: {  	s1 =	rddreg [dreg:$0x1];
	p0 =	sne.s32 s2, $0x0  }
0x1e1: {  	s3 =	rddreg [dreg:$0x2];
	[bflag:$0x3] =	sbarrier.arrive $0xFFFF;
	s2 =	simm.s32 @!p0 $0x1C05  }
0x1e2: {  	[timem:s3], [sflag:s2] =	dma.local @!p0 [hbm:s0], s1  }
0x1e3: {  	s0 =	simm.s32 @!p0 $0x5  }
0x1e4: {  	_ =	swait.ge @!p0 [sflag:s0], s1  }
0x1e5: {  	s1 =	ssub.s32 @!p0 $0x0, s1;
	[sflag:s0] =	ssyncset.done @!p0 $0x0  }
0x1e6: {  	[sflag:s0] =	ssyncadd.s32 @!p0 s1  }
0x1e7: {  	[bflag:$0x3] =	sbarrier.arrive $0xFFFF  }
0x1e8: {  	_ =	shalt  }

// kernel: kernel.7.cloned.1.call-start
scs
__scs_entry_jumppad:
0x0: {  	(pc) =	sbr.rel $0x88, $3  }
0x1: {  	(tag) =	ssettag $0x0;
	lr =	simm.s32 $0x1  }
0x2: {  	[smem:$0x3F97] =	sst lr;
	_ =	strace $0xD0000000  }
0x3: {  	_ = 	snop  }
0x4: {  	_ = 	snop  }
0x5: {  	_ = 	snop  }
0x6: {  	_ = 	snop  }
0x7: {  	_ = 	snop  }
__scs_overlays_trampoline_lowered:
0x8: {  	[smem:$0x3FA6] =	sst s0  }
0x9: {  	[smem:$0x3FA7] =	sst s1  }
0xa: {  	[smem:$0x3FA8] =	sst s2  }
0xb: {  	[smem:$0x3FA9] =	sst s3  }
0xc: {  	[smem:$0x3FAA] =	sst s4  }
0xd: {  	[smem:$0x3FAB] =	sst s5  }
0xe: {  	[smem:$0x3FAC] =	sst s6  }
0xf: {  	[smem:$0x3FAD] =	sst s7  }
0x10: {  	[smem:$0x3FAE] =	sst s8  }
0x11: {  	[smem:$0x3FAF] =	sst s9;
	s0 =	simm.s32 @!p0 $0x0  }
0x12: {  	s1 =	sld [smem:$0x3F95];
	s0 =	simm.s32 @p0 $0x1  }
0x13: {  	[smem:$0x3FB0] =	sst s0;
	s0 =	simm.s32 @!p1 $0x0  }
0x14: {  	s2 =	sld [smem:$0x3F94];
	s0 =	simm.s32 @p1 $0x1  }
0x15: {  	[smem:$0x3FB1] =	sst s0;
	s0 =	simm.s32 @!p2 $0x0  }
0x16: {  	s3 =	sld [smem:$0x3FDB];
	s0 =	simm.s32 @p2 $0x1  }
0x17: {  	s4 =	simm.s32 $0x1BF5;
	[smem:$0x3FB3] =	sst s0  }
0x18: {  	s0 =	sld [smem:$0x3F96];
	_ =	swait.ge [sflag:s4], $0x0  }
0x19: {  	s7 =	sld [smem:$0x3F97]  }
0x1a: {  	s8 =	sadd.s32 $0xFFFFE003, lr  }
0x1b: {  	s9 =	sadd.s32 $0xFFFFFEF7, lr;
	s5 =	simm.s32 $0xFFFFFFFF;
	p2 =	slt.u32 s8, $0xFFFFF086  }
0x1c: {  	p1 =	slt.u32 s9, $0xF7A;
	s5 =	simm.s32 @!p2 $0x0  }
0x1d: {  	s5 =	simm.s32 @p1 $0x1;
	p0 =	seq.s32 s7, s2  }
0x1e: {  	s7 =	smul.u32 @!p0 $0xF7A, s2;
	p2 =	seq.s32 @!p0 s5, $0x0  }
0x1f: {  	s9 =	smul.u32 $0xF7A, s1;
	s8 =	simm.s32 @!p0 $0x1BF5;
	p2 =	por !p2, p0  }
0x20: {  	[sflag:s8] =	ssyncset.s32 @!p0 $0xFFFFF086;
	s6 =	sadd.s32 @!p0 s3, s7;
	s7 =	simm.s32 @!p0 $0x108  }
0x21: {  	s3 =	sadd.s32 s3, s9;
	s6 =	sadd.s32 @!p0 $0x88, s6;
	s7 =	simm.s32 @p2 $0x1082  }
0x22: {  	[simem:s7], [sflag:s8] =	dma.local @!p0 [hbm:s6], $0xF7A  }
0x23: {  	s9 =	sor.u32 $0xD0000000, s2;
	s6 =	simm.s32 $0x108;
	_ =	swait.ge @!p0 [sflag:s8], $0x0  }
0x24: {  	s3 =	sadd.s32 $0x88, s3;
	s6 =	simm.s32 @!p1 $0x1082;
	[sflag:s4] =	ssyncset.s32 $0xFFFFF086  }
0x25: {  	[simem:s6], [sflag:s4] =	dma.local [hbm:s3], $0xF7A  }
0x26: {  	[smem:$0x3F97] =	sst s1;
	(tag) =	ssettag s2;
	_ =	strace s9  }
0x27: {  	s1 =	sld [smem:$0x3FA7]  }
0x28: {  	s2 =	sld [smem:$0x3FA8]  }
0x29: {  	s4 =	sld [smem:$0x3FAA]  }
0x2a: {  	p0 =	seq.s32 s5, $0x0;
	s5 =	sld [smem:$0x3FAB]  }
0x2b: {  	s6 =	sld [smem:$0x3FAC]  }
0x2c: {  	s7 =	sld [smem:$0x3FAD]  }
0x2d: {  	s3 =	simm.s32 $0x108;
	s8 =	sld [smem:$0x3FAE]  }
0x2e: {  	s3 =	simm.s32 @!p0 $0x1082;
	s9 =	sld [smem:$0x3FAF]  }
0x2f: {  	lr =	sadd.s32 s0, s3;
	s0 =	sld [smem:$0x3FA6]  }
0x30: {  	s3 =	sld [smem:$0x3FA9]  }
0x31: {  	[smem:$0x3FB2] =	sst s10  }
0x32: {  	s10 =	sld [smem:$0x3FB0];
	_ =	sdelay $0x3  }
0x33: {  	p0 =	seq.s32 s10, $0x1;
	s10 =	sld [smem:$0x3FB2];
	_ =	sdelay $0x3  }
0x34: {  	[smem:$0x3FB2] =	sst s10  }
0x35: {  	s10 =	sld [smem:$0x3FB1];
	_ =	sdelay $0x3  }
0x36: {  	p1 =	seq.s32 s10, $0x1;
	s10 =	sld [smem:$0x3FB2];
	_ =	sdelay $0x3  }
0x37: {  	[smem:$0x3FB2] =	sst s10  }
0x38: {  	s10 =	sld [smem:$0x3FB3]  }
0x39: {  	_ = 	snop;
	(pc) =	sbr.ind lr, $3  }
0x3a: {  	_ = 	snop  }
0x3b: {  	_ = 	snop  }
0x3c: {  	p2 =	seq.s32 s10, $0x1;
	s10 =	sld [smem:$0x3FB2]  }
0x3d: {  	_ =	shalt  }
0x3e: {  	_ =	shalt  }
0x3f: {  	_ =	shalt  }
0x40: {  	_ =	shalt  }
0x41: {  	_ =	shalt  }
0x42: {  	_ =	shalt  }
0x43: {  	_ =	shalt  }
0x44: {  	_ =	shalt  }
0x45: {  	_ =	shalt  }
0x46: {  	_ =	shalt  }
0x47: {  	_ =	shalt  }
0x48: {  	_ =	shalt  }
0x49: {  	_ =	shalt  }
0x4a: {  	_ =	shalt  }
0x4b: {  	_ =	shalt  }
0x4c: {  	_ =	shalt  }
0x4d: {  	_ =	shalt  }
0x4e: {  	_ =	shalt  }
0x4f: {  	_ =	shalt  }
0x50: {  	_ =	shalt  }
0x51: {  	_ =	shalt  }
0x52: {  	_ =	shalt  }
0x53: {  	_ =	shalt  }
0x54: {  	_ =	shalt  }
0x55: {  	_ =	shalt  }
0x56: {  	_ =	shalt  }
0x57: {  	_ =	shalt  }
0x58: {  	_ =	shalt  }
0x59: {  	_ =	shalt  }
0x5a: {  	_ =	shalt  }
0x5b: {  	_ =	shalt  }
0x5c: {  	_ =	shalt  }
0x5d: {  	_ =	shalt  }
0x5e: {  	_ =	shalt  }
0x5f: {  	_ =	shalt  }
0x60: {  	_ =	shalt  }
0x61: {  	_ =	shalt  }
0x62: {  	_ =	shalt  }
0x63: {  	_ =	shalt  }
0x64: {  	_ =	shalt  }
0x65: {  	_ =	shalt  }
0x66: {  	_ =	shalt  }
0x67: {  	_ =	shalt  }
0x68: {  	_ =	shalt  }
0x69: {  	_ =	shalt  }
0x6a: {  	_ =	shalt  }
0x6b: {  	_ =	shalt  }
0x6c: {  	_ =	shalt  }
0x6d: {  	_ =	shalt  }
0x6e: {  	_ =	shalt  }
0x6f: {  	_ =	shalt  }
0x70: {  	_ =	shalt  }
0x71: {  	_ =	shalt  }
0x72: {  	_ =	shalt  }
0x73: {  	_ =	shalt  }
0x74: {  	_ =	shalt  }
0x75: {  	_ =	shalt  }
0x76: {  	_ =	shalt  }
0x77: {  	_ =	shalt  }
0x78: {  	_ =	shalt  }
0x79: {  	_ =	shalt  }
0x7a: {  	_ =	shalt  }
0x7b: {  	_ =	shalt  }
0x7c: {  	_ =	shalt  }
0x7d: {  	_ =	shalt  }
0x7e: {  	_ =	shalt  }
0x7f: {  	_ =	shalt  }
0x80: {  	_ =	shalt  }
0x81: {  	_ =	shalt  }
0x82: {  	_ =	shalt  }
0x83: {  	_ =	shalt  }
0x84: {  	_ =	shalt  }
0x85: {  	_ =	shalt  }
0x86: {  	_ =	shalt  }
0x87: {  	_ =	shalt  }
.Lfunc_end0:
.L_simem_size_0:
called_computation_lowered:
.L_overlay_start_0:
0x88: {  	s2 =	sld [smem:$0x3FD9]  }
0x89: {  	s3 =	sld [smem:$0x3FFE];
	_ =	sdelay $0x1  }
0x8a: {  	s1 =	srdreg.scid  }
0x8b: {  	s0 =	sand.u32 $0x1, s1  }
0x8c: {  	s17 =	sshll.u32 s0, $0xA;
	s2 =	sadd.s32 s3, s2  }
0x8d: {  	s2 =	sadd.s32 s2, s17  }
0x8e: {  	[smem:$0x3FBE] =	sst s2  }
0x8f: {  	_ = 	snop  }
0x90: {  	s2 =	sld [smem:$0x3FD0];
	(tm) =	ssettm $0x1  }
0x91: {  	s18 =	sld [smem:$0x3FFB];
	_ =	sdelay $0x3  }
0x92: {  	_ =	strace s18  }
0x93: {  	s3 =	sld [smem:$0x3FFC];
	_ =	sdelay $0x3  }
0x94: {  	_ =	strace s3  }
0x95: {  	s3 =	sld [smem:$0x3FFD];
	_ =	sdelay $0x3  }
0x96: {  	_ =	strace s3  }
0x97: {  	_ =	strace $0x8FFFFFFF  }
0x98: {  	s19 =	sld [smem:$0x3FDB];
	_ =	sdelay $0x1  }
0x99: {  	s4 =	simm.s32 $_scs_section_size  }
0x9a: {  	s5 =	simm.s32 $_size__tile_overlayer_lowered;
	s6 =	simm.s32 $_tile_overlayer_lowered  }
0x9b: {  	s22 =	simm.s32 $0x1BFF;
	s21 =	sshll.u32 s6, $0x1;
	s3 =	sadd.s32 s4, s19  }
0x9c: {  	s7 =	simm.s32 $0x0;
	s20 =	sshll.u32 s5, $0x1;
	s5 =	sadd.s32 s21, s3  }
0x9d: {  	[timem:s7], [sflag:s22] =	dma.local [hbm:s5], s20  }
0x9e: {  	_ =	swait.ge [sflag:s22], s20  }
0x9f: {  	s4 =	ssub.s32 $0x0, s20;
	[sflag:s22] =	ssyncset.done $0x0  }
0xa0: {  	[sflag:s22] =	ssyncadd.s32 s4;
	_ =	sdelay $0x1  }
0xa1: {  	s23 =	simm.s32 $0x1B8B  }
0xa2: {  	_ =	swait.ge [sflag:s23], $0x1  }
0xa3: {  	[sflag:s23] =	ssyncset.done $0x0  }
0xa4: {  	s25 =	simm.s32 $0x1B8E;
	s24 =	sld [smem:$0x3FFE];
	[sflag:s23] =	ssyncadd.s32 $0xFFFFFFFF  }
0xa5: {  	s26 =	simm.s32 $execute0_lowered;
	[smem:$0x3FD2] =	sst s25  }
0xa6: {  	s5 =	sshll.u32 s26, $0x1;
	_ =	strace $0x80000046;
	[dreg:$0x1] =	wrdreg $0xFFFFFFFF  }
0xa7: {  	s28 =	simm.s32 $_size_execute0_lowered;
	s3 =	sadd.s32 s3, s5;
	[dreg:$0x0] =	wrdreg $0x0  }
0xa8: {  	s5 =	sshll.u32 s28, $0x1;
	[dreg:$0x2] =	wrdreg s3  }
0xa9: {  	[dreg:$0x3] =	wrdreg s5  }
0xaa: {  	[dreg:$0x4] =	wrdreg $0xC0  }
0xab: {  	_ =	task [dreg:s7], $0x5FFFF  }
0xac: {  	[dreg:$0x1] =	wrdreg $0xFFFFFFFF  }
0xad: {  	[dreg:$0x0] =	wrdreg $0x60  }
0xae: {  	[dreg:$0x2] =	wrdreg s2  }
0xaf: {  	[dreg:$0x3] =	wrdreg s24  }
0xb0: {  	[dreg:$0x4] =	wrdreg $0xE6000  }
0xb1: {  	[dreg:$0x5] =	wrdreg $0x186000  }
0xb2: {  	[dreg:$0x6] =	wrdreg $0x9  }
0xb3: {  	_ =	task.clear_ibuf [dreg:s7], $0x7FFFF;
	_ =	strace $0x90000046  }
0xb4: {  	s29 =	simm.s32 $0x9;
	_ =	strace $0x80000048  }
0xb5: {  	_ =	swait.ge [sflag:s29], $0x1  }
0xb6: {  	[sflag:s29] =	ssyncadd.s32 $0xFFFFFFFF  }
0xb7: {  	_ =	strace $0x90000048  }
0xb8: {  	_ =	sfence  }
0xb9: {  	s30 =	sld [smem:$0x0];
	_ =	sdelay $0x2  }
0xba: {  	s31 =	sshll.u32 s1, $0xD;
	s1 =	sshrl.u32 s1, $0x2  }
0xbb: {  	s3 =	sand.u32 $0x4000, s31;
	s1 =	sadd.s32 s1, s30  }
0xbc: {  	s0 =	sor.u32 s3, s0;
	s1 =	sshll.u32 s1, $0x11  }
0xbd: {  	s0 =	sor.u32 s1, s0  }
0xbe: {  	s0 =	sadd.s32 $0x8F2B, s0  }
0xbf: {  	[sflag:s0] =	ssyncadd.remote.s32 $0x1  }
0xc0: {  	_ =	sfence.sel $0xFFFF  }
0xc1: {  	[dreg:$0x0] =	wrdreg $0xFFFFFFFF;
	(pc) =	sbr.abs _section_cstart, $3  }
0xc2: {  	[dreg:$0x1] =	wrdreg $0xFFFFFFFF  }
0xc3: {  	_ =	task.clear_ibuf [dreg:s7], $0x2FFFF;
	_ =	strace $0x9FFFFFFF  }
0xc4: {  	(tm) =	ssettm $0x7FFFFFFF  }
0xc5: {  	_ =	shalt  }
tec
execute0_lowered:
.L_overlay_start_1:
0x0: {  	(tag) =	ssettag $0x1  }
0x1: {  	s1 =	rddreg [dreg:$0x0]  }
0x2: {  	s0 =	rddreg [dreg:$0x1]  }
0x3: {  	s2 =	rddreg [dreg:$0x2]  }
0x4: {  	s3 =	rddreg [dreg:$0x3]  }
0x5: {  	s4 =	simm.s32 $0x0;
	s5 =	srdreg.scid;
	s14 =	stileid.u32  }
0x6: {  	s28 =	simm.s32 $0x1000;
	s31 =	simm.s32 $0x7180;
	s30 =	simm.s32 $0xE300  }
0x7: {  	[smem:$0x7FF] =	sst s4;
	s6 =	sadd.s32 $0x22200, s0;
	s10 =	smul.u32 $0x140, s14  }
0x8: {  	s7 =	sadd.s32 $0x2A00, s0;
	s8 =	sadd.s32 $0x27200, s0;
	s13 =	smul.u32 $0x5000, s14  }
0x9: {  	s5 =	sand.u32 $0x1, s5;
	s0 =	sadd.s32 $0x4F200, s0;
	s25 =	smul.u32 $0x1400, s14  }
0xa: {  	_ =	strace $0x80000047;
	s9 =	ssub.s32 $0x2, s5;
	s17 =	smul.u32 $0xA0000, s5  }
0xb: {  	s12 =	sshll.u32 s5, $0x4;
	s5 =	smul.u32 $0x28000, s5;
	s11 =	sshrl.u32 s9, $0x1  }
0xc: {  	s24 =	sor.u32 s14, s12;
	s18 =	sadd.s32 s13, s2;
	s10 =	sadd.s32 $0xA0, s10  }
0xd: {  	s20 =	sadd.s32 s25, s3;
	s12 =	simm.s32 $0xE400;
	s26 =	smul.u32 $0x60, s24  }
0xe: {  	s9 =	ssub.s32 s9, s11;
	s16 =	sshll.u32 s10, $0x6;
	s15 =	smul.u32 $0x300, s24  }
0xf: {  	s10 =	sshll.u32 s10, $0x4;
	s13 =	sadd.s32 s13, s17;
	[dreg:$0x5] =	wrdreg s18  }
0x10: {  	s23 =	sadd.s32 s25, s5;
	[dreg:$0x6] =	wrdreg s20;
	s21 =	sadd.s32 s16, s2  }
0x11: {  	s22 =	sadd.s32 s10, s3;
	s13 =	sshrl.u32 s13, $0x3;
	s11 =	sshrl.u32 s23, $0x3  }
0x12: {  	s5 =	sadd.s32 s5, s10;
	s23 =	simm.s32 $0x6000;
	s10 =	simm.s32 $0x3  }
0x13: {  	s14 =	sadd.s32 s7, s26;
	s29 =	sshrl.u32 s15, $0x3;
	[dreg:$0x7] =	wrdreg s21  }
0x14: {  	s15 =	sor.u32 $0x40, s24;
	s19 =	sadd.s32 s8, s13;
	[dreg:$0x8] =	wrdreg s22  }
0x15: {  	s25 =	sadd.s32 s0, s11;
	s5 =	sshrl.u32 s5, $0x3;
	[dreg:$0x9] =	wrdreg s14  }
0x16: {  	s13 =	simm.s32 $0x8300;
	s11 =	simm.s32 $0x4;
	[dreg:$0xb] =	wrdreg s15  }
0x17: {  	s14 =	sadd.s32 s7, s29;
	s15 =	sor.u32 $0x60, s24;
	[dreg:$0xc] =	wrdreg s19  }
0x18: {  	s24 =	sadd.s32 s17, s16;
	[dreg:$0xd] =	wrdreg s25;
	s0 =	sadd.s32 s0, s5  }
0x19: {  	s29 =	smax.u32 s9, $0x1;
	s25 =	simm.s32 $0x80;
	s17 =	simm.s32 $0xE480  }
0x1a: {  	v4 =	vlaneseq.u32;
	v1 =	vimm.f32 $0.0e+00;
	s19 =	simm.s32 $0x1;
	s16 =	simm.s32 $0x2;
	s9 =	simm.s32 $0x0  }
0x1b: {  	v0 =	vshrl.u32 v4, $0x3;
	v3 =	vand.u32 $0x7, v4;
	v4 =	vor.u32 $0x8, v4;
	s14 =	sadd.s32 $0xC00, s14;
	s26 =	sshrl.u32 s24, $0x3;
	[dreg:$0xf] =	wrdreg s0  }
0x1c: {  	v2 =	vmul.u32 $0x10, v0;
	v5 =	vor.u32 $0x200, v0;
	v6 =	vor.u32 $0x2, v0;
	[dreg:$0x10] =	wrdreg s29;
	s24 =	simm.s32 $0x7000;
	s0 =	simm.s32 $0x7300  }
0x1d: {  	v7 =	vor.u32 $0x4, v0;
	v8 =	vor.u32 $0x6, v0;
	v9 =	vor.u32 $0x8, v0;
	[dreg:$0xa] =	wrdreg s14;
	s8 =	sadd.s32 s8, s26;
	s14 =	simm.s32 $0x5  }
0x1e: {  	v10 =	vor.u32 $0xA, v0;
	v11 =	vor.u32 $0xC, v0;
	v12 =	vor.u32 $0xE, v0;
	s26 =	simm.s32 $0x7100;
	[dreg:$0xe] =	wrdreg s8;
	s8 =	simm.s32 $0xD300  }
.LBB2_1:
0x1f: {  	[dreg:$0x11] =	wrdreg s9;
	s5 =	simm.s32 $0x0  }
.LBB2_2:
0x20: {  	p0 =	sne.s32 s5, $0xFF00  }
.Ltmp0:
0x21: {  	s9 =	sshra.s32 s5, $0x2;
	(pc) =	sbr.rel @p0 .LBB2_2-.Ltmp0, $4  }
0x22: {  	[tilespmem:s9+$0x2000] =	vst v1  }
0x23: {  	[tilespmem:s9+$0x2010] =	vst v1  }
0x24: {  	[tilespmem:s9+$0x2020] =	vst v1  }
0x25: {  	s5 =	sadd.s32 $0x100, s5;
	[tilespmem:s9+$0x2030] =	vst v1  }
0x26: {  	s5 =	simm.s32 $0x40;
	s9 =	simm.s32 $0x0  }
.LBB2_4:
0x27: {  	p0 =	sne.s32 s5, $0x3FC0;
	[tilespmem:s9+$0x6000] =	vst v1;
	s9 =	smov.u32 s5;
	s5 =	sadd.s32 $0x40, s5  }
.Ltmp1:
0x28: {  	(pc) =	sbr.rel @p0 .LBB2_4-.Ltmp1, $2  }
0x29: {  	_ =	sdelay $0x2  }
0x2a: {  	s9 =	sshra.s32 s9, $0x2  }
0x2b: {  	[tilespmem:s9+$0x6000] =	vst v1;
	s29 =	simm.s32 $0x2000  }
0x2c: {  	[spmem:s18] =	stream.linear.scatter [tilespmem:s29], [sflag:$0x5], $0x2800, $0x38;
	[tilespmem:$0x1AE00] =	vst v63  }
0x2d: {  	_ =	swait.ge [sflag:s14], $0x2800  }
0x2e: {  	[sflag:s14] =	ssyncset.done $0x0  }
0x2f: {  	[sflag:s14] =	ssyncadd.s32 $0xFFFFD800  }
0x30: {  	[spmem:s20] =	stream.linear.scatter [tilespmem:s23], [sflag:$0x5], $0xA00, $0x38;
	[tilespmem:$0x1AE00] =	vst v63  }
0x31: {  	_ =	swait.ge [sflag:s14], $0xA00  }
0x32: {  	[sflag:s14] =	ssyncset.done $0x0  }
0x33: {  	[sflag:s14] =	ssyncadd.s32 $0xFFFFF600  }
0x34: {  	[spmem:s21] =	stream.linear.scatter [tilespmem:s29], [sflag:$0x5], $0x2800, $0x38;
	[tilespmem:$0x1AE00] =	vst v63  }
0x35: {  	_ =	swait.ge [sflag:s14], $0x2800  }
0x36: {  	[sflag:s14] =	ssyncset.done $0x0  }
0x37: {  	[sflag:s14] =	ssyncadd.s32 $0xFFFFD800  }
0x38: {  	[spmem:s22] =	stream.linear.scatter [tilespmem:s23], [sflag:$0x5], $0xA00, $0x38;
	[tilespmem:$0x1AE00] =	vst v63  }
0x39: {  	_ =	swait.ge [sflag:s14], $0xA00  }
0x3a: {  	[sflag:s14] =	ssyncset.done $0x0  }
0x3b: {  	[sflag:s14] =	ssyncadd.s32 $0xFFFFF600  }
0x3c: {  	[bflag:$0x0] =	sbarrier.arrive $0xFFFF  }
0x3d: {  	s18 =	simm.s32 $0x0;
	s5 =	rddreg [dreg:$0x9]  }
0x3e: {  	[tilespmem:s24], [sflag:$0x5] =	stream.linear.gather [hbm4b:s5+s18], $0x300, $0x38;
	[tilespmem:$0x1AE00] =	vst v63  }
0x3f: {  	_ =	swait.ge [sflag:s14], $0x300  }
0x40: {  	[sflag:s14] =	ssyncset.done $0x0  }
0x41: {  	[sflag:s14] =	ssyncadd.s32 $0xFFFFFD00  }
0x42: {  	[tilespmem:s18], [sflag:$0x1] =	stream.indirect.gather [hbm4b:s6+s25], $0x10, s24, s25, $0xb8;
	[tilespmem:$0x1AE00] =	vst v63  }
0x43: {  	_ = 	snop  }
0x44: {  	[tilespmem:s28], [sflag:$0x1] =	stream.indirect.gather [hbm4b:s6+s25], $0x10, s26, s25, $0xb8;
	[tilespmem:$0x1AE00] =	vst v63  }
0x45: {  	_ = 	snop  }
0x46: {  	[tilespmem:s29], [sflag:$0x1] =	stream.indirect.gather [hbm4b:s1+s25], $0x40, s24, s25, $0xb8;
	[tilespmem:$0x1AE00] =	vst v63  }
0x47: {  	s20 =	simm.s32 $0x7080;
	s21 =	simm.s32 $0x800  }
0x48: {  	[tilespmem:s21], [sflag:$0x1] =	stream.indirect.gather [hbm4b:s6+s25], $0x10, s20, s25, $0xb8;
	[tilespmem:$0x1AE00] =	vst v63  }
0x49: {  	s22 =	simm.s32 $0x1800  }
0x4a: {  	[tilespmem:s22], [sflag:$0x1] =	stream.indirect.gather [hbm4b:s6+s25], $0x10, s31, s25, $0xb8;
	[tilespmem:$0x1AE00] =	vst v63  }
0x4b: {  	s29 =	simm.s32 $0x4000  }
0x4c: {  	[tilespmem:s29], [sflag:$0x1] =	stream.indirect.gather [hbm4b:s1+s25], $0x40, s20, s25, $0xb8;
	[tilespmem:$0x1AE00] =	vst v63  }
0x4d: {  	s9 =	rddreg [dreg:$0xa]  }
0x4e: {  	[tilespmem:s30], [sflag:$0x5] =	stream.linear.gather [hbm4b:s9+s18], $0x300, $0x38;
	[tilespmem:$0x1AE00] =	vst v63  }
0x4f: {  	_ =	swait.ge [sflag:s14], $0x300  }
0x50: {  	[sflag:s14] =	ssyncset.done $0x0  }
0x51: {  	[sflag:s14] =	ssyncadd.s32 $0xFFFFFD00  }
0x52: {  	[tilespmem:s0], [sflag:$0x2] =	stream.indirect.gather [hbm4b:s6+s25], $0x10, s30, s25, $0xb8;
	[tilespmem:$0x1AE00] =	vst v63  }
0x53: {  	_ = 	snop  }
0x54: {  	[tilespmem:s13], [sflag:$0x2] =	stream.indirect.gather [hbm4b:s6+s25], $0x10, s12, s25, $0xb8;
	[tilespmem:$0x1AE00] =	vst v63  }
0x55: {  	s18 =	simm.s32 $0x9300  }
0x56: {  	[tilespmem:s18], [sflag:$0x2] =	stream.indirect.gather [hbm4b:s1+s25], $0x40, s30, s25, $0xb8;
	[tilespmem:$0x1AE00] =	vst v63  }
0x57: {  	s21 =	simm.s32 $0x7B00;
	s20 =	simm.s32 $0xE380  }
0x58: {  	[tilespmem:s21], [sflag:$0x2] =	stream.indirect.gather [hbm4b:s6+s25], $0x10, s20, s25, $0xb8;
	[tilespmem:$0x1AE00] =	vst v63  }
0x59: {  	s22 =	simm.s32 $0x8B00  }
0x5a: {  	[tilespmem:s22], [sflag:$0x2] =	stream.indirect.gather [hbm4b:s6+s25], $0x10, s17, s25, $0xb8;
	[tilespmem:$0x1AE00] =	vst v63  }
0x5b: {  	s29 =	simm.s32 $0xB300;
	s9 =	simm.s32 $0x0  }
0x5c: {  	[tilespmem:s29], [sflag:$0x2] =	stream.indirect.gather [hbm4b:s1+s25], $0x40, s20, s25, $0xb8;
	[tilespmem:$0x1AE00] =	vst v63  }
.LBB2_6:
0x5d: {  	_ =	swait.ge [sflag:s19], $0x800  }
0x5e: {  	[sflag:s19] =	ssyncset.done $0x0  }
0x5f: {  	[sflag:s19] =	ssyncadd.s32 $0xFFFFF800  }
0x60: {  	_ =	swait.ge [sflag:s19], $0x800  }
0x61: {  	[sflag:s19] =	ssyncset.done $0x0  }
0x62: {  	[sflag:s19] =	ssyncadd.s32 $0xFFFFF800  }
0x63: {  	_ =	swait.ge [sflag:s19], $0x2000  }
0x64: {  	[sflag:s19] =	ssyncset.done $0x0  }
0x65: {  	[sflag:s19] =	ssyncadd.s32 $0xFFFFE000  }
0x66: {  	s5 =	simm.s32 $0x0;
	_ =	swait.ge [sflag:s19], $0x800  }
0x67: {  	v13 =	vmov s5;
	[sflag:s19] =	ssyncset.done $0x0  }
0x68: {  	v14 =	vshll.u32 v13, $0x4;
	[sflag:s19] =	ssyncadd.s32 $0xFFFFF800  }
0x69: {  	v14 =	vor.u32 v2, v14;
	_ =	swait.ge [sflag:s19], $0x800  }
0x6a: {  	v15 =	vor.u32 v4, v14;
	[sflag:s19] =	ssyncset.done $0x0  }
0x6b: {  	v18 =	vor.u32 v3, v14;
	[sflag:s19] =	ssyncadd.s32 $0xFFFFF800  }
0x6c: {  	_ =	swait.ge [sflag:s19], $0x2000  }
0x6d: {  	[sflag:s19] =	ssyncset.done $0x0  }
0x6e: {  	[sflag:s19] =	ssyncadd.s32 $0xFFFFE000  }
0x6f: {  	v14 =	vld.idx.msk [tilespmem:v15+s28+$0x0], $0xffff  }
0x70: {  	v15 =	vld.idx.msk [tilespmem:v18+s4+$0x0], $0xffff;
	_ =	sdelay $0x1  }
0x71: {  	s14 =	simm.s32 $0x2  }
0x72: {  	v17 =	vmov s14  }
0x73: {  	s18 =	simm.s32 $0x4;
	v16 =	vshll.u32 v17, $0x4  }
0x74: {  	v16 =	vor.u32 v2, v16;
	v14 =	vadd.f32 v14, v15;
	v15 =	vmov s18  }
0x75: {  	v19 =	vor.u32 v4, v16;
	v20 =	vshll.u32 v15, $0x4  }
0x76: {  	v28 =	vor.u32 v3, v16;
	v16 =	vmul.f32 $2.000000030e-01, v14;
	v20 =	vor.u32 v2, v20  }
0x77: {  	v21 =	vor.u32 v4, v20  }
0x78: {  	v14 =	vmax.f32 v14, v16;
	v16 =	vor.u32 v3, v20  }
0x79: {  	v14 =	vmul.f32 $1.442695020e+00, v14  }
0x7a: {  	v13 =	vand.u32 $0xFD, v13;
	v19 =	vld.idx.msk [tilespmem:v19+s28+$0x0], $0xffff  }
0x7b: {  	s20 =	simm.s32 $0x6;
	v13 =	vor.u32 v5, v13;
	v20 =	vld.idx.msk [tilespmem:v28+s4+$0x0], $0xffff;
	(erf) = vpow2.f32 v14  }
0x7c: {  	v22 =	vmov s20;
	v21 =	vld.idx.msk [tilespmem:v21+s28+$0x0], $0xffff  }
0x7d: {  	v14 =	vand.u32 $0xFF, v17;
	v17 =	vshll.u32 v22, $0x4;
	v23 =	vld.idx.msk [tilespmem:v16+s4+$0x0], $0xffff  }
0x7e: {  	v24 =	vor.u32 v5, v14;
	v14 =	vor.u32 v2, v17  }
0x7f: {  	v17 =	vor.u32 v4, v14  }
0x80: {  	v13 =	vld.idx.msk [tilespmem:v13+s24+$0x0], $0xffff;
	v22 =	vand.u32 $0xFF, v22;
	v14 =	vor.u32 v3, v14  }
0x81: {  	v15 =	vand.u32 $0xFD, v15;
	v19 =	vadd.f32 v19, v20;
	v20 =	vor.u32 v5, v22  }
0x82: {  	v15 =	vor.u32 v5, v15;
	v21 =	vadd.f32 v21, v23  }
0x83: {  	s21 =	simm.s32 $0xA;
	s22 =	simm.s32 $0x8;
	v22 =	vmul.f32 $2.000000030e-01, v19;
	v24 =	vld.idx.msk [tilespmem:v24+s24+$0x0], $0xffff  }
0x84: {  	v34 =	vmov s22;
	v23 =	vmov s21;
	v26 =	vld.idx.msk [tilespmem:v17+s28+$0x0], $0xffff;
	v17 =	vpop (erf);
	v27 =	vmul.f32 $2.000000030e-01, v21  }
0x85: {  	v19 =	vmax.f32 v19, v22;
	v22 =	vld.idx.msk [tilespmem:v14+s4+$0x0], $0xffff;
	v25 =	vshll.u32 v23, $0x4;
	v31 =	vmul.f32 v13, v17  }
0x86: {  	v19 =	vmul.f32 $1.442695020e+00, v19;
	v25 =	vor.u32 v2, v25;
	v17 =	vld.idx.msk [tilespmem:v20+s24+$0x0], $0xffff;
	v20 =	vmax.f32 v21, v27  }
0x87: {  	s5 =	simm.s32 $0x2080;
	v29 =	vor.u32 v4, v25;
	v21 =	vshll.u32 v34, $0x4;
	v20 =	vmul.f32 $1.442695020e+00, v20;
	[tilespmem:v18+s23+$0x0] =	vst.idx.msk $0xffff, v31;
	v18 =	vld.idx.msk [tilespmem:v15+s24+$0x0], $0xffff  }
0x88: {  	(erf) = vpow2.f32 v19;
	v13 =	vor.u32 v3, v25;
	v15 =	vor.u32 v2, v21;
	v19 =	vld [tilespmem:s5+$0xFFFFFF80]  }
0x89: {  	v21 =	vor.u32 v4, v15;
	v25 =	vld [tilespmem:s5+$0xFFFFFFE0];
	(erf) = vpow2.f32 v20  }
0x8a: {  	v33 =	vld [tilespmem:s5+$0xFFFFFFA0]  }
0x8b: {  	v38 =	vperm.xlane v31, v7;
	v37 =	vld [tilespmem:s5+$0xFFFFFFB0]  }
0x8c: {  	v15 =	vor.u32 v3, v15;
	v20 =	vadd.f32 v26, v22;
	v27 =	vld.idx.msk [tilespmem:v29+s28+$0x0], $0xffff;
	v29 =	vperm.xlane v31, v0  }
0x8d: {  	v23 =	vand.u32 $0xFF, v23;
	v22 =	vperm.xlane v31, v9;
	v26 =	vperm.xlane v31, v10;
	v36 =	vld.idx.msk [tilespmem:v13+s4+$0x0], $0xffff  }
0x8e: {  	v35 =	vmul.f32 $2.000000030e-01, v20;
	v30 =	vld.idx.msk [tilespmem:v21+s28+$0x0], $0xffff;
	v21 =	vor.u32 v5, v23;
	v29 =	vmul.f32 v19, v29  }
0x8f: {  	v19 =	vperm.xlane v31, v11;
	v23 =	vperm.xlane v31, v8  }
0x90: {  	v39 =	vld [tilespmem:s5+$0xFFFFFF90];
	v38 =	vmul.f32 v33, v38;
	v41 =	vmax.f32 v20, v35;
	v20 =	vperm.xlane v31, v12  }
0x91: {  	v32 =	vld.idx.msk [tilespmem:v15+s4+$0x0], $0xffff;
	v40 =	vpop (erf);
	v31 =	vperm.xlane v31, v6;
	v63 =	vmul.f32 $1.442695020e+00, v41  }
0x92: {  	v35 =	vld [tilespmem:s5+$0xFFFFFFD0];
	v36 =	vadd.f32 v27, v36;
	v37 =	vmul.f32 v37, v23;
	v42 =	vmul.f32 v25, v19;
	v27 =	vpop (erf)  }
0x93: {  	[tilespmem:s5+$0xFFFFFFA0] =	vst v38;
	v19 =	vand.u32 $0xFD, v34;
	v21 =	vld.idx.msk [tilespmem:v21+s24+$0x0], $0xffff;
	v18 =	vmul.f32 v18, v27;
	v27 =	vmul.f32 v24, v40  }
0x94: {  	v33 =	vld [tilespmem:s5+$0xFFFFFFC0];
	v23 =	vor.u32 v5, v19;
	v19 =	vmul.f32 $2.000000030e-01, v36;
	[tilespmem:s5+$0xFFFFFFB0] =	vst v37  }
0x95: {  	s29 =	simm.s32 $0x2180;
	v25 =	vld [tilespmem:s5+$0xFFFFFFF0];
	v34 =	vmul.f32 v39, v31;
	(erf) = vpow2.f32 v63;
	[tilespmem:v28+s23+$0x0] =	vst.idx.msk $0xffff, v27  }
0x96: {  	s20 =	simm.s32 $0xC;
	s18 =	simm.s32 $0x2180;
	s21 =	simm.s32 $0x4;
	[tilespmem:s5+$0xFFFFFFE0] =	vst v42;
	v19 =	vmax.f32 v36, v19;
	v24 =	vperm.xlane v18, v0;
	v31 =	vperm.xlane v27, v10;
	v28 =	vld [tilespmem:s5+$0x70]  }
.LBB2_7:
0x97: {  	s22 =	sadd.s32 $0x2, s20;
	s21 =	sadd.s32 $0x2, s21;
	v30 =	vadd.f32 v30, v32;
	s18 =	sadd.s32 $0x100, s18;
	[tilespmem:s5+$0xFFFFFF80] =	vst v29;
	v29 =	vperm.xlane v27, v9;
	v32 =	vld [tilespmem:s5+$0x60];
	v36 =	vperm.xlane v27, v12  }
0x98: {  	v38 =	vperm.xlane v27, v11;
	v39 =	vmovc v21;
	v37 =	vmov s22;
	p0 =	slt.u32 s21, $0x7E;
	v26 =	vmul.f32 v35, v26;
	v35 =	vld [tilespmem:s5+$0x40]  }
0x99: {  	v33 =	vmul.f32 v33, v22;
	v21 =	vshll.u32 v37, $0x4;
	v40 =	vmul.f32 $2.000000030e-01, v30;
	v41 =	vld [tilespmem:s5+$0x50]  }
0x9a: {  	v22 =	vperm.xlane v18, v9;
	v42 =	vperm.xlane v27, v7;
	v21 =	vor.u32 v2, v21;
	[tilespmem:s5+$0xFFFFFFD0] =	vst v26;
	v43 =	vld [tilespmem:s5+$0x30]  }
0x9b: {  	v45 =	vperm.xlane v27, v8;
	v44 =	vor.u32 v3, v21;
	v21 =	vor.u32 v4, v21;
	[tilespmem:s5+$0xFFFFFFC0] =	vst v33;
	v33 =	vld [tilespmem:s5+$0x10]  }
0x9c: {  	v46 =	vmov s20;
	v26 =	vmax.f32 v30, v40;
	v30 =	vperm.xlane v27, v6;
	[tilespmem:s5+$0xFFFFFF90] =	vst v34;
	v34 =	vld [tilespmem:s5+$0x20]  }
0x9d: {  	v51 =	vshll.u32 v46, $0x4;
	v27 =	vperm.xlane v27, v0;
	v47 =	vmul.f32 $1.442695020e+00, v26;
	[tilespmem:v16+s23+$0x0] =	vst.idx.msk $0xffff, v18;
	v48 =	vld [tilespmem:s5+$0x0];
	v16 =	vmovc v15  }
0x9e: {  	v50 =	vor.u32 v2, v51;
	v26 =	vperm.xlane v18, v10;
	v49 =	vld.idx.msk [tilespmem:v23+s24+$0x0], $0xffff;
	v23 =	vmul.f32 v32, v38  }
0x9f: {  	v15 =	vor.u32 v3, v50;
	v29 =	vmul.f32 v35, v29;
	v32 =	vor.u32 v4, v50;
	v38 =	vld [tilespmem:s29+$0xFFFFFF80];
	v40 =	vpop (erf)  }
0xa0: {  	v35 =	vand.u32 $0xFF, v37;
	v31 =	vmul.f32 v41, v31;
	(erf) = vpow2.f32 v47;
	v37 =	vld [tilespmem:s29+$0xFFFFFFE0];
	[tilespmem:s5+$0x60] =	vst v23  }
0xa1: {  	v41 =	vld.idx.msk [tilespmem:v21+s28+$0x0], $0xffff;
	v21 =	vor.u32 v5, v35;
	v35 =	vperm.xlane v18, v7;
	[tilespmem:s5+$0x40] =	vst v29  }
0xa2: {  	v43 =	vmul.f32 v43, v45;
	v23 =	vand.u32 $0xFD, v46;
	v46 =	vld.idx.msk [tilespmem:v44+s4+$0x0], $0xffff;
	v27 =	vmul.f32 v48, v27;
	[tilespmem:s5+$0x50] =	vst v31  }
0xa3: {  	v25 =	vmul.f32 v25, v20;
	v20 =	vmul.f32 v33, v30;
	v23 =	vor.u32 v5, v23;
	v31 =	vld [tilespmem:s29+$0xFFFFFFA0]  }
0xa4: {  	v28 =	vmul.f32 v28, v36;
	v29 =	vmul.f32 v38, v24;
	v24 =	vld [tilespmem:s29+$0xFFFFFFB0];
	[tilespmem:s5+$0x30] =	vst v43  }
0xa5: {  	v34 =	vmul.f32 v34, v42;
	v30 =	vld.idx.msk [tilespmem:v32+s28+$0x0], $0xffff;
	[tilespmem:s5+$0x10] =	vst v20  }
0xa6: {  	v36 =	vperm.xlane v18, v11;
	v32 =	vld.idx.msk [tilespmem:v15+s4+$0x0], $0xffff;
	[tilespmem:s5+$0x0] =	vst v27  }
0xa7: {  	v20 =	vperm.xlane v18, v12;
	v27 =	vperm.xlane v18, v8;
	v38 =	vld [tilespmem:s29+$0xFFFFFF90];
	[tilespmem:s5+$0x70] =	vst v28  }
0xa8: {  	v28 =	vperm.xlane v18, v6;
	v21 =	vld.idx.msk [tilespmem:v21+s24+$0x0], $0xffff;
	v31 =	vmul.f32 v31, v35;
	[tilespmem:s5+$0xFFFFFFF0] =	vst v25  }
.Ltmp2:
0xa9: {  	v36 =	vmul.f32 v37, v36;
	v41 =	vadd.f32 v41, v46;
	v18 =	vpop (erf);
	v24 =	vmul.f32 v24, v27;
	v33 =	vld [tilespmem:s29+$0xFFFFFFC0];
	[tilespmem:s5+$0x20] =	vst v34;
	s5 =	smov.u32 s29;
	s29 =	smov.u32 s18;
	(pc) =	sbr.rel @p0 .LBB2_7-.Ltmp2, $4  }
0xaa: {  	v27 =	vmul.f32 v17, v40;
	v17 =	vmov v39;
	v18 =	vmul.f32 v49, v18;
	[tilespmem:s5+$0xFFFFFFA0] =	vst v31;
	v35 =	vld [tilespmem:s5+$0xFFFFFFD0]  }
0xab: {  	v37 =	vmul.f32 $1.442695020e+00, v19;
	v31 =	vmul.f32 $2.000000030e-01, v41;
	[tilespmem:s5+$0xFFFFFFB0] =	vst v24;
	v25 =	vld [tilespmem:s5+$0xFFFFFFF0]  }
0xac: {  	v24 =	vperm.xlane v18, v0;
	v34 =	vmul.f32 v38, v28;
	[tilespmem:v14+s23+$0x0] =	vst.idx.msk $0xffff, v27;
	v14 =	vmov v13  }
0xad: {  	s20 =	sadd.s32 $0x4, s20;
	v19 =	vmax.f32 v41, v31;
	v31 =	vperm.xlane v27, v10;
	v13 =	vmovc v44;
	(erf) = vpow2.f32 v37;
	[tilespmem:s5+$0xFFFFFFE0] =	vst v36;
	v28 =	vld [tilespmem:s5+$0x70]  }
0xae: {  	_ =	sdelay $0x1  }
0xaf: {  	v36 =	vld [tilespmem:s5+$0x60]  }
0xb0: {  	v48 =	vld [tilespmem:s5+$0x40];
	[tilespmem:s5+$0xFFFFFF80] =	vst v29;
	v22 =	vmul.f32 v33, v22  }
0xb1: {  	v49 =	vld [tilespmem:s5+$0x50];
	v37 =	vperm.xlane v27, v11;
	v38 =	vperm.xlane v27, v9;
	[tilespmem:v16+s23+$0x0] =	vst.idx.msk $0xffff, v18  }
0xb2: {  	v30 =	vadd.f32 v30, v32;
	v50 =	vld [tilespmem:s5+$0x30];
	v39 =	vperm.xlane v27, v6;
	[tilespmem:s5+$0xFFFFFF90] =	vst v34;
	v26 =	vmul.f32 v35, v26  }
0xb3: {  	v16 =	vld [tilespmem:s5+$0x0];
	v52 =	vperm.xlane v27, v0;
	[tilespmem:s5+$0xFFFFFFC0] =	vst v22;
	v20 =	vmul.f32 v25, v20  }
0xb4: {  	v51 =	vld [tilespmem:s29+$0xFFFFFFA0];
	v29 =	vmul.f32 $2.000000030e-01, v30;
	[tilespmem:s5+$0xFFFFFFD0] =	vst v26;
	v36 =	vmul.f32 v36, v37  }
0xb5: {  	v22 =	vperm.xlane v27, v8;
	v26 =	vld [tilespmem:s5+$0x10];
	[tilespmem:s5+$0xFFFFFFF0] =	vst v20;
	v32 =	vmul.f32 v48, v38  }
0xb6: {  	v54 =	vperm.xlane v18, v7;
	v31 =	vmul.f32 v49, v31;
	[tilespmem:s5+$0x60] =	vst v36  }
0xb7: {  	v55 =	vld [tilespmem:s29+$0xFFFFFFE0];
	v25 =	vperm.xlane v18, v11;
	v29 =	vmax.f32 v30, v29;
	v22 =	vmul.f32 v50, v22;
	[tilespmem:s5+$0x40] =	vst v32  }
0xb8: {  	v30 =	vld [tilespmem:s5+$0x20];
	v29 =	vmul.f32 $1.442695020e+00, v29;
	v16 =	vmul.f32 v16, v52;
	[tilespmem:s5+$0x50] =	vst v31  }
0xb9: {  	v33 =	vmul.f32 v51, v54;
	v31 =	vperm.xlane v27, v12;
	[tilespmem:s5+$0x30] =	vst v22  }
0xba: {  	(erf) = vpow2.f32 v29;
	v29 =	vld [tilespmem:s29+$0xFFFFFFB0];
	[tilespmem:s5+$0x0] =	vst v16;
	v26 =	vmul.f32 v26, v39  }
0xbb: {  	v53 =	vld [tilespmem:s29+$0xFFFFFF80];
	v27 =	vperm.xlane v27, v7;
	[tilespmem:s29+$0xFFFFFFA0] =	vst v33;
	v28 =	vmul.f32 v28, v31  }
0xbc: {  	v20 =	vmul.f32 v55, v25;
	v22 =	vld [tilespmem:s29+$0xFFFFFF90];
	[tilespmem:s5+$0x10] =	vst v26  }
0xbd: {  	v27 =	vmul.f32 v30, v27;
	v26 =	vperm.xlane v18, v8;
	v31 =	vpop (erf);
	[tilespmem:s5+$0x70] =	vst v28;
	v28 =	vld [tilespmem:s29+$0xFFFFFFD0]  }
0xbe: {  	v19 =	vmul.f32 $1.442695020e+00, v19;
	v16 =	vld [tilespmem:s29+$0xFFFFFFC0];
	[tilespmem:s29+$0xFFFFFFE0] =	vst v20;
	v17 =	vmul.f32 v17, v31  }
0xbf: {  	v23 =	vld.idx.msk [tilespmem:v23+s24+$0x0], $0xffff;
	v30 =	vperm.xlane v18, v6;
	[tilespmem:s5+$0x20] =	vst v27;
	v26 =	vmul.f32 v29, v26  }
0xc0: {  	v24 =	vmul.f32 v53, v24;
	v29 =	vld [tilespmem:s29+$0xFFFFFFF0];
	[tilespmem:v14+s23+$0x0] =	vst.idx.msk $0xffff, v17;
	v14 =	vperm.xlane v18, v10  }
0xc1: {  	v22 =	vmul.f32 v22, v30;
	[tilespmem:s29+$0xFFFFFFB0] =	vst v26;
	v26 =	vperm.xlane v18, v9;
	v27 =	vld [tilespmem:s29+$0x60]  }
0xc2: {  	[tilespmem:s29+$0xFFFFFF80] =	vst v24;
	v18 =	vperm.xlane v18, v12;
	v20 =	vld [tilespmem:s29+$0x40];
	v14 =	vmul.f32 v28, v14  }
0xc3: {  	[tilespmem:s29+$0xFFFFFF90] =	vst v22;
	v24 =	vld [tilespmem:s29+$0x50];
	v31 =	vpop (erf);
	v16 =	vmul.f32 v16, v26;
	(erf) = vpow2.f32 v19  }
0xc4: {  	v26 =	vperm.xlane v17, v11;
	v23 =	vmul.f32 v23, v31;
	[tilespmem:s29+$0xFFFFFFD0] =	vst v14;
	v14 =	vld [tilespmem:s29+$0x30]  }
0xc5: {  	v19 =	vperm.xlane v17, v9;
	v18 =	vmul.f32 v29, v18;
	[tilespmem:s29+$0xFFFFFFC0] =	vst v16;
	v16 =	vld [tilespmem:s29+$0x10]  }
0xc6: {  	v22 =	vld [tilespmem:s29+$0x0];
	v28 =	vperm.xlane v17, v10;
	[tilespmem:v15+s23+$0x0] =	vst.idx.msk $0xffff, v23;
	v26 =	vmul.f32 v27, v26  }
0xc7: {  	v25 =	vld [tilespmem:s29+$0x70];
	[tilespmem:s29+$0xFFFFFFF0] =	vst v18;
	v27 =	vperm.xlane v17, v8;
	v15 =	vmul.f32 v20, v19  }
0xc8: {  	v19 =	vperm.xlane v17, v6;
	v20 =	vmul.f32 v24, v28;
	[tilespmem:s29+$0x60] =	vst v26  }
0xc9: {  	s14 =	sadd.s32 $0x100, s18;
	v30 =	vld [tilespmem:s29+$0x20];
	v24 =	vperm.xlane v17, v0;
	[tilespmem:s29+$0x40] =	vst v15;
	v14 =	vmul.f32 v14, v27  }
0xca: {  	v15 =	vperm.xlane v17, v12;
	[tilespmem:s29+$0x50] =	vst v20;
	v20 =	vld [tilespmem:s14+$0xFFFFFFA0];
	v16 =	vmul.f32 v16, v19  }
0xcb: {  	v19 =	vmul.f32 v22, v24;
	[tilespmem:s29+$0x30] =	vst v14;
	v14 =	vperm.xlane v17, v7;
	v17 =	vld [tilespmem:s14+$0xFFFFFFB0]  }
0xcc: {  	v15 =	vmul.f32 v25, v15;
	[tilespmem:s29+$0x10] =	vst v16;
	v16 =	vld [tilespmem:s14+$0xFFFFFFE0];
	v22 =	vpop (erf)  }
0xcd: {  	v24 =	vperm.xlane v23, v7;
	[tilespmem:s29+$0x0] =	vst v19;
	v19 =	vld [tilespmem:s14+$0xFFFFFF80];
	v21 =	vmul.f32 v21, v22  }
0xce: {  	v18 =	vld [tilespmem:s14+$0xFFFFFFD0];
	[tilespmem:s29+$0x70] =	vst v15;
	v15 =	vperm.xlane v23, v8;
	v14 =	vmul.f32 v30, v14  }
0xcf: {  	v22 =	vperm.xlane v23, v11;
	v20 =	vmul.f32 v20, v24;
	v24 =	vld [tilespmem:s14+$0xFFFFFFC0];
	[tilespmem:v13+s23+$0x0] =	vst.idx.msk $0xffff, v21  }
0xd0: {  	v25 =	vld [tilespmem:s14+$0xFFFFFF90];
	[tilespmem:s29+$0x20] =	vst v14;
	v14 =	vperm.xlane v23, v0;
	v15 =	vmul.f32 v17, v15  }
0xd1: {  	v13 =	vperm.xlane v23, v10;
	[tilespmem:s14+$0xFFFFFFA0] =	vst v20;
	v16 =	vmul.f32 v16, v22;
	v17 =	vld [tilespmem:s14+$0x60]  }
0xd2: {  	v20 =	vperm.xlane v23, v9;
	v14 =	vmul.f32 v19, v14;
	[tilespmem:s14+$0xFFFFFFB0] =	vst v15;
	v15 =	vld [tilespmem:s14+$0x40]  }
0xd3: {  	v13 =	vmul.f32 v18, v13;
	v19 =	vperm.xlane v23, v6;
	[tilespmem:s14+$0xFFFFFFE0] =	vst v16;
	v16 =	vld [tilespmem:s14+$0x50]  }
0xd4: {  	v18 =	vmul.f32 v24, v20;
	v20 =	vld [tilespmem:s14+$0x30];
	[tilespmem:s14+$0xFFFFFF80] =	vst v14;
	v14 =	vperm.xlane v21, v11  }
0xd5: {  	v22 =	vperm.xlane v21, v9;
	[tilespmem:s14+$0xFFFFFFD0] =	vst v13;
	v13 =	vld [tilespmem:s14+$0x10];
	v19 =	vmul.f32 v25, v19  }
0xd6: {  	v24 =	vperm.xlane v21, v10;
	[tilespmem:s14+$0xFFFFFFC0] =	vst v18;
	v18 =	vld [tilespmem:s14+$0x0];
	v14 =	vmul.f32 v17, v14  }
0xd7: {  	v25 =	vperm.xlane v21, v8;
	v17 =	vld [tilespmem:s14+$0x70];
	[tilespmem:s14+$0xFFFFFF90] =	vst v19;
	v15 =	vmul.f32 v15, v22  }
0xd8: {  	v19 =	vld [tilespmem:s14+$0xFFFFFFF0];
	v22 =	vperm.xlane v21, v6;
	v16 =	vmul.f32 v16, v24;
	[tilespmem:s14+$0x60] =	vst v14  }
0xd9: {  	v14 =	vld [tilespmem:s14+$0x20];
	v24 =	vperm.xlane v21, v0;
	[tilespmem:s14+$0x40] =	vst v15;
	v15 =	vmul.f32 v20, v25  }
0xda: {  	v20 =	vperm.xlane v21, v12;
	[tilespmem:s14+$0x50] =	vst v16;
	v13 =	vmul.f32 v13, v22  }
0xdb: {  	v16 =	vperm.xlane v23, v12;
	v18 =	vmul.f32 v18, v24;
	[tilespmem:s14+$0x30] =	vst v15  }
0xdc: {  	v15 =	vperm.xlane v21, v7;
	v17 =	vmul.f32 v17, v20;
	[tilespmem:s14+$0x10] =	vst v13  }
0xdd: {  	v13 =	vmul.f32 v19, v16;
	[tilespmem:s14+$0x0] =	vst v18  }
0xde: {  	v14 =	vmul.f32 v14, v15;
	[tilespmem:s14+$0x70] =	vst v17  }
0xdf: {  	[tilespmem:s14+$0xFFFFFFF0] =	vst v13  }
0xe0: {  	s18 =	simm.s32 $0x2000;
	[tilespmem:s14+$0x20] =	vst v14  }
0xe1: {  	[spmem:s2] =	stream.indirect.scatter.add.f32 [tilespmem:s18], [sflag:$0x3], $0x40, s26, s25, $0xb8;
	[tilespmem:$0x1AE00] =	vst v63  }
0xe2: {  	_ = 	snop  }
0xe3: {  	[spmem:s3] =	stream.indirect.scatter.add.f32 [tilespmem:s23], [sflag:$0x3], $0x10, s26, s25, $0xb8;
	[tilespmem:$0x1AE00] =	vst v63  }
0xe4: {  	s20 =	simm.s32 $0x4000  }
0xe5: {  	[spmem:s2] =	stream.indirect.scatter.add.f32 [tilespmem:s20], [sflag:$0x3], $0x40, s31, s25, $0xb8;
	[tilespmem:$0x1AE00] =	vst v63  }
0xe6: {  	s21 =	simm.s32 $0x6800  }
0xe7: {  	[spmem:s3] =	stream.indirect.scatter.add.f32 [tilespmem:s21], [sflag:$0x3], $0x10, s31, s25, $0xb8;
	[tilespmem:$0x1AE00] =	vst v63  }
0xe8: {  	_ =	swait.ge [sflag:s16], $0x800  }
0xe9: {  	[sflag:s16] =	ssyncset.done $0x0  }
0xea: {  	[sflag:s16] =	ssyncadd.s32 $0xFFFFF800  }
0xeb: {  	_ =	swait.ge [sflag:s16], $0x800  }
0xec: {  	[sflag:s16] =	ssyncset.done $0x0  }
0xed: {  	[sflag:s16] =	ssyncadd.s32 $0xFFFFF800  }
0xee: {  	_ =	swait.ge [sflag:s16], $0x2000  }
0xef: {  	[sflag:s16] =	ssyncset.done $0x0  }
0xf0: {  	[sflag:s16] =	ssyncadd.s32 $0xFFFFE000  }
0xf1: {  	s22 =	simm.s32 $0x0;
	_ =	swait.ge [sflag:s16], $0x800  }
0xf2: {  	v13 =	vmov s22;
	[sflag:s16] =	ssyncset.done $0x0  }
0xf3: {  	v14 =	vshll.u32 v13, $0x4;
	[sflag:s16] =	ssyncadd.s32 $0xFFFFF800  }
0xf4: {  	v14 =	vor.u32 v2, v14;
	_ =	swait.ge [sflag:s16], $0x800  }
0xf5: {  	v15 =	vor.u32 v4, v14;
	[sflag:s16] =	ssyncset.done $0x0  }
0xf6: {  	v18 =	vor.u32 v3, v14;
	[sflag:s16] =	ssyncadd.s32 $0xFFFFF800  }
0xf7: {  	_ =	swait.ge [sflag:s16], $0x2000  }
0xf8: {  	[sflag:s16] =	ssyncset.done $0x0  }
0xf9: {  	[sflag:s16] =	ssyncadd.s32 $0xFFFFE000  }
0xfa: {  	v14 =	vld.idx.msk [tilespmem:v15+s13+$0x0], $0xffff  }
0xfb: {  	v15 =	vld.idx.msk [tilespmem:v18+s0+$0x0], $0xffff;
	_ =	sdelay $0x1  }
0xfc: {  	s14 =	simm.s32 $0x2  }
0xfd: {  	v17 =	vmov s14  }
0xfe: {  	s18 =	simm.s32 $0x4;
	v16 =	vshll.u32 v17, $0x4  }
0xff: {  	v16 =	vor.u32 v2, v16;
	v14 =	vadd.f32 v14, v15;
	v15 =	vmov s18  }
0x100: {  	v19 =	vor.u32 v4, v16;
	v20 =	vshll.u32 v15, $0x4  }
0x101: {  	v28 =	vor.u32 v3, v16;
	v16 =	vmul.f32 $2.000000030e-01, v14;
	v20 =	vor.u32 v2, v20  }
0x102: {  	v21 =	vor.u32 v4, v20  }
0x103: {  	v14 =	vmax.f32 v14, v16;
	v16 =	vor.u32 v3, v20  }
0x104: {  	v14 =	vmul.f32 $1.442695020e+00, v14  }
0x105: {  	v13 =	vand.u32 $0xFD, v13;
	v19 =	vld.idx.msk [tilespmem:v19+s13+$0x0], $0xffff  }
0x106: {  	v13 =	vor.u32 v5, v13;
	s20 =	simm.s32 $0x6;
	v20 =	vld.idx.msk [tilespmem:v28+s0+$0x0], $0xffff;
	(erf) = vpow2.f32 v14  }
0x107: {  	v22 =	vmov s20;
	v21 =	vld.idx.msk [tilespmem:v21+s13+$0x0], $0xffff  }
0x108: {  	v14 =	vand.u32 $0xFF, v17;
	v17 =	vshll.u32 v22, $0x4;
	v23 =	vld.idx.msk [tilespmem:v16+s0+$0x0], $0xffff  }
0x109: {  	v24 =	vor.u32 v5, v14;
	v14 =	vor.u32 v2, v17  }
0x10a: {  	v17 =	vor.u32 v4, v14  }
0x10b: {  	v13 =	vld.idx.msk [tilespmem:v13+s30+$0x0], $0xffff;
	v22 =	vand.u32 $0xFF, v22;
	v14 =	vor.u32 v3, v14  }
0x10c: {  	v15 =	vand.u32 $0xFD, v15;
	v19 =	vadd.f32 v19, v20;
	v20 =	vor.u32 v5, v22  }
0x10d: {  	v15 =	vor.u32 v5, v15;
	v21 =	vadd.f32 v21, v23  }
0x10e: {  	s22 =	simm.s32 $0x8;
	s21 =	simm.s32 $0xA;
	v22 =	vmul.f32 $2.000000030e-01, v19;
	v24 =	vld.idx.msk [tilespmem:v24+s30+$0x0], $0xffff  }
0x10f: {  	v56 =	vmov s22;
	v23 =	vmov s21;
	v26 =	vld.idx.msk [tilespmem:v17+s13+$0x0], $0xffff;
	v17 =	vpop (erf);
	v27 =	vmul.f32 $2.000000030e-01, v21  }
0x110: {  	v19 =	vmax.f32 v19, v22;
	v22 =	vld.idx.msk [tilespmem:v14+s0+$0x0], $0xffff;
	v25 =	vshll.u32 v23, $0x4;
	v31 =	vmul.f32 v13, v17  }
0x111: {  	v19 =	vmul.f32 $1.442695020e+00, v19;
	v25 =	vor.u32 v2, v25;
	v17 =	vld.idx.msk [tilespmem:v20+s30+$0x0], $0xffff;
	v20 =	vmax.f32 v21, v27  }
0x112: {  	s5 =	simm.s32 $0x9380;
	v29 =	vor.u32 v4, v25;
	v21 =	vshll.u32 v56, $0x4;
	v20 =	vmul.f32 $1.442695020e+00, v20;
	[tilespmem:v18+s8+$0x0] =	vst.idx.msk $0xffff, v31;
	v18 =	vld.idx.msk [tilespmem:v15+s30+$0x0], $0xffff  }
0x113: {  	(erf) = vpow2.f32 v19;
	v13 =	vor.u32 v3, v25;
	v15 =	vor.u32 v2, v21;
	v19 =	vld [tilespmem:s5+$0xFFFFFF80]  }
0x114: {  	v21 =	vor.u32 v4, v15;
	v25 =	vld [tilespmem:s5+$0xFFFFFFE0];
	(erf) = vpow2.f32 v20  }
0x115: {  	v57 =	vld [tilespmem:s5+$0xFFFFFFA0]  }
0x116: {  	v23 =	vand.u32 $0xFF, v23;
	v60 =	vld [tilespmem:s5+$0xFFFFFFB0]  }
0x117: {  	v61 =	vperm.xlane v31, v7;
	v20 =	vadd.f32 v26, v22;
	v27 =	vld.idx.msk [tilespmem:v29+s13+$0x0], $0xffff;
	v29 =	vperm.xlane v31, v0  }
0x118: {  	v15 =	vor.u32 v3, v15;
	v22 =	vperm.xlane v31, v9;
	v26 =	vperm.xlane v31, v10;
	v59 =	vld.idx.msk [tilespmem:v13+s0+$0x0], $0xffff  }
0x119: {  	v58 =	vmul.f32 $2.000000030e-01, v20;
	v30 =	vld.idx.msk [tilespmem:v21+s13+$0x0], $0xffff;
	v21 =	vor.u32 v5, v23;
	v29 =	vmul.f32 v19, v29  }
0x11a: {  	v19 =	vperm.xlane v31, v11;
	v23 =	vperm.xlane v31, v8  }
0x11b: {  	v62 =	vld [tilespmem:s5+$0xFFFFFF90];
	v38 =	vmul.f32 v57, v61;
	v41 =	vmax.f32 v20, v58;
	v20 =	vperm.xlane v31, v12  }
0x11c: {  	v35 =	vld [tilespmem:s5+$0xFFFFFFD0];
	v40 =	vpop (erf);
	v31 =	vperm.xlane v31, v6;
	v63 =	vmul.f32 $1.442695020e+00, v41  }
0x11d: {  	v32 =	vld.idx.msk [tilespmem:v15+s0+$0x0], $0xffff;
	v36 =	vadd.f32 v27, v59;
	v37 =	vmul.f32 v60, v23;
	v42 =	vmul.f32 v25, v19;
	v27 =	vpop (erf)  }
0x11e: {  	[tilespmem:s5+$0xFFFFFFA0] =	vst v38;
	v19 =	vand.u32 $0xFD, v56;
	v21 =	vld.idx.msk [tilespmem:v21+s30+$0x0], $0xffff;
	v18 =	vmul.f32 v18, v27;
	v27 =	vmul.f32 v24, v40  }
0x11f: {  	v33 =	vld [tilespmem:s5+$0xFFFFFFC0];
	v23 =	vor.u32 v5, v19;
	v19 =	vmul.f32 $2.000000030e-01, v36;
	[tilespmem:s5+$0xFFFFFFB0] =	vst v37  }
0x120: {  	s29 =	simm.s32 $0x9480;
	v25 =	vld [tilespmem:s5+$0xFFFFFFF0];
	v34 =	vmul.f32 v62, v31;
	(erf) = vpow2.f32 v63;
	[tilespmem:v28+s8+$0x0] =	vst.idx.msk $0xffff, v27  }
0x121: {  	s20 =	simm.s32 $0xC;
	s18 =	simm.s32 $0x9480;
	s21 =	simm.s32 $0x4;
	[tilespmem:s5+$0xFFFFFFE0] =	vst v42;
	v19 =	vmax.f32 v36, v19;
	v24 =	vperm.xlane v18, v0;
	v31 =	vperm.xlane v27, v10;
	v28 =	vld [tilespmem:s5+$0x70]  }
.LBB2_9:
0x122: {  	s22 =	sadd.s32 $0x2, s20;
	s21 =	sadd.s32 $0x2, s21;
	v30 =	vadd.f32 v30, v32;
	s18 =	sadd.s32 $0x100, s18;
	[tilespmem:s5+$0xFFFFFF80] =	vst v29;
	v29 =	vperm.xlane v27, v9;
	v32 =	vld [tilespmem:s5+$0x60];
	v36 =	vperm.xlane v27, v12  }
0x123: {  	v38 =	vperm.xlane v27, v11;
	v39 =	vmovc v21;
	v37 =	vmov s22;
	p0 =	slt.u32 s21, $0x7E;
	v26 =	vmul.f32 v35, v26;
	v35 =	vld [tilespmem:s5+$0x40]  }
0x124: {  	v33 =	vmul.f32 v33, v22;
	v21 =	vshll.u32 v37, $0x4;
	v40 =	vmul.f32 $2.000000030e-01, v30;
	v41 =	vld [tilespmem:s5+$0x50]  }
0x125: {  	v22 =	vperm.xlane v18, v9;
	v42 =	vperm.xlane v27, v7;
	v21 =	vor.u32 v2, v21;
	[tilespmem:s5+$0xFFFFFFD0] =	vst v26;
	v43 =	vld [tilespmem:s5+$0x30]  }
0x126: {  	v45 =	vperm.xlane v27, v8;
	v44 =	vor.u32 v3, v21;
	v21 =	vor.u32 v4, v21;
	[tilespmem:s5+$0xFFFFFFC0] =	vst v33;
	v33 =	vld [tilespmem:s5+$0x10]  }
0x127: {  	v46 =	vmov s20;
	v26 =	vmax.f32 v30, v40;
	v30 =	vperm.xlane v27, v6;
	[tilespmem:s5+$0xFFFFFF90] =	vst v34;
	v34 =	vld [tilespmem:s5+$0x20]  }
0x128: {  	v51 =	vshll.u32 v46, $0x4;
	v27 =	vperm.xlane v27, v0;
	v47 =	vmul.f32 $1.442695020e+00, v26;
	[tilespmem:v16+s8+$0x0] =	vst.idx.msk $0xffff, v18;
	v48 =	vld [tilespmem:s5+$0x0];
	v16 =	vmovc v15  }
0x129: {  	v50 =	vor.u32 v2, v51;
	v26 =	vperm.xlane v18, v10;
	v49 =	vld.idx.msk [tilespmem:v23+s30+$0x0], $0xffff;
	v23 =	vmul.f32 v32, v38  }
0x12a: {  	v15 =	vor.u32 v3, v50;
	v29 =	vmul.f32 v35, v29;
	v32 =	vor.u32 v4, v50;
	v38 =	vld [tilespmem:s29+$0xFFFFFF80];
	v40 =	vpop (erf)  }
0x12b: {  	v35 =	vand.u32 $0xFF, v37;
	v31 =	vmul.f32 v41, v31;
	(erf) = vpow2.f32 v47;
	v37 =	vld [tilespmem:s29+$0xFFFFFFE0];
	[tilespmem:s5+$0x60] =	vst v23  }
0x12c: {  	v41 =	vld.idx.msk [tilespmem:v21+s13+$0x0], $0xffff;
	v21 =	vor.u32 v5, v35;
	v35 =	vperm.xlane v18, v7;
	[tilespmem:s5+$0x40] =	vst v29  }
0x12d: {  	v43 =	vmul.f32 v43, v45;
	v23 =	vand.u32 $0xFD, v46;
	v46 =	vld.idx.msk [tilespmem:v44+s0+$0x0], $0xffff;
	v27 =	vmul.f32 v48, v27;
	[tilespmem:s5+$0x50] =	vst v31  }
0x12e: {  	v25 =	vmul.f32 v25, v20;
	v20 =	vmul.f32 v33, v30;
	v23 =	vor.u32 v5, v23;
	v31 =	vld [tilespmem:s29+$0xFFFFFFA0]  }
0x12f: {  	v28 =	vmul.f32 v28, v36;
	v29 =	vmul.f32 v38, v24;
	v24 =	vld [tilespmem:s29+$0xFFFFFFB0];
	[tilespmem:s5+$0x30] =	vst v43  }
0x130: {  	v34 =	vmul.f32 v34, v42;
	v30 =	vld.idx.msk [tilespmem:v32+s13+$0x0], $0xffff;
	[tilespmem:s5+$0x10] =	vst v20  }
0x131: {  	v36 =	vperm.xlane v18, v11;
	v32 =	vld.idx.msk [tilespmem:v15+s0+$0x0], $0xffff;
	[tilespmem:s5+$0x0] =	vst v27  }
0x132: {  	v20 =	vperm.xlane v18, v12;
	v27 =	vperm.xlane v18, v8;
	v38 =	vld [tilespmem:s29+$0xFFFFFF90];
	[tilespmem:s5+$0x70] =	vst v28  }
0x133: {  	v28 =	vperm.xlane v18, v6;
	v21 =	vld.idx.msk [tilespmem:v21+s30+$0x0], $0xffff;
	v31 =	vmul.f32 v31, v35;
	[tilespmem:s5+$0xFFFFFFF0] =	vst v25  }
.Ltmp3:
0x134: {  	v36 =	vmul.f32 v37, v36;
	v41 =	vadd.f32 v41, v46;
	v18 =	vpop (erf);
	v24 =	vmul.f32 v24, v27;
	v33 =	vld [tilespmem:s29+$0xFFFFFFC0];
	[tilespmem:s5+$0x20] =	vst v34;
	s5 =	smov.u32 s29;
	s29 =	smov.u32 s18;
	(pc) =	sbr.rel @p0 .LBB2_9-.Ltmp3, $4  }
0x135: {  	v27 =	vmul.f32 v17, v40;
	v17 =	vmov v39;
	v18 =	vmul.f32 v49, v18;
	[tilespmem:s5+$0xFFFFFFA0] =	vst v31;
	v35 =	vld [tilespmem:s5+$0xFFFFFFD0]  }
0x136: {  	v37 =	vmul.f32 $1.442695020e+00, v19;
	v31 =	vmul.f32 $2.000000030e-01, v41;
	[tilespmem:s5+$0xFFFFFFB0] =	vst v24;
	v25 =	vld [tilespmem:s5+$0xFFFFFFF0]  }
0x137: {  	v24 =	vperm.xlane v18, v0;
	v34 =	vmul.f32 v38, v28;
	[tilespmem:v14+s8+$0x0] =	vst.idx.msk $0xffff, v27;
	v14 =	vmov v13  }
0x138: {  	s20 =	sadd.s32 $0x4, s20;
	v19 =	vmax.f32 v41, v31;
	v31 =	vperm.xlane v27, v10;
	v13 =	vmovc v44;
	(erf) = vpow2.f32 v37;
	[tilespmem:s5+$0xFFFFFFE0] =	vst v36;
	v28 =	vld [tilespmem:s5+$0x70]  }
0x139: {  	_ =	sdelay $0x1  }
0x13a: {  	v36 =	vld [tilespmem:s5+$0x60]  }
0x13b: {  	v53 =	vld [tilespmem:s5+$0x40];
	[tilespmem:s5+$0xFFFFFF80] =	vst v29;
	v22 =	vmul.f32 v33, v22  }
0x13c: {  	v54 =	vld [tilespmem:s5+$0x50];
	v37 =	vperm.xlane v27, v11;
	v38 =	vperm.xlane v27, v9;
	[tilespmem:v16+s8+$0x0] =	vst.idx.msk $0xffff, v18  }
0x13d: {  	v56 =	vld [tilespmem:s5+$0x30];
	v58 =	vperm.xlane v27, v8;
	[tilespmem:s5+$0xFFFFFF90] =	vst v34;
	v26 =	vmul.f32 v35, v26  }
0x13e: {  	v30 =	vadd.f32 v30, v32;
	v57 =	vld [tilespmem:s5+$0x10];
	v39 =	vperm.xlane v27, v6;
	[tilespmem:s5+$0xFFFFFFC0] =	vst v22;
	v20 =	vmul.f32 v25, v20  }
0x13f: {  	v60 =	vld [tilespmem:s5+$0x0];
	v62 =	vperm.xlane v27, v0;
	[tilespmem:s5+$0xFFFFFFD0] =	vst v26;
	v36 =	vmul.f32 v36, v37  }
0x140: {  	v59 =	vld [tilespmem:s5+$0x20];
	v55 =	vmul.f32 $2.000000030e-01, v30;
	[tilespmem:s5+$0xFFFFFFF0] =	vst v20;
	v32 =	vmul.f32 v53, v38  }
0x141: {  	v45 =	vperm.xlane v27, v7;
	v40 =	vld [tilespmem:s29+$0xFFFFFFE0];
	v31 =	vmul.f32 v54, v31;
	[tilespmem:s5+$0x60] =	vst v36  }
0x142: {  	v47 =	vperm.xlane v18, v11;
	v61 =	vld [tilespmem:s29+$0xFFFFFFA0];
	v29 =	vmax.f32 v30, v55;
	v22 =	vmul.f32 v56, v58;
	[tilespmem:s5+$0x40] =	vst v32  }
0x143: {  	v29 =	vmul.f32 $1.442695020e+00, v29;
	v26 =	vmul.f32 v57, v39;
	[tilespmem:s5+$0x50] =	vst v31  }
0x144: {  	v63 =	vld [tilespmem:s29+$0xFFFFFFB0];
	v38 =	vperm.xlane v18, v7;
	v16 =	vmul.f32 v60, v62;
	[tilespmem:s5+$0x30] =	vst v22  }
0x145: {  	v41 =	vld [tilespmem:s29+$0xFFFFFF90];
	v39 =	vperm.xlane v27, v12;
	v27 =	vmul.f32 v59, v45;
	[tilespmem:s5+$0x10] =	vst v26  }
0x146: {  	v43 =	vld [tilespmem:s29+$0xFFFFFFC0];
	v50 =	vmul.f32 v40, v47;
	(erf) = vpow2.f32 v29;
	[tilespmem:s5+$0x0] =	vst v16  }
0x147: {  	v42 =	vperm.xlane v18, v8;
	v33 =	vmul.f32 v61, v38;
	[tilespmem:s5+$0x20] =	vst v27  }
0x148: {  	v48 =	vperm.xlane v18, v9;
	v36 =	vld [tilespmem:s29+$0xFFFFFF80];
	v28 =	vmul.f32 v28, v39;
	v44 =	vpop (erf);
	[tilespmem:s29+$0xFFFFFFE0] =	vst v50  }
0x149: {  	v52 =	vperm.xlane v18, v6;
	v46 =	vld [tilespmem:s29+$0xFFFFFFD0];
	[tilespmem:s29+$0xFFFFFFA0] =	vst v33;
	v17 =	vmul.f32 v17, v44  }
0x14a: {  	v19 =	vmul.f32 $1.442695020e+00, v19;
	v49 =	vld [tilespmem:s29+$0xFFFFFFF0];
	v26 =	vmul.f32 v63, v42;
	[tilespmem:s5+$0x70] =	vst v28  }
0x14b: {  	v23 =	vld.idx.msk [tilespmem:v23+s30+$0x0], $0xffff;
	v16 =	vmul.f32 v43, v48;
	v22 =	vmul.f32 v41, v52;
	[tilespmem:v14+s8+$0x0] =	vst.idx.msk $0xffff, v17  }
0x14c: {  	(erf) = vpow2.f32 v19;
	[tilespmem:s29+$0xFFFFFFB0] =	vst v26;
	v14 =	vperm.xlane v18, v10;
	v54 =	vld [tilespmem:s29+$0x60]  }
0x14d: {  	[tilespmem:s29+$0xFFFFFFC0] =	vst v16;
	v24 =	vmul.f32 v36, v24;
	v56 =	vld [tilespmem:s29+$0x50];
	v36 =	vperm.xlane v18, v12  }
0x14e: {  	[tilespmem:s29+$0xFFFFFF90] =	vst v22;
	v59 =	vld [tilespmem:s29+$0x10];
	v14 =	vmul.f32 v46, v14  }
0x14f: {  	v57 =	vperm.xlane v17, v11;
	v55 =	vld [tilespmem:s29+$0x40];
	[tilespmem:s29+$0xFFFFFF80] =	vst v24;
	v18 =	vmul.f32 v49, v36;
	v53 =	vpop (erf)  }
0x150: {  	v60 =	vperm.xlane v17, v10;
	[tilespmem:s29+$0xFFFFFFD0] =	vst v14;
	v14 =	vld [tilespmem:s29+$0x30];
	v23 =	vmul.f32 v23, v53  }
0x151: {  	v33 =	vperm.xlane v17, v6;
	v61 =	vld [tilespmem:s29+$0x0];
	[tilespmem:s29+$0xFFFFFFF0] =	vst v18;
	v26 =	vmul.f32 v54, v57  }
0x152: {  	v58 =	vperm.xlane v17, v9;
	v34 =	vmul.f32 v56, v60;
	[tilespmem:v15+s8+$0x0] =	vst.idx.msk $0xffff, v23  }
0x153: {  	v62 =	vperm.xlane v17, v8;
	v51 =	vld [tilespmem:s29+$0x70];
	v16 =	vmul.f32 v59, v33;
	[tilespmem:s29+$0x60] =	vst v26  }
0x154: {  	s20 =	sadd.s32 $0x100, s18;
	v35 =	vperm.xlane v17, v0;
	v63 =	vld [tilespmem:s29+$0x20];
	v15 =	vmul.f32 v55, v58;
	[tilespmem:s29+$0x50] =	vst v34  }
0x155: {  	[tilespmem:s29+$0x10] =	vst v16;
	v14 =	vmul.f32 v14, v62;
	v38 =	vld [tilespmem:s20+$0xFFFFFFA0]  }
0x156: {  	v37 =	vmul.f32 v61, v35;
	v42 =	vpop (erf);
	v40 =	vld [tilespmem:s20+$0xFFFFFFE0];
	[tilespmem:s29+$0x40] =	vst v15;
	v15 =	vperm.xlane v17, v12  }
0x157: {  	v21 =	vmul.f32 v21, v42;
	v39 =	vld [tilespmem:s20+$0xFFFFFFB0];
	[tilespmem:s29+$0x30] =	vst v14;
	v14 =	vperm.xlane v17, v7  }
0x158: {  	[tilespmem:s29+$0x0] =	vst v37;
	v43 =	vperm.xlane v23, v7;
	v44 =	vld [tilespmem:s20+$0xFFFFFFD0];
	v15 =	vmul.f32 v51, v15  }
0x159: {  	v45 =	vperm.xlane v23, v11;
	v41 =	vld [tilespmem:s20+$0xFFFFFF80];
	[tilespmem:v13+s8+$0x0] =	vst.idx.msk $0xffff, v21;
	v14 =	vmul.f32 v63, v14  }
0x15a: {  	v46 =	vld [tilespmem:s20+$0xFFFFFFC0];
	[tilespmem:s29+$0x70] =	vst v15;
	v15 =	vperm.xlane v23, v8;
	v20 =	vmul.f32 v38, v43  }
0x15b: {  	v47 =	vld [tilespmem:s20+$0xFFFFFF90];
	v13 =	vperm.xlane v23, v10;
	v16 =	vmul.f32 v40, v45;
	[tilespmem:s29+$0x20] =	vst v14  }
0x15c: {  	v56 =	vld [tilespmem:s20+$0x0];
	v14 =	vperm.xlane v23, v0;
	v15 =	vmul.f32 v39, v15;
	[tilespmem:s20+$0xFFFFFFA0] =	vst v20  }
0x15d: {  	v49 =	vperm.xlane v23, v9;
	v48 =	vld [tilespmem:s20+$0x60];
	v13 =	vmul.f32 v44, v13;
	[tilespmem:s20+$0xFFFFFFE0] =	vst v16  }
0x15e: {  	v50 =	vperm.xlane v23, v6;
	v14 =	vmul.f32 v41, v14;
	[tilespmem:s20+$0xFFFFFFB0] =	vst v15;
	v15 =	vld [tilespmem:s20+$0x40]  }
0x15f: {  	v61 =	vperm.xlane v21, v0;
	v57 =	vld [tilespmem:s20+$0x70];
	v52 =	vmul.f32 v46, v49;
	[tilespmem:s20+$0xFFFFFFD0] =	vst v13  }
0x160: {  	v53 =	vld [tilespmem:s20+$0x30];
	v19 =	vmul.f32 v47, v50;
	[tilespmem:s20+$0xFFFFFF80] =	vst v14;
	v14 =	vperm.xlane v21, v11  }
0x161: {  	v54 =	vperm.xlane v21, v9;
	v18 =	vmul.f32 v56, v61;
	v13 =	vld [tilespmem:s20+$0x10];
	[tilespmem:s20+$0xFFFFFFC0] =	vst v52  }
0x162: {  	v62 =	vperm.xlane v21, v12;
	v51 =	vld [tilespmem:s20+$0x50];
	[tilespmem:s20+$0xFFFFFF90] =	vst v19;
	v14 =	vmul.f32 v48, v14  }
0x163: {  	v58 =	vperm.xlane v21, v8;
	v59 =	vld [tilespmem:s20+$0xFFFFFFF0];
	[tilespmem:s20+$0x0] =	vst v18;
	v15 =	vmul.f32 v15, v54  }
0x164: {  	v60 =	vperm.xlane v21, v6;
	v17 =	vmul.f32 v57, v62;
	[tilespmem:s20+$0x60] =	vst v14;
	v14 =	vld [tilespmem:s20+$0x20]  }
0x165: {  	v55 =	vperm.xlane v21, v10;
	[tilespmem:s20+$0x40] =	vst v15;
	v15 =	vmul.f32 v53, v58  }
0x166: {  	v63 =	vperm.xlane v23, v12;
	[tilespmem:s20+$0x70] =	vst v17;
	v13 =	vmul.f32 v13, v60  }
0x167: {  	v16 =	vmul.f32 v51, v55;
	[tilespmem:s20+$0x30] =	vst v15;
	v15 =	vperm.xlane v21, v7  }
0x168: {  	[tilespmem:s20+$0x10] =	vst v13;
	v13 =	vmul.f32 v59, v63  }
0x169: {  	[tilespmem:s20+$0x50] =	vst v16;
	v14 =	vmul.f32 v14, v15  }
0x16a: {  	[tilespmem:s20+$0xFFFFFFF0] =	vst v13  }
0x16b: {  	s21 =	simm.s32 $0x9300;
	[tilespmem:s20+$0x20] =	vst v14  }
0x16c: {  	[spmem:s2] =	stream.indirect.scatter.add.f32 [tilespmem:s21], [sflag:$0x4], $0x40, s12, s25, $0xb8;
	[tilespmem:$0x1AE00] =	vst v63  }
0x16d: {  	_ = 	snop  }
0x16e: {  	[spmem:s3] =	stream.indirect.scatter.add.f32 [tilespmem:s8], [sflag:$0x4], $0x10, s12, s25, $0xb8;
	[tilespmem:$0x1AE00] =	vst v63  }
0x16f: {  	s22 =	simm.s32 $0xB300  }
0x170: {  	[spmem:s2] =	stream.indirect.scatter.add.f32 [tilespmem:s22], [sflag:$0x4], $0x40, s17, s25, $0xb8;
	[tilespmem:$0x1AE00] =	vst v63  }
0x171: {  	s29 =	simm.s32 $0xDB00  }
0x172: {  	[spmem:s3] =	stream.indirect.scatter.add.f32 [tilespmem:s29], [sflag:$0x4], $0x10, s17, s25, $0xb8;
	[tilespmem:$0x1AE00] =	vst v63  }
0x173: {  	_ =	swait.ge [sflag:s10], $0x2000  }
0x174: {  	[sflag:s10] =	ssyncset.done $0x0  }
0x175: {  	[sflag:s10] =	ssyncadd.s32 $0xFFFFE000  }
0x176: {  	_ =	swait.ge [sflag:s10], $0x800  }
0x177: {  	[sflag:s10] =	ssyncset.done $0x0  }
0x178: {  	[sflag:s10] =	ssyncadd.s32 $0xFFFFF800  }
0x179: {  	_ =	swait.ge [sflag:s10], $0x2000  }
0x17a: {  	[sflag:s10] =	ssyncset.done $0x0  }
0x17b: {  	[sflag:s10] =	ssyncadd.s32 $0xFFFFE000  }
0x17c: {  	p0 =	seq.s32 s9, $0x14;
	_ =	swait.ge [sflag:s10], $0x800  }
0x17d: {  	s5 =	sshll.u32 @!p0 s9, $0x6;
	s14 =	rddreg [dreg:$0xb]  }
0x17e: {  	s18 =	sadd.s32 @!p0 s14, s5  }
0x17f: {  	s18 =	smul.u32 @!p0 $0x60, s18  }
0x180: {  	s20 =	simm.s32 @!p0 $0x0;
	[sflag:s10] =	ssyncset.done $0x0  }
0x181: {  	s21 =	simm.s32 @!p0 $0x7000;
	[sflag:s10] =	ssyncadd.s32 $0xFFFFF800;
	s18 =	sadd.s32 @!p0 s7, s18  }
0x182: {  	[tilespmem:s21], [sflag:$0x5] =	stream.linear.gather @!p0 [hbm4b:s18+s20], $0x300, $0x38;
	[tilespmem:$0x1AE00] =	vst v63  }
0x183: {  	s18 =	simm.s32 @!p0 $0x5  }
0x184: {  	_ =	swait.ge @!p0 [sflag:s18], $0x300  }
0x185: {  	[sflag:s18] =	ssyncset.done @!p0 $0x0  }
0x186: {  	s22 =	simm.s32 @!p0 $0x80;
	[sflag:s18] =	ssyncadd.s32 @!p0 $0xFFFFFD00  }
0x187: {  	[tilespmem:s20], [sflag:$0x1] =	stream.indirect.gather @!p0 [hbm4b:s6+s22], $0x10, s21, s22, $0xb8;
	[tilespmem:$0x1AE00] =	vst v63  }
0x188: {  	s29 =	simm.s32 @!p0 $0x7100;
	s14 =	simm.s32 @!p0 $0x1000  }
0x189: {  	[tilespmem:s14], [sflag:$0x1] =	stream.indirect.gather @!p0 [hbm4b:s6+s22], $0x10, s29, s22, $0xb8;
	[tilespmem:$0x1AE00] =	vst v63  }
0x18a: {  	s14 =	simm.s32 @!p0 $0x2000  }
0x18b: {  	[tilespmem:s14], [sflag:$0x1] =	stream.indirect.gather @!p0 [hbm4b:s1+s22], $0x40, s21, s22, $0xb8;
	[tilespmem:$0x1AE00] =	vst v63  }
0x18c: {  	s14 =	simm.s32 @!p0 $0x7080;
	s21 =	simm.s32 @!p0 $0x800  }
0x18d: {  	[tilespmem:s21], [sflag:$0x1] =	stream.indirect.gather @!p0 [hbm4b:s6+s22], $0x10, s14, s22, $0xb8;
	[tilespmem:$0x1AE00] =	vst v63  }
0x18e: {  	s29 =	simm.s32 @!p0 $0x1800;
	s21 =	simm.s32 @!p0 $0x7180  }
0x18f: {  	[tilespmem:s29], [sflag:$0x1] =	stream.indirect.gather @!p0 [hbm4b:s6+s22], $0x10, s21, s22, $0xb8;
	[tilespmem:$0x1AE00] =	vst v63  }
0x190: {  	s21 =	simm.s32 @!p0 $0x4000  }
0x191: {  	[tilespmem:s21], [sflag:$0x1] =	stream.indirect.gather @!p0 [hbm4b:s1+s22], $0x40, s14, s22, $0xb8;
	[tilespmem:$0x1AE00] =	vst v63  }
0x192: {  	_ =	swait.ge [sflag:s11], $0x2000  }
0x193: {  	[sflag:s11] =	ssyncset.done $0x0  }
0x194: {  	[sflag:s11] =	ssyncadd.s32 $0xFFFFE000  }
0x195: {  	_ =	swait.ge [sflag:s11], $0x800  }
0x196: {  	[sflag:s11] =	ssyncset.done $0x0  }
0x197: {  	[sflag:s11] =	ssyncadd.s32 $0xFFFFF800  }
0x198: {  	_ =	swait.ge [sflag:s11], $0x2000  }
0x199: {  	[sflag:s11] =	ssyncset.done $0x0  }
0x19a: {  	s5 =	sadd.s32 @!p0 s15, s5;
	[sflag:s11] =	ssyncadd.s32 $0xFFFFE000  }
0x19b: {  	s5 =	smul.u32 @!p0 $0x60, s5;
	_ =	swait.ge [sflag:s11], $0x800  }
0x19c: {  	[sflag:s11] =	ssyncset.done $0x0  }
0x19d: {  	s5 =	sadd.s32 @!p0 s7, s5;
	s14 =	simm.s32 @!p0 $0xE300;
	[sflag:s11] =	ssyncadd.s32 $0xFFFFF800  }
0x19e: {  	[tilespmem:s14], [sflag:$0x5] =	stream.linear.gather @!p0 [hbm4b:s5+s20], $0x300, $0x38;
	[tilespmem:$0x1AE00] =	vst v63  }
0x19f: {  	_ =	swait.ge @!p0 [sflag:s18], $0x300  }
0x1a0: {  	[sflag:s18] =	ssyncset.done @!p0 $0x0  }
0x1a1: {  	s5 =	simm.s32 @!p0 $0x7300;
	[sflag:s18] =	ssyncadd.s32 @!p0 $0xFFFFFD00  }
0x1a2: {  	[tilespmem:s5], [sflag:$0x2] =	stream.indirect.gather @!p0 [hbm4b:s6+s22], $0x10, s14, s22, $0xb8;
	[tilespmem:$0x1AE00] =	vst v63  }
0x1a3: {  	s18 =	simm.s32 @!p0 $0x8300;
	s5 =	simm.s32 @!p0 $0xE400  }
0x1a4: {  	[tilespmem:s18], [sflag:$0x2] =	stream.indirect.gather @!p0 [hbm4b:s6+s22], $0x10, s5, s22, $0xb8;
	[tilespmem:$0x1AE00] =	vst v63  }
0x1a5: {  	s5 =	simm.s32 @!p0 $0x9300  }
0x1a6: {  	[tilespmem:s5], [sflag:$0x2] =	stream.indirect.gather @!p0 [hbm4b:s1+s22], $0x40, s14, s22, $0xb8;
	[tilespmem:$0x1AE00] =	vst v63  }
0x1a7: {  	s5 =	simm.s32 @!p0 $0xE380;
	s14 =	simm.s32 @!p0 $0x7B00  }
0x1a8: {  	[tilespmem:s14], [sflag:$0x2] =	stream.indirect.gather @!p0 [hbm4b:s6+s22], $0x10, s5, s22, $0xb8;
	[tilespmem:$0x1AE00] =	vst v63  }
0x1a9: {  	s9 =	sadd.s32 $0x1, s9;
	s18 =	simm.s32 @!p0 $0x8B00;
	s14 =	simm.s32 @!p0 $0xE480  }
0x1aa: {  	[tilespmem:s18], [sflag:$0x2] =	stream.indirect.gather @!p0 [hbm4b:s6+s22], $0x10, s14, s22, $0xb8;
	[tilespmem:$0x1AE00] =	vst v63  }
0x1ab: {  	p1 =	sne.s32 @!p0 s9, $0x15;
	s14 =	simm.s32 @!p0 $0xB300  }
0x1ac: {  	[tilespmem:s14], [sflag:$0x2] =	stream.indirect.gather @!p0 [hbm4b:s1+s22], $0x40, s5, s22, $0xb8;
	[tilespmem:$0x1AE00] =	vst v63  }
0x1ad: {  	p0 =	por p0, !p1  }
.Ltmp4:
0x1ae: {  	_ = 	snop;
	(pc) =	sbr.rel @!p0 .LBB2_6-.Ltmp4, $1  }
0x1af: {  	_ =	sdelay $0x3  }
0x1b0: {  	[bflag:$0x0] =	sbarrier.arrive $0xFFFF  }
0x1b1: {  	s9 =	simm.s32 $0x2000;
	s14 =	simm.s32 $0x5;
	s18 =	rddreg [dreg:$0x5]  }
0x1b2: {  	[tilespmem:s9], [sflag:$0x5] =	stream.linear.gather [spmem:s18], $0x2800, $0x38;
	[tilespmem:$0x1AE00] =	vst v63  }
0x1b3: {  	_ =	swait.ge [sflag:s14], $0x2800  }
0x1b4: {  	[sflag:s14] =	ssyncset.done $0x0  }
0x1b5: {  	s5 =	rddreg [dreg:$0xc];
	[sflag:s14] =	ssyncadd.s32 $0xFFFFD800  }
0x1b6: {  	[hbm4b:s5+s4] =	stream.linear.scatter [tilespmem:s9], [sflag:$0x5], $0x2800, $0x38;
	[tilespmem:$0x1AE00] =	vst v63  }
0x1b7: {  	_ =	swait.ge [sflag:s14], $0x2800  }
0x1b8: {  	[sflag:s14] =	ssyncset.done $0x0  }
0x1b9: {  	s20 =	rddreg [dreg:$0x6];
	[sflag:s14] =	ssyncadd.s32 $0xFFFFD800  }
0x1ba: {  	[tilespmem:s23], [sflag:$0x5] =	stream.linear.gather [spmem:s20], $0xA00, $0x38;
	[tilespmem:$0x1AE00] =	vst v63  }
0x1bb: {  	_ =	swait.ge [sflag:s14], $0xA00  }
0x1bc: {  	[sflag:s14] =	ssyncset.done $0x0  }
0x1bd: {  	s21 =	rddreg [dreg:$0xd];
	[sflag:s14] =	ssyncadd.s32 $0xFFFFF600  }
0x1be: {  	[hbm4b:s21+s4] =	stream.linear.scatter [tilespmem:s23], [sflag:$0x5], $0xA00, $0x38;
	[tilespmem:$0x1AE00] =	vst v63  }
0x1bf: {  	_ =	swait.ge [sflag:s14], $0xA00  }
0x1c0: {  	[sflag:s14] =	ssyncset.done $0x0  }
0x1c1: {  	s21 =	rddreg [dreg:$0x7];
	[sflag:s14] =	ssyncadd.s32 $0xFFFFF600  }
0x1c2: {  	[tilespmem:s9], [sflag:$0x5] =	stream.linear.gather [spmem:s21], $0x2800, $0x38;
	[tilespmem:$0x1AE00] =	vst v63  }
0x1c3: {  	_ =	swait.ge [sflag:s14], $0x2800  }
0x1c4: {  	[sflag:s14] =	ssyncset.done $0x0  }
0x1c5: {  	s22 =	rddreg [dreg:$0xe];
	[sflag:s14] =	ssyncadd.s32 $0xFFFFD800  }
0x1c6: {  	[hbm4b:s22+s4] =	stream.linear.scatter [tilespmem:s9], [sflag:$0x5], $0x2800, $0x38;
	[tilespmem:$0x1AE00] =	vst v63  }
0x1c7: {  	_ =	swait.ge [sflag:s14], $0x2800  }
0x1c8: {  	[sflag:s14] =	ssyncset.done $0x0  }
0x1c9: {  	s22 =	rddreg [dreg:$0x8];
	[sflag:s14] =	ssyncadd.s32 $0xFFFFD800  }
0x1ca: {  	[tilespmem:s23], [sflag:$0x5] =	stream.linear.gather [spmem:s22], $0xA00, $0x38;
	[tilespmem:$0x1AE00] =	vst v63  }
0x1cb: {  	_ =	swait.ge [sflag:s14], $0xA00  }
0x1cc: {  	[sflag:s14] =	ssyncset.done $0x0  }
0x1cd: {  	s29 =	rddreg [dreg:$0xf];
	[sflag:s14] =	ssyncadd.s32 $0xFFFFF600  }
0x1ce: {  	[hbm4b:s29+s4] =	stream.linear.scatter [tilespmem:s23], [sflag:$0x5], $0xA00, $0x38;
	[tilespmem:$0x1AE00] =	vst v63  }
0x1cf: {  	_ =	swait.ge [sflag:s14], $0xA00  }
0x1d0: {  	s5 =	rddreg [dreg:$0x11]  }
0x1d1: {  	s29 =	rddreg [dreg:$0x10];
	s9 =	sadd.s32 $0x1, s5  }
0x1d2: {  	p0 =	sne.s32 s9, s29  }
.Ltmp5:
0x1d3: {  	_ = 	snop;
	(pc) =	sbr.rel @p0 .LBB2_1-.Ltmp5, $3  }
0x1d4: {  	_ =	sdelay $0x1  }
0x1d5: {  	[sflag:s14] =	ssyncset.done $0x0  }
0x1d6: {  	[sflag:s14] =	ssyncadd.s32 $0xFFFFF600  }
0x1d7: {  	_ =	sfence.sel $0x180000  }
0x1d8: {  	[bflag:$0x0] =	sbarrier.arrive $0xFFFF  }
0x1d9: {  	_ =	strace $0x90000047  }
0x1da: {  	s0 =	stileid.u32;
	[bflag:$0x2] =	sbarrier.arrive $0xFFFF  }
0x1db: {  	p0 =	sne.s32 s0, $0x0;
	s0 =	rddreg [dreg:$0x4]  }
0x1dc: {  	s0 =	sadd.s32 @!p0 $0x100000, s0  }
0x1dd: {  	[sflag:s0] =	ssyncadd.tile.s32 @!p0 $0x1;
	_ =	shalt  }
.Lfunc_end2:
_tile_overlayer_lowered:
.L_overlay_start_2:
0x1de: {  	(tag) =	ssettag $0x2  }
0x1df: {  	s0 =	rddreg [dreg:$0x0];
	s2 =	stileid.u32  }
0x1e0: {  	s1 =	rddreg [dreg:$0x1];
	p0 =	sne.s32 s2, $0x0  }
0x1e1: {  	s3 =	rddreg [dreg:$0x2];
	[bflag:$0x3] =	sbarrier.arrive $0xFFFF;
	s2 =	simm.s32 @!p0 $0x1C05  }
0x1e2: {  	[timem:s3], [sflag:s2] =	dma.local @!p0 [hbm:s0], s1  }
0x1e3: {  	s0 =	simm.s32 @!p0 $0x5  }
0x1e4: {  	_ =	swait.ge @!p0 [sflag:s0], s1  }
0x1e5: {  	s1 =	ssub.s32 @!p0 $0x0, s1;
	[sflag:s0] =	ssyncset.done @!p0 $0x0  }
0x1e6: {  	[sflag:s0] =	ssyncadd.s32 @!p0 s1  }
0x1e7: {  	[bflag:$0x3] =	sbarrier.arrive $0xFFFF  }
0x1e8: {  	_ =	shalt  }

</sc_bundles>
